<compile_context>
chip_gen: v7x
topology: tpu7x:2x2x1
jax: 0.10.2.dev20260603
libtpu: 0.0.44.dev20260713+nightly
codegen_flags: <defaults>
</compile_context>

<pallas_src>
import jax
import jax.numpy as jnp
from jax import lax
from jax.experimental import pallas as pl
from jax.experimental.pallas import tpu as pltpu
from jax.experimental.pallas import tpu_sc as plsc

N = 10000
D = 128
E = 320000
NC, NS, L = 2, 16, 16
NW = NC * NS
K = 32
NCHUNK = 320
EPW = NCHUNK * K
EPAD = NW * EPW
NPAD = 10240
RPW = NPAD // NS
W = D + L
IROWS = NCHUNK * L // 128
WROW = EPAD // 256
WREAL = E // 256


def _prep_body(beta_ref, x_ref, ei_ref, tabd_ref, bvec_ref, srcp_ref, dstp_ref):
    x = x_ref[...]
    s2 = jnp.sum(x * x, axis=1, keepdims=True)
    nrm = jnp.sqrt(s2)
    xn = x / jnp.maximum(nrm, 1e-12)
    tabd_ref[0:N, :] = xn
    tabd_ref[N:NPAD, :] = jnp.zeros((NPAD - N, D), jnp.float32)
    b = beta_ref[0]
    bvec_ref[...] = jnp.zeros((8, 128), jnp.float32)
    bvec_ref[0:1, :] = jnp.full((1, 128), b, jnp.float32)
    bvec_ref[1:2, :] = jnp.full((1, 128), -jnp.abs(b), jnp.float32)
    for half, ref in ((0, srcp_ref), (1, dstp_ref)):
        v3 = ei_ref[half].reshape(WREAL, 2, 128)
        ref[0:WREAL, :] = v3[:, 0, :] | (v3[:, 1, :] << 16)
    f = (lax.broadcasted_iota(jnp.int32, (WROW - WREAL, 128), 0) * 128
         + lax.broadcasted_iota(jnp.int32, (WROW - WREAL, 128), 1))
    srcp_ref[WREAL:WROW, :] = ((2 * f) % 9973) | (((2 * f + 1) % 9973) << 16)
    dstp_ref[WREAL:WROW, :] = ((N + (2 * f) % (NPAD - N))
                               | ((N + (2 * f + 1) % (NPAD - N)) << 16))


_prep = pl.pallas_call(
    _prep_body,
    out_shape=(
        jax.ShapeDtypeStruct((NPAD, D), jnp.float32),
        jax.ShapeDtypeStruct((8, 128), jnp.float32),
        jax.ShapeDtypeStruct((WROW, 128), jnp.int32),
        jax.ShapeDtypeStruct((WROW, 128), jnp.int32),
    ),
    in_specs=[
        pl.BlockSpec(memory_space=pltpu.SMEM),
        pl.BlockSpec(memory_space=pltpu.VMEM),
        pl.BlockSpec(memory_space=pltpu.VMEM),
    ],
    out_specs=(
        pl.BlockSpec(memory_space=pltpu.VMEM),
        pl.BlockSpec(memory_space=pltpu.VMEM),
        pl.BlockSpec(memory_space=pltpu.VMEM),
        pl.BlockSpec(memory_space=pltpu.VMEM),
    ),
)


def _edge_body(x_hbm, tabd_hbm, bvec_hbm, src_hbm, dst_hbm, out_hbm,
               sidx_all, didx_all,
               sbuf0, sbuf1, dbuf0, dbuf1, wbuf0, wbuf1,
               sidx_u0, sidx_u1, didx_g0, didx_g1, didx_s0, didx_s1,
               bvecv, accum,
               sgs0, sgd0, ssc0, sgs1, sgd1, ssc1):
    c = lax.axis_index("c")
    s = lax.axis_index("s")
    wid = c * NS + s

    pltpu.sync_copy(bvec_hbm, bvecv)
    bvec = bvecv[0, pl.ds(0, L)]
    nbvec = bvecv[1, pl.ds(0, L)]

    pltpu.sync_copy(src_hbm.at[pl.ds(wid * IROWS, IROWS), :], sidx_all)
    pltpu.sync_copy(dst_hbm.at[pl.ds(wid * IROWS, IROWS), :], didx_all)

    zero = jnp.zeros((L,), jnp.float32)

    def zrow(j, carry):
        for t in range(W // L):
            wbuf0[j, pl.ds(t * L, L)] = zero
        return carry

    lax.fori_loop(0, K, zrow, 0)
    for b in range(RPW // K):
        pltpu.sync_copy(wbuf0, accum.at[pl.ds(s * RPW + b * K, K), :])
    plsc.subcore_barrier()

    lomask = jnp.full((L,), 0xFFFF, jnp.int32)
    sh16 = jnp.full((L,), 16, jnp.int32)
    ones16 = jnp.ones((L,), jnp.float32)
    magic = jnp.full((L,), 0x5F3759DF, jnp.int32)
    sh1 = jnp.full((L,), 1, jnp.int32)
    half = jnp.full((L,), 0.5, jnp.float32)
    threehalf = jnp.full((L,), 1.5, jnp.float32)

    def expand(ci, packed_all, ubuf):
        v = packed_all[ci // 8, pl.ds((ci % 8) * L, L)]
        ubuf[0, pl.ds(0, L)] = v & lomask
        ubuf[0, pl.ds(L, L)] = lax.shift_right_logical(v, sh16)

    def gstart(ci, sidx_u, didx_g, sbuf, dbuf, sem_s, sem_d):
        expand(ci, sidx_all, sidx_u)
        expand(ci, didx_all, didx_g)
        pltpu.async_copy(x_hbm.at[sidx_u.at[0]], sbuf, sem_s)
        pltpu.async_copy(tabd_hbm.at[didx_g.at[0]], dbuf, sem_d)

    def gwait(sbuf, dbuf, sem_s, sem_d):
        pltpu.make_async_copy(x_hbm.at[pl.ds(0, K), :], sbuf, sem_s).wait()
        pltpu.make_async_copy(tabd_hbm.at[pl.ds(0, K), :], dbuf, sem_d).wait()

    def sstart(ci, wbuf, didx_s, sem):
        expand(ci, didx_all, didx_s)
        pltpu.async_copy(wbuf, accum.at[didx_s.at[0]], sem, add=True)

    def swait(wbuf, sem):
        pltpu.make_async_copy(out_hbm.at[0, pl.ds(0, K), :], wbuf, sem).wait()

    def compute(sbuf, dbuf, wbuf):
        @plsc.parallel_loop(0, K, unroll=4)
        def edge(e):
            sv = [sbuf[e, pl.ds(t * L, L)] for t in range(D // L)]
            dv = [dbuf[e, pl.ds(t * L, L)] for t in range(D // L)]
            acc0 = sv[0] * dv[0]
            acc1 = sv[1] * dv[1]
            acc2 = sv[2] * dv[2]
            acc3 = sv[3] * dv[3]
            ss0 = sv[0] * sv[0]
            ss1 = sv[1] * sv[1]
            ss2 = sv[2] * sv[2]
            ss3 = sv[3] * sv[3]
            for t in range(4, D // L, 4):
                acc0 = acc0 + sv[t] * dv[t]
                acc1 = acc1 + sv[t + 1] * dv[t + 1]
                acc2 = acc2 + sv[t + 2] * dv[t + 2]
                acc3 = acc3 + sv[t + 3] * dv[t + 3]
                ss0 = ss0 + sv[t] * sv[t]
                ss1 = ss1 + sv[t + 1] * sv[t + 1]
                ss2 = ss2 + sv[t + 2] * sv[t + 2]
                ss3 = ss3 + sv[t + 3] * sv[t + 3]
            dot = jnp.sum((acc0 + acc1) + (acc2 + acc3))
            ss = jnp.sum((ss0 + ss1) + (ss2 + ss3))
            ssv = jnp.maximum(ss * ones16, 1e-24)
            y = lax.bitcast_convert_type(
                magic - lax.shift_right_logical(
                    lax.bitcast_convert_type(ssv, jnp.int32), sh1),
                jnp.float32)
            hs = half * ssv
            y = y * (threehalf - hs * y * y)
            y = y * (threehalf - hs * y * y)
            y = y * (threehalf - hs * y * y)
            w = jnp.exp((dot * bvec) * y + nbvec)
            for t in range(D // L):
                wbuf[e, pl.ds(t * L, L)] = sv[t] * w
            wbuf[e, pl.ds(D, L)] = w

    gstart(0, sidx_u0, didx_g0, sbuf0, dbuf0, sgs0, sgd0)

    gwait(sbuf0, dbuf0, sgs0, sgd0)
    gstart(1, sidx_u1, didx_g1, sbuf1, dbuf1, sgs1, sgd1)
    compute(sbuf0, dbuf0, wbuf0)
    sstart(0, wbuf0, didx_s0, ssc0)

    gwait(sbuf1, dbuf1, sgs1, sgd1)
    gstart(2, sidx_u0, didx_g0, sbuf0, dbuf0, sgs0, sgd0)
    compute(sbuf1, dbuf1, wbuf1)
    sstart(1, wbuf1, didx_s1, ssc1)

    def pair(i, carry):
        ci = 2 * i
        gwait(sbuf0, dbuf0, sgs0, sgd0)
        swait(wbuf0, ssc0)
        gstart(ci + 1, sidx_u1, didx_g1, sbuf1, dbuf1, sgs1, sgd1)
        compute(sbuf0, dbuf0, wbuf0)
        sstart(ci, wbuf0, didx_s0, ssc0)

        gwait(sbuf1, dbuf1, sgs1, sgd1)
        swait(wbuf1, ssc1)
        gstart(ci + 2, sidx_u0, didx_g0, sbuf0, dbuf0, sgs0, sgd0)
        compute(sbuf1, dbuf1, wbuf1)
        sstart(ci + 1, wbuf1, didx_s1, ssc1)
        return carry

    lax.fori_loop(1, NCHUNK // 2 - 1, pair, 0)

    gwait(sbuf0, dbuf0, sgs0, sgd0)
    swait(wbuf0, ssc0)
    gstart(NCHUNK - 1, sidx_u1, didx_g1, sbuf1, dbuf1, sgs1, sgd1)
    compute(sbuf0, dbuf0, wbuf0)
    sstart(NCHUNK - 2, wbuf0, didx_s0, ssc0)

    gwait(sbuf1, dbuf1, sgs1, sgd1)
    swait(wbuf1, ssc1)
    compute(sbuf1, dbuf1, wbuf1)
    sstart(NCHUNK - 1, wbuf1, didx_s1, ssc1)

    swait(wbuf0, ssc0)
    swait(wbuf1, ssc1)
    plsc.subcore_barrier()
    pltpu.sync_copy(accum.at[pl.ds(s * RPW, RPW), :],
                    out_hbm.at[c, pl.ds(s * RPW, RPW), :])


_edge = pl.kernel(
    _edge_body,
    out_type=jax.ShapeDtypeStruct((NC, NPAD, W), jnp.float32),
    mesh=plsc.VectorSubcoreMesh(core_axis_name="c", subcore_axis_name="s"),
    compiler_params=pltpu.CompilerParams(
        needs_layout_passes=False, use_tc_tiling_on_sc=False),
    scratch_types=[
        pltpu.VMEM((IROWS, 128), jnp.int32),
        pltpu.VMEM((IROWS, 128), jnp.int32),
        pltpu.VMEM((K, D), jnp.float32),
        pltpu.VMEM((K, D), jnp.float32),
        pltpu.VMEM((K, D), jnp.float32),
        pltpu.VMEM((K, D), jnp.float32),
        pltpu.VMEM((K, W), jnp.float32),
        pltpu.VMEM((K, W), jnp.float32),
        pltpu.VMEM((1, K), jnp.int32),
        pltpu.VMEM((1, K), jnp.int32),
        pltpu.VMEM((1, K), jnp.int32),
        pltpu.VMEM((1, K), jnp.int32),
        pltpu.VMEM((1, K), jnp.int32),
        pltpu.VMEM((1, K), jnp.int32),
        pltpu.VMEM((8, 128), jnp.float32),
        pltpu.VMEM_SHARED((NPAD, W), jnp.float32),
        pltpu.SemaphoreType.DMA,
        pltpu.SemaphoreType.DMA,
        pltpu.SemaphoreType.DMA,
        pltpu.SemaphoreType.DMA,
        pltpu.SemaphoreType.DMA,
        pltpu.SemaphoreType.DMA,
    ],
)


def _combine_body(beta_ref, x_ref, p_ref, o_ref):
    x = x_ref[...]
    b = beta_ref[0]
    s2 = jnp.sum(x * x, axis=1, keepdims=True)
    nrm = jnp.maximum(jnp.sqrt(s2), 1e-12)
    xn2 = s2 / (nrm * nrm)
    selfw = jnp.exp(b * xn2 - jnp.abs(b))
    num = p_ref[0, 0:N, 0:D] + p_ref[1, 0:N, 0:D] + selfw * x
    den = p_ref[0, 0:N, D:D + 1] + p_ref[1, 0:N, D:D + 1] + selfw
    o_ref[...] = num / den


_combine = pl.pallas_call(
    _combine_body,
    out_shape=jax.ShapeDtypeStruct((N, D), jnp.float32),
    in_specs=[
        pl.BlockSpec(memory_space=pltpu.SMEM),
        pl.BlockSpec(memory_space=pltpu.VMEM),
        pl.BlockSpec(memory_space=pltpu.VMEM),
    ],
    out_specs=pl.BlockSpec(memory_space=pltpu.VMEM),
)


def kernel(x, edge_index, beta):
    tabd, bvec, srcp, dstp = _prep(beta, x, edge_index.reshape(2, WREAL * 2, 128))
    partials = _edge(x, tabd, bvec, srcp, dstp)
    return _combine(beta, x, partials)

# --- scband reference (transcript-rebuilt; emitter-appended) ---
"""Pipeline reference for scband-agcn-38585986187786 (READ-ONLY COPY).

The authoritative reference and input builder live on the scoring server;
editing this copy changes nothing except your own understanding.
"""

import jax, jax.numpy as jnp
import numpy as np

N = 10000
E = 320000
D = 128


def _agnn(x, edge_index, beta):
    # AGNNConv (PyG semantics): add self-loops, attention = beta * cos(x_i, x_j),
    # softmax over incoming edges per destination node, aggregate x_j.
    loops = jnp.arange(N, dtype=edge_index.dtype)
    src = jnp.concatenate([edge_index[0], loops])  # j (source / neighbor)
    dst = jnp.concatenate([edge_index[1], loops])  # i (target / aggregation)
    norm = jnp.sqrt(jnp.sum(x * x, axis=-1, keepdims=True))
    xn = x / jnp.maximum(norm, 1e-12)
    alpha = beta[0] * jnp.sum(xn[src] * xn[dst], axis=-1)
    amax = jax.ops.segment_max(alpha, dst, num_segments=N)
    alpha = jnp.exp(alpha - amax[dst])
    denom = jax.ops.segment_sum(alpha, dst, num_segments=N)
    alpha = alpha / denom[dst]
    out = jax.ops.segment_sum(alpha[:, None] * x[src], dst, num_segments=N)
    return out


def setup_inputs(seed: int = 0) -> dict:
    key = jax.random.key(seed)
    k1, k2 = jax.random.split(key, 2)
    x = jax.random.normal(k1, (N, D), dtype=jnp.float32)
    edge_index = jax.random.randint(k2, (2, E), 0, N, dtype=jnp.int32)
    beta = jnp.ones((1,), dtype=jnp.float32)  # AGNNConv learnable beta, init 1.0
    return {"x": x, "edge_index": edge_index, "beta": beta}


def reference(x, edge_index, beta):
    # AGCN.forward with num_message_rounds=1 (default)
    out = x
    for _ in range(1):
        out = _agnn(out, edge_index, beta)
    return out

if __name__ == "__main__":
    import jax
    _d = setup_inputs()
    print(jax.jit(kernel)(*tuple(_d.values())))

</pallas_src>

<mosaic_0001>
#map = affine_map<(d0, d1) -> (0, 0)>
#map1 = affine_map<(d0, d1) -> (0, 0, 0)>
module attributes {stable_mosaic.version = 14 : i64} {
  func.func @_edge_body(%arg0: i32, %arg1: i32, %arg2: memref<10000x128xf32, #tpu.memory_space<hbm>>, %arg3: memref<10240x128xf32, #tpu.memory_space<hbm>>, %arg4: memref<8x128xf32, #tpu.memory_space<hbm>>, %arg5: memref<1280x128xi32, #tpu.memory_space<hbm>>, %arg6: memref<1280x128xi32, #tpu.memory_space<hbm>>, %arg7: memref<2x10240x144xf32, #tpu.memory_space<hbm>>, %arg8: memref<40x128xi32, #tpu.memory_space<vmem>>, %arg9: memref<40x128xi32, #tpu.memory_space<vmem>>, %arg10: memref<32x128xf32, #tpu.memory_space<vmem>>, %arg11: memref<32x128xf32, #tpu.memory_space<vmem>>, %arg12: memref<32x128xf32, #tpu.memory_space<vmem>>, %arg13: memref<32x128xf32, #tpu.memory_space<vmem>>, %arg14: memref<32x144xf32, #tpu.memory_space<vmem>>, %arg15: memref<32x144xf32, #tpu.memory_space<vmem>>, %arg16: memref<1x32xi32, #tpu.memory_space<vmem>>, %arg17: memref<1x32xi32, #tpu.memory_space<vmem>>, %arg18: memref<1x32xi32, #tpu.memory_space<vmem>>, %arg19: memref<1x32xi32, #tpu.memory_space<vmem>>, %arg20: memref<1x32xi32, #tpu.memory_space<vmem>>, %arg21: memref<1x32xi32, #tpu.memory_space<vmem>>, %arg22: memref<8x128xf32, #tpu.memory_space<vmem>>, %arg23: memref<10240x144xf32, #tpu.memory_space<vmem_shared>>, %arg24: memref<!tpu.dma_semaphore, #tpu.memory_space<semaphore_mem>>, %arg25: memref<!tpu.dma_semaphore, #tpu.memory_space<semaphore_mem>>, %arg26: memref<!tpu.dma_semaphore, #tpu.memory_space<semaphore_mem>>, %arg27: memref<!tpu.dma_semaphore, #tpu.memory_space<semaphore_mem>>, %arg28: memref<!tpu.dma_semaphore, #tpu.memory_space<semaphore_mem>>, %arg29: memref<!tpu.dma_semaphore, #tpu.memory_space<semaphore_mem>>) attributes {dimension_semantics = [#tpu.dimension_semantics<core_parallel>, #tpu.dimension_semantics<subcore_parallel>], iteration_bounds = array<i64: 2, 16>, scalar_prefetch = 0 : i64, scratch_operands = 22 : i64, tpu.core_type = #tpu.core_type<sc_vector_subcore>, window_params = [{transform_indices = #map}, {transform_indices = #map}, {transform_indices = #map}, {transform_indices = #map}, {transform_indices = #map}, {transform_indices = #map1}]} {
    %mul3A = arith.constant 16 : i32
    %mul3A_0 = arith.muli %arg0, %mul3A : i32
    %add3A = arith.addi %mul3A_0, %arg1 : i32
    "tpu.region"() ({
      %run_scoped3A = tpu.sem_alloc : memref<!tpu.dma_semaphore, #tpu.memory_space<semaphore_mem>>
      tpu.enqueue_dma source(%arg4 : memref<8x128xf32, #tpu.memory_space<hbm>>) target(%arg22 : memref<8x128xf32, #tpu.memory_space<vmem>>) target_semaphore(%run_scoped3A : memref<!tpu.dma_semaphore, #tpu.memory_space<semaphore_mem>>)
      tpu.wait_dma2 semaphore(%run_scoped3A : memref<!tpu.dma_semaphore, #tpu.memory_space<semaphore_mem>>) src(%arg4 : memref<8x128xf32, #tpu.memory_space<hbm>>) dst(%arg22 : memref<8x128xf32, #tpu.memory_space<vmem>>)
      tpu.yield
    }) : () -> ()
    %get3A = arith.constant 0 : i32
    %get3A_1 = arith.index_cast %get3A : i32 to index
    %get3A_2 = arith.constant 0 : index
    %get3A_3 = tpu.vector_load %arg22[%get3A_1, %get3A_2] {strides = array<i32>} : memref<8x128xf32, #tpu.memory_space<vmem>>, vector<16xf32>,
    %get3A_4 = arith.constant 1 : i32
    %get3A_5 = arith.index_cast %get3A_4 : i32 to index
    %get3A_6 = arith.constant 0 : index
    %get3A_7 = tpu.vector_load %arg22[%get3A_5, %get3A_6] {strides = array<i32>} : memref<8x128xf32, #tpu.memory_space<vmem>>, vector<16xf32>,
    %mul3A_8 = arith.constant 40 : i32
    %mul3A_9 = arith.muli %add3A, %mul3A_8 : i32
    "tpu.region"() ({
      %run_scoped3A = tpu.sem_alloc : memref<!tpu.dma_semaphore, #tpu.memory_space<semaphore_mem>>
      %dma_start3A_465 = arith.constant 0 : i32
      %dma_start3A_466 = tpu.memref_slice %arg5[%mul3A_9, %dma_start3A_465] : memref<1280x128xi32, #tpu.memory_space<hbm>> -> memref<40x128xi32, #tpu.memory_space<hbm>>
      %dma_start3A_467 = arith.constant 0 : i32
      %dma_start3A_468 = tpu.memref_slice %arg5[%mul3A_9, %dma_start3A_467] : memref<1280x128xi32, #tpu.memory_space<hbm>> -> memref<40x128xi32, #tpu.memory_space<hbm>>
      tpu.enqueue_dma source(%dma_start3A_468 : memref<40x128xi32, #tpu.memory_space<hbm>>) target(%arg8 : memref<40x128xi32, #tpu.memory_space<vmem>>) target_semaphore(%run_scoped3A : memref<!tpu.dma_semaphore, #tpu.memory_space<semaphore_mem>>)
      %dma_wait3A_469 = arith.constant 0 : i32
      %dma_wait3A_470 = tpu.memref_slice %arg5[%mul3A_9, %dma_wait3A_469] : memref<1280x128xi32, #tpu.memory_space<hbm>> -> memref<40x128xi32, #tpu.memory_space<hbm>>
      %dma_wait3A_471 = arith.constant 0 : i32
      %dma_wait3A_472 = tpu.memref_slice %arg5[%mul3A_9, %dma_wait3A_471] : memref<1280x128xi32, #tpu.memory_space<hbm>> -> memref<40x128xi32, #tpu.memory_space<hbm>>
      tpu.wait_dma2 semaphore(%run_scoped3A : memref<!tpu.dma_semaphore, #tpu.memory_space<semaphore_mem>>) src(%dma_wait3A_472 : memref<40x128xi32, #tpu.memory_space<hbm>>) dst(%arg8 : memref<40x128xi32, #tpu.memory_space<vmem>>)
      tpu.yield
    }) : () -> ()
    %mul3A_10 = arith.constant 40 : i32
    %mul3A_11 = arith.muli %add3A, %mul3A_10 : i32
    "tpu.region"() ({
      %run_scoped3A = tpu.sem_alloc : memref<!tpu.dma_semaphore, #tpu.memory_space<semaphore_mem>>
      %dma_start3A_465 = arith.constant 0 : i32
      %dma_start3A_466 = tpu.memref_slice %arg6[%mul3A_11, %dma_start3A_465] : memref<1280x128xi32, #tpu.memory_space<hbm>> -> memref<40x128xi32, #tpu.memory_space<hbm>>
      %dma_start3A_467 = arith.constant 0 : i32
      %dma_start3A_468 = tpu.memref_slice %arg6[%mul3A_11, %dma_start3A_467] : memref<1280x128xi32, #tpu.memory_space<hbm>> -> memref<40x128xi32, #tpu.memory_space<hbm>>
      tpu.enqueue_dma source(%dma_start3A_468 : memref<40x128xi32, #tpu.memory_space<hbm>>) target(%arg9 : memref<40x128xi32, #tpu.memory_space<vmem>>) target_semaphore(%run_scoped3A : memref<!tpu.dma_semaphore, #tpu.memory_space<semaphore_mem>>)
      %dma_wait3A_469 = arith.constant 0 : i32
      %dma_wait3A_470 = tpu.memref_slice %arg6[%mul3A_11, %dma_wait3A_469] : memref<1280x128xi32, #tpu.memory_space<hbm>> -> memref<40x128xi32, #tpu.memory_space<hbm>>
      %dma_wait3A_471 = arith.constant 0 : i32
      %dma_wait3A_472 = tpu.memref_slice %arg6[%mul3A_11, %dma_wait3A_471] : memref<1280x128xi32, #tpu.memory_space<hbm>> -> memref<40x128xi32, #tpu.memory_space<hbm>>
      tpu.wait_dma2 semaphore(%run_scoped3A : memref<!tpu.dma_semaphore, #tpu.memory_space<semaphore_mem>>) src(%dma_wait3A_472 : memref<40x128xi32, #tpu.memory_space<hbm>>) dst(%arg9 : memref<40x128xi32, #tpu.memory_space<vmem>>)
      tpu.yield
    }) : () -> ()
    %broadcast_in_dim3A = arith.constant 0.000000e+00 : f32
    %broadcast_in_dim3A_12 = vector.broadcast %broadcast_in_dim3A : f32 to vector<16xf32>
    %scan3A = arith.constant 0 : i32
    %scan3A_13 = arith.constant 0 : i32
    %scan3A_14 = arith.constant 32 : i32
    %scan3A_15 = arith.addi %scan3A_13, %scan3A_14 : i32
    %scan3A_16 = arith.constant 1 : i32
    scf.for %scan3A_465 = %scan3A_13 to %scan3A_15 step %scan3A_16  : i32 {
      %swap3A_466 = arith.index_cast %scan3A_465 : i32 to index
      %swap3A_467 = arith.constant 0 : index
      %swap3A_468 = tpu.vector_load %arg14[%swap3A_466, %swap3A_467] {strides = array<i32>} : memref<32x144xf32, #tpu.memory_space<vmem>>, vector<16xf32>,
      tpu.vector_store %arg14[%swap3A_466, %swap3A_467], %broadcast_in_dim3A_12 {strides = array<i32>} : memref<32x144xf32, #tpu.memory_space<vmem>>, vector<16xf32>,
      %swap3A_469 = arith.index_cast %scan3A_465 : i32 to index
      %swap3A_470 = arith.constant 16 : index
      %swap3A_471 = tpu.vector_load %arg14[%swap3A_469, %swap3A_470] {strides = array<i32>} : memref<32x144xf32, #tpu.memory_space<vmem>>, vector<16xf32>,
      tpu.vector_store %arg14[%swap3A_469, %swap3A_470], %broadcast_in_dim3A_12 {strides = array<i32>} : memref<32x144xf32, #tpu.memory_space<vmem>>, vector<16xf32>,
      %swap3A_472 = arith.index_cast %scan3A_465 : i32 to index
      %swap3A_473 = arith.constant 32 : index
      %swap3A_474 = tpu.vector_load %arg14[%swap3A_472, %swap3A_473] {strides = array<i32>} : memref<32x144xf32, #tpu.memory_space<vmem>>, vector<16xf32>,
      tpu.vector_store %arg14[%swap3A_472, %swap3A_473], %broadcast_in_dim3A_12 {strides = array<i32>} : memref<32x144xf32, #tpu.memory_space<vmem>>, vector<16xf32>,
      %swap3A_475 = arith.index_cast %scan3A_465 : i32 to index
      %swap3A_476 = arith.constant 48 : index
      %swap3A_477 = tpu.vector_load %arg14[%swap3A_475, %swap3A_476] {strides = array<i32>} : memref<32x144xf32, #tpu.memory_space<vmem>>, vector<16xf32>,
      tpu.vector_store %arg14[%swap3A_475, %swap3A_476], %broadcast_in_dim3A_12 {strides = array<i32>} : memref<32x144xf32, #tpu.memory_space<vmem>>, vector<16xf32>,
      %swap3A_478 = arith.index_cast %scan3A_465 : i32 to index
      %swap3A_479 = arith.constant 64 : index
      %swap3A_480 = tpu.vector_load %arg14[%swap3A_478, %swap3A_479] {strides = array<i32>} : memref<32x144xf32, #tpu.memory_space<vmem>>, vector<16xf32>,
      tpu.vector_store %arg14[%swap3A_478, %swap3A_479], %broadcast_in_dim3A_12 {strides = array<i32>} : memref<32x144xf32, #tpu.memory_space<vmem>>, vector<16xf32>,
      %swap3A_481 = arith.index_cast %scan3A_465 : i32 to index
      %swap3A_482 = arith.constant 80 : index
      %swap3A_483 = tpu.vector_load %arg14[%swap3A_481, %swap3A_482] {strides = array<i32>} : memref<32x144xf32, #tpu.memory_space<vmem>>, vector<16xf32>,
      tpu.vector_store %arg14[%swap3A_481, %swap3A_482], %broadcast_in_dim3A_12 {strides = array<i32>} : memref<32x144xf32, #tpu.memory_space<vmem>>, vector<16xf32>,
      %swap3A_484 = arith.index_cast %scan3A_465 : i32 to index
      %swap3A_485 = arith.constant 96 : index
      %swap3A_486 = tpu.vector_load %arg14[%swap3A_484, %swap3A_485] {strides = array<i32>} : memref<32x144xf32, #tpu.memory_space<vmem>>, vector<16xf32>,
      tpu.vector_store %arg14[%swap3A_484, %swap3A_485], %broadcast_in_dim3A_12 {strides = array<i32>} : memref<32x144xf32, #tpu.memory_space<vmem>>, vector<16xf32>,
      %swap3A_487 = arith.index_cast %scan3A_465 : i32 to index
      %swap3A_488 = arith.constant 112 : index
      %swap3A_489 = tpu.vector_load %arg14[%swap3A_487, %swap3A_488] {strides = array<i32>} : memref<32x144xf32, #tpu.memory_space<vmem>>, vector<16xf32>,
      tpu.vector_store %arg14[%swap3A_487, %swap3A_488], %broadcast_in_dim3A_12 {strides = array<i32>} : memref<32x144xf32, #tpu.memory_space<vmem>>, vector<16xf32>,
      %swap3A_490 = arith.index_cast %scan3A_465 : i32 to index
      %swap3A_491 = arith.constant 128 : index
      %swap3A_492 = tpu.vector_load %arg14[%swap3A_490, %swap3A_491] {strides = array<i32>} : memref<32x144xf32, #tpu.memory_space<vmem>>, vector<16xf32>,
      tpu.vector_store %arg14[%swap3A_490, %swap3A_491], %broadcast_in_dim3A_12 {strides = array<i32>} : memref<32x144xf32, #tpu.memory_space<vmem>>, vector<16xf32>,
    }
    %scan3A_17 = arith.constant 32 : i32
    %mul3A_18 = arith.constant 640 : i32
    %mul3A_19 = arith.muli %arg1, %mul3A_18 : i32
    %add3A_20 = arith.constant 0 : i32
    %add3A_21 = arith.addi %mul3A_19, %add3A_20 : i32
    "tpu.region"() ({
      %run_scoped3A = tpu.sem_alloc : memref<!tpu.dma_semaphore, #tpu.memory_space<semaphore_mem>>
      %dma_start3A_465 = arith.constant 0 : i32
      %dma_start3A_466 = tpu.memref_slice %arg23[%add3A_21, %dma_start3A_465] : memref<10240x144xf32, #tpu.memory_space<vmem_shared>> -> memref<32x144xf32, #tpu.memory_space<vmem_shared>>
      %dma_start3A_467 = arith.constant 0 : i32
      %dma_start3A_468 = tpu.memref_slice %arg23[%add3A_21, %dma_start3A_467] : memref<10240x144xf32, #tpu.memory_space<vmem_shared>> -> memref<32x144xf32, #tpu.memory_space<vmem_shared>>
      tpu.enqueue_dma source(%arg14 : memref<32x144xf32, #tpu.memory_space<vmem>>) target(%dma_start3A_468 : memref<32x144xf32, #tpu.memory_space<vmem_shared>>) target_semaphore(%run_scoped3A : memref<!tpu.dma_semaphore, #tpu.memory_space<semaphore_mem>>)
      %dma_wait3A_469 = arith.constant 0 : i32
      %dma_wait3A_470 = tpu.memref_slice %arg23[%add3A_21, %dma_wait3A_469] : memref<10240x144xf32, #tpu.memory_space<vmem_shared>> -> memref<32x144xf32, #tpu.memory_space<vmem_shared>>
      %dma_wait3A_471 = arith.constant 0 : i32
      %dma_wait3A_472 = tpu.memref_slice %arg23[%add3A_21, %dma_wait3A_471] : memref<10240x144xf32, #tpu.memory_space<vmem_shared>> -> memref<32x144xf32, #tpu.memory_space<vmem_shared>>
      tpu.wait_dma2 semaphore(%run_scoped3A : memref<!tpu.dma_semaphore, #tpu.memory_space<semaphore_mem>>) src(%arg14 : memref<32x144xf32, #tpu.memory_space<vmem>>) dst(%dma_wait3A_472 : memref<32x144xf32, #tpu.memory_space<vmem_shared>>)
      tpu.yield
    }) : () -> ()
    %mul3A_22 = arith.constant 640 : i32
    %mul3A_23 = arith.muli %arg1, %mul3A_22 : i32
    %add3A_24 = arith.constant 32 : i32
    %add3A_25 = arith.addi %mul3A_23, %add3A_24 : i32
    "tpu.region"() ({
      %run_scoped3A = tpu.sem_alloc : memref<!tpu.dma_semaphore, #tpu.memory_space<semaphore_mem>>
      %dma_start3A_465 = arith.constant 0 : i32
      %dma_start3A_466 = tpu.memref_slice %arg23[%add3A_25, %dma_start3A_465] : memref<10240x144xf32, #tpu.memory_space<vmem_shared>> -> memref<32x144xf32, #tpu.memory_space<vmem_shared>>
      %dma_start3A_467 = arith.constant 0 : i32
      %dma_start3A_468 = tpu.memref_slice %arg23[%add3A_25, %dma_start3A_467] : memref<10240x144xf32, #tpu.memory_space<vmem_shared>> -> memref<32x144xf32, #tpu.memory_space<vmem_shared>>
      tpu.enqueue_dma source(%arg14 : memref<32x144xf32, #tpu.memory_space<vmem>>) target(%dma_start3A_468 : memref<32x144xf32, #tpu.memory_space<vmem_shared>>) target_semaphore(%run_scoped3A : memref<!tpu.dma_semaphore, #tpu.memory_space<semaphore_mem>>)
      %dma_wait3A_469 = arith.constant 0 : i32
      %dma_wait3A_470 = tpu.memref_slice %arg23[%add3A_25, %dma_wait3A_469] : memref<10240x144xf32, #tpu.memory_space<vmem_shared>> -> memref<32x144xf32, #tpu.memory_space<vmem_shared>>
      %dma_wait3A_471 = arith.constant 0 : i32
      %dma_wait3A_472 = tpu.memref_slice %arg23[%add3A_25, %dma_wait3A_471] : memref<10240x144xf32, #tpu.memory_space<vmem_shared>> -> memref<32x144xf32, #tpu.memory_space<vmem_shared>>
      tpu.wait_dma2 semaphore(%run_scoped3A : memref<!tpu.dma_semaphore, #tpu.memory_space<semaphore_mem>>) src(%arg14 : memref<32x144xf32, #tpu.memory_space<vmem>>) dst(%dma_wait3A_472 : memref<32x144xf32, #tpu.memory_space<vmem_shared>>)
      tpu.yield
    }) : () -> ()
    %mul3A_26 = arith.constant 640 : i32
    %mul3A_27 = arith.muli %arg1, %mul3A_26 : i32
    %add3A_28 = arith.constant 64 : i32
    %add3A_29 = arith.addi %mul3A_27, %add3A_28 : i32
    "tpu.region"() ({
      %run_scoped3A = tpu.sem_alloc : memref<!tpu.dma_semaphore, #tpu.memory_space<semaphore_mem>>
      %dma_start3A_465 = arith.constant 0 : i32
      %dma_start3A_466 = tpu.memref_slice %arg23[%add3A_29, %dma_start3A_465] : memref<10240x144xf32, #tpu.memory_space<vmem_shared>> -> memref<32x144xf32, #tpu.memory_space<vmem_shared>>
      %dma_start3A_467 = arith.constant 0 : i32
      %dma_start3A_468 = tpu.memref_slice %arg23[%add3A_29, %dma_start3A_467] : memref<10240x144xf32, #tpu.memory_space<vmem_shared>> -> memref<32x144xf32, #tpu.memory_space<vmem_shared>>
      tpu.enqueue_dma source(%arg14 : memref<32x144xf32, #tpu.memory_space<vmem>>) target(%dma_start3A_468 : memref<32x144xf32, #tpu.memory_space<vmem_shared>>) target_semaphore(%run_scoped3A : memref<!tpu.dma_semaphore, #tpu.memory_space<semaphore_mem>>)
      %dma_wait3A_469 = arith.constant 0 : i32
      %dma_wait3A_470 = tpu.memref_slice %arg23[%add3A_29, %dma_wait3A_469] : memref<10240x144xf32, #tpu.memory_space<vmem_shared>> -> memref<32x144xf32, #tpu.memory_space<vmem_shared>>
      %dma_wait3A_471 = arith.constant 0 : i32
      %dma_wait3A_472 = tpu.memref_slice %arg23[%add3A_29, %dma_wait3A_471] : memref<10240x144xf32, #tpu.memory_space<vmem_shared>> -> memref<32x144xf32, #tpu.memory_space<vmem_shared>>
      tpu.wait_dma2 semaphore(%run_scoped3A : memref<!tpu.dma_semaphore, #tpu.memory_space<semaphore_mem>>) src(%arg14 : memref<32x144xf32, #tpu.memory_space<vmem>>) dst(%dma_wait3A_472 : memref<32x144xf32, #tpu.memory_space<vmem_shared>>)
      tpu.yield
    }) : () -> ()
    %mul3A_30 = arith.constant 640 : i32
    %mul3A_31 = arith.muli %arg1, %mul3A_30 : i32
    %add3A_32 = arith.constant 96 : i32
    %add3A_33 = arith.addi %mul3A_31, %add3A_32 : i32
    "tpu.region"() ({
      %run_scoped3A = tpu.sem_alloc : memref<!tpu.dma_semaphore, #tpu.memory_space<semaphore_mem>>
      %dma_start3A_465 = arith.constant 0 : i32
      %dma_start3A_466 = tpu.memref_slice %arg23[%add3A_33, %dma_start3A_465] : memref<10240x144xf32, #tpu.memory_space<vmem_shared>> -> memref<32x144xf32, #tpu.memory_space<vmem_shared>>
      %dma_start3A_467 = arith.constant 0 : i32
      %dma_start3A_468 = tpu.memref_slice %arg23[%add3A_33, %dma_start3A_467] : memref<10240x144xf32, #tpu.memory_space<vmem_shared>> -> memref<32x144xf32, #tpu.memory_space<vmem_shared>>
      tpu.enqueue_dma source(%arg14 : memref<32x144xf32, #tpu.memory_space<vmem>>) target(%dma_start3A_468 : memref<32x144xf32, #tpu.memory_space<vmem_shared>>) target_semaphore(%run_scoped3A : memref<!tpu.dma_semaphore, #tpu.memory_space<semaphore_mem>>)
      %dma_wait3A_469 = arith.constant 0 : i32
      %dma_wait3A_470 = tpu.memref_slice %arg23[%add3A_33, %dma_wait3A_469] : memref<10240x144xf32, #tpu.memory_space<vmem_shared>> -> memref<32x144xf32, #tpu.memory_space<vmem_shared>>
      %dma_wait3A_471 = arith.constant 0 : i32
      %dma_wait3A_472 = tpu.memref_slice %arg23[%add3A_33, %dma_wait3A_471] : memref<10240x144xf32, #tpu.memory_space<vmem_shared>> -> memref<32x144xf32, #tpu.memory_space<vmem_shared>>
      tpu.wait_dma2 semaphore(%run_scoped3A : memref<!tpu.dma_semaphore, #tpu.memory_space<semaphore_mem>>) src(%arg14 : memref<32x144xf32, #tpu.memory_space<vmem>>) dst(%dma_wait3A_472 : memref<32x144xf32, #tpu.memory_space<vmem_shared>>)
      tpu.yield
    }) : () -> ()
    %mul3A_34 = arith.constant 640 : i32
    %mul3A_35 = arith.muli %arg1, %mul3A_34 : i32
    %add3A_36 = arith.constant 128 : i32
    %add3A_37 = arith.addi %mul3A_35, %add3A_36 : i32
    "tpu.region"() ({
      %run_scoped3A = tpu.sem_alloc : memref<!tpu.dma_semaphore, #tpu.memory_space<semaphore_mem>>
      %dma_start3A_465 = arith.constant 0 : i32
      %dma_start3A_466 = tpu.memref_slice %arg23[%add3A_37, %dma_start3A_465] : memref<10240x144xf32, #tpu.memory_space<vmem_shared>> -> memref<32x144xf32, #tpu.memory_space<vmem_shared>>
      %dma_start3A_467 = arith.constant 0 : i32
      %dma_start3A_468 = tpu.memref_slice %arg23[%add3A_37, %dma_start3A_467] : memref<10240x144xf32, #tpu.memory_space<vmem_shared>> -> memref<32x144xf32, #tpu.memory_space<vmem_shared>>
      tpu.enqueue_dma source(%arg14 : memref<32x144xf32, #tpu.memory_space<vmem>>) target(%dma_start3A_468 : memref<32x144xf32, #tpu.memory_space<vmem_shared>>) target_semaphore(%run_scoped3A : memref<!tpu.dma_semaphore, #tpu.memory_space<semaphore_mem>>)
      %dma_wait3A_469 = arith.constant 0 : i32
      %dma_wait3A_470 = tpu.memref_slice %arg23[%add3A_37, %dma_wait3A_469] : memref<10240x144xf32, #tpu.memory_space<vmem_shared>> -> memref<32x144xf32, #tpu.memory_space<vmem_shared>>
      %dma_wait3A_471 = arith.constant 0 : i32
      %dma_wait3A_472 = tpu.memref_slice %arg23[%add3A_37, %dma_wait3A_471] : memref<10240x144xf32, #tpu.memory_space<vmem_shared>> -> memref<32x144xf32, #tpu.memory_space<vmem_shared>>
      tpu.wait_dma2 semaphore(%run_scoped3A : memref<!tpu.dma_semaphore, #tpu.memory_space<semaphore_mem>>) src(%arg14 : memref<32x144xf32, #tpu.memory_space<vmem>>) dst(%dma_wait3A_472 : memref<32x144xf32, #tpu.memory_space<vmem_shared>>)
      tpu.yield
    }) : () -> ()
    %mul3A_38 = arith.constant 640 : i32
    %mul3A_39 = arith.muli %arg1, %mul3A_38 : i32
    %add3A_40 = arith.constant 160 : i32
    %add3A_41 = arith.addi %mul3A_39, %add3A_40 : i32
    "tpu.region"() ({
      %run_scoped3A = tpu.sem_alloc : memref<!tpu.dma_semaphore, #tpu.memory_space<semaphore_mem>>
      %dma_start3A_465 = arith.constant 0 : i32
      %dma_start3A_466 = tpu.memref_slice %arg23[%add3A_41, %dma_start3A_465] : memref<10240x144xf32, #tpu.memory_space<vmem_shared>> -> memref<32x144xf32, #tpu.memory_space<vmem_shared>>
      %dma_start3A_467 = arith.constant 0 : i32
      %dma_start3A_468 = tpu.memref_slice %arg23[%add3A_41, %dma_start3A_467] : memref<10240x144xf32, #tpu.memory_space<vmem_shared>> -> memref<32x144xf32, #tpu.memory_space<vmem_shared>>
      tpu.enqueue_dma source(%arg14 : memref<32x144xf32, #tpu.memory_space<vmem>>) target(%dma_start3A_468 : memref<32x144xf32, #tpu.memory_space<vmem_shared>>) target_semaphore(%run_scoped3A : memref<!tpu.dma_semaphore, #tpu.memory_space<semaphore_mem>>)
      %dma_wait3A_469 = arith.constant 0 : i32
      %dma_wait3A_470 = tpu.memref_slice %arg23[%add3A_41, %dma_wait3A_469] : memref<10240x144xf32, #tpu.memory_space<vmem_shared>> -> memref<32x144xf32, #tpu.memory_space<vmem_shared>>
      %dma_wait3A_471 = arith.constant 0 : i32
      %dma_wait3A_472 = tpu.memref_slice %arg23[%add3A_41, %dma_wait3A_471] : memref<10240x144xf32, #tpu.memory_space<vmem_shared>> -> memref<32x144xf32, #tpu.memory_space<vmem_shared>>
      tpu.wait_dma2 semaphore(%run_scoped3A : memref<!tpu.dma_semaphore, #tpu.memory_space<semaphore_mem>>) src(%arg14 : memref<32x144xf32, #tpu.memory_space<vmem>>) dst(%dma_wait3A_472 : memref<32x144xf32, #tpu.memory_space<vmem_shared>>)
      tpu.yield
    }) : () -> ()
    %mul3A_42 = arith.constant 640 : i32
    %mul3A_43 = arith.muli %arg1, %mul3A_42 : i32
    %add3A_44 = arith.constant 192 : i32
    %add3A_45 = arith.addi %mul3A_43, %add3A_44 : i32
    "tpu.region"() ({
      %run_scoped3A = tpu.sem_alloc : memref<!tpu.dma_semaphore, #tpu.memory_space<semaphore_mem>>
      %dma_start3A_465 = arith.constant 0 : i32
      %dma_start3A_466 = tpu.memref_slice %arg23[%add3A_45, %dma_start3A_465] : memref<10240x144xf32, #tpu.memory_space<vmem_shared>> -> memref<32x144xf32, #tpu.memory_space<vmem_shared>>
      %dma_start3A_467 = arith.constant 0 : i32
      %dma_start3A_468 = tpu.memref_slice %arg23[%add3A_45, %dma_start3A_467] : memref<10240x144xf32, #tpu.memory_space<vmem_shared>> -> memref<32x144xf32, #tpu.memory_space<vmem_shared>>
      tpu.enqueue_dma source(%arg14 : memref<32x144xf32, #tpu.memory_space<vmem>>) target(%dma_start3A_468 : memref<32x144xf32, #tpu.memory_space<vmem_shared>>) target_semaphore(%run_scoped3A : memref<!tpu.dma_semaphore, #tpu.memory_space<semaphore_mem>>)
      %dma_wait3A_469 = arith.constant 0 : i32
      %dma_wait3A_470 = tpu.memref_slice %arg23[%add3A_45, %dma_wait3A_469] : memref<10240x144xf32, #tpu.memory_space<vmem_shared>> -> memref<32x144xf32, #tpu.memory_space<vmem_shared>>
      %dma_wait3A_471 = arith.constant 0 : i32
      %dma_wait3A_472 = tpu.memref_slice %arg23[%add3A_45, %dma_wait3A_471] : memref<10240x144xf32, #tpu.memory_space<vmem_shared>> -> memref<32x144xf32, #tpu.memory_space<vmem_shared>>
      tpu.wait_dma2 semaphore(%run_scoped3A : memref<!tpu.dma_semaphore, #tpu.memory_space<semaphore_mem>>) src(%arg14 : memref<32x144xf32, #tpu.memory_space<vmem>>) dst(%dma_wait3A_472 : memref<32x144xf32, #tpu.memory_space<vmem_shared>>)
      tpu.yield
    }) : () -> ()
    %mul3A_46 = arith.constant 640 : i32
    %mul3A_47 = arith.muli %arg1, %mul3A_46 : i32
    %add3A_48 = arith.constant 224 : i32
    %add3A_49 = arith.addi %mul3A_47, %add3A_48 : i32
    "tpu.region"() ({
      %run_scoped3A = tpu.sem_alloc : memref<!tpu.dma_semaphore, #tpu.memory_space<semaphore_mem>>
      %dma_start3A_465 = arith.constant 0 : i32
      %dma_start3A_466 = tpu.memref_slice %arg23[%add3A_49, %dma_start3A_465] : memref<10240x144xf32, #tpu.memory_space<vmem_shared>> -> memref<32x144xf32, #tpu.memory_space<vmem_shared>>
      %dma_start3A_467 = arith.constant 0 : i32
      %dma_start3A_468 = tpu.memref_slice %arg23[%add3A_49, %dma_start3A_467] : memref<10240x144xf32, #tpu.memory_space<vmem_shared>> -> memref<32x144xf32, #tpu.memory_space<vmem_shared>>
      tpu.enqueue_dma source(%arg14 : memref<32x144xf32, #tpu.memory_space<vmem>>) target(%dma_start3A_468 : memref<32x144xf32, #tpu.memory_space<vmem_shared>>) target_semaphore(%run_scoped3A : memref<!tpu.dma_semaphore, #tpu.memory_space<semaphore_mem>>)
      %dma_wait3A_469 = arith.constant 0 : i32
      %dma_wait3A_470 = tpu.memref_slice %arg23[%add3A_49, %dma_wait3A_469] : memref<10240x144xf32, #tpu.memory_space<vmem_shared>> -> memref<32x144xf32, #tpu.memory_space<vmem_shared>>
      %dma_wait3A_471 = arith.constant 0 : i32
      %dma_wait3A_472 = tpu.memref_slice %arg23[%add3A_49, %dma_wait3A_471] : memref<10240x144xf32, #tpu.memory_space<vmem_shared>> -> memref<32x144xf32, #tpu.memory_space<vmem_shared>>
      tpu.wait_dma2 semaphore(%run_scoped3A : memref<!tpu.dma_semaphore, #tpu.memory_space<semaphore_mem>>) src(%arg14 : memref<32x144xf32, #tpu.memory_space<vmem>>) dst(%dma_wait3A_472 : memref<32x144xf32, #tpu.memory_space<vmem_shared>>)
      tpu.yield
    }) : () -> ()
    %mul3A_50 = arith.constant 640 : i32
    %mul3A_51 = arith.muli %arg1, %mul3A_50 : i32
    %add3A_52 = arith.constant 256 : i32
    %add3A_53 = arith.addi %mul3A_51, %add3A_52 : i32
    "tpu.region"() ({
      %run_scoped3A = tpu.sem_alloc : memref<!tpu.dma_semaphore, #tpu.memory_space<semaphore_mem>>
      %dma_start3A_465 = arith.constant 0 : i32
      %dma_start3A_466 = tpu.memref_slice %arg23[%add3A_53, %dma_start3A_465] : memref<10240x144xf32, #tpu.memory_space<vmem_shared>> -> memref<32x144xf32, #tpu.memory_space<vmem_shared>>
      %dma_start3A_467 = arith.constant 0 : i32
      %dma_start3A_468 = tpu.memref_slice %arg23[%add3A_53, %dma_start3A_467] : memref<10240x144xf32, #tpu.memory_space<vmem_shared>> -> memref<32x144xf32, #tpu.memory_space<vmem_shared>>
      tpu.enqueue_dma source(%arg14 : memref<32x144xf32, #tpu.memory_space<vmem>>) target(%dma_start3A_468 : memref<32x144xf32, #tpu.memory_space<vmem_shared>>) target_semaphore(%run_scoped3A : memref<!tpu.dma_semaphore, #tpu.memory_space<semaphore_mem>>)
      %dma_wait3A_469 = arith.constant 0 : i32
      %dma_wait3A_470 = tpu.memref_slice %arg23[%add3A_53, %dma_wait3A_469] : memref<10240x144xf32, #tpu.memory_space<vmem_shared>> -> memref<32x144xf32, #tpu.memory_space<vmem_shared>>
      %dma_wait3A_471 = arith.constant 0 : i32
      %dma_wait3A_472 = tpu.memref_slice %arg23[%add3A_53, %dma_wait3A_471] : memref<10240x144xf32, #tpu.memory_space<vmem_shared>> -> memref<32x144xf32, #tpu.memory_space<vmem_shared>>
      tpu.wait_dma2 semaphore(%run_scoped3A : memref<!tpu.dma_semaphore, #tpu.memory_space<semaphore_mem>>) src(%arg14 : memref<32x144xf32, #tpu.memory_space<vmem>>) dst(%dma_wait3A_472 : memref<32x144xf32, #tpu.memory_space<vmem_shared>>)
      tpu.yield
    }) : () -> ()
    %mul3A_54 = arith.constant 640 : i32
    %mul3A_55 = arith.muli %arg1, %mul3A_54 : i32
    %add3A_56 = arith.constant 288 : i32
    %add3A_57 = arith.addi %mul3A_55, %add3A_56 : i32
    "tpu.region"() ({
      %run_scoped3A = tpu.sem_alloc : memref<!tpu.dma_semaphore, #tpu.memory_space<semaphore_mem>>
      %dma_start3A_465 = arith.constant 0 : i32
      %dma_start3A_466 = tpu.memref_slice %arg23[%add3A_57, %dma_start3A_465] : memref<10240x144xf32, #tpu.memory_space<vmem_shared>> -> memref<32x144xf32, #tpu.memory_space<vmem_shared>>
      %dma_start3A_467 = arith.constant 0 : i32
      %dma_start3A_468 = tpu.memref_slice %arg23[%add3A_57, %dma_start3A_467] : memref<10240x144xf32, #tpu.memory_space<vmem_shared>> -> memref<32x144xf32, #tpu.memory_space<vmem_shared>>
      tpu.enqueue_dma source(%arg14 : memref<32x144xf32, #tpu.memory_space<vmem>>) target(%dma_start3A_468 : memref<32x144xf32, #tpu.memory_space<vmem_shared>>) target_semaphore(%run_scoped3A : memref<!tpu.dma_semaphore, #tpu.memory_space<semaphore_mem>>)
      %dma_wait3A_469 = arith.constant 0 : i32
      %dma_wait3A_470 = tpu.memref_slice %arg23[%add3A_57, %dma_wait3A_469] : memref<10240x144xf32, #tpu.memory_space<vmem_shared>> -> memref<32x144xf32, #tpu.memory_space<vmem_shared>>
      %dma_wait3A_471 = arith.constant 0 : i32
      %dma_wait3A_472 = tpu.memref_slice %arg23[%add3A_57, %dma_wait3A_471] : memref<10240x144xf32, #tpu.memory_space<vmem_shared>> -> memref<32x144xf32, #tpu.memory_space<vmem_shared>>
      tpu.wait_dma2 semaphore(%run_scoped3A : memref<!tpu.dma_semaphore, #tpu.memory_space<semaphore_mem>>) src(%arg14 : memref<32x144xf32, #tpu.memory_space<vmem>>) dst(%dma_wait3A_472 : memref<32x144xf32, #tpu.memory_space<vmem_shared>>)
      tpu.yield
    }) : () -> ()
    %mul3A_58 = arith.constant 640 : i32
    %mul3A_59 = arith.muli %arg1, %mul3A_58 : i32
    %add3A_60 = arith.constant 320 : i32
    %add3A_61 = arith.addi %mul3A_59, %add3A_60 : i32
    "tpu.region"() ({
      %run_scoped3A = tpu.sem_alloc : memref<!tpu.dma_semaphore, #tpu.memory_space<semaphore_mem>>
      %dma_start3A_465 = arith.constant 0 : i32
      %dma_start3A_466 = tpu.memref_slice %arg23[%add3A_61, %dma_start3A_465] : memref<10240x144xf32, #tpu.memory_space<vmem_shared>> -> memref<32x144xf32, #tpu.memory_space<vmem_shared>>
      %dma_start3A_467 = arith.constant 0 : i32
      %dma_start3A_468 = tpu.memref_slice %arg23[%add3A_61, %dma_start3A_467] : memref<10240x144xf32, #tpu.memory_space<vmem_shared>> -> memref<32x144xf32, #tpu.memory_space<vmem_shared>>
      tpu.enqueue_dma source(%arg14 : memref<32x144xf32, #tpu.memory_space<vmem>>) target(%dma_start3A_468 : memref<32x144xf32, #tpu.memory_space<vmem_shared>>) target_semaphore(%run_scoped3A : memref<!tpu.dma_semaphore, #tpu.memory_space<semaphore_mem>>)
      %dma_wait3A_469 = arith.constant 0 : i32
      %dma_wait3A_470 = tpu.memref_slice %arg23[%add3A_61, %dma_wait3A_469] : memref<10240x144xf32, #tpu.memory_space<vmem_shared>> -> memref<32x144xf32, #tpu.memory_space<vmem_shared>>
      %dma_wait3A_471 = arith.constant 0 : i32
      %dma_wait3A_472 = tpu.memref_slice %arg23[%add3A_61, %dma_wait3A_471] : memref<10240x144xf32, #tpu.memory_space<vmem_shared>> -> memref<32x144xf32, #tpu.memory_space<vmem_shared>>
      tpu.wait_dma2 semaphore(%run_scoped3A : memref<!tpu.dma_semaphore, #tpu.memory_space<semaphore_mem>>) src(%arg14 : memref<32x144xf32, #tpu.memory_space<vmem>>) dst(%dma_wait3A_472 : memref<32x144xf32, #tpu.memory_space<vmem_shared>>)
      tpu.yield
    }) : () -> ()
    %mul3A_62 = arith.constant 640 : i32
    %mul3A_63 = arith.muli %arg1, %mul3A_62 : i32
    %add3A_64 = arith.constant 352 : i32
    %add3A_65 = arith.addi %mul3A_63, %add3A_64 : i32
    "tpu.region"() ({
      %run_scoped3A = tpu.sem_alloc : memref<!tpu.dma_semaphore, #tpu.memory_space<semaphore_mem>>
      %dma_start3A_465 = arith.constant 0 : i32
      %dma_start3A_466 = tpu.memref_slice %arg23[%add3A_65, %dma_start3A_465] : memref<10240x144xf32, #tpu.memory_space<vmem_shared>> -> memref<32x144xf32, #tpu.memory_space<vmem_shared>>
      %dma_start3A_467 = arith.constant 0 : i32
      %dma_start3A_468 = tpu.memref_slice %arg23[%add3A_65, %dma_start3A_467] : memref<10240x144xf32, #tpu.memory_space<vmem_shared>> -> memref<32x144xf32, #tpu.memory_space<vmem_shared>>
      tpu.enqueue_dma source(%arg14 : memref<32x144xf32, #tpu.memory_space<vmem>>) target(%dma_start3A_468 : memref<32x144xf32, #tpu.memory_space<vmem_shared>>) target_semaphore(%run_scoped3A : memref<!tpu.dma_semaphore, #tpu.memory_space<semaphore_mem>>)
      %dma_wait3A_469 = arith.constant 0 : i32
      %dma_wait3A_470 = tpu.memref_slice %arg23[%add3A_65, %dma_wait3A_469] : memref<10240x144xf32, #tpu.memory_space<vmem_shared>> -> memref<32x144xf32, #tpu.memory_space<vmem_shared>>
      %dma_wait3A_471 = arith.constant 0 : i32
      %dma_wait3A_472 = tpu.memref_slice %arg23[%add3A_65, %dma_wait3A_471] : memref<10240x144xf32, #tpu.memory_space<vmem_shared>> -> memref<32x144xf32, #tpu.memory_space<vmem_shared>>
      tpu.wait_dma2 semaphore(%run_scoped3A : memref<!tpu.dma_semaphore, #tpu.memory_space<semaphore_mem>>) src(%arg14 : memref<32x144xf32, #tpu.memory_space<vmem>>) dst(%dma_wait3A_472 : memref<32x144xf32, #tpu.memory_space<vmem_shared>>)
      tpu.yield
    }) : () -> ()
    %mul3A_66 = arith.constant 640 : i32
    %mul3A_67 = arith.muli %arg1, %mul3A_66 : i32
    %add3A_68 = arith.constant 384 : i32
    %add3A_69 = arith.addi %mul3A_67, %add3A_68 : i32
    "tpu.region"() ({
      %run_scoped3A = tpu.sem_alloc : memref<!tpu.dma_semaphore, #tpu.memory_space<semaphore_mem>>
      %dma_start3A_465 = arith.constant 0 : i32
      %dma_start3A_466 = tpu.memref_slice %arg23[%add3A_69, %dma_start3A_465] : memref<10240x144xf32, #tpu.memory_space<vmem_shared>> -> memref<32x144xf32, #tpu.memory_space<vmem_shared>>
      %dma_start3A_467 = arith.constant 0 : i32
      %dma_start3A_468 = tpu.memref_slice %arg23[%add3A_69, %dma_start3A_467] : memref<10240x144xf32, #tpu.memory_space<vmem_shared>> -> memref<32x144xf32, #tpu.memory_space<vmem_shared>>
      tpu.enqueue_dma source(%arg14 : memref<32x144xf32, #tpu.memory_space<vmem>>) target(%dma_start3A_468 : memref<32x144xf32, #tpu.memory_space<vmem_shared>>) target_semaphore(%run_scoped3A : memref<!tpu.dma_semaphore, #tpu.memory_space<semaphore_mem>>)
      %dma_wait3A_469 = arith.constant 0 : i32
      %dma_wait3A_470 = tpu.memref_slice %arg23[%add3A_69, %dma_wait3A_469] : memref<10240x144xf32, #tpu.memory_space<vmem_shared>> -> memref<32x144xf32, #tpu.memory_space<vmem_shared>>
      %dma_wait3A_471 = arith.constant 0 : i32
      %dma_wait3A_472 = tpu.memref_slice %arg23[%add3A_69, %dma_wait3A_471] : memref<10240x144xf32, #tpu.memory_space<vmem_shared>> -> memref<32x144xf32, #tpu.memory_space<vmem_shared>>
      tpu.wait_dma2 semaphore(%run_scoped3A : memref<!tpu.dma_semaphore, #tpu.memory_space<semaphore_mem>>) src(%arg14 : memref<32x144xf32, #tpu.memory_space<vmem>>) dst(%dma_wait3A_472 : memref<32x144xf32, #tpu.memory_space<vmem_shared>>)
      tpu.yield
    }) : () -> ()
    %mul3A_70 = arith.constant 640 : i32
    %mul3A_71 = arith.muli %arg1, %mul3A_70 : i32
    %add3A_72 = arith.constant 416 : i32
    %add3A_73 = arith.addi %mul3A_71, %add3A_72 : i32
    "tpu.region"() ({
      %run_scoped3A = tpu.sem_alloc : memref<!tpu.dma_semaphore, #tpu.memory_space<semaphore_mem>>
      %dma_start3A_465 = arith.constant 0 : i32
      %dma_start3A_466 = tpu.memref_slice %arg23[%add3A_73, %dma_start3A_465] : memref<10240x144xf32, #tpu.memory_space<vmem_shared>> -> memref<32x144xf32, #tpu.memory_space<vmem_shared>>
      %dma_start3A_467 = arith.constant 0 : i32
      %dma_start3A_468 = tpu.memref_slice %arg23[%add3A_73, %dma_start3A_467] : memref<10240x144xf32, #tpu.memory_space<vmem_shared>> -> memref<32x144xf32, #tpu.memory_space<vmem_shared>>
      tpu.enqueue_dma source(%arg14 : memref<32x144xf32, #tpu.memory_space<vmem>>) target(%dma_start3A_468 : memref<32x144xf32, #tpu.memory_space<vmem_shared>>) target_semaphore(%run_scoped3A : memref<!tpu.dma_semaphore, #tpu.memory_space<semaphore_mem>>)
      %dma_wait3A_469 = arith.constant 0 : i32
      %dma_wait3A_470 = tpu.memref_slice %arg23[%add3A_73, %dma_wait3A_469] : memref<10240x144xf32, #tpu.memory_space<vmem_shared>> -> memref<32x144xf32, #tpu.memory_space<vmem_shared>>
      %dma_wait3A_471 = arith.constant 0 : i32
      %dma_wait3A_472 = tpu.memref_slice %arg23[%add3A_73, %dma_wait3A_471] : memref<10240x144xf32, #tpu.memory_space<vmem_shared>> -> memref<32x144xf32, #tpu.memory_space<vmem_shared>>
      tpu.wait_dma2 semaphore(%run_scoped3A : memref<!tpu.dma_semaphore, #tpu.memory_space<semaphore_mem>>) src(%arg14 : memref<32x144xf32, #tpu.memory_space<vmem>>) dst(%dma_wait3A_472 : memref<32x144xf32, #tpu.memory_space<vmem_shared>>)
      tpu.yield
    }) : () -> ()
    %mul3A_74 = arith.constant 640 : i32
    %mul3A_75 = arith.muli %arg1, %mul3A_74 : i32
    %add3A_76 = arith.constant 448 : i32
    %add3A_77 = arith.addi %mul3A_75, %add3A_76 : i32
    "tpu.region"() ({
      %run_scoped3A = tpu.sem_alloc : memref<!tpu.dma_semaphore, #tpu.memory_space<semaphore_mem>>
      %dma_start3A_465 = arith.constant 0 : i32
      %dma_start3A_466 = tpu.memref_slice %arg23[%add3A_77, %dma_start3A_465] : memref<10240x144xf32, #tpu.memory_space<vmem_shared>> -> memref<32x144xf32, #tpu.memory_space<vmem_shared>>
      %dma_start3A_467 = arith.constant 0 : i32
      %dma_start3A_468 = tpu.memref_slice %arg23[%add3A_77, %dma_start3A_467] : memref<10240x144xf32, #tpu.memory_space<vmem_shared>> -> memref<32x144xf32, #tpu.memory_space<vmem_shared>>
      tpu.enqueue_dma source(%arg14 : memref<32x144xf32, #tpu.memory_space<vmem>>) target(%dma_start3A_468 : memref<32x144xf32, #tpu.memory_space<vmem_shared>>) target_semaphore(%run_scoped3A : memref<!tpu.dma_semaphore, #tpu.memory_space<semaphore_mem>>)
      %dma_wait3A_469 = arith.constant 0 : i32
      %dma_wait3A_470 = tpu.memref_slice %arg23[%add3A_77, %dma_wait3A_469] : memref<10240x144xf32, #tpu.memory_space<vmem_shared>> -> memref<32x144xf32, #tpu.memory_space<vmem_shared>>
      %dma_wait3A_471 = arith.constant 0 : i32
      %dma_wait3A_472 = tpu.memref_slice %arg23[%add3A_77, %dma_wait3A_471] : memref<10240x144xf32, #tpu.memory_space<vmem_shared>> -> memref<32x144xf32, #tpu.memory_space<vmem_shared>>
      tpu.wait_dma2 semaphore(%run_scoped3A : memref<!tpu.dma_semaphore, #tpu.memory_space<semaphore_mem>>) src(%arg14 : memref<32x144xf32, #tpu.memory_space<vmem>>) dst(%dma_wait3A_472 : memref<32x144xf32, #tpu.memory_space<vmem_shared>>)
      tpu.yield
    }) : () -> ()
    %mul3A_78 = arith.constant 640 : i32
    %mul3A_79 = arith.muli %arg1, %mul3A_78 : i32
    %add3A_80 = arith.constant 480 : i32
    %add3A_81 = arith.addi %mul3A_79, %add3A_80 : i32
    "tpu.region"() ({
      %run_scoped3A = tpu.sem_alloc : memref<!tpu.dma_semaphore, #tpu.memory_space<semaphore_mem>>
      %dma_start3A_465 = arith.constant 0 : i32
      %dma_start3A_466 = tpu.memref_slice %arg23[%add3A_81, %dma_start3A_465] : memref<10240x144xf32, #tpu.memory_space<vmem_shared>> -> memref<32x144xf32, #tpu.memory_space<vmem_shared>>
      %dma_start3A_467 = arith.constant 0 : i32
      %dma_start3A_468 = tpu.memref_slice %arg23[%add3A_81, %dma_start3A_467] : memref<10240x144xf32, #tpu.memory_space<vmem_shared>> -> memref<32x144xf32, #tpu.memory_space<vmem_shared>>
      tpu.enqueue_dma source(%arg14 : memref<32x144xf32, #tpu.memory_space<vmem>>) target(%dma_start3A_468 : memref<32x144xf32, #tpu.memory_space<vmem_shared>>) target_semaphore(%run_scoped3A : memref<!tpu.dma_semaphore, #tpu.memory_space<semaphore_mem>>)
      %dma_wait3A_469 = arith.constant 0 : i32
      %dma_wait3A_470 = tpu.memref_slice %arg23[%add3A_81, %dma_wait3A_469] : memref<10240x144xf32, #tpu.memory_space<vmem_shared>> -> memref<32x144xf32, #tpu.memory_space<vmem_shared>>
      %dma_wait3A_471 = arith.constant 0 : i32
      %dma_wait3A_472 = tpu.memref_slice %arg23[%add3A_81, %dma_wait3A_471] : memref<10240x144xf32, #tpu.memory_space<vmem_shared>> -> memref<32x144xf32, #tpu.memory_space<vmem_shared>>
      tpu.wait_dma2 semaphore(%run_scoped3A : memref<!tpu.dma_semaphore, #tpu.memory_space<semaphore_mem>>) src(%arg14 : memref<32x144xf32, #tpu.memory_space<vmem>>) dst(%dma_wait3A_472 : memref<32x144xf32, #tpu.memory_space<vmem_shared>>)
      tpu.yield
    }) : () -> ()
    %mul3A_82 = arith.constant 640 : i32
    %mul3A_83 = arith.muli %arg1, %mul3A_82 : i32
    %add3A_84 = arith.constant 512 : i32
    %add3A_85 = arith.addi %mul3A_83, %add3A_84 : i32
    "tpu.region"() ({
      %run_scoped3A = tpu.sem_alloc : memref<!tpu.dma_semaphore, #tpu.memory_space<semaphore_mem>>
      %dma_start3A_465 = arith.constant 0 : i32
      %dma_start3A_466 = tpu.memref_slice %arg23[%add3A_85, %dma_start3A_465] : memref<10240x144xf32, #tpu.memory_space<vmem_shared>> -> memref<32x144xf32, #tpu.memory_space<vmem_shared>>
      %dma_start3A_467 = arith.constant 0 : i32
      %dma_start3A_468 = tpu.memref_slice %arg23[%add3A_85, %dma_start3A_467] : memref<10240x144xf32, #tpu.memory_space<vmem_shared>> -> memref<32x144xf32, #tpu.memory_space<vmem_shared>>
      tpu.enqueue_dma source(%arg14 : memref<32x144xf32, #tpu.memory_space<vmem>>) target(%dma_start3A_468 : memref<32x144xf32, #tpu.memory_space<vmem_shared>>) target_semaphore(%run_scoped3A : memref<!tpu.dma_semaphore, #tpu.memory_space<semaphore_mem>>)
      %dma_wait3A_469 = arith.constant 0 : i32
      %dma_wait3A_470 = tpu.memref_slice %arg23[%add3A_85, %dma_wait3A_469] : memref<10240x144xf32, #tpu.memory_space<vmem_shared>> -> memref<32x144xf32, #tpu.memory_space<vmem_shared>>
      %dma_wait3A_471 = arith.constant 0 : i32
      %dma_wait3A_472 = tpu.memref_slice %arg23[%add3A_85, %dma_wait3A_471] : memref<10240x144xf32, #tpu.memory_space<vmem_shared>> -> memref<32x144xf32, #tpu.memory_space<vmem_shared>>
      tpu.wait_dma2 semaphore(%run_scoped3A : memref<!tpu.dma_semaphore, #tpu.memory_space<semaphore_mem>>) src(%arg14 : memref<32x144xf32, #tpu.memory_space<vmem>>) dst(%dma_wait3A_472 : memref<32x144xf32, #tpu.memory_space<vmem_shared>>)
      tpu.yield
    }) : () -> ()
    %mul3A_86 = arith.constant 640 : i32
    %mul3A_87 = arith.muli %arg1, %mul3A_86 : i32
    %add3A_88 = arith.constant 544 : i32
    %add3A_89 = arith.addi %mul3A_87, %add3A_88 : i32
    "tpu.region"() ({
      %run_scoped3A = tpu.sem_alloc : memref<!tpu.dma_semaphore, #tpu.memory_space<semaphore_mem>>
      %dma_start3A_465 = arith.constant 0 : i32
      %dma_start3A_466 = tpu.memref_slice %arg23[%add3A_89, %dma_start3A_465] : memref<10240x144xf32, #tpu.memory_space<vmem_shared>> -> memref<32x144xf32, #tpu.memory_space<vmem_shared>>
      %dma_start3A_467 = arith.constant 0 : i32
      %dma_start3A_468 = tpu.memref_slice %arg23[%add3A_89, %dma_start3A_467] : memref<10240x144xf32, #tpu.memory_space<vmem_shared>> -> memref<32x144xf32, #tpu.memory_space<vmem_shared>>
      tpu.enqueue_dma source(%arg14 : memref<32x144xf32, #tpu.memory_space<vmem>>) target(%dma_start3A_468 : memref<32x144xf32, #tpu.memory_space<vmem_shared>>) target_semaphore(%run_scoped3A : memref<!tpu.dma_semaphore, #tpu.memory_space<semaphore_mem>>)
      %dma_wait3A_469 = arith.constant 0 : i32
      %dma_wait3A_470 = tpu.memref_slice %arg23[%add3A_89, %dma_wait3A_469] : memref<10240x144xf32, #tpu.memory_space<vmem_shared>> -> memref<32x144xf32, #tpu.memory_space<vmem_shared>>
      %dma_wait3A_471 = arith.constant 0 : i32
      %dma_wait3A_472 = tpu.memref_slice %arg23[%add3A_89, %dma_wait3A_471] : memref<10240x144xf32, #tpu.memory_space<vmem_shared>> -> memref<32x144xf32, #tpu.memory_space<vmem_shared>>
      tpu.wait_dma2 semaphore(%run_scoped3A : memref<!tpu.dma_semaphore, #tpu.memory_space<semaphore_mem>>) src(%arg14 : memref<32x144xf32, #tpu.memory_space<vmem>>) dst(%dma_wait3A_472 : memref<32x144xf32, #tpu.memory_space<vmem_shared>>)
      tpu.yield
    }) : () -> ()
    %mul3A_90 = arith.constant 640 : i32
    %mul3A_91 = arith.muli %arg1, %mul3A_90 : i32
    %add3A_92 = arith.constant 576 : i32
    %add3A_93 = arith.addi %mul3A_91, %add3A_92 : i32
    "tpu.region"() ({
      %run_scoped3A = tpu.sem_alloc : memref<!tpu.dma_semaphore, #tpu.memory_space<semaphore_mem>>
      %dma_start3A_465 = arith.constant 0 : i32
      %dma_start3A_466 = tpu.memref_slice %arg23[%add3A_93, %dma_start3A_465] : memref<10240x144xf32, #tpu.memory_space<vmem_shared>> -> memref<32x144xf32, #tpu.memory_space<vmem_shared>>
      %dma_start3A_467 = arith.constant 0 : i32
      %dma_start3A_468 = tpu.memref_slice %arg23[%add3A_93, %dma_start3A_467] : memref<10240x144xf32, #tpu.memory_space<vmem_shared>> -> memref<32x144xf32, #tpu.memory_space<vmem_shared>>
      tpu.enqueue_dma source(%arg14 : memref<32x144xf32, #tpu.memory_space<vmem>>) target(%dma_start3A_468 : memref<32x144xf32, #tpu.memory_space<vmem_shared>>) target_semaphore(%run_scoped3A : memref<!tpu.dma_semaphore, #tpu.memory_space<semaphore_mem>>)
      %dma_wait3A_469 = arith.constant 0 : i32
      %dma_wait3A_470 = tpu.memref_slice %arg23[%add3A_93, %dma_wait3A_469] : memref<10240x144xf32, #tpu.memory_space<vmem_shared>> -> memref<32x144xf32, #tpu.memory_space<vmem_shared>>
      %dma_wait3A_471 = arith.constant 0 : i32
      %dma_wait3A_472 = tpu.memref_slice %arg23[%add3A_93, %dma_wait3A_471] : memref<10240x144xf32, #tpu.memory_space<vmem_shared>> -> memref<32x144xf32, #tpu.memory_space<vmem_shared>>
      tpu.wait_dma2 semaphore(%run_scoped3A : memref<!tpu.dma_semaphore, #tpu.memory_space<semaphore_mem>>) src(%arg14 : memref<32x144xf32, #tpu.memory_space<vmem>>) dst(%dma_wait3A_472 : memref<32x144xf32, #tpu.memory_space<vmem_shared>>)
      tpu.yield
    }) : () -> ()
    %mul3A_94 = arith.constant 640 : i32
    %mul3A_95 = arith.muli %arg1, %mul3A_94 : i32
    %add3A_96 = arith.constant 608 : i32
    %add3A_97 = arith.addi %mul3A_95, %add3A_96 : i32
    "tpu.region"() ({
      %run_scoped3A = tpu.sem_alloc : memref<!tpu.dma_semaphore, #tpu.memory_space<semaphore_mem>>
      %dma_start3A_465 = arith.constant 0 : i32
      %dma_start3A_466 = tpu.memref_slice %arg23[%add3A_97, %dma_start3A_465] : memref<10240x144xf32, #tpu.memory_space<vmem_shared>> -> memref<32x144xf32, #tpu.memory_space<vmem_shared>>
      %dma_start3A_467 = arith.constant 0 : i32
      %dma_start3A_468 = tpu.memref_slice %arg23[%add3A_97, %dma_start3A_467] : memref<10240x144xf32, #tpu.memory_space<vmem_shared>> -> memref<32x144xf32, #tpu.memory_space<vmem_shared>>
      tpu.enqueue_dma source(%arg14 : memref<32x144xf32, #tpu.memory_space<vmem>>) target(%dma_start3A_468 : memref<32x144xf32, #tpu.memory_space<vmem_shared>>) target_semaphore(%run_scoped3A : memref<!tpu.dma_semaphore, #tpu.memory_space<semaphore_mem>>)
      %dma_wait3A_469 = arith.constant 0 : i32
      %dma_wait3A_470 = tpu.memref_slice %arg23[%add3A_97, %dma_wait3A_469] : memref<10240x144xf32, #tpu.memory_space<vmem_shared>> -> memref<32x144xf32, #tpu.memory_space<vmem_shared>>
      %dma_wait3A_471 = arith.constant 0 : i32
      %dma_wait3A_472 = tpu.memref_slice %arg23[%add3A_97, %dma_wait3A_471] : memref<10240x144xf32, #tpu.memory_space<vmem_shared>> -> memref<32x144xf32, #tpu.memory_space<vmem_shared>>
      tpu.wait_dma2 semaphore(%run_scoped3A : memref<!tpu.dma_semaphore, #tpu.memory_space<semaphore_mem>>) src(%arg14 : memref<32x144xf32, #tpu.memory_space<vmem>>) dst(%dma_wait3A_472 : memref<32x144xf32, #tpu.memory_space<vmem_shared>>)
      tpu.yield
    }) : () -> ()
    %barrier3A = arith.constant 0 : index
    tpu.barrier barrier_id(%barrier3A)
    %broadcast_in_dim3A_98 = arith.constant 65535 : i32
    %broadcast_in_dim3A_99 = vector.broadcast %broadcast_in_dim3A_98 : i32 to vector<16xi32>
    %broadcast_in_dim3A_100 = arith.constant 16 : i32
    %broadcast_in_dim3A_101 = vector.broadcast %broadcast_in_dim3A_100 : i32 to vector<16xi32>
    %broadcast_in_dim3A_102 = arith.constant 1.000000e+00 : f32
    %broadcast_in_dim3A_103 = vector.broadcast %broadcast_in_dim3A_102 : f32 to vector<16xf32>
    %broadcast_in_dim3A_104 = arith.constant 1597463007 : i32
    %broadcast_in_dim3A_105 = vector.broadcast %broadcast_in_dim3A_104 : i32 to vector<16xi32>
    %broadcast_in_dim3A_106 = arith.constant 1 : i32
    %broadcast_in_dim3A_107 = vector.broadcast %broadcast_in_dim3A_106 : i32 to vector<16xi32>
    %broadcast_in_dim3A_108 = arith.constant 5.000000e-01 : f32
    %broadcast_in_dim3A_109 = vector.broadcast %broadcast_in_dim3A_108 : f32 to vector<16xf32>
    %broadcast_in_dim3A_110 = arith.constant 1.500000e+00 : f32
    %broadcast_in_dim3A_111 = vector.broadcast %broadcast_in_dim3A_110 : f32 to vector<16xf32>
    %get3A_112 = arith.constant 0 : i32
    %get3A_113 = arith.index_cast %get3A_112 : i32 to index
    %get3A_114 = arith.constant 0 : index
    %get3A_115 = tpu.vector_load %arg8[%get3A_113, %get3A_114] {strides = array<i32>} : memref<40x128xi32, #tpu.memory_space<vmem>>, vector<16xi32>,
    %and3A = arith.andi %get3A_115, %broadcast_in_dim3A_99 : vector<16xi32>
    %swap3A = arith.constant 0 : i32
    %swap3A_116 = arith.index_cast %swap3A : i32 to index
    %swap3A_117 = arith.constant 0 : index
    %swap3A_118 = tpu.vector_load %arg16[%swap3A_116, %swap3A_117] {strides = array<i32>} : memref<1x32xi32, #tpu.memory_space<vmem>>, vector<16xi32>,
    tpu.vector_store %arg16[%swap3A_116, %swap3A_117], %and3A {strides = array<i32>} : memref<1x32xi32, #tpu.memory_space<vmem>>, vector<16xi32>,
    %shift_right_logical3A = arith.shrui %get3A_115, %broadcast_in_dim3A_101 : vector<16xi32>
    %swap3A_119 = arith.constant 0 : i32
    %swap3A_120 = arith.index_cast %swap3A_119 : i32 to index
    %swap3A_121 = arith.constant 16 : index
    %swap3A_122 = tpu.vector_load %arg16[%swap3A_120, %swap3A_121] {strides = array<i32>} : memref<1x32xi32, #tpu.memory_space<vmem>>, vector<16xi32>,
    tpu.vector_store %arg16[%swap3A_120, %swap3A_121], %shift_right_logical3A {strides = array<i32>} : memref<1x32xi32, #tpu.memory_space<vmem>>, vector<16xi32>,
    %get3A_123 = arith.constant 0 : i32
    %get3A_124 = arith.index_cast %get3A_123 : i32 to index
    %get3A_125 = arith.constant 0 : index
    %get3A_126 = tpu.vector_load %arg9[%get3A_124, %get3A_125] {strides = array<i32>} : memref<40x128xi32, #tpu.memory_space<vmem>>, vector<16xi32>,
    %and3A_127 = arith.andi %get3A_126, %broadcast_in_dim3A_99 : vector<16xi32>
    %swap3A_128 = arith.constant 0 : i32
    %swap3A_129 = arith.index_cast %swap3A_128 : i32 to index
    %swap3A_130 = arith.constant 0 : index
    %swap3A_131 = tpu.vector_load %arg18[%swap3A_129, %swap3A_130] {strides = array<i32>} : memref<1x32xi32, #tpu.memory_space<vmem>>, vector<16xi32>,
    tpu.vector_store %arg18[%swap3A_129, %swap3A_130], %and3A_127 {strides = array<i32>} : memref<1x32xi32, #tpu.memory_space<vmem>>, vector<16xi32>,
    %shift_right_logical3A_132 = arith.shrui %get3A_126, %broadcast_in_dim3A_101 : vector<16xi32>
    %swap3A_133 = arith.constant 0 : i32
    %swap3A_134 = arith.index_cast %swap3A_133 : i32 to index
    %swap3A_135 = arith.constant 16 : index
    %swap3A_136 = tpu.vector_load %arg18[%swap3A_134, %swap3A_135] {strides = array<i32>} : memref<1x32xi32, #tpu.memory_space<vmem>>, vector<16xi32>,
    tpu.vector_store %arg18[%swap3A_134, %swap3A_135], %shift_right_logical3A_132 {strides = array<i32>} : memref<1x32xi32, #tpu.memory_space<vmem>>, vector<16xi32>,
    %dma_start3A = arith.constant 0 : i32
    %dma_start3A_137 = arith.constant 0 : i32
    %dma_start3A_138 = tpu.memref_slice %arg16[%dma_start3A, %dma_start3A_137] : memref<1x32xi32, #tpu.memory_space<vmem>> -> memref<1x32xi32, #tpu.memory_space<vmem>>
    %dma_start3A_139 = tpu.memref_squeeze %dma_start3A_138 : memref<1x32xi32, #tpu.memory_space<vmem>> -> memref<32xi32, #tpu.memory_space<vmem>>
    %dma_start3A_140 = arith.constant 0 : i32
    %dma_start3A_141 = arith.constant 0 : i32
    %dma_start3A_142 = tpu.memref_slice %arg2[%dma_start3A_140, %dma_start3A_141] : memref<10000x128xf32, #tpu.memory_space<hbm>> -> memref<10000x128xf32, #tpu.memory_space<hbm>>
    tpu.enqueue_indirect_dma source(%dma_start3A_142 : memref<10000x128xf32, #tpu.memory_space<hbm>>) target(%arg10 : memref<32x128xf32, #tpu.memory_space<vmem>>) offsets(%dma_start3A_139 : memref<32xi32, #tpu.memory_space<vmem>>) semaphore(%arg24 : memref<!tpu.dma_semaphore, #tpu.memory_space<semaphore_mem>>)
    %dma_start3A_143 = arith.constant 0 : i32
    %dma_start3A_144 = arith.constant 0 : i32
    %dma_start3A_145 = tpu.memref_slice %arg18[%dma_start3A_143, %dma_start3A_144] : memref<1x32xi32, #tpu.memory_space<vmem>> -> memref<1x32xi32, #tpu.memory_space<vmem>>
    %dma_start3A_146 = tpu.memref_squeeze %dma_start3A_145 : memref<1x32xi32, #tpu.memory_space<vmem>> -> memref<32xi32, #tpu.memory_space<vmem>>
    %dma_start3A_147 = arith.constant 0 : i32
    %dma_start3A_148 = arith.constant 0 : i32
    %dma_start3A_149 = tpu.memref_slice %arg3[%dma_start3A_147, %dma_start3A_148] : memref<10240x128xf32, #tpu.memory_space<hbm>> -> memref<10240x128xf32, #tpu.memory_space<hbm>>
    tpu.enqueue_indirect_dma source(%dma_start3A_149 : memref<10240x128xf32, #tpu.memory_space<hbm>>) target(%arg12 : memref<32x128xf32, #tpu.memory_space<vmem>>) offsets(%dma_start3A_146 : memref<32xi32, #tpu.memory_space<vmem>>) semaphore(%arg25 : memref<!tpu.dma_semaphore, #tpu.memory_space<semaphore_mem>>)
    %dma_wait3A = arith.constant 0 : i32
    %dma_wait3A_150 = arith.constant 0 : i32
    %dma_wait3A_151 = tpu.memref_slice %arg2[%dma_wait3A, %dma_wait3A_150] : memref<10000x128xf32, #tpu.memory_space<hbm>> -> memref<32x128xf32, #tpu.memory_space<hbm>>
    %dma_wait3A_152 = arith.constant 0 : i32
    %dma_wait3A_153 = arith.constant 0 : i32
    %dma_wait3A_154 = tpu.memref_slice %arg2[%dma_wait3A_152, %dma_wait3A_153] : memref<10000x128xf32, #tpu.memory_space<hbm>> -> memref<32x128xf32, #tpu.memory_space<hbm>>
    tpu.wait_dma2 semaphore(%arg24 : memref<!tpu.dma_semaphore, #tpu.memory_space<semaphore_mem>>) src(%dma_wait3A_154 : memref<32x128xf32, #tpu.memory_space<hbm>>) dst(%arg10 : memref<32x128xf32, #tpu.memory_space<vmem>>)
    %dma_wait3A_155 = arith.constant 0 : i32
    %dma_wait3A_156 = arith.constant 0 : i32
    %dma_wait3A_157 = tpu.memref_slice %arg3[%dma_wait3A_155, %dma_wait3A_156] : memref<10240x128xf32, #tpu.memory_space<hbm>> -> memref<32x128xf32, #tpu.memory_space<hbm>>
    %dma_wait3A_158 = arith.constant 0 : i32
    %dma_wait3A_159 = arith.constant 0 : i32
    %dma_wait3A_160 = tpu.memref_slice %arg3[%dma_wait3A_158, %dma_wait3A_159] : memref<10240x128xf32, #tpu.memory_space<hbm>> -> memref<32x128xf32, #tpu.memory_space<hbm>>
    tpu.wait_dma2 semaphore(%arg25 : memref<!tpu.dma_semaphore, #tpu.memory_space<semaphore_mem>>) src(%dma_wait3A_160 : memref<32x128xf32, #tpu.memory_space<hbm>>) dst(%arg12 : memref<32x128xf32, #tpu.memory_space<vmem>>)
    %get3A_161 = arith.constant 0 : i32
    %get3A_162 = arith.index_cast %get3A_161 : i32 to index
    %get3A_163 = arith.constant 16 : index
    %get3A_164 = tpu.vector_load %arg8[%get3A_162, %get3A_163] {strides = array<i32>} : memref<40x128xi32, #tpu.memory_space<vmem>>, vector<16xi32>,
    %and3A_165 = arith.andi %get3A_164, %broadcast_in_dim3A_99 : vector<16xi32>
    %swap3A_166 = arith.constant 0 : i32
    %swap3A_167 = arith.index_cast %swap3A_166 : i32 to index
    %swap3A_168 = arith.constant 0 : index
    %swap3A_169 = tpu.vector_load %arg17[%swap3A_167, %swap3A_168] {strides = array<i32>} : memref<1x32xi32, #tpu.memory_space<vmem>>, vector<16xi32>,
    tpu.vector_store %arg17[%swap3A_167, %swap3A_168], %and3A_165 {strides = array<i32>} : memref<1x32xi32, #tpu.memory_space<vmem>>, vector<16xi32>,
    %shift_right_logical3A_170 = arith.shrui %get3A_164, %broadcast_in_dim3A_101 : vector<16xi32>
    %swap3A_171 = arith.constant 0 : i32
    %swap3A_172 = arith.index_cast %swap3A_171 : i32 to index
    %swap3A_173 = arith.constant 16 : index
    %swap3A_174 = tpu.vector_load %arg17[%swap3A_172, %swap3A_173] {strides = array<i32>} : memref<1x32xi32, #tpu.memory_space<vmem>>, vector<16xi32>,
    tpu.vector_store %arg17[%swap3A_172, %swap3A_173], %shift_right_logical3A_170 {strides = array<i32>} : memref<1x32xi32, #tpu.memory_space<vmem>>, vector<16xi32>,
    %get3A_175 = arith.constant 0 : i32
    %get3A_176 = arith.index_cast %get3A_175 : i32 to index
    %get3A_177 = arith.constant 16 : index
    %get3A_178 = tpu.vector_load %arg9[%get3A_176, %get3A_177] {strides = array<i32>} : memref<40x128xi32, #tpu.memory_space<vmem>>, vector<16xi32>,
    %and3A_179 = arith.andi %get3A_178, %broadcast_in_dim3A_99 : vector<16xi32>
    %swap3A_180 = arith.constant 0 : i32
    %swap3A_181 = arith.index_cast %swap3A_180 : i32 to index
    %swap3A_182 = arith.constant 0 : index
    %swap3A_183 = tpu.vector_load %arg19[%swap3A_181, %swap3A_182] {strides = array<i32>} : memref<1x32xi32, #tpu.memory_space<vmem>>, vector<16xi32>,
    tpu.vector_store %arg19[%swap3A_181, %swap3A_182], %and3A_179 {strides = array<i32>} : memref<1x32xi32, #tpu.memory_space<vmem>>, vector<16xi32>,
    %shift_right_logical3A_184 = arith.shrui %get3A_178, %broadcast_in_dim3A_101 : vector<16xi32>
    %swap3A_185 = arith.constant 0 : i32
    %swap3A_186 = arith.index_cast %swap3A_185 : i32 to index
    %swap3A_187 = arith.constant 16 : index
    %swap3A_188 = tpu.vector_load %arg19[%swap3A_186, %swap3A_187] {strides = array<i32>} : memref<1x32xi32, #tpu.memory_space<vmem>>, vector<16xi32>,
    tpu.vector_store %arg19[%swap3A_186, %swap3A_187], %shift_right_logical3A_184 {strides = array<i32>} : memref<1x32xi32, #tpu.memory_space<vmem>>, vector<16xi32>,
    %dma_start3A_189 = arith.constant 0 : i32
    %dma_start3A_190 = arith.constant 0 : i32
    %dma_start3A_191 = tpu.memref_slice %arg17[%dma_start3A_189, %dma_start3A_190] : memref<1x32xi32, #tpu.memory_space<vmem>> -> memref<1x32xi32, #tpu.memory_space<vmem>>
    %dma_start3A_192 = tpu.memref_squeeze %dma_start3A_191 : memref<1x32xi32, #tpu.memory_space<vmem>> -> memref<32xi32, #tpu.memory_space<vmem>>
    %dma_start3A_193 = arith.constant 0 : i32
    %dma_start3A_194 = arith.constant 0 : i32
    %dma_start3A_195 = tpu.memref_slice %arg2[%dma_start3A_193, %dma_start3A_194] : memref<10000x128xf32, #tpu.memory_space<hbm>> -> memref<10000x128xf32, #tpu.memory_space<hbm>>
    tpu.enqueue_indirect_dma source(%dma_start3A_195 : memref<10000x128xf32, #tpu.memory_space<hbm>>) target(%arg11 : memref<32x128xf32, #tpu.memory_space<vmem>>) offsets(%dma_start3A_192 : memref<32xi32, #tpu.memory_space<vmem>>) semaphore(%arg27 : memref<!tpu.dma_semaphore, #tpu.memory_space<semaphore_mem>>)
    %dma_start3A_196 = arith.constant 0 : i32
    %dma_start3A_197 = arith.constant 0 : i32
    %dma_start3A_198 = tpu.memref_slice %arg19[%dma_start3A_196, %dma_start3A_197] : memref<1x32xi32, #tpu.memory_space<vmem>> -> memref<1x32xi32, #tpu.memory_space<vmem>>
    %dma_start3A_199 = tpu.memref_squeeze %dma_start3A_198 : memref<1x32xi32, #tpu.memory_space<vmem>> -> memref<32xi32, #tpu.memory_space<vmem>>
    %dma_start3A_200 = arith.constant 0 : i32
    %dma_start3A_201 = arith.constant 0 : i32
    %dma_start3A_202 = tpu.memref_slice %arg3[%dma_start3A_200, %dma_start3A_201] : memref<10240x128xf32, #tpu.memory_space<hbm>> -> memref<10240x128xf32, #tpu.memory_space<hbm>>
    tpu.enqueue_indirect_dma source(%dma_start3A_202 : memref<10240x128xf32, #tpu.memory_space<hbm>>) target(%arg13 : memref<32x128xf32, #tpu.memory_space<vmem>>) offsets(%dma_start3A_199 : memref<32xi32, #tpu.memory_space<vmem>>) semaphore(%arg28 : memref<!tpu.dma_semaphore, #tpu.memory_space<semaphore_mem>>)
    %parallel_loop3A = arith.constant 0 : i32
    %parallel_loop3A_203 = arith.constant 32 : i32
    %parallel_loop3A_204 = arith.constant 1 : i32
    scf.for %parallel_loop3A_465 = %parallel_loop3A to %parallel_loop3A_203 step %parallel_loop3A_204  : i32 {
      %parallel_loop3A_466 = arith.index_cast %parallel_loop3A_465 : i32 to index
      %parallel_loop3A_467 = arith.constant 0 : index
      %parallel_loop3A_468 = tpu.vector_load %arg10[%parallel_loop3A_466, %parallel_loop3A_467] {strides = array<i32>} : memref<32x128xf32, #tpu.memory_space<vmem>>, vector<16xf32>,
      %parallel_loop3A_469 = arith.index_cast %parallel_loop3A_465 : i32 to index
      %parallel_loop3A_470 = arith.constant 16 : index
      %parallel_loop3A_471 = tpu.vector_load %arg10[%parallel_loop3A_469, %parallel_loop3A_470] {strides = array<i32>} : memref<32x128xf32, #tpu.memory_space<vmem>>, vector<16xf32>,
      %parallel_loop3A_472 = arith.index_cast %parallel_loop3A_465 : i32 to index
      %parallel_loop3A_473 = arith.constant 32 : index
      %parallel_loop3A_474 = tpu.vector_load %arg10[%parallel_loop3A_472, %parallel_loop3A_473] {strides = array<i32>} : memref<32x128xf32, #tpu.memory_space<vmem>>, vector<16xf32>,
      %parallel_loop3A_475 = arith.index_cast %parallel_loop3A_465 : i32 to index
      %parallel_loop3A_476 = arith.constant 48 : index
      %parallel_loop3A_477 = tpu.vector_load %arg10[%parallel_loop3A_475, %parallel_loop3A_476] {strides = array<i32>} : memref<32x128xf32, #tpu.memory_space<vmem>>, vector<16xf32>,
      %parallel_loop3A_478 = arith.index_cast %parallel_loop3A_465 : i32 to index
      %parallel_loop3A_479 = arith.constant 64 : index
      %parallel_loop3A_480 = tpu.vector_load %arg10[%parallel_loop3A_478, %parallel_loop3A_479] {strides = array<i32>} : memref<32x128xf32, #tpu.memory_space<vmem>>, vector<16xf32>,
      %parallel_loop3A_481 = arith.index_cast %parallel_loop3A_465 : i32 to index
      %parallel_loop3A_482 = arith.constant 80 : index
      %parallel_loop3A_483 = tpu.vector_load %arg10[%parallel_loop3A_481, %parallel_loop3A_482] {strides = array<i32>} : memref<32x128xf32, #tpu.memory_space<vmem>>, vector<16xf32>,
      %parallel_loop3A_484 = arith.index_cast %parallel_loop3A_465 : i32 to index
      %parallel_loop3A_485 = arith.constant 96 : index
      %parallel_loop3A_486 = tpu.vector_load %arg10[%parallel_loop3A_484, %parallel_loop3A_485] {strides = array<i32>} : memref<32x128xf32, #tpu.memory_space<vmem>>, vector<16xf32>,
      %parallel_loop3A_487 = arith.index_cast %parallel_loop3A_465 : i32 to index
      %parallel_loop3A_488 = arith.constant 112 : index
      %parallel_loop3A_489 = tpu.vector_load %arg10[%parallel_loop3A_487, %parallel_loop3A_488] {strides = array<i32>} : memref<32x128xf32, #tpu.memory_space<vmem>>, vector<16xf32>,
      %parallel_loop3A_490 = arith.index_cast %parallel_loop3A_465 : i32 to index
      %parallel_loop3A_491 = arith.constant 0 : index
      %parallel_loop3A_492 = tpu.vector_load %arg12[%parallel_loop3A_490, %parallel_loop3A_491] {strides = array<i32>} : memref<32x128xf32, #tpu.memory_space<vmem>>, vector<16xf32>,
      %parallel_loop3A_493 = arith.index_cast %parallel_loop3A_465 : i32 to index
      %parallel_loop3A_494 = arith.constant 16 : index
      %parallel_loop3A_495 = tpu.vector_load %arg12[%parallel_loop3A_493, %parallel_loop3A_494] {strides = array<i32>} : memref<32x128xf32, #tpu.memory_space<vmem>>, vector<16xf32>,
      %parallel_loop3A_496 = arith.index_cast %parallel_loop3A_465 : i32 to index
      %parallel_loop3A_497 = arith.constant 32 : index
      %parallel_loop3A_498 = tpu.vector_load %arg12[%parallel_loop3A_496, %parallel_loop3A_497] {strides = array<i32>} : memref<32x128xf32, #tpu.memory_space<vmem>>, vector<16xf32>,
      %parallel_loop3A_499 = arith.index_cast %parallel_loop3A_465 : i32 to index
      %parallel_loop3A_500 = arith.constant 48 : index
      %parallel_loop3A_501 = tpu.vector_load %arg12[%parallel_loop3A_499, %parallel_loop3A_500] {strides = array<i32>} : memref<32x128xf32, #tpu.memory_space<vmem>>, vector<16xf32>,
      %parallel_loop3A_502 = arith.index_cast %parallel_loop3A_465 : i32 to index
      %parallel_loop3A_503 = arith.constant 64 : index
      %parallel_loop3A_504 = tpu.vector_load %arg12[%parallel_loop3A_502, %parallel_loop3A_503] {strides = array<i32>} : memref<32x128xf32, #tpu.memory_space<vmem>>, vector<16xf32>,
      %parallel_loop3A_505 = arith.index_cast %parallel_loop3A_465 : i32 to index
      %parallel_loop3A_506 = arith.constant 80 : index
      %parallel_loop3A_507 = tpu.vector_load %arg12[%parallel_loop3A_505, %parallel_loop3A_506] {strides = array<i32>} : memref<32x128xf32, #tpu.memory_space<vmem>>, vector<16xf32>,
      %parallel_loop3A_508 = arith.index_cast %parallel_loop3A_465 : i32 to index
      %parallel_loop3A_509 = arith.constant 96 : index
      %parallel_loop3A_510 = tpu.vector_load %arg12[%parallel_loop3A_508, %parallel_loop3A_509] {strides = array<i32>} : memref<32x128xf32, #tpu.memory_space<vmem>>, vector<16xf32>,
      %parallel_loop3A_511 = arith.index_cast %parallel_loop3A_465 : i32 to index
      %parallel_loop3A_512 = arith.constant 112 : index
      %parallel_loop3A_513 = tpu.vector_load %arg12[%parallel_loop3A_511, %parallel_loop3A_512] {strides = array<i32>} : memref<32x128xf32, #tpu.memory_space<vmem>>, vector<16xf32>,
      %parallel_loop3A_514 = arith.mulf %parallel_loop3A_468, %parallel_loop3A_492 : vector<16xf32>
      %parallel_loop3A_515 = arith.mulf %parallel_loop3A_471, %parallel_loop3A_495 : vector<16xf32>
      %parallel_loop3A_516 = arith.mulf %parallel_loop3A_474, %parallel_loop3A_498 : vector<16xf32>
      %parallel_loop3A_517 = arith.mulf %parallel_loop3A_477, %parallel_loop3A_501 : vector<16xf32>
      %parallel_loop3A_518 = arith.mulf %parallel_loop3A_468, %parallel_loop3A_468 : vector<16xf32>
      %parallel_loop3A_519 = arith.mulf %parallel_loop3A_471, %parallel_loop3A_471 : vector<16xf32>
      %parallel_loop3A_520 = arith.mulf %parallel_loop3A_474, %parallel_loop3A_474 : vector<16xf32>
      %parallel_loop3A_521 = arith.mulf %parallel_loop3A_477, %parallel_loop3A_477 : vector<16xf32>
      %parallel_loop3A_522 = arith.mulf %parallel_loop3A_480, %parallel_loop3A_504 : vector<16xf32>
      %parallel_loop3A_523 = arith.addf %parallel_loop3A_514, %parallel_loop3A_522 : vector<16xf32>
      %parallel_loop3A_524 = arith.mulf %parallel_loop3A_483, %parallel_loop3A_507 : vector<16xf32>
      %parallel_loop3A_525 = arith.addf %parallel_loop3A_515, %parallel_loop3A_524 : vector<16xf32>
      %parallel_loop3A_526 = arith.mulf %parallel_loop3A_486, %parallel_loop3A_510 : vector<16xf32>
      %parallel_loop3A_527 = arith.addf %parallel_loop3A_516, %parallel_loop3A_526 : vector<16xf32>
      %parallel_loop3A_528 = arith.mulf %parallel_loop3A_489, %parallel_loop3A_513 : vector<16xf32>
      %parallel_loop3A_529 = arith.addf %parallel_loop3A_517, %parallel_loop3A_528 : vector<16xf32>
      %parallel_loop3A_530 = arith.mulf %parallel_loop3A_480, %parallel_loop3A_480 : vector<16xf32>
      %parallel_loop3A_531 = arith.addf %parallel_loop3A_518, %parallel_loop3A_530 : vector<16xf32>
      %parallel_loop3A_532 = arith.mulf %parallel_loop3A_483, %parallel_loop3A_483 : vector<16xf32>
      %parallel_loop3A_533 = arith.addf %parallel_loop3A_519, %parallel_loop3A_532 : vector<16xf32>
      %parallel_loop3A_534 = arith.mulf %parallel_loop3A_486, %parallel_loop3A_486 : vector<16xf32>
      %parallel_loop3A_535 = arith.addf %parallel_loop3A_520, %parallel_loop3A_534 : vector<16xf32>
      %parallel_loop3A_536 = arith.mulf %parallel_loop3A_489, %parallel_loop3A_489 : vector<16xf32>
      %parallel_loop3A_537 = arith.addf %parallel_loop3A_521, %parallel_loop3A_536 : vector<16xf32>
      %parallel_loop3A_538 = arith.addf %parallel_loop3A_523, %parallel_loop3A_525 : vector<16xf32>
      %parallel_loop3A_539 = arith.addf %parallel_loop3A_527, %parallel_loop3A_529 : vector<16xf32>
      %parallel_loop3A_540 = arith.addf %parallel_loop3A_538, %parallel_loop3A_539 : vector<16xf32>
      %parallel_loop3A_541 = arith.constant true
      %parallel_loop3A_542 = vector.broadcast %parallel_loop3A_541 : i1 to vector<16xi1>
      %parallel_loop3A_543 = tpu.scan <sum>, %parallel_loop3A_540 masked %parallel_loop3A_542 : vector<16xf32>, vector<16xi1> -> vector<16xf32>
      %parallel_loop3A_544 = vector.extract %parallel_loop3A_543[15] : f32 from vector<16xf32>
      %parallel_loop3A_545 = arith.addf %parallel_loop3A_531, %parallel_loop3A_533 : vector<16xf32>
      %parallel_loop3A_546 = arith.addf %parallel_loop3A_535, %parallel_loop3A_537 : vector<16xf32>
      %parallel_loop3A_547 = arith.addf %parallel_loop3A_545, %parallel_loop3A_546 : vector<16xf32>
      %parallel_loop3A_548 = arith.constant true
      %parallel_loop3A_549 = vector.broadcast %parallel_loop3A_548 : i1 to vector<16xi1>
      %parallel_loop3A_550 = tpu.scan <sum>, %parallel_loop3A_547 masked %parallel_loop3A_549 : vector<16xf32>, vector<16xi1> -> vector<16xf32>
      %parallel_loop3A_551 = vector.extract %parallel_loop3A_550[15] : f32 from vector<16xf32>
      %parallel_loop3A_552 = vector.broadcast %parallel_loop3A_551 : f32 to vector<16xf32>
      %parallel_loop3A_553 = arith.mulf %parallel_loop3A_552, %broadcast_in_dim3A_103 : vector<16xf32>
      %parallel_loop3A_554 = arith.constant 1.000000e-24 : f32
      %parallel_loop3A_555 = vector.broadcast %parallel_loop3A_554 : f32 to vector<16xf32>
      %parallel_loop3A_556 = arith.maximumf %parallel_loop3A_553, %parallel_loop3A_555 : vector<16xf32>
      %parallel_loop3A_557 = tpu.bitcast %parallel_loop3A_556 : vector<16xf32> -> vector<16xi32>
      %parallel_loop3A_558 = arith.shrui %parallel_loop3A_557, %broadcast_in_dim3A_107 : vector<16xi32>
      %parallel_loop3A_559 = arith.subi %broadcast_in_dim3A_105, %parallel_loop3A_558 : vector<16xi32>
      %parallel_loop3A_560 = tpu.bitcast %parallel_loop3A_559 : vector<16xi32> -> vector<16xf32>
      %parallel_loop3A_561 = arith.mulf %broadcast_in_dim3A_109, %parallel_loop3A_556 : vector<16xf32>
      %parallel_loop3A_562 = arith.mulf %parallel_loop3A_561, %parallel_loop3A_560 : vector<16xf32>
      %parallel_loop3A_563 = arith.mulf %parallel_loop3A_562, %parallel_loop3A_560 : vector<16xf32>
      %parallel_loop3A_564 = arith.subf %broadcast_in_dim3A_111, %parallel_loop3A_563 : vector<16xf32>
      %parallel_loop3A_565 = arith.mulf %parallel_loop3A_560, %parallel_loop3A_564 : vector<16xf32>
      %parallel_loop3A_566 = arith.mulf %parallel_loop3A_561, %parallel_loop3A_565 : vector<16xf32>
      %parallel_loop3A_567 = arith.mulf %parallel_loop3A_566, %parallel_loop3A_565 : vector<16xf32>
      %parallel_loop3A_568 = arith.subf %broadcast_in_dim3A_111, %parallel_loop3A_567 : vector<16xf32>
      %parallel_loop3A_569 = arith.mulf %parallel_loop3A_565, %parallel_loop3A_568 : vector<16xf32>
      %parallel_loop3A_570 = arith.mulf %parallel_loop3A_561, %parallel_loop3A_569 : vector<16xf32>
      %parallel_loop3A_571 = arith.mulf %parallel_loop3A_570, %parallel_loop3A_569 : vector<16xf32>
      %parallel_loop3A_572 = arith.subf %broadcast_in_dim3A_111, %parallel_loop3A_571 : vector<16xf32>
      %parallel_loop3A_573 = arith.mulf %parallel_loop3A_569, %parallel_loop3A_572 : vector<16xf32>
      %parallel_loop3A_574 = vector.broadcast %parallel_loop3A_544 : f32 to vector<16xf32>
      %parallel_loop3A_575 = arith.mulf %parallel_loop3A_574, %get3A_3 : vector<16xf32>
      %parallel_loop3A_576 = arith.mulf %parallel_loop3A_575, %parallel_loop3A_573 : vector<16xf32>
      %parallel_loop3A_577 = arith.addf %parallel_loop3A_576, %get3A_7 : vector<16xf32>
      %parallel_loop3A_578 = math.exp %parallel_loop3A_577 : vector<16xf32>
      %parallel_loop3A_579 = arith.mulf %parallel_loop3A_468, %parallel_loop3A_578 : vector<16xf32>
      %parallel_loop3A_580 = arith.index_cast %parallel_loop3A_465 : i32 to index
      %parallel_loop3A_581 = arith.constant 0 : index
      %parallel_loop3A_582 = tpu.vector_load %arg14[%parallel_loop3A_580, %parallel_loop3A_581] {strides = array<i32>} : memref<32x144xf32, #tpu.memory_space<vmem>>, vector<16xf32>,
      tpu.vector_store %arg14[%parallel_loop3A_580, %parallel_loop3A_581], %parallel_loop3A_579 {strides = array<i32>} : memref<32x144xf32, #tpu.memory_space<vmem>>, vector<16xf32>,
      %parallel_loop3A_583 = arith.mulf %parallel_loop3A_471, %parallel_loop3A_578 : vector<16xf32>
      %parallel_loop3A_584 = arith.index_cast %parallel_loop3A_465 : i32 to index
      %parallel_loop3A_585 = arith.constant 16 : index
      %parallel_loop3A_586 = tpu.vector_load %arg14[%parallel_loop3A_584, %parallel_loop3A_585] {strides = array<i32>} : memref<32x144xf32, #tpu.memory_space<vmem>>, vector<16xf32>,
      tpu.vector_store %arg14[%parallel_loop3A_584, %parallel_loop3A_585], %parallel_loop3A_583 {strides = array<i32>} : memref<32x144xf32, #tpu.memory_space<vmem>>, vector<16xf32>,
      %parallel_loop3A_587 = arith.mulf %parallel_loop3A_474, %parallel_loop3A_578 : vector<16xf32>
      %parallel_loop3A_588 = arith.index_cast %parallel_loop3A_465 : i32 to index
      %parallel_loop3A_589 = arith.constant 32 : index
      %parallel_loop3A_590 = tpu.vector_load %arg14[%parallel_loop3A_588, %parallel_loop3A_589] {strides = array<i32>} : memref<32x144xf32, #tpu.memory_space<vmem>>, vector<16xf32>,
      tpu.vector_store %arg14[%parallel_loop3A_588, %parallel_loop3A_589], %parallel_loop3A_587 {strides = array<i32>} : memref<32x144xf32, #tpu.memory_space<vmem>>, vector<16xf32>,
      %parallel_loop3A_591 = arith.mulf %parallel_loop3A_477, %parallel_loop3A_578 : vector<16xf32>
      %parallel_loop3A_592 = arith.index_cast %parallel_loop3A_465 : i32 to index
      %parallel_loop3A_593 = arith.constant 48 : index
      %parallel_loop3A_594 = tpu.vector_load %arg14[%parallel_loop3A_592, %parallel_loop3A_593] {strides = array<i32>} : memref<32x144xf32, #tpu.memory_space<vmem>>, vector<16xf32>,
      tpu.vector_store %arg14[%parallel_loop3A_592, %parallel_loop3A_593], %parallel_loop3A_591 {strides = array<i32>} : memref<32x144xf32, #tpu.memory_space<vmem>>, vector<16xf32>,
      %parallel_loop3A_595 = arith.mulf %parallel_loop3A_480, %parallel_loop3A_578 : vector<16xf32>
      %parallel_loop3A_596 = arith.index_cast %parallel_loop3A_465 : i32 to index
      %parallel_loop3A_597 = arith.constant 64 : index
      %parallel_loop3A_598 = tpu.vector_load %arg14[%parallel_loop3A_596, %parallel_loop3A_597] {strides = array<i32>} : memref<32x144xf32, #tpu.memory_space<vmem>>, vector<16xf32>,
      tpu.vector_store %arg14[%parallel_loop3A_596, %parallel_loop3A_597], %parallel_loop3A_595 {strides = array<i32>} : memref<32x144xf32, #tpu.memory_space<vmem>>, vector<16xf32>,
      %parallel_loop3A_599 = arith.mulf %parallel_loop3A_483, %parallel_loop3A_578 : vector<16xf32>
      %parallel_loop3A_600 = arith.index_cast %parallel_loop3A_465 : i32 to index
      %parallel_loop3A_601 = arith.constant 80 : index
      %parallel_loop3A_602 = tpu.vector_load %arg14[%parallel_loop3A_600, %parallel_loop3A_601] {strides = array<i32>} : memref<32x144xf32, #tpu.memory_space<vmem>>, vector<16xf32>,
      tpu.vector_store %arg14[%parallel_loop3A_600, %parallel_loop3A_601], %parallel_loop3A_599 {strides = array<i32>} : memref<32x144xf32, #tpu.memory_space<vmem>>, vector<16xf32>,
      %parallel_loop3A_603 = arith.mulf %parallel_loop3A_486, %parallel_loop3A_578 : vector<16xf32>
      %parallel_loop3A_604 = arith.index_cast %parallel_loop3A_465 : i32 to index
      %parallel_loop3A_605 = arith.constant 96 : index
      %parallel_loop3A_606 = tpu.vector_load %arg14[%parallel_loop3A_604, %parallel_loop3A_605] {strides = array<i32>} : memref<32x144xf32, #tpu.memory_space<vmem>>, vector<16xf32>,
      tpu.vector_store %arg14[%parallel_loop3A_604, %parallel_loop3A_605], %parallel_loop3A_603 {strides = array<i32>} : memref<32x144xf32, #tpu.memory_space<vmem>>, vector<16xf32>,
      %parallel_loop3A_607 = arith.mulf %parallel_loop3A_489, %parallel_loop3A_578 : vector<16xf32>
      %parallel_loop3A_608 = arith.index_cast %parallel_loop3A_465 : i32 to index
      %parallel_loop3A_609 = arith.constant 112 : index
      %parallel_loop3A_610 = tpu.vector_load %arg14[%parallel_loop3A_608, %parallel_loop3A_609] {strides = array<i32>} : memref<32x144xf32, #tpu.memory_space<vmem>>, vector<16xf32>,
      tpu.vector_store %arg14[%parallel_loop3A_608, %parallel_loop3A_609], %parallel_loop3A_607 {strides = array<i32>} : memref<32x144xf32, #tpu.memory_space<vmem>>, vector<16xf32>,
      %parallel_loop3A_611 = arith.index_cast %parallel_loop3A_465 : i32 to index
      %parallel_loop3A_612 = arith.constant 128 : index
      %parallel_loop3A_613 = tpu.vector_load %arg14[%parallel_loop3A_611, %parallel_loop3A_612] {strides = array<i32>} : memref<32x144xf32, #tpu.memory_space<vmem>>, vector<16xf32>,
      tpu.vector_store %arg14[%parallel_loop3A_611, %parallel_loop3A_612], %parallel_loop3A_578 {strides = array<i32>} : memref<32x144xf32, #tpu.memory_space<vmem>>, vector<16xf32>,
    } {sc.loop_unroll_factor = 4 : i64, sc.parallel_access}
    %get3A_205 = arith.constant 0 : i32
    %get3A_206 = arith.index_cast %get3A_205 : i32 to index
    %get3A_207 = arith.constant 0 : index
    %get3A_208 = tpu.vector_load %arg9[%get3A_206, %get3A_207] {strides = array<i32>} : memref<40x128xi32, #tpu.memory_space<vmem>>, vector<16xi32>,
    %and3A_209 = arith.andi %get3A_208, %broadcast_in_dim3A_99 : vector<16xi32>
    %swap3A_210 = arith.constant 0 : i32
    %swap3A_211 = arith.index_cast %swap3A_210 : i32 to index
    %swap3A_212 = arith.constant 0 : index
    %swap3A_213 = tpu.vector_load %arg20[%swap3A_211, %swap3A_212] {strides = array<i32>} : memref<1x32xi32, #tpu.memory_space<vmem>>, vector<16xi32>,
    tpu.vector_store %arg20[%swap3A_211, %swap3A_212], %and3A_209 {strides = array<i32>} : memref<1x32xi32, #tpu.memory_space<vmem>>, vector<16xi32>,
    %shift_right_logical3A_214 = arith.shrui %get3A_208, %broadcast_in_dim3A_101 : vector<16xi32>
    %swap3A_215 = arith.constant 0 : i32
    %swap3A_216 = arith.index_cast %swap3A_215 : i32 to index
    %swap3A_217 = arith.constant 16 : index
    %swap3A_218 = tpu.vector_load %arg20[%swap3A_216, %swap3A_217] {strides = array<i32>} : memref<1x32xi32, #tpu.memory_space<vmem>>, vector<16xi32>,
    tpu.vector_store %arg20[%swap3A_216, %swap3A_217], %shift_right_logical3A_214 {strides = array<i32>} : memref<1x32xi32, #tpu.memory_space<vmem>>, vector<16xi32>,
    %dma_start3A_219 = arith.constant 0 : i32
    %dma_start3A_220 = arith.constant 0 : i32
    %dma_start3A_221 = tpu.memref_slice %arg20[%dma_start3A_219, %dma_start3A_220] : memref<1x32xi32, #tpu.memory_space<vmem>> -> memref<1x32xi32, #tpu.memory_space<vmem>>
    %dma_start3A_222 = tpu.memref_squeeze %dma_start3A_221 : memref<1x32xi32, #tpu.memory_space<vmem>> -> memref<32xi32, #tpu.memory_space<vmem>>
    %dma_start3A_223 = arith.constant 0 : i32
    %dma_start3A_224 = arith.constant 0 : i32
    %dma_start3A_225 = tpu.memref_slice %arg23[%dma_start3A_223, %dma_start3A_224] : memref<10240x144xf32, #tpu.memory_space<vmem_shared>> -> memref<10240x144xf32, #tpu.memory_space<vmem_shared>>
    tpu.enqueue_indirect_dma source(%arg14 : memref<32x144xf32, #tpu.memory_space<vmem>>) target(%dma_start3A_225 : memref<10240x144xf32, #tpu.memory_space<vmem_shared>>) offsets(%dma_start3A_222 : memref<32xi32, #tpu.memory_space<vmem>>) semaphore(%arg26 : memref<!tpu.dma_semaphore, #tpu.memory_space<semaphore_mem>>) {add = true}
    %dma_wait3A_226 = arith.constant 0 : i32
    %dma_wait3A_227 = arith.constant 0 : i32
    %dma_wait3A_228 = tpu.memref_slice %arg2[%dma_wait3A_226, %dma_wait3A_227] : memref<10000x128xf32, #tpu.memory_space<hbm>> -> memref<32x128xf32, #tpu.memory_space<hbm>>
    %dma_wait3A_229 = arith.constant 0 : i32
    %dma_wait3A_230 = arith.constant 0 : i32
    %dma_wait3A_231 = tpu.memref_slice %arg2[%dma_wait3A_229, %dma_wait3A_230] : memref<10000x128xf32, #tpu.memory_space<hbm>> -> memref<32x128xf32, #tpu.memory_space<hbm>>
    tpu.wait_dma2 semaphore(%arg27 : memref<!tpu.dma_semaphore, #tpu.memory_space<semaphore_mem>>) src(%dma_wait3A_231 : memref<32x128xf32, #tpu.memory_space<hbm>>) dst(%arg11 : memref<32x128xf32, #tpu.memory_space<vmem>>)
    %dma_wait3A_232 = arith.constant 0 : i32
    %dma_wait3A_233 = arith.constant 0 : i32
    %dma_wait3A_234 = tpu.memref_slice %arg3[%dma_wait3A_232, %dma_wait3A_233] : memref<10240x128xf32, #tpu.memory_space<hbm>> -> memref<32x128xf32, #tpu.memory_space<hbm>>
    %dma_wait3A_235 = arith.constant 0 : i32
    %dma_wait3A_236 = arith.constant 0 : i32
    %dma_wait3A_237 = tpu.memref_slice %arg3[%dma_wait3A_235, %dma_wait3A_236] : memref<10240x128xf32, #tpu.memory_space<hbm>> -> memref<32x128xf32, #tpu.memory_space<hbm>>
    tpu.wait_dma2 semaphore(%arg28 : memref<!tpu.dma_semaphore, #tpu.memory_space<semaphore_mem>>) src(%dma_wait3A_237 : memref<32x128xf32, #tpu.memory_space<hbm>>) dst(%arg13 : memref<32x128xf32, #tpu.memory_space<vmem>>)
    %get3A_238 = arith.constant 0 : i32
    %get3A_239 = arith.index_cast %get3A_238 : i32 to index
    %get3A_240 = arith.constant 32 : index
    %get3A_241 = tpu.vector_load %arg8[%get3A_239, %get3A_240] {strides = array<i32>} : memref<40x128xi32, #tpu.memory_space<vmem>>, vector<16xi32>,
    %and3A_242 = arith.andi %get3A_241, %broadcast_in_dim3A_99 : vector<16xi32>
    %swap3A_243 = arith.constant 0 : i32
    %swap3A_244 = arith.index_cast %swap3A_243 : i32 to index
    %swap3A_245 = arith.constant 0 : index
    %swap3A_246 = tpu.vector_load %arg16[%swap3A_244, %swap3A_245] {strides = array<i32>} : memref<1x32xi32, #tpu.memory_space<vmem>>, vector<16xi32>,
    tpu.vector_store %arg16[%swap3A_244, %swap3A_245], %and3A_242 {strides = array<i32>} : memref<1x32xi32, #tpu.memory_space<vmem>>, vector<16xi32>,
    %shift_right_logical3A_247 = arith.shrui %get3A_241, %broadcast_in_dim3A_101 : vector<16xi32>
    %swap3A_248 = arith.constant 0 : i32
    %swap3A_249 = arith.index_cast %swap3A_248 : i32 to index
    %swap3A_250 = arith.constant 16 : index
    %swap3A_251 = tpu.vector_load %arg16[%swap3A_249, %swap3A_250] {strides = array<i32>} : memref<1x32xi32, #tpu.memory_space<vmem>>, vector<16xi32>,
    tpu.vector_store %arg16[%swap3A_249, %swap3A_250], %shift_right_logical3A_247 {strides = array<i32>} : memref<1x32xi32, #tpu.memory_space<vmem>>, vector<16xi32>,
    %get3A_252 = arith.constant 0 : i32
    %get3A_253 = arith.index_cast %get3A_252 : i32 to index
    %get3A_254 = arith.constant 32 : index
    %get3A_255 = tpu.vector_load %arg9[%get3A_253, %get3A_254] {strides = array<i32>} : memref<40x128xi32, #tpu.memory_space<vmem>>, vector<16xi32>,
    %and3A_256 = arith.andi %get3A_255, %broadcast_in_dim3A_99 : vector<16xi32>
    %swap3A_257 = arith.constant 0 : i32
    %swap3A_258 = arith.index_cast %swap3A_257 : i32 to index
    %swap3A_259 = arith.constant 0 : index
    %swap3A_260 = tpu.vector_load %arg18[%swap3A_258, %swap3A_259] {strides = array<i32>} : memref<1x32xi32, #tpu.memory_space<vmem>>, vector<16xi32>,
    tpu.vector_store %arg18[%swap3A_258, %swap3A_259], %and3A_256 {strides = array<i32>} : memref<1x32xi32, #tpu.memory_space<vmem>>, vector<16xi32>,
    %shift_right_logical3A_261 = arith.shrui %get3A_255, %broadcast_in_dim3A_101 : vector<16xi32>
    %swap3A_262 = arith.constant 0 : i32
    %swap3A_263 = arith.index_cast %swap3A_262 : i32 to index
    %swap3A_264 = arith.constant 16 : index
    %swap3A_265 = tpu.vector_load %arg18[%swap3A_263, %swap3A_264] {strides = array<i32>} : memref<1x32xi32, #tpu.memory_space<vmem>>, vector<16xi32>,
    tpu.vector_store %arg18[%swap3A_263, %swap3A_264], %shift_right_logical3A_261 {strides = array<i32>} : memref<1x32xi32, #tpu.memory_space<vmem>>, vector<16xi32>,
    %dma_start3A_266 = arith.constant 0 : i32
    %dma_start3A_267 = arith.constant 0 : i32
    %dma_start3A_268 = tpu.memref_slice %arg16[%dma_start3A_266, %dma_start3A_267] : memref<1x32xi32, #tpu.memory_space<vmem>> -> memref<1x32xi32, #tpu.memory_space<vmem>>
    %dma_start3A_269 = tpu.memref_squeeze %dma_start3A_268 : memref<1x32xi32, #tpu.memory_space<vmem>> -> memref<32xi32, #tpu.memory_space<vmem>>
    %dma_start3A_270 = arith.constant 0 : i32
    %dma_start3A_271 = arith.constant 0 : i32
    %dma_start3A_272 = tpu.memref_slice %arg2[%dma_start3A_270, %dma_start3A_271] : memref<10000x128xf32, #tpu.memory_space<hbm>> -> memref<10000x128xf32, #tpu.memory_space<hbm>>
    tpu.enqueue_indirect_dma source(%dma_start3A_272 : memref<10000x128xf32, #tpu.memory_space<hbm>>) target(%arg10 : memref<32x128xf32, #tpu.memory_space<vmem>>) offsets(%dma_start3A_269 : memref<32xi32, #tpu.memory_space<vmem>>) semaphore(%arg24 : memref<!tpu.dma_semaphore, #tpu.memory_space<semaphore_mem>>)
    %dma_start3A_273 = arith.constant 0 : i32
    %dma_start3A_274 = arith.constant 0 : i32
    %dma_start3A_275 = tpu.memref_slice %arg18[%dma_start3A_273, %dma_start3A_274] : memref<1x32xi32, #tpu.memory_space<vmem>> -> memref<1x32xi32, #tpu.memory_space<vmem>>
    %dma_start3A_276 = tpu.memref_squeeze %dma_start3A_275 : memref<1x32xi32, #tpu.memory_space<vmem>> -> memref<32xi32, #tpu.memory_space<vmem>>
    %dma_start3A_277 = arith.constant 0 : i32
    %dma_start3A_278 = arith.constant 0 : i32
    %dma_start3A_279 = tpu.memref_slice %arg3[%dma_start3A_277, %dma_start3A_278] : memref<10240x128xf32, #tpu.memory_space<hbm>> -> memref<10240x128xf32, #tpu.memory_space<hbm>>
    tpu.enqueue_indirect_dma source(%dma_start3A_279 : memref<10240x128xf32, #tpu.memory_space<hbm>>) target(%arg12 : memref<32x128xf32, #tpu.memory_space<vmem>>) offsets(%dma_start3A_276 : memref<32xi32, #tpu.memory_space<vmem>>) semaphore(%arg25 : memref<!tpu.dma_semaphore, #tpu.memory_space<semaphore_mem>>)
    %parallel_loop3A_280 = arith.constant 0 : i32
    %parallel_loop3A_281 = arith.constant 32 : i32
    %parallel_loop3A_282 = arith.constant 1 : i32
    scf.for %parallel_loop3A_465 = %parallel_loop3A_280 to %parallel_loop3A_281 step %parallel_loop3A_282  : i32 {
      %parallel_loop3A_466 = arith.index_cast %parallel_loop3A_465 : i32 to index
      %parallel_loop3A_467 = arith.constant 0 : index
      %parallel_loop3A_468 = tpu.vector_load %arg11[%parallel_loop3A_466, %parallel_loop3A_467] {strides = array<i32>} : memref<32x128xf32, #tpu.memory_space<vmem>>, vector<16xf32>,
      %parallel_loop3A_469 = arith.index_cast %parallel_loop3A_465 : i32 to index
      %parallel_loop3A_470 = arith.constant 16 : index
      %parallel_loop3A_471 = tpu.vector_load %arg11[%parallel_loop3A_469, %parallel_loop3A_470] {strides = array<i32>} : memref<32x128xf32, #tpu.memory_space<vmem>>, vector<16xf32>,
      %parallel_loop3A_472 = arith.index_cast %parallel_loop3A_465 : i32 to index
      %parallel_loop3A_473 = arith.constant 32 : index
      %parallel_loop3A_474 = tpu.vector_load %arg11[%parallel_loop3A_472, %parallel_loop3A_473] {strides = array<i32>} : memref<32x128xf32, #tpu.memory_space<vmem>>, vector<16xf32>,
      %parallel_loop3A_475 = arith.index_cast %parallel_loop3A_465 : i32 to index
      %parallel_loop3A_476 = arith.constant 48 : index
      %parallel_loop3A_477 = tpu.vector_load %arg11[%parallel_loop3A_475, %parallel_loop3A_476] {strides = array<i32>} : memref<32x128xf32, #tpu.memory_space<vmem>>, vector<16xf32>,
      %parallel_loop3A_478 = arith.index_cast %parallel_loop3A_465 : i32 to index
      %parallel_loop3A_479 = arith.constant 64 : index
      %parallel_loop3A_480 = tpu.vector_load %arg11[%parallel_loop3A_478, %parallel_loop3A_479] {strides = array<i32>} : memref<32x128xf32, #tpu.memory_space<vmem>>, vector<16xf32>,
      %parallel_loop3A_481 = arith.index_cast %parallel_loop3A_465 : i32 to index
      %parallel_loop3A_482 = arith.constant 80 : index
      %parallel_loop3A_483 = tpu.vector_load %arg11[%parallel_loop3A_481, %parallel_loop3A_482] {strides = array<i32>} : memref<32x128xf32, #tpu.memory_space<vmem>>, vector<16xf32>,
      %parallel_loop3A_484 = arith.index_cast %parallel_loop3A_465 : i32 to index
      %parallel_loop3A_485 = arith.constant 96 : index
      %parallel_loop3A_486 = tpu.vector_load %arg11[%parallel_loop3A_484, %parallel_loop3A_485] {strides = array<i32>} : memref<32x128xf32, #tpu.memory_space<vmem>>, vector<16xf32>,
      %parallel_loop3A_487 = arith.index_cast %parallel_loop3A_465 : i32 to index
      %parallel_loop3A_488 = arith.constant 112 : index
      %parallel_loop3A_489 = tpu.vector_load %arg11[%parallel_loop3A_487, %parallel_loop3A_488] {strides = array<i32>} : memref<32x128xf32, #tpu.memory_space<vmem>>, vector<16xf32>,
      %parallel_loop3A_490 = arith.index_cast %parallel_loop3A_465 : i32 to index
      %parallel_loop3A_491 = arith.constant 0 : index
      %parallel_loop3A_492 = tpu.vector_load %arg13[%parallel_loop3A_490, %parallel_loop3A_491] {strides = array<i32>} : memref<32x128xf32, #tpu.memory_space<vmem>>, vector<16xf32>,
      %parallel_loop3A_493 = arith.index_cast %parallel_loop3A_465 : i32 to index
      %parallel_loop3A_494 = arith.constant 16 : index
      %parallel_loop3A_495 = tpu.vector_load %arg13[%parallel_loop3A_493, %parallel_loop3A_494] {strides = array<i32>} : memref<32x128xf32, #tpu.memory_space<vmem>>, vector<16xf32>,
      %parallel_loop3A_496 = arith.index_cast %parallel_loop3A_465 : i32 to index
      %parallel_loop3A_497 = arith.constant 32 : index
      %parallel_loop3A_498 = tpu.vector_load %arg13[%parallel_loop3A_496, %parallel_loop3A_497] {strides = array<i32>} : memref<32x128xf32, #tpu.memory_space<vmem>>, vector<16xf32>,
      %parallel_loop3A_499 = arith.index_cast %parallel_loop3A_465 : i32 to index
      %parallel_loop3A_500 = arith.constant 48 : index
      %parallel_loop3A_501 = tpu.vector_load %arg13[%parallel_loop3A_499, %parallel_loop3A_500] {strides = array<i32>} : memref<32x128xf32, #tpu.memory_space<vmem>>, vector<16xf32>,
      %parallel_loop3A_502 = arith.index_cast %parallel_loop3A_465 : i32 to index
      %parallel_loop3A_503 = arith.constant 64 : index
      %parallel_loop3A_504 = tpu.vector_load %arg13[%parallel_loop3A_502, %parallel_loop3A_503] {strides = array<i32>} : memref<32x128xf32, #tpu.memory_space<vmem>>, vector<16xf32>,
      %parallel_loop3A_505 = arith.index_cast %parallel_loop3A_465 : i32 to index
      %parallel_loop3A_506 = arith.constant 80 : index
      %parallel_loop3A_507 = tpu.vector_load %arg13[%parallel_loop3A_505, %parallel_loop3A_506] {strides = array<i32>} : memref<32x128xf32, #tpu.memory_space<vmem>>, vector<16xf32>,
      %parallel_loop3A_508 = arith.index_cast %parallel_loop3A_465 : i32 to index
      %parallel_loop3A_509 = arith.constant 96 : index
      %parallel_loop3A_510 = tpu.vector_load %arg13[%parallel_loop3A_508, %parallel_loop3A_509] {strides = array<i32>} : memref<32x128xf32, #tpu.memory_space<vmem>>, vector<16xf32>,
      %parallel_loop3A_511 = arith.index_cast %parallel_loop3A_465 : i32 to index
      %parallel_loop3A_512 = arith.constant 112 : index
      %parallel_loop3A_513 = tpu.vector_load %arg13[%parallel_loop3A_511, %parallel_loop3A_512] {strides = array<i32>} : memref<32x128xf32, #tpu.memory_space<vmem>>, vector<16xf32>,
      %parallel_loop3A_514 = arith.mulf %parallel_loop3A_468, %parallel_loop3A_492 : vector<16xf32>
      %parallel_loop3A_515 = arith.mulf %parallel_loop3A_471, %parallel_loop3A_495 : vector<16xf32>
      %parallel_loop3A_516 = arith.mulf %parallel_loop3A_474, %parallel_loop3A_498 : vector<16xf32>
      %parallel_loop3A_517 = arith.mulf %parallel_loop3A_477, %parallel_loop3A_501 : vector<16xf32>
      %parallel_loop3A_518 = arith.mulf %parallel_loop3A_468, %parallel_loop3A_468 : vector<16xf32>
      %parallel_loop3A_519 = arith.mulf %parallel_loop3A_471, %parallel_loop3A_471 : vector<16xf32>
      %parallel_loop3A_520 = arith.mulf %parallel_loop3A_474, %parallel_loop3A_474 : vector<16xf32>
      %parallel_loop3A_521 = arith.mulf %parallel_loop3A_477, %parallel_loop3A_477 : vector<16xf32>
      %parallel_loop3A_522 = arith.mulf %parallel_loop3A_480, %parallel_loop3A_504 : vector<16xf32>
      %parallel_loop3A_523 = arith.addf %parallel_loop3A_514, %parallel_loop3A_522 : vector<16xf32>
      %parallel_loop3A_524 = arith.mulf %parallel_loop3A_483, %parallel_loop3A_507 : vector<16xf32>
      %parallel_loop3A_525 = arith.addf %parallel_loop3A_515, %parallel_loop3A_524 : vector<16xf32>
      %parallel_loop3A_526 = arith.mulf %parallel_loop3A_486, %parallel_loop3A_510 : vector<16xf32>
      %parallel_loop3A_527 = arith.addf %parallel_loop3A_516, %parallel_loop3A_526 : vector<16xf32>
      %parallel_loop3A_528 = arith.mulf %parallel_loop3A_489, %parallel_loop3A_513 : vector<16xf32>
      %parallel_loop3A_529 = arith.addf %parallel_loop3A_517, %parallel_loop3A_528 : vector<16xf32>
      %parallel_loop3A_530 = arith.mulf %parallel_loop3A_480, %parallel_loop3A_480 : vector<16xf32>
      %parallel_loop3A_531 = arith.addf %parallel_loop3A_518, %parallel_loop3A_530 : vector<16xf32>
      %parallel_loop3A_532 = arith.mulf %parallel_loop3A_483, %parallel_loop3A_483 : vector<16xf32>
      %parallel_loop3A_533 = arith.addf %parallel_loop3A_519, %parallel_loop3A_532 : vector<16xf32>
      %parallel_loop3A_534 = arith.mulf %parallel_loop3A_486, %parallel_loop3A_486 : vector<16xf32>
      %parallel_loop3A_535 = arith.addf %parallel_loop3A_520, %parallel_loop3A_534 : vector<16xf32>
      %parallel_loop3A_536 = arith.mulf %parallel_loop3A_489, %parallel_loop3A_489 : vector<16xf32>
      %parallel_loop3A_537 = arith.addf %parallel_loop3A_521, %parallel_loop3A_536 : vector<16xf32>
      %parallel_loop3A_538 = arith.addf %parallel_loop3A_523, %parallel_loop3A_525 : vector<16xf32>
      %parallel_loop3A_539 = arith.addf %parallel_loop3A_527, %parallel_loop3A_529 : vector<16xf32>
      %parallel_loop3A_540 = arith.addf %parallel_loop3A_538, %parallel_loop3A_539 : vector<16xf32>
      %parallel_loop3A_541 = arith.constant true
      %parallel_loop3A_542 = vector.broadcast %parallel_loop3A_541 : i1 to vector<16xi1>
      %parallel_loop3A_543 = tpu.scan <sum>, %parallel_loop3A_540 masked %parallel_loop3A_542 : vector<16xf32>, vector<16xi1> -> vector<16xf32>
      %parallel_loop3A_544 = vector.extract %parallel_loop3A_543[15] : f32 from vector<16xf32>
      %parallel_loop3A_545 = arith.addf %parallel_loop3A_531, %parallel_loop3A_533 : vector<16xf32>
      %parallel_loop3A_546 = arith.addf %parallel_loop3A_535, %parallel_loop3A_537 : vector<16xf32>
      %parallel_loop3A_547 = arith.addf %parallel_loop3A_545, %parallel_loop3A_546 : vector<16xf32>
      %parallel_loop3A_548 = arith.constant true
      %parallel_loop3A_549 = vector.broadcast %parallel_loop3A_548 : i1 to vector<16xi1>
      %parallel_loop3A_550 = tpu.scan <sum>, %parallel_loop3A_547 masked %parallel_loop3A_549 : vector<16xf32>, vector<16xi1> -> vector<16xf32>
      %parallel_loop3A_551 = vector.extract %parallel_loop3A_550[15] : f32 from vector<16xf32>
      %parallel_loop3A_552 = vector.broadcast %parallel_loop3A_551 : f32 to vector<16xf32>
      %parallel_loop3A_553 = arith.mulf %parallel_loop3A_552, %broadcast_in_dim3A_103 : vector<16xf32>
      %parallel_loop3A_554 = arith.constant 1.000000e-24 : f32
      %parallel_loop3A_555 = vector.broadcast %parallel_loop3A_554 : f32 to vector<16xf32>
      %parallel_loop3A_556 = arith.maximumf %parallel_loop3A_553, %parallel_loop3A_555 : vector<16xf32>
      %parallel_loop3A_557 = tpu.bitcast %parallel_loop3A_556 : vector<16xf32> -> vector<16xi32>
      %parallel_loop3A_558 = arith.shrui %parallel_loop3A_557, %broadcast_in_dim3A_107 : vector<16xi32>
      %parallel_loop3A_559 = arith.subi %broadcast_in_dim3A_105, %parallel_loop3A_558 : vector<16xi32>
      %parallel_loop3A_560 = tpu.bitcast %parallel_loop3A_559 : vector<16xi32> -> vector<16xf32>
      %parallel_loop3A_561 = arith.mulf %broadcast_in_dim3A_109, %parallel_loop3A_556 : vector<16xf32>
      %parallel_loop3A_562 = arith.mulf %parallel_loop3A_561, %parallel_loop3A_560 : vector<16xf32>
      %parallel_loop3A_563 = arith.mulf %parallel_loop3A_562, %parallel_loop3A_560 : vector<16xf32>
      %parallel_loop3A_564 = arith.subf %broadcast_in_dim3A_111, %parallel_loop3A_563 : vector<16xf32>
      %parallel_loop3A_565 = arith.mulf %parallel_loop3A_560, %parallel_loop3A_564 : vector<16xf32>
      %parallel_loop3A_566 = arith.mulf %parallel_loop3A_561, %parallel_loop3A_565 : vector<16xf32>
      %parallel_loop3A_567 = arith.mulf %parallel_loop3A_566, %parallel_loop3A_565 : vector<16xf32>
      %parallel_loop3A_568 = arith.subf %broadcast_in_dim3A_111, %parallel_loop3A_567 : vector<16xf32>
      %parallel_loop3A_569 = arith.mulf %parallel_loop3A_565, %parallel_loop3A_568 : vector<16xf32>
      %parallel_loop3A_570 = arith.mulf %parallel_loop3A_561, %parallel_loop3A_569 : vector<16xf32>
      %parallel_loop3A_571 = arith.mulf %parallel_loop3A_570, %parallel_loop3A_569 : vector<16xf32>
      %parallel_loop3A_572 = arith.subf %broadcast_in_dim3A_111, %parallel_loop3A_571 : vector<16xf32>
      %parallel_loop3A_573 = arith.mulf %parallel_loop3A_569, %parallel_loop3A_572 : vector<16xf32>
      %parallel_loop3A_574 = vector.broadcast %parallel_loop3A_544 : f32 to vector<16xf32>
      %parallel_loop3A_575 = arith.mulf %parallel_loop3A_574, %get3A_3 : vector<16xf32>
      %parallel_loop3A_576 = arith.mulf %parallel_loop3A_575, %parallel_loop3A_573 : vector<16xf32>
      %parallel_loop3A_577 = arith.addf %parallel_loop3A_576, %get3A_7 : vector<16xf32>
      %parallel_loop3A_578 = math.exp %parallel_loop3A_577 : vector<16xf32>
      %parallel_loop3A_579 = arith.mulf %parallel_loop3A_468, %parallel_loop3A_578 : vector<16xf32>
      %parallel_loop3A_580 = arith.index_cast %parallel_loop3A_465 : i32 to index
      %parallel_loop3A_581 = arith.constant 0 : index
      %parallel_loop3A_582 = tpu.vector_load %arg15[%parallel_loop3A_580, %parallel_loop3A_581] {strides = array<i32>} : memref<32x144xf32, #tpu.memory_space<vmem>>, vector<16xf32>,
      tpu.vector_store %arg15[%parallel_loop3A_580, %parallel_loop3A_581], %parallel_loop3A_579 {strides = array<i32>} : memref<32x144xf32, #tpu.memory_space<vmem>>, vector<16xf32>,
      %parallel_loop3A_583 = arith.mulf %parallel_loop3A_471, %parallel_loop3A_578 : vector<16xf32>
      %parallel_loop3A_584 = arith.index_cast %parallel_loop3A_465 : i32 to index
      %parallel_loop3A_585 = arith.constant 16 : index
      %parallel_loop3A_586 = tpu.vector_load %arg15[%parallel_loop3A_584, %parallel_loop3A_585] {strides = array<i32>} : memref<32x144xf32, #tpu.memory_space<vmem>>, vector<16xf32>,
      tpu.vector_store %arg15[%parallel_loop3A_584, %parallel_loop3A_585], %parallel_loop3A_583 {strides = array<i32>} : memref<32x144xf32, #tpu.memory_space<vmem>>, vector<16xf32>,
      %parallel_loop3A_587 = arith.mulf %parallel_loop3A_474, %parallel_loop3A_578 : vector<16xf32>
      %parallel_loop3A_588 = arith.index_cast %parallel_loop3A_465 : i32 to index
      %parallel_loop3A_589 = arith.constant 32 : index
      %parallel_loop3A_590 = tpu.vector_load %arg15[%parallel_loop3A_588, %parallel_loop3A_589] {strides = array<i32>} : memref<32x144xf32, #tpu.memory_space<vmem>>, vector<16xf32>,
      tpu.vector_store %arg15[%parallel_loop3A_588, %parallel_loop3A_589], %parallel_loop3A_587 {strides = array<i32>} : memref<32x144xf32, #tpu.memory_space<vmem>>, vector<16xf32>,
      %parallel_loop3A_591 = arith.mulf %parallel_loop3A_477, %parallel_loop3A_578 : vector<16xf32>
      %parallel_loop3A_592 = arith.index_cast %parallel_loop3A_465 : i32 to index
      %parallel_loop3A_593 = arith.constant 48 : index
      %parallel_loop3A_594 = tpu.vector_load %arg15[%parallel_loop3A_592, %parallel_loop3A_593] {strides = array<i32>} : memref<32x144xf32, #tpu.memory_space<vmem>>, vector<16xf32>,
      tpu.vector_store %arg15[%parallel_loop3A_592, %parallel_loop3A_593], %parallel_loop3A_591 {strides = array<i32>} : memref<32x144xf32, #tpu.memory_space<vmem>>, vector<16xf32>,
      %parallel_loop3A_595 = arith.mulf %parallel_loop3A_480, %parallel_loop3A_578 : vector<16xf32>
      %parallel_loop3A_596 = arith.index_cast %parallel_loop3A_465 : i32 to index
      %parallel_loop3A_597 = arith.constant 64 : index
      %parallel_loop3A_598 = tpu.vector_load %arg15[%parallel_loop3A_596, %parallel_loop3A_597] {strides = array<i32>} : memref<32x144xf32, #tpu.memory_space<vmem>>, vector<16xf32>,
      tpu.vector_store %arg15[%parallel_loop3A_596, %parallel_loop3A_597], %parallel_loop3A_595 {strides = array<i32>} : memref<32x144xf32, #tpu.memory_space<vmem>>, vector<16xf32>,
      %parallel_loop3A_599 = arith.mulf %parallel_loop3A_483, %parallel_loop3A_578 : vector<16xf32>
      %parallel_loop3A_600 = arith.index_cast %parallel_loop3A_465 : i32 to index
      %parallel_loop3A_601 = arith.constant 80 : index
      %parallel_loop3A_602 = tpu.vector_load %arg15[%parallel_loop3A_600, %parallel_loop3A_601] {strides = array<i32>} : memref<32x144xf32, #tpu.memory_space<vmem>>, vector<16xf32>,
      tpu.vector_store %arg15[%parallel_loop3A_600, %parallel_loop3A_601], %parallel_loop3A_599 {strides = array<i32>} : memref<32x144xf32, #tpu.memory_space<vmem>>, vector<16xf32>,
      %parallel_loop3A_603 = arith.mulf %parallel_loop3A_486, %parallel_loop3A_578 : vector<16xf32>
      %parallel_loop3A_604 = arith.index_cast %parallel_loop3A_465 : i32 to index
      %parallel_loop3A_605 = arith.constant 96 : index
      %parallel_loop3A_606 = tpu.vector_load %arg15[%parallel_loop3A_604, %parallel_loop3A_605] {strides = array<i32>} : memref<32x144xf32, #tpu.memory_space<vmem>>, vector<16xf32>,
      tpu.vector_store %arg15[%parallel_loop3A_604, %parallel_loop3A_605], %parallel_loop3A_603 {strides = array<i32>} : memref<32x144xf32, #tpu.memory_space<vmem>>, vector<16xf32>,
      %parallel_loop3A_607 = arith.mulf %parallel_loop3A_489, %parallel_loop3A_578 : vector<16xf32>
      %parallel_loop3A_608 = arith.index_cast %parallel_loop3A_465 : i32 to index
      %parallel_loop3A_609 = arith.constant 112 : index
      %parallel_loop3A_610 = tpu.vector_load %arg15[%parallel_loop3A_608, %parallel_loop3A_609] {strides = array<i32>} : memref<32x144xf32, #tpu.memory_space<vmem>>, vector<16xf32>,
      tpu.vector_store %arg15[%parallel_loop3A_608, %parallel_loop3A_609], %parallel_loop3A_607 {strides = array<i32>} : memref<32x144xf32, #tpu.memory_space<vmem>>, vector<16xf32>,
      %parallel_loop3A_611 = arith.index_cast %parallel_loop3A_465 : i32 to index
      %parallel_loop3A_612 = arith.constant 128 : index
      %parallel_loop3A_613 = tpu.vector_load %arg15[%parallel_loop3A_611, %parallel_loop3A_612] {strides = array<i32>} : memref<32x144xf32, #tpu.memory_space<vmem>>, vector<16xf32>,
      tpu.vector_store %arg15[%parallel_loop3A_611, %parallel_loop3A_612], %parallel_loop3A_578 {strides = array<i32>} : memref<32x144xf32, #tpu.memory_space<vmem>>, vector<16xf32>,
    } {sc.loop_unroll_factor = 4 : i64, sc.parallel_access}
    %get3A_283 = arith.constant 0 : i32
    %get3A_284 = arith.index_cast %get3A_283 : i32 to index
    %get3A_285 = arith.constant 16 : index
    %get3A_286 = tpu.vector_load %arg9[%get3A_284, %get3A_285] {strides = array<i32>} : memref<40x128xi32, #tpu.memory_space<vmem>>, vector<16xi32>,
    %and3A_287 = arith.andi %get3A_286, %broadcast_in_dim3A_99 : vector<16xi32>
    %swap3A_288 = arith.constant 0 : i32
    %swap3A_289 = arith.index_cast %swap3A_288 : i32 to index
    %swap3A_290 = arith.constant 0 : index
    %swap3A_291 = tpu.vector_load %arg21[%swap3A_289, %swap3A_290] {strides = array<i32>} : memref<1x32xi32, #tpu.memory_space<vmem>>, vector<16xi32>,
    tpu.vector_store %arg21[%swap3A_289, %swap3A_290], %and3A_287 {strides = array<i32>} : memref<1x32xi32, #tpu.memory_space<vmem>>, vector<16xi32>,
    %shift_right_logical3A_292 = arith.shrui %get3A_286, %broadcast_in_dim3A_101 : vector<16xi32>
    %swap3A_293 = arith.constant 0 : i32
    %swap3A_294 = arith.index_cast %swap3A_293 : i32 to index
    %swap3A_295 = arith.constant 16 : index
    %swap3A_296 = tpu.vector_load %arg21[%swap3A_294, %swap3A_295] {strides = array<i32>} : memref<1x32xi32, #tpu.memory_space<vmem>>, vector<16xi32>,
    tpu.vector_store %arg21[%swap3A_294, %swap3A_295], %shift_right_logical3A_292 {strides = array<i32>} : memref<1x32xi32, #tpu.memory_space<vmem>>, vector<16xi32>,
    %dma_start3A_297 = arith.constant 0 : i32
    %dma_start3A_298 = arith.constant 0 : i32
    %dma_start3A_299 = tpu.memref_slice %arg21[%dma_start3A_297, %dma_start3A_298] : memref<1x32xi32, #tpu.memory_space<vmem>> -> memref<1x32xi32, #tpu.memory_space<vmem>>
    %dma_start3A_300 = tpu.memref_squeeze %dma_start3A_299 : memref<1x32xi32, #tpu.memory_space<vmem>> -> memref<32xi32, #tpu.memory_space<vmem>>
    %dma_start3A_301 = arith.constant 0 : i32
    %dma_start3A_302 = arith.constant 0 : i32
    %dma_start3A_303 = tpu.memref_slice %arg23[%dma_start3A_301, %dma_start3A_302] : memref<10240x144xf32, #tpu.memory_space<vmem_shared>> -> memref<10240x144xf32, #tpu.memory_space<vmem_shared>>
    tpu.enqueue_indirect_dma source(%arg15 : memref<32x144xf32, #tpu.memory_space<vmem>>) target(%dma_start3A_303 : memref<10240x144xf32, #tpu.memory_space<vmem_shared>>) offsets(%dma_start3A_300 : memref<32xi32, #tpu.memory_space<vmem>>) semaphore(%arg29 : memref<!tpu.dma_semaphore, #tpu.memory_space<semaphore_mem>>) {add = true}
    %scan3A_304 = arith.constant 0 : i32
    %scan3A_305 = arith.constant 1 : i32
    %scan3A_306 = arith.constant 158 : i32
    %scan3A_307 = arith.addi %scan3A_305, %scan3A_306 : i32
    %scan3A_308 = arith.constant 1 : i32
    scf.for %scan3A_465 = %scan3A_305 to %scan3A_307 step %scan3A_308  : i32 {
      %mul3A_466 = arith.constant 2 : i32
      %mul3A_467 = arith.muli %mul3A_466, %scan3A_465 : i32
      %dma_wait3A_468 = arith.constant 0 : i32
      %dma_wait3A_469 = arith.constant 0 : i32
      %dma_wait3A_470 = tpu.memref_slice %arg2[%dma_wait3A_468, %dma_wait3A_469] : memref<10000x128xf32, #tpu.memory_space<hbm>> -> memref<32x128xf32, #tpu.memory_space<hbm>>
      %dma_wait3A_471 = arith.constant 0 : i32
      %dma_wait3A_472 = arith.constant 0 : i32
      %dma_wait3A_473 = tpu.memref_slice %arg2[%dma_wait3A_471, %dma_wait3A_472] : memref<10000x128xf32, #tpu.memory_space<hbm>> -> memref<32x128xf32, #tpu.memory_space<hbm>>
      tpu.wait_dma2 semaphore(%arg24 : memref<!tpu.dma_semaphore, #tpu.memory_space<semaphore_mem>>) src(%dma_wait3A_473 : memref<32x128xf32, #tpu.memory_space<hbm>>) dst(%arg10 : memref<32x128xf32, #tpu.memory_space<vmem>>)
      %dma_wait3A_474 = arith.constant 0 : i32
      %dma_wait3A_475 = arith.constant 0 : i32
      %dma_wait3A_476 = tpu.memref_slice %arg3[%dma_wait3A_474, %dma_wait3A_475] : memref<10240x128xf32, #tpu.memory_space<hbm>> -> memref<32x128xf32, #tpu.memory_space<hbm>>
      %dma_wait3A_477 = arith.constant 0 : i32
      %dma_wait3A_478 = arith.constant 0 : i32
      %dma_wait3A_479 = tpu.memref_slice %arg3[%dma_wait3A_477, %dma_wait3A_478] : memref<10240x128xf32, #tpu.memory_space<hbm>> -> memref<32x128xf32, #tpu.memory_space<hbm>>
      tpu.wait_dma2 semaphore(%arg25 : memref<!tpu.dma_semaphore, #tpu.memory_space<semaphore_mem>>) src(%dma_wait3A_479 : memref<32x128xf32, #tpu.memory_space<hbm>>) dst(%arg12 : memref<32x128xf32, #tpu.memory_space<vmem>>)
      %dma_wait3A_480 = arith.constant 0 : i32
      %dma_wait3A_481 = arith.constant 0 : i32
      %dma_wait3A_482 = arith.constant 0 : i32
      %dma_wait3A_483 = tpu.memref_slice %arg7[%dma_wait3A_480, %dma_wait3A_481, %dma_wait3A_482] : memref<2x10240x144xf32, #tpu.memory_space<hbm>> -> memref<1x32x144xf32, #tpu.memory_space<hbm>>
      %dma_wait3A_484 = tpu.memref_squeeze %dma_wait3A_483 : memref<1x32x144xf32, #tpu.memory_space<hbm>> -> memref<32x144xf32, #tpu.memory_space<hbm>>
      %dma_wait3A_485 = arith.constant 0 : i32
      %dma_wait3A_486 = arith.constant 0 : i32
      %dma_wait3A_487 = tpu.memref_slice %arg7[%dma_wait3A_480, %dma_wait3A_485, %dma_wait3A_486] : memref<2x10240x144xf32, #tpu.memory_space<hbm>> -> memref<1x32x144xf32, #tpu.memory_space<hbm>>
      %dma_wait3A_488 = tpu.memref_squeeze %dma_wait3A_487 : memref<1x32x144xf32, #tpu.memory_space<hbm>> -> memref<32x144xf32, #tpu.memory_space<hbm>>
      tpu.wait_dma2 semaphore(%arg26 : memref<!tpu.dma_semaphore, #tpu.memory_space<semaphore_mem>>) src(%dma_wait3A_488 : memref<32x144xf32, #tpu.memory_space<hbm>>) dst(%arg14 : memref<32x144xf32, #tpu.memory_space<vmem>>)
      %add3A_489 = arith.constant 1 : i32
      %add3A_490 = arith.addi %mul3A_467, %add3A_489 : i32
      %jit3A = arith.constant 8 : i32
      %div3A = arith.divsi %add3A_490, %jit3A : i32
      %sign3A = arith.constant 0 : i32
      %sign3A_491 = arith.cmpi sgt, %add3A_490, %sign3A : i32
      %sign3A_492 = arith.extui %sign3A_491 : i1 to i32
      %sign3A_493 = arith.constant 0 : i32
      %sign3A_494 = arith.cmpi slt, %add3A_490, %sign3A_493 : i32
      %sign3A_495 = arith.extui %sign3A_494 : i1 to i32
      %sign3A_496 = arith.subi %sign3A_492, %sign3A_495 : i32
      %sign3A_497 = arith.constant 0 : i32
      %sign3A_498 = arith.cmpi sgt, %jit3A, %sign3A_497 : i32
      %sign3A_499 = arith.extui %sign3A_498 : i1 to i32
      %sign3A_500 = arith.constant 0 : i32
      %sign3A_501 = arith.cmpi slt, %jit3A, %sign3A_500 : i32
      %sign3A_502 = arith.extui %sign3A_501 : i1 to i32
      %sign3A_503 = arith.subi %sign3A_499, %sign3A_502 : i32
      %ne3A = arith.cmpi ne, %sign3A_496, %sign3A_503 : i32
      %rem3A = arith.remsi %add3A_490, %jit3A : i32
      %ne3A_504 = arith.constant 0 : i32
      %ne3A_505 = arith.cmpi ne, %rem3A, %ne3A_504 : i32
      %and3A_506 = arith.andi %ne3A, %ne3A_505 : i1
      %sub3A = arith.constant 1 : i32
      %sub3A_507 = arith.subi %div3A, %sub3A : i32
      %select_n3A = arith.select %and3A_506, %sub3A_507, %div3A : i32
      %jit3A_508 = arith.constant 8 : i32
      %eq3A = arith.constant 0 : i32
      %eq3A_509 = arith.cmpi eq, %jit3A_508, %eq3A : i32
      %jit3A_510 = arith.constant 1 : i32
      %select_n3A_511 = arith.select %eq3A_509, %jit3A_510, %jit3A_508 : i32
      %rem3A_512 = arith.remsi %add3A_490, %select_n3A_511 : i32
      %ne3A_513 = arith.constant 0 : i32
      %ne3A_514 = arith.cmpi ne, %rem3A_512, %ne3A_513 : i32
      %lt3A = arith.constant 0 : i32
      %lt3A_515 = arith.cmpi slt, %rem3A_512, %lt3A : i32
      %lt3A_516 = arith.constant 0 : i32
      %lt3A_517 = arith.cmpi slt, %select_n3A_511, %lt3A_516 : i32
      %ne3A_518 = arith.xori %lt3A_515, %lt3A_517 : i1
      %and3A_519 = arith.andi %ne3A_518, %ne3A_514 : i1
      %add3A_520 = arith.addi %rem3A_512, %select_n3A_511 : i32
      %select_n3A_521 = arith.select %and3A_519, %add3A_520, %rem3A_512 : i32
      %mul3A_522 = arith.constant 16 : i32
      %mul3A_523 = arith.muli %select_n3A_521, %mul3A_522 : i32
      %get3A_524 = arith.index_cast %select_n3A : i32 to index
      %get3A_525 = arith.index_cast %mul3A_523 : i32 to index
      %get3A_526 = tpu.vector_load %arg8[%get3A_524, %get3A_525] {strides = array<i32>} : memref<40x128xi32, #tpu.memory_space<vmem>>, vector<16xi32>,
      %and3A_527 = arith.andi %get3A_526, %broadcast_in_dim3A_99 : vector<16xi32>
      %swap3A_528 = arith.constant 0 : i32
      %swap3A_529 = arith.index_cast %swap3A_528 : i32 to index
      %swap3A_530 = arith.constant 0 : index
      %swap3A_531 = tpu.vector_load %arg17[%swap3A_529, %swap3A_530] {strides = array<i32>} : memref<1x32xi32, #tpu.memory_space<vmem>>, vector<16xi32>,
      tpu.vector_store %arg17[%swap3A_529, %swap3A_530], %and3A_527 {strides = array<i32>} : memref<1x32xi32, #tpu.memory_space<vmem>>, vector<16xi32>,
      %shift_right_logical3A_532 = arith.shrui %get3A_526, %broadcast_in_dim3A_101 : vector<16xi32>
      %swap3A_533 = arith.constant 0 : i32
      %swap3A_534 = arith.index_cast %swap3A_533 : i32 to index
      %swap3A_535 = arith.constant 16 : index
      %swap3A_536 = tpu.vector_load %arg17[%swap3A_534, %swap3A_535] {strides = array<i32>} : memref<1x32xi32, #tpu.memory_space<vmem>>, vector<16xi32>,
      tpu.vector_store %arg17[%swap3A_534, %swap3A_535], %shift_right_logical3A_532 {strides = array<i32>} : memref<1x32xi32, #tpu.memory_space<vmem>>, vector<16xi32>,
      %jit3A_537 = arith.constant 8 : i32
      %div3A_538 = arith.divsi %add3A_490, %jit3A_537 : i32
      %sign3A_539 = arith.constant 0 : i32
      %sign3A_540 = arith.cmpi sgt, %add3A_490, %sign3A_539 : i32
      %sign3A_541 = arith.extui %sign3A_540 : i1 to i32
      %sign3A_542 = arith.constant 0 : i32
      %sign3A_543 = arith.cmpi slt, %add3A_490, %sign3A_542 : i32
      %sign3A_544 = arith.extui %sign3A_543 : i1 to i32
      %sign3A_545 = arith.subi %sign3A_541, %sign3A_544 : i32
      %sign3A_546 = arith.constant 0 : i32
      %sign3A_547 = arith.cmpi sgt, %jit3A_537, %sign3A_546 : i32
      %sign3A_548 = arith.extui %sign3A_547 : i1 to i32
      %sign3A_549 = arith.constant 0 : i32
      %sign3A_550 = arith.cmpi slt, %jit3A_537, %sign3A_549 : i32
      %sign3A_551 = arith.extui %sign3A_550 : i1 to i32
      %sign3A_552 = arith.subi %sign3A_548, %sign3A_551 : i32
      %ne3A_553 = arith.cmpi ne, %sign3A_545, %sign3A_552 : i32
      %rem3A_554 = arith.remsi %add3A_490, %jit3A_537 : i32
      %ne3A_555 = arith.constant 0 : i32
      %ne3A_556 = arith.cmpi ne, %rem3A_554, %ne3A_555 : i32
      %and3A_557 = arith.andi %ne3A_553, %ne3A_556 : i1
      %sub3A_558 = arith.constant 1 : i32
      %sub3A_559 = arith.subi %div3A_538, %sub3A_558 : i32
      %select_n3A_560 = arith.select %and3A_557, %sub3A_559, %div3A_538 : i32
      %jit3A_561 = arith.constant 8 : i32
      %eq3A_562 = arith.constant 0 : i32
      %eq3A_563 = arith.cmpi eq, %jit3A_561, %eq3A_562 : i32
      %jit3A_564 = arith.constant 1 : i32
      %select_n3A_565 = arith.select %eq3A_563, %jit3A_564, %jit3A_561 : i32
      %rem3A_566 = arith.remsi %add3A_490, %select_n3A_565 : i32
      %ne3A_567 = arith.constant 0 : i32
      %ne3A_568 = arith.cmpi ne, %rem3A_566, %ne3A_567 : i32
      %lt3A_569 = arith.constant 0 : i32
      %lt3A_570 = arith.cmpi slt, %rem3A_566, %lt3A_569 : i32
      %lt3A_571 = arith.constant 0 : i32
      %lt3A_572 = arith.cmpi slt, %select_n3A_565, %lt3A_571 : i32
      %ne3A_573 = arith.xori %lt3A_570, %lt3A_572 : i1
      %and3A_574 = arith.andi %ne3A_573, %ne3A_568 : i1
      %add3A_575 = arith.addi %rem3A_566, %select_n3A_565 : i32
      %select_n3A_576 = arith.select %and3A_574, %add3A_575, %rem3A_566 : i32
      %mul3A_577 = arith.constant 16 : i32
      %mul3A_578 = arith.muli %select_n3A_576, %mul3A_577 : i32
      %get3A_579 = arith.index_cast %select_n3A_560 : i32 to index
      %get3A_580 = arith.index_cast %mul3A_578 : i32 to index
      %get3A_581 = tpu.vector_load %arg9[%get3A_579, %get3A_580] {strides = array<i32>} : memref<40x128xi32, #tpu.memory_space<vmem>>, vector<16xi32>,
      %and3A_582 = arith.andi %get3A_581, %broadcast_in_dim3A_99 : vector<16xi32>
      %swap3A_583 = arith.constant 0 : i32
      %swap3A_584 = arith.index_cast %swap3A_583 : i32 to index
      %swap3A_585 = arith.constant 0 : index
      %swap3A_586 = tpu.vector_load %arg19[%swap3A_584, %swap3A_585] {strides = array<i32>} : memref<1x32xi32, #tpu.memory_space<vmem>>, vector<16xi32>,
      tpu.vector_store %arg19[%swap3A_584, %swap3A_585], %and3A_582 {strides = array<i32>} : memref<1x32xi32, #tpu.memory_space<vmem>>, vector<16xi32>,
      %shift_right_logical3A_587 = arith.shrui %get3A_581, %broadcast_in_dim3A_101 : vector<16xi32>
      %swap3A_588 = arith.constant 0 : i32
      %swap3A_589 = arith.index_cast %swap3A_588 : i32 to index
      %swap3A_590 = arith.constant 16 : index
      %swap3A_591 = tpu.vector_load %arg19[%swap3A_589, %swap3A_590] {strides = array<i32>} : memref<1x32xi32, #tpu.memory_space<vmem>>, vector<16xi32>,
      tpu.vector_store %arg19[%swap3A_589, %swap3A_590], %shift_right_logical3A_587 {strides = array<i32>} : memref<1x32xi32, #tpu.memory_space<vmem>>, vector<16xi32>,
      %dma_start3A_592 = arith.constant 0 : i32
      %dma_start3A_593 = arith.constant 0 : i32
      %dma_start3A_594 = tpu.memref_slice %arg17[%dma_start3A_592, %dma_start3A_593] : memref<1x32xi32, #tpu.memory_space<vmem>> -> memref<1x32xi32, #tpu.memory_space<vmem>>
      %dma_start3A_595 = tpu.memref_squeeze %dma_start3A_594 : memref<1x32xi32, #tpu.memory_space<vmem>> -> memref<32xi32, #tpu.memory_space<vmem>>
      %dma_start3A_596 = arith.constant 0 : i32
      %dma_start3A_597 = arith.constant 0 : i32
      %dma_start3A_598 = tpu.memref_slice %arg2[%dma_start3A_596, %dma_start3A_597] : memref<10000x128xf32, #tpu.memory_space<hbm>> -> memref<10000x128xf32, #tpu.memory_space<hbm>>
      tpu.enqueue_indirect_dma source(%dma_start3A_598 : memref<10000x128xf32, #tpu.memory_space<hbm>>) target(%arg11 : memref<32x128xf32, #tpu.memory_space<vmem>>) offsets(%dma_start3A_595 : memref<32xi32, #tpu.memory_space<vmem>>) semaphore(%arg27 : memref<!tpu.dma_semaphore, #tpu.memory_space<semaphore_mem>>)
      %dma_start3A_599 = arith.constant 0 : i32
      %dma_start3A_600 = arith.constant 0 : i32
      %dma_start3A_601 = tpu.memref_slice %arg19[%dma_start3A_599, %dma_start3A_600] : memref<1x32xi32, #tpu.memory_space<vmem>> -> memref<1x32xi32, #tpu.memory_space<vmem>>
      %dma_start3A_602 = tpu.memref_squeeze %dma_start3A_601 : memref<1x32xi32, #tpu.memory_space<vmem>> -> memref<32xi32, #tpu.memory_space<vmem>>
      %dma_start3A_603 = arith.constant 0 : i32
      %dma_start3A_604 = arith.constant 0 : i32
      %dma_start3A_605 = tpu.memref_slice %arg3[%dma_start3A_603, %dma_start3A_604] : memref<10240x128xf32, #tpu.memory_space<hbm>> -> memref<10240x128xf32, #tpu.memory_space<hbm>>
      tpu.enqueue_indirect_dma source(%dma_start3A_605 : memref<10240x128xf32, #tpu.memory_space<hbm>>) target(%arg13 : memref<32x128xf32, #tpu.memory_space<vmem>>) offsets(%dma_start3A_602 : memref<32xi32, #tpu.memory_space<vmem>>) semaphore(%arg28 : memref<!tpu.dma_semaphore, #tpu.memory_space<semaphore_mem>>)
      %parallel_loop3A_606 = arith.constant 0 : i32
      %parallel_loop3A_607 = arith.constant 32 : i32
      %parallel_loop3A_608 = arith.constant 1 : i32
      scf.for %parallel_loop3A_885 = %parallel_loop3A_606 to %parallel_loop3A_607 step %parallel_loop3A_608  : i32 {
        %parallel_loop3A_886 = arith.index_cast %parallel_loop3A_885 : i32 to index
        %parallel_loop3A_887 = arith.constant 0 : index
        %parallel_loop3A_888 = tpu.vector_load %arg10[%parallel_loop3A_886, %parallel_loop3A_887] {strides = array<i32>} : memref<32x128xf32, #tpu.memory_space<vmem>>, vector<16xf32>,
        %parallel_loop3A_889 = arith.index_cast %parallel_loop3A_885 : i32 to index
        %parallel_loop3A_890 = arith.constant 16 : index
        %parallel_loop3A_891 = tpu.vector_load %arg10[%parallel_loop3A_889, %parallel_loop3A_890] {strides = array<i32>} : memref<32x128xf32, #tpu.memory_space<vmem>>, vector<16xf32>,
        %parallel_loop3A_892 = arith.index_cast %parallel_loop3A_885 : i32 to index
        %parallel_loop3A_893 = arith.constant 32 : index
        %parallel_loop3A_894 = tpu.vector_load %arg10[%parallel_loop3A_892, %parallel_loop3A_893] {strides = array<i32>} : memref<32x128xf32, #tpu.memory_space<vmem>>, vector<16xf32>,
        %parallel_loop3A_895 = arith.index_cast %parallel_loop3A_885 : i32 to index
        %parallel_loop3A_896 = arith.constant 48 : index
        %parallel_loop3A_897 = tpu.vector_load %arg10[%parallel_loop3A_895, %parallel_loop3A_896] {strides = array<i32>} : memref<32x128xf32, #tpu.memory_space<vmem>>, vector<16xf32>,
        %parallel_loop3A_898 = arith.index_cast %parallel_loop3A_885 : i32 to index
        %parallel_loop3A_899 = arith.constant 64 : index
        %parallel_loop3A_900 = tpu.vector_load %arg10[%parallel_loop3A_898, %parallel_loop3A_899] {strides = array<i32>} : memref<32x128xf32, #tpu.memory_space<vmem>>, vector<16xf32>,
        %parallel_loop3A_901 = arith.index_cast %parallel_loop3A_885 : i32 to index
        %parallel_loop3A_902 = arith.constant 80 : index
        %parallel_loop3A_903 = tpu.vector_load %arg10[%parallel_loop3A_901, %parallel_loop3A_902] {strides = array<i32>} : memref<32x128xf32, #tpu.memory_space<vmem>>, vector<16xf32>,
        %parallel_loop3A_904 = arith.index_cast %parallel_loop3A_885 : i32 to index
        %parallel_loop3A_905 = arith.constant 96 : index
        %parallel_loop3A_906 = tpu.vector_load %arg10[%parallel_loop3A_904, %parallel_loop3A_905] {strides = array<i32>} : memref<32x128xf32, #tpu.memory_space<vmem>>, vector<16xf32>,
        %parallel_loop3A_907 = arith.index_cast %parallel_loop3A_885 : i32 to index
        %parallel_loop3A_908 = arith.constant 112 : index
        %parallel_loop3A_909 = tpu.vector_load %arg10[%parallel_loop3A_907, %parallel_loop3A_908] {strides = array<i32>} : memref<32x128xf32, #tpu.memory_space<vmem>>, vector<16xf32>,
        %parallel_loop3A_910 = arith.index_cast %parallel_loop3A_885 : i32 to index
        %parallel_loop3A_911 = arith.constant 0 : index
        %parallel_loop3A_912 = tpu.vector_load %arg12[%parallel_loop3A_910, %parallel_loop3A_911] {strides = array<i32>} : memref<32x128xf32, #tpu.memory_space<vmem>>, vector<16xf32>,
        %parallel_loop3A_913 = arith.index_cast %parallel_loop3A_885 : i32 to index
        %parallel_loop3A_914 = arith.constant 16 : index
        %parallel_loop3A_915 = tpu.vector_load %arg12[%parallel_loop3A_913, %parallel_loop3A_914] {strides = array<i32>} : memref<32x128xf32, #tpu.memory_space<vmem>>, vector<16xf32>,
        %parallel_loop3A_916 = arith.index_cast %parallel_loop3A_885 : i32 to index
        %parallel_loop3A_917 = arith.constant 32 : index
        %parallel_loop3A_918 = tpu.vector_load %arg12[%parallel_loop3A_916, %parallel_loop3A_917] {strides = array<i32>} : memref<32x128xf32, #tpu.memory_space<vmem>>, vector<16xf32>,
        %parallel_loop3A_919 = arith.index_cast %parallel_loop3A_885 : i32 to index
        %parallel_loop3A_920 = arith.constant 48 : index
        %parallel_loop3A_921 = tpu.vector_load %arg12[%parallel_loop3A_919, %parallel_loop3A_920] {strides = array<i32>} : memref<32x128xf32, #tpu.memory_space<vmem>>, vector<16xf32>,
        %parallel_loop3A_922 = arith.index_cast %parallel_loop3A_885 : i32 to index
        %parallel_loop3A_923 = arith.constant 64 : index
        %parallel_loop3A_924 = tpu.vector_load %arg12[%parallel_loop3A_922, %parallel_loop3A_923] {strides = array<i32>} : memref<32x128xf32, #tpu.memory_space<vmem>>, vector<16xf32>,
        %parallel_loop3A_925 = arith.index_cast %parallel_loop3A_885 : i32 to index
        %parallel_loop3A_926 = arith.constant 80 : index
        %parallel_loop3A_927 = tpu.vector_load %arg12[%parallel_loop3A_925, %parallel_loop3A_926] {strides = array<i32>} : memref<32x128xf32, #tpu.memory_space<vmem>>, vector<16xf32>,
        %parallel_loop3A_928 = arith.index_cast %parallel_loop3A_885 : i32 to index
        %parallel_loop3A_929 = arith.constant 96 : index
        %parallel_loop3A_930 = tpu.vector_load %arg12[%parallel_loop3A_928, %parallel_loop3A_929] {strides = array<i32>} : memref<32x128xf32, #tpu.memory_space<vmem>>, vector<16xf32>,
        %parallel_loop3A_931 = arith.index_cast %parallel_loop3A_885 : i32 to index
        %parallel_loop3A_932 = arith.constant 112 : index
        %parallel_loop3A_933 = tpu.vector_load %arg12[%parallel_loop3A_931, %parallel_loop3A_932] {strides = array<i32>} : memref<32x128xf32, #tpu.memory_space<vmem>>, vector<16xf32>,
        %parallel_loop3A_934 = arith.mulf %parallel_loop3A_888, %parallel_loop3A_912 : vector<16xf32>
        %parallel_loop3A_935 = arith.mulf %parallel_loop3A_891, %parallel_loop3A_915 : vector<16xf32>
        %parallel_loop3A_936 = arith.mulf %parallel_loop3A_894, %parallel_loop3A_918 : vector<16xf32>
        %parallel_loop3A_937 = arith.mulf %parallel_loop3A_897, %parallel_loop3A_921 : vector<16xf32>
        %parallel_loop3A_938 = arith.mulf %parallel_loop3A_888, %parallel_loop3A_888 : vector<16xf32>
        %parallel_loop3A_939 = arith.mulf %parallel_loop3A_891, %parallel_loop3A_891 : vector<16xf32>
        %parallel_loop3A_940 = arith.mulf %parallel_loop3A_894, %parallel_loop3A_894 : vector<16xf32>
        %parallel_loop3A_941 = arith.mulf %parallel_loop3A_897, %parallel_loop3A_897 : vector<16xf32>
        %parallel_loop3A_942 = arith.mulf %parallel_loop3A_900, %parallel_loop3A_924 : vector<16xf32>
        %parallel_loop3A_943 = arith.addf %parallel_loop3A_934, %parallel_loop3A_942 : vector<16xf32>
        %parallel_loop3A_944 = arith.mulf %parallel_loop3A_903, %parallel_loop3A_927 : vector<16xf32>
        %parallel_loop3A_945 = arith.addf %parallel_loop3A_935, %parallel_loop3A_944 : vector<16xf32>
        %parallel_loop3A_946 = arith.mulf %parallel_loop3A_906, %parallel_loop3A_930 : vector<16xf32>
        %parallel_loop3A_947 = arith.addf %parallel_loop3A_936, %parallel_loop3A_946 : vector<16xf32>
        %parallel_loop3A_948 = arith.mulf %parallel_loop3A_909, %parallel_loop3A_933 : vector<16xf32>
        %parallel_loop3A_949 = arith.addf %parallel_loop3A_937, %parallel_loop3A_948 : vector<16xf32>
        %parallel_loop3A_950 = arith.mulf %parallel_loop3A_900, %parallel_loop3A_900 : vector<16xf32>
        %parallel_loop3A_951 = arith.addf %parallel_loop3A_938, %parallel_loop3A_950 : vector<16xf32>
        %parallel_loop3A_952 = arith.mulf %parallel_loop3A_903, %parallel_loop3A_903 : vector<16xf32>
        %parallel_loop3A_953 = arith.addf %parallel_loop3A_939, %parallel_loop3A_952 : vector<16xf32>
        %parallel_loop3A_954 = arith.mulf %parallel_loop3A_906, %parallel_loop3A_906 : vector<16xf32>
        %parallel_loop3A_955 = arith.addf %parallel_loop3A_940, %parallel_loop3A_954 : vector<16xf32>
        %parallel_loop3A_956 = arith.mulf %parallel_loop3A_909, %parallel_loop3A_909 : vector<16xf32>
        %parallel_loop3A_957 = arith.addf %parallel_loop3A_941, %parallel_loop3A_956 : vector<16xf32>
        %parallel_loop3A_958 = arith.addf %parallel_loop3A_943, %parallel_loop3A_945 : vector<16xf32>
        %parallel_loop3A_959 = arith.addf %parallel_loop3A_947, %parallel_loop3A_949 : vector<16xf32>
        %parallel_loop3A_960 = arith.addf %parallel_loop3A_958, %parallel_loop3A_959 : vector<16xf32>
        %parallel_loop3A_961 = arith.constant true
        %parallel_loop3A_962 = vector.broadcast %parallel_loop3A_961 : i1 to vector<16xi1>
        %parallel_loop3A_963 = tpu.scan <sum>, %parallel_loop3A_960 masked %parallel_loop3A_962 : vector<16xf32>, vector<16xi1> -> vector<16xf32>
        %parallel_loop3A_964 = vector.extract %parallel_loop3A_963[15] : f32 from vector<16xf32>
        %parallel_loop3A_965 = arith.addf %parallel_loop3A_951, %parallel_loop3A_953 : vector<16xf32>
        %parallel_loop3A_966 = arith.addf %parallel_loop3A_955, %parallel_loop3A_957 : vector<16xf32>
        %parallel_loop3A_967 = arith.addf %parallel_loop3A_965, %parallel_loop3A_966 : vector<16xf32>
        %parallel_loop3A_968 = arith.constant true
        %parallel_loop3A_969 = vector.broadcast %parallel_loop3A_968 : i1 to vector<16xi1>
        %parallel_loop3A_970 = tpu.scan <sum>, %parallel_loop3A_967 masked %parallel_loop3A_969 : vector<16xf32>, vector<16xi1> -> vector<16xf32>
        %parallel_loop3A_971 = vector.extract %parallel_loop3A_970[15] : f32 from vector<16xf32>
        %parallel_loop3A_972 = vector.broadcast %parallel_loop3A_971 : f32 to vector<16xf32>
        %parallel_loop3A_973 = arith.mulf %parallel_loop3A_972, %broadcast_in_dim3A_103 : vector<16xf32>
        %parallel_loop3A_974 = arith.constant 1.000000e-24 : f32
        %parallel_loop3A_975 = vector.broadcast %parallel_loop3A_974 : f32 to vector<16xf32>
        %parallel_loop3A_976 = arith.maximumf %parallel_loop3A_973, %parallel_loop3A_975 : vector<16xf32>
        %parallel_loop3A_977 = tpu.bitcast %parallel_loop3A_976 : vector<16xf32> -> vector<16xi32>
        %parallel_loop3A_978 = arith.shrui %parallel_loop3A_977, %broadcast_in_dim3A_107 : vector<16xi32>
        %parallel_loop3A_979 = arith.subi %broadcast_in_dim3A_105, %parallel_loop3A_978 : vector<16xi32>
        %parallel_loop3A_980 = tpu.bitcast %parallel_loop3A_979 : vector<16xi32> -> vector<16xf32>
        %parallel_loop3A_981 = arith.mulf %broadcast_in_dim3A_109, %parallel_loop3A_976 : vector<16xf32>
        %parallel_loop3A_982 = arith.mulf %parallel_loop3A_981, %parallel_loop3A_980 : vector<16xf32>
        %parallel_loop3A_983 = arith.mulf %parallel_loop3A_982, %parallel_loop3A_980 : vector<16xf32>
        %parallel_loop3A_984 = arith.subf %broadcast_in_dim3A_111, %parallel_loop3A_983 : vector<16xf32>
        %parallel_loop3A_985 = arith.mulf %parallel_loop3A_980, %parallel_loop3A_984 : vector<16xf32>
        %parallel_loop3A_986 = arith.mulf %parallel_loop3A_981, %parallel_loop3A_985 : vector<16xf32>
        %parallel_loop3A_987 = arith.mulf %parallel_loop3A_986, %parallel_loop3A_985 : vector<16xf32>
        %parallel_loop3A_988 = arith.subf %broadcast_in_dim3A_111, %parallel_loop3A_987 : vector<16xf32>
        %parallel_loop3A_989 = arith.mulf %parallel_loop3A_985, %parallel_loop3A_988 : vector<16xf32>
        %parallel_loop3A_990 = arith.mulf %parallel_loop3A_981, %parallel_loop3A_989 : vector<16xf32>
        %parallel_loop3A_991 = arith.mulf %parallel_loop3A_990, %parallel_loop3A_989 : vector<16xf32>
        %parallel_loop3A_992 = arith.subf %broadcast_in_dim3A_111, %parallel_loop3A_991 : vector<16xf32>
        %parallel_loop3A_993 = arith.mulf %parallel_loop3A_989, %parallel_loop3A_992 : vector<16xf32>
        %parallel_loop3A_994 = vector.broadcast %parallel_loop3A_964 : f32 to vector<16xf32>
        %parallel_loop3A_995 = arith.mulf %parallel_loop3A_994, %get3A_3 : vector<16xf32>
        %parallel_loop3A_996 = arith.mulf %parallel_loop3A_995, %parallel_loop3A_993 : vector<16xf32>
        %parallel_loop3A_997 = arith.addf %parallel_loop3A_996, %get3A_7 : vector<16xf32>
        %parallel_loop3A_998 = math.exp %parallel_loop3A_997 : vector<16xf32>
        %parallel_loop3A_999 = arith.mulf %parallel_loop3A_888, %parallel_loop3A_998 : vector<16xf32>
        %parallel_loop3A_1000 = arith.index_cast %parallel_loop3A_885 : i32 to index
        %parallel_loop3A_1001 = arith.constant 0 : index
        %parallel_loop3A_1002 = tpu.vector_load %arg14[%parallel_loop3A_1000, %parallel_loop3A_1001] {strides = array<i32>} : memref<32x144xf32, #tpu.memory_space<vmem>>, vector<16xf32>,
        tpu.vector_store %arg14[%parallel_loop3A_1000, %parallel_loop3A_1001], %parallel_loop3A_999 {strides = array<i32>} : memref<32x144xf32, #tpu.memory_space<vmem>>, vector<16xf32>,
        %parallel_loop3A_1003 = arith.mulf %parallel_loop3A_891, %parallel_loop3A_998 : vector<16xf32>
        %parallel_loop3A_1004 = arith.index_cast %parallel_loop3A_885 : i32 to index
        %parallel_loop3A_1005 = arith.constant 16 : index
        %parallel_loop3A_1006 = tpu.vector_load %arg14[%parallel_loop3A_1004, %parallel_loop3A_1005] {strides = array<i32>} : memref<32x144xf32, #tpu.memory_space<vmem>>, vector<16xf32>,
        tpu.vector_store %arg14[%parallel_loop3A_1004, %parallel_loop3A_1005], %parallel_loop3A_1003 {strides = array<i32>} : memref<32x144xf32, #tpu.memory_space<vmem>>, vector<16xf32>,
        %parallel_loop3A_1007 = arith.mulf %parallel_loop3A_894, %parallel_loop3A_998 : vector<16xf32>
        %parallel_loop3A_1008 = arith.index_cast %parallel_loop3A_885 : i32 to index
        %parallel_loop3A_1009 = arith.constant 32 : index
        %parallel_loop3A_1010 = tpu.vector_load %arg14[%parallel_loop3A_1008, %parallel_loop3A_1009] {strides = array<i32>} : memref<32x144xf32, #tpu.memory_space<vmem>>, vector<16xf32>,
        tpu.vector_store %arg14[%parallel_loop3A_1008, %parallel_loop3A_1009], %parallel_loop3A_1007 {strides = array<i32>} : memref<32x144xf32, #tpu.memory_space<vmem>>, vector<16xf32>,
        %parallel_loop3A_1011 = arith.mulf %parallel_loop3A_897, %parallel_loop3A_998 : vector<16xf32>
        %parallel_loop3A_1012 = arith.index_cast %parallel_loop3A_885 : i32 to index
        %parallel_loop3A_1013 = arith.constant 48 : index
        %parallel_loop3A_1014 = tpu.vector_load %arg14[%parallel_loop3A_1012, %parallel_loop3A_1013] {strides = array<i32>} : memref<32x144xf32, #tpu.memory_space<vmem>>, vector<16xf32>,
        tpu.vector_store %arg14[%parallel_loop3A_1012, %parallel_loop3A_1013], %parallel_loop3A_1011 {strides = array<i32>} : memref<32x144xf32, #tpu.memory_space<vmem>>, vector<16xf32>,
        %parallel_loop3A_1015 = arith.mulf %parallel_loop3A_900, %parallel_loop3A_998 : vector<16xf32>
        %parallel_loop3A_1016 = arith.index_cast %parallel_loop3A_885 : i32 to index
        %parallel_loop3A_1017 = arith.constant 64 : index
        %parallel_loop3A_1018 = tpu.vector_load %arg14[%parallel_loop3A_1016, %parallel_loop3A_1017] {strides = array<i32>} : memref<32x144xf32, #tpu.memory_space<vmem>>, vector<16xf32>,
        tpu.vector_store %arg14[%parallel_loop3A_1016, %parallel_loop3A_1017], %parallel_loop3A_1015 {strides = array<i32>} : memref<32x144xf32, #tpu.memory_space<vmem>>, vector<16xf32>,
        %parallel_loop3A_1019 = arith.mulf %parallel_loop3A_903, %parallel_loop3A_998 : vector<16xf32>
        %parallel_loop3A_1020 = arith.index_cast %parallel_loop3A_885 : i32 to index
        %parallel_loop3A_1021 = arith.constant 80 : index
        %parallel_loop3A_1022 = tpu.vector_load %arg14[%parallel_loop3A_1020, %parallel_loop3A_1021] {strides = array<i32>} : memref<32x144xf32, #tpu.memory_space<vmem>>, vector<16xf32>,
        tpu.vector_store %arg14[%parallel_loop3A_1020, %parallel_loop3A_1021], %parallel_loop3A_1019 {strides = array<i32>} : memref<32x144xf32, #tpu.memory_space<vmem>>, vector<16xf32>,
        %parallel_loop3A_1023 = arith.mulf %parallel_loop3A_906, %parallel_loop3A_998 : vector<16xf32>
        %parallel_loop3A_1024 = arith.index_cast %parallel_loop3A_885 : i32 to index
        %parallel_loop3A_1025 = arith.constant 96 : index
        %parallel_loop3A_1026 = tpu.vector_load %arg14[%parallel_loop3A_1024, %parallel_loop3A_1025] {strides = array<i32>} : memref<32x144xf32, #tpu.memory_space<vmem>>, vector<16xf32>,
        tpu.vector_store %arg14[%parallel_loop3A_1024, %parallel_loop3A_1025], %parallel_loop3A_1023 {strides = array<i32>} : memref<32x144xf32, #tpu.memory_space<vmem>>, vector<16xf32>,
        %parallel_loop3A_1027 = arith.mulf %parallel_loop3A_909, %parallel_loop3A_998 : vector<16xf32>
        %parallel_loop3A_1028 = arith.index_cast %parallel_loop3A_885 : i32 to index
        %parallel_loop3A_1029 = arith.constant 112 : index
        %parallel_loop3A_1030 = tpu.vector_load %arg14[%parallel_loop3A_1028, %parallel_loop3A_1029] {strides = array<i32>} : memref<32x144xf32, #tpu.memory_space<vmem>>, vector<16xf32>,
        tpu.vector_store %arg14[%parallel_loop3A_1028, %parallel_loop3A_1029], %parallel_loop3A_1027 {strides = array<i32>} : memref<32x144xf32, #tpu.memory_space<vmem>>, vector<16xf32>,
        %parallel_loop3A_1031 = arith.index_cast %parallel_loop3A_885 : i32 to index
        %parallel_loop3A_1032 = arith.constant 128 : index
        %parallel_loop3A_1033 = tpu.vector_load %arg14[%parallel_loop3A_1031, %parallel_loop3A_1032] {strides = array<i32>} : memref<32x144xf32, #tpu.memory_space<vmem>>, vector<16xf32>,
        tpu.vector_store %arg14[%parallel_loop3A_1031, %parallel_loop3A_1032], %parallel_loop3A_998 {strides = array<i32>} : memref<32x144xf32, #tpu.memory_space<vmem>>, vector<16xf32>,
      } {sc.loop_unroll_factor = 4 : i64, sc.parallel_access}
      %jit3A_609 = arith.constant 8 : i32
      %div3A_610 = arith.divsi %mul3A_467, %jit3A_609 : i32
      %sign3A_611 = arith.constant 0 : i32
      %sign3A_612 = arith.cmpi sgt, %mul3A_467, %sign3A_611 : i32
      %sign3A_613 = arith.extui %sign3A_612 : i1 to i32
      %sign3A_614 = arith.constant 0 : i32
      %sign3A_615 = arith.cmpi slt, %mul3A_467, %sign3A_614 : i32
      %sign3A_616 = arith.extui %sign3A_615 : i1 to i32
      %sign3A_617 = arith.subi %sign3A_613, %sign3A_616 : i32
      %sign3A_618 = arith.constant 0 : i32
      %sign3A_619 = arith.cmpi sgt, %jit3A_609, %sign3A_618 : i32
      %sign3A_620 = arith.extui %sign3A_619 : i1 to i32
      %sign3A_621 = arith.constant 0 : i32
      %sign3A_622 = arith.cmpi slt, %jit3A_609, %sign3A_621 : i32
      %sign3A_623 = arith.extui %sign3A_622 : i1 to i32
      %sign3A_624 = arith.subi %sign3A_620, %sign3A_623 : i32
      %ne3A_625 = arith.cmpi ne, %sign3A_617, %sign3A_624 : i32
      %rem3A_626 = arith.remsi %mul3A_467, %jit3A_609 : i32
      %ne3A_627 = arith.constant 0 : i32
      %ne3A_628 = arith.cmpi ne, %rem3A_626, %ne3A_627 : i32
      %and3A_629 = arith.andi %ne3A_625, %ne3A_628 : i1
      %sub3A_630 = arith.constant 1 : i32
      %sub3A_631 = arith.subi %div3A_610, %sub3A_630 : i32
      %select_n3A_632 = arith.select %and3A_629, %sub3A_631, %div3A_610 : i32
      %jit3A_633 = arith.constant 8 : i32
      %eq3A_634 = arith.constant 0 : i32
      %eq3A_635 = arith.cmpi eq, %jit3A_633, %eq3A_634 : i32
      %jit3A_636 = arith.constant 1 : i32
      %select_n3A_637 = arith.select %eq3A_635, %jit3A_636, %jit3A_633 : i32
      %rem3A_638 = arith.remsi %mul3A_467, %select_n3A_637 : i32
      %ne3A_639 = arith.constant 0 : i32
      %ne3A_640 = arith.cmpi ne, %rem3A_638, %ne3A_639 : i32
      %lt3A_641 = arith.constant 0 : i32
      %lt3A_642 = arith.cmpi slt, %rem3A_638, %lt3A_641 : i32
      %lt3A_643 = arith.constant 0 : i32
      %lt3A_644 = arith.cmpi slt, %select_n3A_637, %lt3A_643 : i32
      %ne3A_645 = arith.xori %lt3A_642, %lt3A_644 : i1
      %and3A_646 = arith.andi %ne3A_645, %ne3A_640 : i1
      %add3A_647 = arith.addi %rem3A_638, %select_n3A_637 : i32
      %select_n3A_648 = arith.select %and3A_646, %add3A_647, %rem3A_638 : i32
      %mul3A_649 = arith.constant 16 : i32
      %mul3A_650 = arith.muli %select_n3A_648, %mul3A_649 : i32
      %get3A_651 = arith.index_cast %select_n3A_632 : i32 to index
      %get3A_652 = arith.index_cast %mul3A_650 : i32 to index
      %get3A_653 = tpu.vector_load %arg9[%get3A_651, %get3A_652] {strides = array<i32>} : memref<40x128xi32, #tpu.memory_space<vmem>>, vector<16xi32>,
      %and3A_654 = arith.andi %get3A_653, %broadcast_in_dim3A_99 : vector<16xi32>
      %swap3A_655 = arith.constant 0 : i32
      %swap3A_656 = arith.index_cast %swap3A_655 : i32 to index
      %swap3A_657 = arith.constant 0 : index
      %swap3A_658 = tpu.vector_load %arg20[%swap3A_656, %swap3A_657] {strides = array<i32>} : memref<1x32xi32, #tpu.memory_space<vmem>>, vector<16xi32>,
      tpu.vector_store %arg20[%swap3A_656, %swap3A_657], %and3A_654 {strides = array<i32>} : memref<1x32xi32, #tpu.memory_space<vmem>>, vector<16xi32>,
      %shift_right_logical3A_659 = arith.shrui %get3A_653, %broadcast_in_dim3A_101 : vector<16xi32>
      %swap3A_660 = arith.constant 0 : i32
      %swap3A_661 = arith.index_cast %swap3A_660 : i32 to index
      %swap3A_662 = arith.constant 16 : index
      %swap3A_663 = tpu.vector_load %arg20[%swap3A_661, %swap3A_662] {strides = array<i32>} : memref<1x32xi32, #tpu.memory_space<vmem>>, vector<16xi32>,
      tpu.vector_store %arg20[%swap3A_661, %swap3A_662], %shift_right_logical3A_659 {strides = array<i32>} : memref<1x32xi32, #tpu.memory_space<vmem>>, vector<16xi32>,
      %dma_start3A_664 = arith.constant 0 : i32
      %dma_start3A_665 = arith.constant 0 : i32
      %dma_start3A_666 = tpu.memref_slice %arg20[%dma_start3A_664, %dma_start3A_665] : memref<1x32xi32, #tpu.memory_space<vmem>> -> memref<1x32xi32, #tpu.memory_space<vmem>>
      %dma_start3A_667 = tpu.memref_squeeze %dma_start3A_666 : memref<1x32xi32, #tpu.memory_space<vmem>> -> memref<32xi32, #tpu.memory_space<vmem>>
      %dma_start3A_668 = arith.constant 0 : i32
      %dma_start3A_669 = arith.constant 0 : i32
      %dma_start3A_670 = tpu.memref_slice %arg23[%dma_start3A_668, %dma_start3A_669] : memref<10240x144xf32, #tpu.memory_space<vmem_shared>> -> memref<10240x144xf32, #tpu.memory_space<vmem_shared>>
      tpu.enqueue_indirect_dma source(%arg14 : memref<32x144xf32, #tpu.memory_space<vmem>>) target(%dma_start3A_670 : memref<10240x144xf32, #tpu.memory_space<vmem_shared>>) offsets(%dma_start3A_667 : memref<32xi32, #tpu.memory_space<vmem>>) semaphore(%arg26 : memref<!tpu.dma_semaphore, #tpu.memory_space<semaphore_mem>>) {add = true}
      %dma_wait3A_671 = arith.constant 0 : i32
      %dma_wait3A_672 = arith.constant 0 : i32
      %dma_wait3A_673 = tpu.memref_slice %arg2[%dma_wait3A_671, %dma_wait3A_672] : memref<10000x128xf32, #tpu.memory_space<hbm>> -> memref<32x128xf32, #tpu.memory_space<hbm>>
      %dma_wait3A_674 = arith.constant 0 : i32
      %dma_wait3A_675 = arith.constant 0 : i32
      %dma_wait3A_676 = tpu.memref_slice %arg2[%dma_wait3A_674, %dma_wait3A_675] : memref<10000x128xf32, #tpu.memory_space<hbm>> -> memref<32x128xf32, #tpu.memory_space<hbm>>
      tpu.wait_dma2 semaphore(%arg27 : memref<!tpu.dma_semaphore, #tpu.memory_space<semaphore_mem>>) src(%dma_wait3A_676 : memref<32x128xf32, #tpu.memory_space<hbm>>) dst(%arg11 : memref<32x128xf32, #tpu.memory_space<vmem>>)
      %dma_wait3A_677 = arith.constant 0 : i32
      %dma_wait3A_678 = arith.constant 0 : i32
      %dma_wait3A_679 = tpu.memref_slice %arg3[%dma_wait3A_677, %dma_wait3A_678] : memref<10240x128xf32, #tpu.memory_space<hbm>> -> memref<32x128xf32, #tpu.memory_space<hbm>>
      %dma_wait3A_680 = arith.constant 0 : i32
      %dma_wait3A_681 = arith.constant 0 : i32
      %dma_wait3A_682 = tpu.memref_slice %arg3[%dma_wait3A_680, %dma_wait3A_681] : memref<10240x128xf32, #tpu.memory_space<hbm>> -> memref<32x128xf32, #tpu.memory_space<hbm>>
      tpu.wait_dma2 semaphore(%arg28 : memref<!tpu.dma_semaphore, #tpu.memory_space<semaphore_mem>>) src(%dma_wait3A_682 : memref<32x128xf32, #tpu.memory_space<hbm>>) dst(%arg13 : memref<32x128xf32, #tpu.memory_space<vmem>>)
      %dma_wait3A_683 = arith.constant 0 : i32
      %dma_wait3A_684 = arith.constant 0 : i32
      %dma_wait3A_685 = arith.constant 0 : i32
      %dma_wait3A_686 = tpu.memref_slice %arg7[%dma_wait3A_683, %dma_wait3A_684, %dma_wait3A_685] : memref<2x10240x144xf32, #tpu.memory_space<hbm>> -> memref<1x32x144xf32, #tpu.memory_space<hbm>>
      %dma_wait3A_687 = tpu.memref_squeeze %dma_wait3A_686 : memref<1x32x144xf32, #tpu.memory_space<hbm>> -> memref<32x144xf32, #tpu.memory_space<hbm>>
      %dma_wait3A_688 = arith.constant 0 : i32
      %dma_wait3A_689 = arith.constant 0 : i32
      %dma_wait3A_690 = tpu.memref_slice %arg7[%dma_wait3A_683, %dma_wait3A_688, %dma_wait3A_689] : memref<2x10240x144xf32, #tpu.memory_space<hbm>> -> memref<1x32x144xf32, #tpu.memory_space<hbm>>
      %dma_wait3A_691 = tpu.memref_squeeze %dma_wait3A_690 : memref<1x32x144xf32, #tpu.memory_space<hbm>> -> memref<32x144xf32, #tpu.memory_space<hbm>>
      tpu.wait_dma2 semaphore(%arg29 : memref<!tpu.dma_semaphore, #tpu.memory_space<semaphore_mem>>) src(%dma_wait3A_691 : memref<32x144xf32, #tpu.memory_space<hbm>>) dst(%arg15 : memref<32x144xf32, #tpu.memory_space<vmem>>)
      %add3A_692 = arith.constant 2 : i32
      %add3A_693 = arith.addi %mul3A_467, %add3A_692 : i32
      %jit3A_694 = arith.constant 8 : i32
      %div3A_695 = arith.divsi %add3A_693, %jit3A_694 : i32
      %sign3A_696 = arith.constant 0 : i32
      %sign3A_697 = arith.cmpi sgt, %add3A_693, %sign3A_696 : i32
      %sign3A_698 = arith.extui %sign3A_697 : i1 to i32
      %sign3A_699 = arith.constant 0 : i32
      %sign3A_700 = arith.cmpi slt, %add3A_693, %sign3A_699 : i32
      %sign3A_701 = arith.extui %sign3A_700 : i1 to i32
      %sign3A_702 = arith.subi %sign3A_698, %sign3A_701 : i32
      %sign3A_703 = arith.constant 0 : i32
      %sign3A_704 = arith.cmpi sgt, %jit3A_694, %sign3A_703 : i32
      %sign3A_705 = arith.extui %sign3A_704 : i1 to i32
      %sign3A_706 = arith.constant 0 : i32
      %sign3A_707 = arith.cmpi slt, %jit3A_694, %sign3A_706 : i32
      %sign3A_708 = arith.extui %sign3A_707 : i1 to i32
      %sign3A_709 = arith.subi %sign3A_705, %sign3A_708 : i32
      %ne3A_710 = arith.cmpi ne, %sign3A_702, %sign3A_709 : i32
      %rem3A_711 = arith.remsi %add3A_693, %jit3A_694 : i32
      %ne3A_712 = arith.constant 0 : i32
      %ne3A_713 = arith.cmpi ne, %rem3A_711, %ne3A_712 : i32
      %and3A_714 = arith.andi %ne3A_710, %ne3A_713 : i1
      %sub3A_715 = arith.constant 1 : i32
      %sub3A_716 = arith.subi %div3A_695, %sub3A_715 : i32
      %select_n3A_717 = arith.select %and3A_714, %sub3A_716, %div3A_695 : i32
      %jit3A_718 = arith.constant 8 : i32
      %eq3A_719 = arith.constant 0 : i32
      %eq3A_720 = arith.cmpi eq, %jit3A_718, %eq3A_719 : i32
      %jit3A_721 = arith.constant 1 : i32
      %select_n3A_722 = arith.select %eq3A_720, %jit3A_721, %jit3A_718 : i32
      %rem3A_723 = arith.remsi %add3A_693, %select_n3A_722 : i32
      %ne3A_724 = arith.constant 0 : i32
      %ne3A_725 = arith.cmpi ne, %rem3A_723, %ne3A_724 : i32
      %lt3A_726 = arith.constant 0 : i32
      %lt3A_727 = arith.cmpi slt, %rem3A_723, %lt3A_726 : i32
      %lt3A_728 = arith.constant 0 : i32
      %lt3A_729 = arith.cmpi slt, %select_n3A_722, %lt3A_728 : i32
      %ne3A_730 = arith.xori %lt3A_727, %lt3A_729 : i1
      %and3A_731 = arith.andi %ne3A_730, %ne3A_725 : i1
      %add3A_732 = arith.addi %rem3A_723, %select_n3A_722 : i32
      %select_n3A_733 = arith.select %and3A_731, %add3A_732, %rem3A_723 : i32
      %mul3A_734 = arith.constant 16 : i32
      %mul3A_735 = arith.muli %select_n3A_733, %mul3A_734 : i32
      %get3A_736 = arith.index_cast %select_n3A_717 : i32 to index
      %get3A_737 = arith.index_cast %mul3A_735 : i32 to index
      %get3A_738 = tpu.vector_load %arg8[%get3A_736, %get3A_737] {strides = array<i32>} : memref<40x128xi32, #tpu.memory_space<vmem>>, vector<16xi32>,
      %and3A_739 = arith.andi %get3A_738, %broadcast_in_dim3A_99 : vector<16xi32>
      %swap3A_740 = arith.constant 0 : i32
      %swap3A_741 = arith.index_cast %swap3A_740 : i32 to index
      %swap3A_742 = arith.constant 0 : index
      %swap3A_743 = tpu.vector_load %arg16[%swap3A_741, %swap3A_742] {strides = array<i32>} : memref<1x32xi32, #tpu.memory_space<vmem>>, vector<16xi32>,
      tpu.vector_store %arg16[%swap3A_741, %swap3A_742], %and3A_739 {strides = array<i32>} : memref<1x32xi32, #tpu.memory_space<vmem>>, vector<16xi32>,
      %shift_right_logical3A_744 = arith.shrui %get3A_738, %broadcast_in_dim3A_101 : vector<16xi32>
      %swap3A_745 = arith.constant 0 : i32
      %swap3A_746 = arith.index_cast %swap3A_745 : i32 to index
      %swap3A_747 = arith.constant 16 : index
      %swap3A_748 = tpu.vector_load %arg16[%swap3A_746, %swap3A_747] {strides = array<i32>} : memref<1x32xi32, #tpu.memory_space<vmem>>, vector<16xi32>,
      tpu.vector_store %arg16[%swap3A_746, %swap3A_747], %shift_right_logical3A_744 {strides = array<i32>} : memref<1x32xi32, #tpu.memory_space<vmem>>, vector<16xi32>,
      %jit3A_749 = arith.constant 8 : i32
      %div3A_750 = arith.divsi %add3A_693, %jit3A_749 : i32
      %sign3A_751 = arith.constant 0 : i32
      %sign3A_752 = arith.cmpi sgt, %add3A_693, %sign3A_751 : i32
      %sign3A_753 = arith.extui %sign3A_752 : i1 to i32
      %sign3A_754 = arith.constant 0 : i32
      %sign3A_755 = arith.cmpi slt, %add3A_693, %sign3A_754 : i32
      %sign3A_756 = arith.extui %sign3A_755 : i1 to i32
      %sign3A_757 = arith.subi %sign3A_753, %sign3A_756 : i32
      %sign3A_758 = arith.constant 0 : i32
      %sign3A_759 = arith.cmpi sgt, %jit3A_749, %sign3A_758 : i32
      %sign3A_760 = arith.extui %sign3A_759 : i1 to i32
      %sign3A_761 = arith.constant 0 : i32
      %sign3A_762 = arith.cmpi slt, %jit3A_749, %sign3A_761 : i32
      %sign3A_763 = arith.extui %sign3A_762 : i1 to i32
      %sign3A_764 = arith.subi %sign3A_760, %sign3A_763 : i32
      %ne3A_765 = arith.cmpi ne, %sign3A_757, %sign3A_764 : i32
      %rem3A_766 = arith.remsi %add3A_693, %jit3A_749 : i32
      %ne3A_767 = arith.constant 0 : i32
      %ne3A_768 = arith.cmpi ne, %rem3A_766, %ne3A_767 : i32
      %and3A_769 = arith.andi %ne3A_765, %ne3A_768 : i1
      %sub3A_770 = arith.constant 1 : i32
      %sub3A_771 = arith.subi %div3A_750, %sub3A_770 : i32
      %select_n3A_772 = arith.select %and3A_769, %sub3A_771, %div3A_750 : i32
      %jit3A_773 = arith.constant 8 : i32
      %eq3A_774 = arith.constant 0 : i32
      %eq3A_775 = arith.cmpi eq, %jit3A_773, %eq3A_774 : i32
      %jit3A_776 = arith.constant 1 : i32
      %select_n3A_777 = arith.select %eq3A_775, %jit3A_776, %jit3A_773 : i32
      %rem3A_778 = arith.remsi %add3A_693, %select_n3A_777 : i32
      %ne3A_779 = arith.constant 0 : i32
      %ne3A_780 = arith.cmpi ne, %rem3A_778, %ne3A_779 : i32
      %lt3A_781 = arith.constant 0 : i32
      %lt3A_782 = arith.cmpi slt, %rem3A_778, %lt3A_781 : i32
      %lt3A_783 = arith.constant 0 : i32
      %lt3A_784 = arith.cmpi slt, %select_n3A_777, %lt3A_783 : i32
      %ne3A_785 = arith.xori %lt3A_782, %lt3A_784 : i1
      %and3A_786 = arith.andi %ne3A_785, %ne3A_780 : i1
      %add3A_787 = arith.addi %rem3A_778, %select_n3A_777 : i32
      %select_n3A_788 = arith.select %and3A_786, %add3A_787, %rem3A_778 : i32
      %mul3A_789 = arith.constant 16 : i32
      %mul3A_790 = arith.muli %select_n3A_788, %mul3A_789 : i32
      %get3A_791 = arith.index_cast %select_n3A_772 : i32 to index
      %get3A_792 = arith.index_cast %mul3A_790 : i32 to index
      %get3A_793 = tpu.vector_load %arg9[%get3A_791, %get3A_792] {strides = array<i32>} : memref<40x128xi32, #tpu.memory_space<vmem>>, vector<16xi32>,
      %and3A_794 = arith.andi %get3A_793, %broadcast_in_dim3A_99 : vector<16xi32>
      %swap3A_795 = arith.constant 0 : i32
      %swap3A_796 = arith.index_cast %swap3A_795 : i32 to index
      %swap3A_797 = arith.constant 0 : index
      %swap3A_798 = tpu.vector_load %arg18[%swap3A_796, %swap3A_797] {strides = array<i32>} : memref<1x32xi32, #tpu.memory_space<vmem>>, vector<16xi32>,
      tpu.vector_store %arg18[%swap3A_796, %swap3A_797], %and3A_794 {strides = array<i32>} : memref<1x32xi32, #tpu.memory_space<vmem>>, vector<16xi32>,
      %shift_right_logical3A_799 = arith.shrui %get3A_793, %broadcast_in_dim3A_101 : vector<16xi32>
      %swap3A_800 = arith.constant 0 : i32
      %swap3A_801 = arith.index_cast %swap3A_800 : i32 to index
      %swap3A_802 = arith.constant 16 : index
      %swap3A_803 = tpu.vector_load %arg18[%swap3A_801, %swap3A_802] {strides = array<i32>} : memref<1x32xi32, #tpu.memory_space<vmem>>, vector<16xi32>,
      tpu.vector_store %arg18[%swap3A_801, %swap3A_802], %shift_right_logical3A_799 {strides = array<i32>} : memref<1x32xi32, #tpu.memory_space<vmem>>, vector<16xi32>,
      %dma_start3A_804 = arith.constant 0 : i32
      %dma_start3A_805 = arith.constant 0 : i32
      %dma_start3A_806 = tpu.memref_slice %arg16[%dma_start3A_804, %dma_start3A_805] : memref<1x32xi32, #tpu.memory_space<vmem>> -> memref<1x32xi32, #tpu.memory_space<vmem>>
      %dma_start3A_807 = tpu.memref_squeeze %dma_start3A_806 : memref<1x32xi32, #tpu.memory_space<vmem>> -> memref<32xi32, #tpu.memory_space<vmem>>
      %dma_start3A_808 = arith.constant 0 : i32
      %dma_start3A_809 = arith.constant 0 : i32
      %dma_start3A_810 = tpu.memref_slice %arg2[%dma_start3A_808, %dma_start3A_809] : memref<10000x128xf32, #tpu.memory_space<hbm>> -> memref<10000x128xf32, #tpu.memory_space<hbm>>
      tpu.enqueue_indirect_dma source(%dma_start3A_810 : memref<10000x128xf32, #tpu.memory_space<hbm>>) target(%arg10 : memref<32x128xf32, #tpu.memory_space<vmem>>) offsets(%dma_start3A_807 : memref<32xi32, #tpu.memory_space<vmem>>) semaphore(%arg24 : memref<!tpu.dma_semaphore, #tpu.memory_space<semaphore_mem>>)
      %dma_start3A_811 = arith.constant 0 : i32
      %dma_start3A_812 = arith.constant 0 : i32
      %dma_start3A_813 = tpu.memref_slice %arg18[%dma_start3A_811, %dma_start3A_812] : memref<1x32xi32, #tpu.memory_space<vmem>> -> memref<1x32xi32, #tpu.memory_space<vmem>>
      %dma_start3A_814 = tpu.memref_squeeze %dma_start3A_813 : memref<1x32xi32, #tpu.memory_space<vmem>> -> memref<32xi32, #tpu.memory_space<vmem>>
      %dma_start3A_815 = arith.constant 0 : i32
      %dma_start3A_816 = arith.constant 0 : i32
      %dma_start3A_817 = tpu.memref_slice %arg3[%dma_start3A_815, %dma_start3A_816] : memref<10240x128xf32, #tpu.memory_space<hbm>> -> memref<10240x128xf32, #tpu.memory_space<hbm>>
      tpu.enqueue_indirect_dma source(%dma_start3A_817 : memref<10240x128xf32, #tpu.memory_space<hbm>>) target(%arg12 : memref<32x128xf32, #tpu.memory_space<vmem>>) offsets(%dma_start3A_814 : memref<32xi32, #tpu.memory_space<vmem>>) semaphore(%arg25 : memref<!tpu.dma_semaphore, #tpu.memory_space<semaphore_mem>>)
      %parallel_loop3A_818 = arith.constant 0 : i32
      %parallel_loop3A_819 = arith.constant 32 : i32
      %parallel_loop3A_820 = arith.constant 1 : i32
      scf.for %parallel_loop3A_885 = %parallel_loop3A_818 to %parallel_loop3A_819 step %parallel_loop3A_820  : i32 {
        %parallel_loop3A_886 = arith.index_cast %parallel_loop3A_885 : i32 to index
        %parallel_loop3A_887 = arith.constant 0 : index
        %parallel_loop3A_888 = tpu.vector_load %arg11[%parallel_loop3A_886, %parallel_loop3A_887] {strides = array<i32>} : memref<32x128xf32, #tpu.memory_space<vmem>>, vector<16xf32>,
        %parallel_loop3A_889 = arith.index_cast %parallel_loop3A_885 : i32 to index
        %parallel_loop3A_890 = arith.constant 16 : index
        %parallel_loop3A_891 = tpu.vector_load %arg11[%parallel_loop3A_889, %parallel_loop3A_890] {strides = array<i32>} : memref<32x128xf32, #tpu.memory_space<vmem>>, vector<16xf32>,
        %parallel_loop3A_892 = arith.index_cast %parallel_loop3A_885 : i32 to index
        %parallel_loop3A_893 = arith.constant 32 : index
        %parallel_loop3A_894 = tpu.vector_load %arg11[%parallel_loop3A_892, %parallel_loop3A_893] {strides = array<i32>} : memref<32x128xf32, #tpu.memory_space<vmem>>, vector<16xf32>,
        %parallel_loop3A_895 = arith.index_cast %parallel_loop3A_885 : i32 to index
        %parallel_loop3A_896 = arith.constant 48 : index
        %parallel_loop3A_897 = tpu.vector_load %arg11[%parallel_loop3A_895, %parallel_loop3A_896] {strides = array<i32>} : memref<32x128xf32, #tpu.memory_space<vmem>>, vector<16xf32>,
        %parallel_loop3A_898 = arith.index_cast %parallel_loop3A_885 : i32 to index
        %parallel_loop3A_899 = arith.constant 64 : index
        %parallel_loop3A_900 = tpu.vector_load %arg11[%parallel_loop3A_898, %parallel_loop3A_899] {strides = array<i32>} : memref<32x128xf32, #tpu.memory_space<vmem>>, vector<16xf32>,
        %parallel_loop3A_901 = arith.index_cast %parallel_loop3A_885 : i32 to index
        %parallel_loop3A_902 = arith.constant 80 : index
        %parallel_loop3A_903 = tpu.vector_load %arg11[%parallel_loop3A_901, %parallel_loop3A_902] {strides = array<i32>} : memref<32x128xf32, #tpu.memory_space<vmem>>, vector<16xf32>,
        %parallel_loop3A_904 = arith.index_cast %parallel_loop3A_885 : i32 to index
        %parallel_loop3A_905 = arith.constant 96 : index
        %parallel_loop3A_906 = tpu.vector_load %arg11[%parallel_loop3A_904, %parallel_loop3A_905] {strides = array<i32>} : memref<32x128xf32, #tpu.memory_space<vmem>>, vector<16xf32>,
        %parallel_loop3A_907 = arith.index_cast %parallel_loop3A_885 : i32 to index
        %parallel_loop3A_908 = arith.constant 112 : index
        %parallel_loop3A_909 = tpu.vector_load %arg11[%parallel_loop3A_907, %parallel_loop3A_908] {strides = array<i32>} : memref<32x128xf32, #tpu.memory_space<vmem>>, vector<16xf32>,
        %parallel_loop3A_910 = arith.index_cast %parallel_loop3A_885 : i32 to index
        %parallel_loop3A_911 = arith.constant 0 : index
        %parallel_loop3A_912 = tpu.vector_load %arg13[%parallel_loop3A_910, %parallel_loop3A_911] {strides = array<i32>} : memref<32x128xf32, #tpu.memory_space<vmem>>, vector<16xf32>,
        %parallel_loop3A_913 = arith.index_cast %parallel_loop3A_885 : i32 to index
        %parallel_loop3A_914 = arith.constant 16 : index
        %parallel_loop3A_915 = tpu.vector_load %arg13[%parallel_loop3A_913, %parallel_loop3A_914] {strides = array<i32>} : memref<32x128xf32, #tpu.memory_space<vmem>>, vector<16xf32>,
        %parallel_loop3A_916 = arith.index_cast %parallel_loop3A_885 : i32 to index
        %parallel_loop3A_917 = arith.constant 32 : index
        %parallel_loop3A_918 = tpu.vector_load %arg13[%parallel_loop3A_916, %parallel_loop3A_917] {strides = array<i32>} : memref<32x128xf32, #tpu.memory_space<vmem>>, vector<16xf32>,
        %parallel_loop3A_919 = arith.index_cast %parallel_loop3A_885 : i32 to index
        %parallel_loop3A_920 = arith.constant 48 : index
        %parallel_loop3A_921 = tpu.vector_load %arg13[%parallel_loop3A_919, %parallel_loop3A_920] {strides = array<i32>} : memref<32x128xf32, #tpu.memory_space<vmem>>, vector<16xf32>,
        %parallel_loop3A_922 = arith.index_cast %parallel_loop3A_885 : i32 to index
        %parallel_loop3A_923 = arith.constant 64 : index
        %parallel_loop3A_924 = tpu.vector_load %arg13[%parallel_loop3A_922, %parallel_loop3A_923] {strides = array<i32>} : memref<32x128xf32, #tpu.memory_space<vmem>>, vector<16xf32>,
        %parallel_loop3A_925 = arith.index_cast %parallel_loop3A_885 : i32 to index
        %parallel_loop3A_926 = arith.constant 80 : index
        %parallel_loop3A_927 = tpu.vector_load %arg13[%parallel_loop3A_925, %parallel_loop3A_926] {strides = array<i32>} : memref<32x128xf32, #tpu.memory_space<vmem>>, vector<16xf32>,
        %parallel_loop3A_928 = arith.index_cast %parallel_loop3A_885 : i32 to index
        %parallel_loop3A_929 = arith.constant 96 : index
        %parallel_loop3A_930 = tpu.vector_load %arg13[%parallel_loop3A_928, %parallel_loop3A_929] {strides = array<i32>} : memref<32x128xf32, #tpu.memory_space<vmem>>, vector<16xf32>,
        %parallel_loop3A_931 = arith.index_cast %parallel_loop3A_885 : i32 to index
        %parallel_loop3A_932 = arith.constant 112 : index
        %parallel_loop3A_933 = tpu.vector_load %arg13[%parallel_loop3A_931, %parallel_loop3A_932] {strides = array<i32>} : memref<32x128xf32, #tpu.memory_space<vmem>>, vector<16xf32>,
        %parallel_loop3A_934 = arith.mulf %parallel_loop3A_888, %parallel_loop3A_912 : vector<16xf32>
        %parallel_loop3A_935 = arith.mulf %parallel_loop3A_891, %parallel_loop3A_915 : vector<16xf32>
        %parallel_loop3A_936 = arith.mulf %parallel_loop3A_894, %parallel_loop3A_918 : vector<16xf32>
        %parallel_loop3A_937 = arith.mulf %parallel_loop3A_897, %parallel_loop3A_921 : vector<16xf32>
        %parallel_loop3A_938 = arith.mulf %parallel_loop3A_888, %parallel_loop3A_888 : vector<16xf32>
        %parallel_loop3A_939 = arith.mulf %parallel_loop3A_891, %parallel_loop3A_891 : vector<16xf32>
        %parallel_loop3A_940 = arith.mulf %parallel_loop3A_894, %parallel_loop3A_894 : vector<16xf32>
        %parallel_loop3A_941 = arith.mulf %parallel_loop3A_897, %parallel_loop3A_897 : vector<16xf32>
        %parallel_loop3A_942 = arith.mulf %parallel_loop3A_900, %parallel_loop3A_924 : vector<16xf32>
        %parallel_loop3A_943 = arith.addf %parallel_loop3A_934, %parallel_loop3A_942 : vector<16xf32>
        %parallel_loop3A_944 = arith.mulf %parallel_loop3A_903, %parallel_loop3A_927 : vector<16xf32>
        %parallel_loop3A_945 = arith.addf %parallel_loop3A_935, %parallel_loop3A_944 : vector<16xf32>
        %parallel_loop3A_946 = arith.mulf %parallel_loop3A_906, %parallel_loop3A_930 : vector<16xf32>
        %parallel_loop3A_947 = arith.addf %parallel_loop3A_936, %parallel_loop3A_946 : vector<16xf32>
        %parallel_loop3A_948 = arith.mulf %parallel_loop3A_909, %parallel_loop3A_933 : vector<16xf32>
        %parallel_loop3A_949 = arith.addf %parallel_loop3A_937, %parallel_loop3A_948 : vector<16xf32>
        %parallel_loop3A_950 = arith.mulf %parallel_loop3A_900, %parallel_loop3A_900 : vector<16xf32>
        %parallel_loop3A_951 = arith.addf %parallel_loop3A_938, %parallel_loop3A_950 : vector<16xf32>
        %parallel_loop3A_952 = arith.mulf %parallel_loop3A_903, %parallel_loop3A_903 : vector<16xf32>
        %parallel_loop3A_953 = arith.addf %parallel_loop3A_939, %parallel_loop3A_952 : vector<16xf32>
        %parallel_loop3A_954 = arith.mulf %parallel_loop3A_906, %parallel_loop3A_906 : vector<16xf32>
        %parallel_loop3A_955 = arith.addf %parallel_loop3A_940, %parallel_loop3A_954 : vector<16xf32>
        %parallel_loop3A_956 = arith.mulf %parallel_loop3A_909, %parallel_loop3A_909 : vector<16xf32>
        %parallel_loop3A_957 = arith.addf %parallel_loop3A_941, %parallel_loop3A_956 : vector<16xf32>
        %parallel_loop3A_958 = arith.addf %parallel_loop3A_943, %parallel_loop3A_945 : vector<16xf32>
        %parallel_loop3A_959 = arith.addf %parallel_loop3A_947, %parallel_loop3A_949 : vector<16xf32>
        %parallel_loop3A_960 = arith.addf %parallel_loop3A_958, %parallel_loop3A_959 : vector<16xf32>
        %parallel_loop3A_961 = arith.constant true
        %parallel_loop3A_962 = vector.broadcast %parallel_loop3A_961 : i1 to vector<16xi1>
        %parallel_loop3A_963 = tpu.scan <sum>, %parallel_loop3A_960 masked %parallel_loop3A_962 : vector<16xf32>, vector<16xi1> -> vector<16xf32>
        %parallel_loop3A_964 = vector.extract %parallel_loop3A_963[15] : f32 from vector<16xf32>
        %parallel_loop3A_965 = arith.addf %parallel_loop3A_951, %parallel_loop3A_953 : vector<16xf32>
        %parallel_loop3A_966 = arith.addf %parallel_loop3A_955, %parallel_loop3A_957 : vector<16xf32>
        %parallel_loop3A_967 = arith.addf %parallel_loop3A_965, %parallel_loop3A_966 : vector<16xf32>
        %parallel_loop3A_968 = arith.constant true
        %parallel_loop3A_969 = vector.broadcast %parallel_loop3A_968 : i1 to vector<16xi1>
        %parallel_loop3A_970 = tpu.scan <sum>, %parallel_loop3A_967 masked %parallel_loop3A_969 : vector<16xf32>, vector<16xi1> -> vector<16xf32>
        %parallel_loop3A_971 = vector.extract %parallel_loop3A_970[15] : f32 from vector<16xf32>
        %parallel_loop3A_972 = vector.broadcast %parallel_loop3A_971 : f32 to vector<16xf32>
        %parallel_loop3A_973 = arith.mulf %parallel_loop3A_972, %broadcast_in_dim3A_103 : vector<16xf32>
        %parallel_loop3A_974 = arith.constant 1.000000e-24 : f32
        %parallel_loop3A_975 = vector.broadcast %parallel_loop3A_974 : f32 to vector<16xf32>
        %parallel_loop3A_976 = arith.maximumf %parallel_loop3A_973, %parallel_loop3A_975 : vector<16xf32>
        %parallel_loop3A_977 = tpu.bitcast %parallel_loop3A_976 : vector<16xf32> -> vector<16xi32>
        %parallel_loop3A_978 = arith.shrui %parallel_loop3A_977, %broadcast_in_dim3A_107 : vector<16xi32>
        %parallel_loop3A_979 = arith.subi %broadcast_in_dim3A_105, %parallel_loop3A_978 : vector<16xi32>
        %parallel_loop3A_980 = tpu.bitcast %parallel_loop3A_979 : vector<16xi32> -> vector<16xf32>
        %parallel_loop3A_981 = arith.mulf %broadcast_in_dim3A_109, %parallel_loop3A_976 : vector<16xf32>
        %parallel_loop3A_982 = arith.mulf %parallel_loop3A_981, %parallel_loop3A_980 : vector<16xf32>
        %parallel_loop3A_983 = arith.mulf %parallel_loop3A_982, %parallel_loop3A_980 : vector<16xf32>
        %parallel_loop3A_984 = arith.subf %broadcast_in_dim3A_111, %parallel_loop3A_983 : vector<16xf32>
        %parallel_loop3A_985 = arith.mulf %parallel_loop3A_980, %parallel_loop3A_984 : vector<16xf32>
        %parallel_loop3A_986 = arith.mulf %parallel_loop3A_981, %parallel_loop3A_985 : vector<16xf32>
        %parallel_loop3A_987 = arith.mulf %parallel_loop3A_986, %parallel_loop3A_985 : vector<16xf32>
        %parallel_loop3A_988 = arith.subf %broadcast_in_dim3A_111, %parallel_loop3A_987 : vector<16xf32>
        %parallel_loop3A_989 = arith.mulf %parallel_loop3A_985, %parallel_loop3A_988 : vector<16xf32>
        %parallel_loop3A_990 = arith.mulf %parallel_loop3A_981, %parallel_loop3A_989 : vector<16xf32>
        %parallel_loop3A_991 = arith.mulf %parallel_loop3A_990, %parallel_loop3A_989 : vector<16xf32>
        %parallel_loop3A_992 = arith.subf %broadcast_in_dim3A_111, %parallel_loop3A_991 : vector<16xf32>
        %parallel_loop3A_993 = arith.mulf %parallel_loop3A_989, %parallel_loop3A_992 : vector<16xf32>
        %parallel_loop3A_994 = vector.broadcast %parallel_loop3A_964 : f32 to vector<16xf32>
        %parallel_loop3A_995 = arith.mulf %parallel_loop3A_994, %get3A_3 : vector<16xf32>
        %parallel_loop3A_996 = arith.mulf %parallel_loop3A_995, %parallel_loop3A_993 : vector<16xf32>
        %parallel_loop3A_997 = arith.addf %parallel_loop3A_996, %get3A_7 : vector<16xf32>
        %parallel_loop3A_998 = math.exp %parallel_loop3A_997 : vector<16xf32>
        %parallel_loop3A_999 = arith.mulf %parallel_loop3A_888, %parallel_loop3A_998 : vector<16xf32>
        %parallel_loop3A_1000 = arith.index_cast %parallel_loop3A_885 : i32 to index
        %parallel_loop3A_1001 = arith.constant 0 : index
        %parallel_loop3A_1002 = tpu.vector_load %arg15[%parallel_loop3A_1000, %parallel_loop3A_1001] {strides = array<i32>} : memref<32x144xf32, #tpu.memory_space<vmem>>, vector<16xf32>,
        tpu.vector_store %arg15[%parallel_loop3A_1000, %parallel_loop3A_1001], %parallel_loop3A_999 {strides = array<i32>} : memref<32x144xf32, #tpu.memory_space<vmem>>, vector<16xf32>,
        %parallel_loop3A_1003 = arith.mulf %parallel_loop3A_891, %parallel_loop3A_998 : vector<16xf32>
        %parallel_loop3A_1004 = arith.index_cast %parallel_loop3A_885 : i32 to index
        %parallel_loop3A_1005 = arith.constant 16 : index
        %parallel_loop3A_1006 = tpu.vector_load %arg15[%parallel_loop3A_1004, %parallel_loop3A_1005] {strides = array<i32>} : memref<32x144xf32, #tpu.memory_space<vmem>>, vector<16xf32>,
        tpu.vector_store %arg15[%parallel_loop3A_1004, %parallel_loop3A_1005], %parallel_loop3A_1003 {strides = array<i32>} : memref<32x144xf32, #tpu.memory_space<vmem>>, vector<16xf32>,
        %parallel_loop3A_1007 = arith.mulf %parallel_loop3A_894, %parallel_loop3A_998 : vector<16xf32>
        %parallel_loop3A_1008 = arith.index_cast %parallel_loop3A_885 : i32 to index
        %parallel_loop3A_1009 = arith.constant 32 : index
        %parallel_loop3A_1010 = tpu.vector_load %arg15[%parallel_loop3A_1008, %parallel_loop3A_1009] {strides = array<i32>} : memref<32x144xf32, #tpu.memory_space<vmem>>, vector<16xf32>,
        tpu.vector_store %arg15[%parallel_loop3A_1008, %parallel_loop3A_1009], %parallel_loop3A_1007 {strides = array<i32>} : memref<32x144xf32, #tpu.memory_space<vmem>>, vector<16xf32>,
        %parallel_loop3A_1011 = arith.mulf %parallel_loop3A_897, %parallel_loop3A_998 : vector<16xf32>
        %parallel_loop3A_1012 = arith.index_cast %parallel_loop3A_885 : i32 to index
        %parallel_loop3A_1013 = arith.constant 48 : index
        %parallel_loop3A_1014 = tpu.vector_load %arg15[%parallel_loop3A_1012, %parallel_loop3A_1013] {strides = array<i32>} : memref<32x144xf32, #tpu.memory_space<vmem>>, vector<16xf32>,
        tpu.vector_store %arg15[%parallel_loop3A_1012, %parallel_loop3A_1013], %parallel_loop3A_1011 {strides = array<i32>} : memref<32x144xf32, #tpu.memory_space<vmem>>, vector<16xf32>,
        %parallel_loop3A_1015 = arith.mulf %parallel_loop3A_900, %parallel_loop3A_998 : vector<16xf32>
        %parallel_loop3A_1016 = arith.index_cast %parallel_loop3A_885 : i32 to index
        %parallel_loop3A_1017 = arith.constant 64 : index
        %parallel_loop3A_1018 = tpu.vector_load %arg15[%parallel_loop3A_1016, %parallel_loop3A_1017] {strides = array<i32>} : memref<32x144xf32, #tpu.memory_space<vmem>>, vector<16xf32>,
        tpu.vector_store %arg15[%parallel_loop3A_1016, %parallel_loop3A_1017], %parallel_loop3A_1015 {strides = array<i32>} : memref<32x144xf32, #tpu.memory_space<vmem>>, vector<16xf32>,
        %parallel_loop3A_1019 = arith.mulf %parallel_loop3A_903, %parallel_loop3A_998 : vector<16xf32>
        %parallel_loop3A_1020 = arith.index_cast %parallel_loop3A_885 : i32 to index
        %parallel_loop3A_1021 = arith.constant 80 : index
        %parallel_loop3A_1022 = tpu.vector_load %arg15[%parallel_loop3A_1020, %parallel_loop3A_1021] {strides = array<i32>} : memref<32x144xf32, #tpu.memory_space<vmem>>, vector<16xf32>,
        tpu.vector_store %arg15[%parallel_loop3A_1020, %parallel_loop3A_1021], %parallel_loop3A_1019 {strides = array<i32>} : memref<32x144xf32, #tpu.memory_space<vmem>>, vector<16xf32>,
        %parallel_loop3A_1023 = arith.mulf %parallel_loop3A_906, %parallel_loop3A_998 : vector<16xf32>
        %parallel_loop3A_1024 = arith.index_cast %parallel_loop3A_885 : i32 to index
        %parallel_loop3A_1025 = arith.constant 96 : index
        %parallel_loop3A_1026 = tpu.vector_load %arg15[%parallel_loop3A_1024, %parallel_loop3A_1025] {strides = array<i32>} : memref<32x144xf32, #tpu.memory_space<vmem>>, vector<16xf32>,
        tpu.vector_store %arg15[%parallel_loop3A_1024, %parallel_loop3A_1025], %parallel_loop3A_1023 {strides = array<i32>} : memref<32x144xf32, #tpu.memory_space<vmem>>, vector<16xf32>,
        %parallel_loop3A_1027 = arith.mulf %parallel_loop3A_909, %parallel_loop3A_998 : vector<16xf32>
        %parallel_loop3A_1028 = arith.index_cast %parallel_loop3A_885 : i32 to index
        %parallel_loop3A_1029 = arith.constant 112 : index
        %parallel_loop3A_1030 = tpu.vector_load %arg15[%parallel_loop3A_1028, %parallel_loop3A_1029] {strides = array<i32>} : memref<32x144xf32, #tpu.memory_space<vmem>>, vector<16xf32>,
        tpu.vector_store %arg15[%parallel_loop3A_1028, %parallel_loop3A_1029], %parallel_loop3A_1027 {strides = array<i32>} : memref<32x144xf32, #tpu.memory_space<vmem>>, vector<16xf32>,
        %parallel_loop3A_1031 = arith.index_cast %parallel_loop3A_885 : i32 to index
        %parallel_loop3A_1032 = arith.constant 128 : index
        %parallel_loop3A_1033 = tpu.vector_load %arg15[%parallel_loop3A_1031, %parallel_loop3A_1032] {strides = array<i32>} : memref<32x144xf32, #tpu.memory_space<vmem>>, vector<16xf32>,
        tpu.vector_store %arg15[%parallel_loop3A_1031, %parallel_loop3A_1032], %parallel_loop3A_998 {strides = array<i32>} : memref<32x144xf32, #tpu.memory_space<vmem>>, vector<16xf32>,
      } {sc.loop_unroll_factor = 4 : i64, sc.parallel_access}
      %add3A_821 = arith.constant 1 : i32
      %add3A_822 = arith.addi %mul3A_467, %add3A_821 : i32
      %jit3A_823 = arith.constant 8 : i32
      %div3A_824 = arith.divsi %add3A_822, %jit3A_823 : i32
      %sign3A_825 = arith.constant 0 : i32
      %sign3A_826 = arith.cmpi sgt, %add3A_822, %sign3A_825 : i32
      %sign3A_827 = arith.extui %sign3A_826 : i1 to i32
      %sign3A_828 = arith.constant 0 : i32
      %sign3A_829 = arith.cmpi slt, %add3A_822, %sign3A_828 : i32
      %sign3A_830 = arith.extui %sign3A_829 : i1 to i32
      %sign3A_831 = arith.subi %sign3A_827, %sign3A_830 : i32
      %sign3A_832 = arith.constant 0 : i32
      %sign3A_833 = arith.cmpi sgt, %jit3A_823, %sign3A_832 : i32
      %sign3A_834 = arith.extui %sign3A_833 : i1 to i32
      %sign3A_835 = arith.constant 0 : i32
      %sign3A_836 = arith.cmpi slt, %jit3A_823, %sign3A_835 : i32
      %sign3A_837 = arith.extui %sign3A_836 : i1 to i32
      %sign3A_838 = arith.subi %sign3A_834, %sign3A_837 : i32
      %ne3A_839 = arith.cmpi ne, %sign3A_831, %sign3A_838 : i32
      %rem3A_840 = arith.remsi %add3A_822, %jit3A_823 : i32
      %ne3A_841 = arith.constant 0 : i32
      %ne3A_842 = arith.cmpi ne, %rem3A_840, %ne3A_841 : i32
      %and3A_843 = arith.andi %ne3A_839, %ne3A_842 : i1
      %sub3A_844 = arith.constant 1 : i32
      %sub3A_845 = arith.subi %div3A_824, %sub3A_844 : i32
      %select_n3A_846 = arith.select %and3A_843, %sub3A_845, %div3A_824 : i32
      %jit3A_847 = arith.constant 8 : i32
      %eq3A_848 = arith.constant 0 : i32
      %eq3A_849 = arith.cmpi eq, %jit3A_847, %eq3A_848 : i32
      %jit3A_850 = arith.constant 1 : i32
      %select_n3A_851 = arith.select %eq3A_849, %jit3A_850, %jit3A_847 : i32
      %rem3A_852 = arith.remsi %add3A_822, %select_n3A_851 : i32
      %ne3A_853 = arith.constant 0 : i32
      %ne3A_854 = arith.cmpi ne, %rem3A_852, %ne3A_853 : i32
      %lt3A_855 = arith.constant 0 : i32
      %lt3A_856 = arith.cmpi slt, %rem3A_852, %lt3A_855 : i32
      %lt3A_857 = arith.constant 0 : i32
      %lt3A_858 = arith.cmpi slt, %select_n3A_851, %lt3A_857 : i32
      %ne3A_859 = arith.xori %lt3A_856, %lt3A_858 : i1
      %and3A_860 = arith.andi %ne3A_859, %ne3A_854 : i1
      %add3A_861 = arith.addi %rem3A_852, %select_n3A_851 : i32
      %select_n3A_862 = arith.select %and3A_860, %add3A_861, %rem3A_852 : i32
      %mul3A_863 = arith.constant 16 : i32
      %mul3A_864 = arith.muli %select_n3A_862, %mul3A_863 : i32
      %get3A_865 = arith.index_cast %select_n3A_846 : i32 to index
      %get3A_866 = arith.index_cast %mul3A_864 : i32 to index
      %get3A_867 = tpu.vector_load %arg9[%get3A_865, %get3A_866] {strides = array<i32>} : memref<40x128xi32, #tpu.memory_space<vmem>>, vector<16xi32>,
      %and3A_868 = arith.andi %get3A_867, %broadcast_in_dim3A_99 : vector<16xi32>
      %swap3A_869 = arith.constant 0 : i32
      %swap3A_870 = arith.index_cast %swap3A_869 : i32 to index
      %swap3A_871 = arith.constant 0 : index
      %swap3A_872 = tpu.vector_load %arg21[%swap3A_870, %swap3A_871] {strides = array<i32>} : memref<1x32xi32, #tpu.memory_space<vmem>>, vector<16xi32>,
      tpu.vector_store %arg21[%swap3A_870, %swap3A_871], %and3A_868 {strides = array<i32>} : memref<1x32xi32, #tpu.memory_space<vmem>>, vector<16xi32>,
      %shift_right_logical3A_873 = arith.shrui %get3A_867, %broadcast_in_dim3A_101 : vector<16xi32>
      %swap3A_874 = arith.constant 0 : i32
      %swap3A_875 = arith.index_cast %swap3A_874 : i32 to index
      %swap3A_876 = arith.constant 16 : index
      %swap3A_877 = tpu.vector_load %arg21[%swap3A_875, %swap3A_876] {strides = array<i32>} : memref<1x32xi32, #tpu.memory_space<vmem>>, vector<16xi32>,
      tpu.vector_store %arg21[%swap3A_875, %swap3A_876], %shift_right_logical3A_873 {strides = array<i32>} : memref<1x32xi32, #tpu.memory_space<vmem>>, vector<16xi32>,
      %dma_start3A_878 = arith.constant 0 : i32
      %dma_start3A_879 = arith.constant 0 : i32
      %dma_start3A_880 = tpu.memref_slice %arg21[%dma_start3A_878, %dma_start3A_879] : memref<1x32xi32, #tpu.memory_space<vmem>> -> memref<1x32xi32, #tpu.memory_space<vmem>>
      %dma_start3A_881 = tpu.memref_squeeze %dma_start3A_880 : memref<1x32xi32, #tpu.memory_space<vmem>> -> memref<32xi32, #tpu.memory_space<vmem>>
      %dma_start3A_882 = arith.constant 0 : i32
      %dma_start3A_883 = arith.constant 0 : i32
      %dma_start3A_884 = tpu.memref_slice %arg23[%dma_start3A_882, %dma_start3A_883] : memref<10240x144xf32, #tpu.memory_space<vmem_shared>> -> memref<10240x144xf32, #tpu.memory_space<vmem_shared>>
      tpu.enqueue_indirect_dma source(%arg15 : memref<32x144xf32, #tpu.memory_space<vmem>>) target(%dma_start3A_884 : memref<10240x144xf32, #tpu.memory_space<vmem_shared>>) offsets(%dma_start3A_881 : memref<32xi32, #tpu.memory_space<vmem>>) semaphore(%arg29 : memref<!tpu.dma_semaphore, #tpu.memory_space<semaphore_mem>>) {add = true}
    }
    %scan3A_309 = arith.constant 158 : i32
    %dma_wait3A_310 = arith.constant 0 : i32
    %dma_wait3A_311 = arith.constant 0 : i32
    %dma_wait3A_312 = tpu.memref_slice %arg2[%dma_wait3A_310, %dma_wait3A_311] : memref<10000x128xf32, #tpu.memory_space<hbm>> -> memref<32x128xf32, #tpu.memory_space<hbm>>
    %dma_wait3A_313 = arith.constant 0 : i32
    %dma_wait3A_314 = arith.constant 0 : i32
    %dma_wait3A_315 = tpu.memref_slice %arg2[%dma_wait3A_313, %dma_wait3A_314] : memref<10000x128xf32, #tpu.memory_space<hbm>> -> memref<32x128xf32, #tpu.memory_space<hbm>>
    tpu.wait_dma2 semaphore(%arg24 : memref<!tpu.dma_semaphore, #tpu.memory_space<semaphore_mem>>) src(%dma_wait3A_315 : memref<32x128xf32, #tpu.memory_space<hbm>>) dst(%arg10 : memref<32x128xf32, #tpu.memory_space<vmem>>)
    %dma_wait3A_316 = arith.constant 0 : i32
    %dma_wait3A_317 = arith.constant 0 : i32
    %dma_wait3A_318 = tpu.memref_slice %arg3[%dma_wait3A_316, %dma_wait3A_317] : memref<10240x128xf32, #tpu.memory_space<hbm>> -> memref<32x128xf32, #tpu.memory_space<hbm>>
    %dma_wait3A_319 = arith.constant 0 : i32
    %dma_wait3A_320 = arith.constant 0 : i32
    %dma_wait3A_321 = tpu.memref_slice %arg3[%dma_wait3A_319, %dma_wait3A_320] : memref<10240x128xf32, #tpu.memory_space<hbm>> -> memref<32x128xf32, #tpu.memory_space<hbm>>
    tpu.wait_dma2 semaphore(%arg25 : memref<!tpu.dma_semaphore, #tpu.memory_space<semaphore_mem>>) src(%dma_wait3A_321 : memref<32x128xf32, #tpu.memory_space<hbm>>) dst(%arg12 : memref<32x128xf32, #tpu.memory_space<vmem>>)
    %dma_wait3A_322 = arith.constant 0 : i32
    %dma_wait3A_323 = arith.constant 0 : i32
    %dma_wait3A_324 = arith.constant 0 : i32
    %dma_wait3A_325 = tpu.memref_slice %arg7[%dma_wait3A_322, %dma_wait3A_323, %dma_wait3A_324] : memref<2x10240x144xf32, #tpu.memory_space<hbm>> -> memref<1x32x144xf32, #tpu.memory_space<hbm>>
    %dma_wait3A_326 = tpu.memref_squeeze %dma_wait3A_325 : memref<1x32x144xf32, #tpu.memory_space<hbm>> -> memref<32x144xf32, #tpu.memory_space<hbm>>
    %dma_wait3A_327 = arith.constant 0 : i32
    %dma_wait3A_328 = arith.constant 0 : i32
    %dma_wait3A_329 = tpu.memref_slice %arg7[%dma_wait3A_322, %dma_wait3A_327, %dma_wait3A_328] : memref<2x10240x144xf32, #tpu.memory_space<hbm>> -> memref<1x32x144xf32, #tpu.memory_space<hbm>>
    %dma_wait3A_330 = tpu.memref_squeeze %dma_wait3A_329 : memref<1x32x144xf32, #tpu.memory_space<hbm>> -> memref<32x144xf32, #tpu.memory_space<hbm>>
    tpu.wait_dma2 semaphore(%arg26 : memref<!tpu.dma_semaphore, #tpu.memory_space<semaphore_mem>>) src(%dma_wait3A_330 : memref<32x144xf32, #tpu.memory_space<hbm>>) dst(%arg14 : memref<32x144xf32, #tpu.memory_space<vmem>>)
    %get3A_331 = arith.constant 39 : i32
    %get3A_332 = arith.index_cast %get3A_331 : i32 to index
    %get3A_333 = arith.constant 112 : index
    %get3A_334 = tpu.vector_load %arg8[%get3A_332, %get3A_333] {strides = array<i32>} : memref<40x128xi32, #tpu.memory_space<vmem>>, vector<16xi32>,
    %and3A_335 = arith.andi %get3A_334, %broadcast_in_dim3A_99 : vector<16xi32>
    %swap3A_336 = arith.constant 0 : i32
    %swap3A_337 = arith.index_cast %swap3A_336 : i32 to index
    %swap3A_338 = arith.constant 0 : index
    %swap3A_339 = tpu.vector_load %arg17[%swap3A_337, %swap3A_338] {strides = array<i32>} : memref<1x32xi32, #tpu.memory_space<vmem>>, vector<16xi32>,
    tpu.vector_store %arg17[%swap3A_337, %swap3A_338], %and3A_335 {strides = array<i32>} : memref<1x32xi32, #tpu.memory_space<vmem>>, vector<16xi32>,
    %shift_right_logical3A_340 = arith.shrui %get3A_334, %broadcast_in_dim3A_101 : vector<16xi32>
    %swap3A_341 = arith.constant 0 : i32
    %swap3A_342 = arith.index_cast %swap3A_341 : i32 to index
    %swap3A_343 = arith.constant 16 : index
    %swap3A_344 = tpu.vector_load %arg17[%swap3A_342, %swap3A_343] {strides = array<i32>} : memref<1x32xi32, #tpu.memory_space<vmem>>, vector<16xi32>,
    tpu.vector_store %arg17[%swap3A_342, %swap3A_343], %shift_right_logical3A_340 {strides = array<i32>} : memref<1x32xi32, #tpu.memory_space<vmem>>, vector<16xi32>,
    %get3A_345 = arith.constant 39 : i32
    %get3A_346 = arith.index_cast %get3A_345 : i32 to index
    %get3A_347 = arith.constant 112 : index
    %get3A_348 = tpu.vector_load %arg9[%get3A_346, %get3A_347] {strides = array<i32>} : memref<40x128xi32, #tpu.memory_space<vmem>>, vector<16xi32>,
    %and3A_349 = arith.andi %get3A_348, %broadcast_in_dim3A_99 : vector<16xi32>
    %swap3A_350 = arith.constant 0 : i32
    %swap3A_351 = arith.index_cast %swap3A_350 : i32 to index
    %swap3A_352 = arith.constant 0 : index
    %swap3A_353 = tpu.vector_load %arg19[%swap3A_351, %swap3A_352] {strides = array<i32>} : memref<1x32xi32, #tpu.memory_space<vmem>>, vector<16xi32>,
    tpu.vector_store %arg19[%swap3A_351, %swap3A_352], %and3A_349 {strides = array<i32>} : memref<1x32xi32, #tpu.memory_space<vmem>>, vector<16xi32>,
    %shift_right_logical3A_354 = arith.shrui %get3A_348, %broadcast_in_dim3A_101 : vector<16xi32>
    %swap3A_355 = arith.constant 0 : i32
    %swap3A_356 = arith.index_cast %swap3A_355 : i32 to index
    %swap3A_357 = arith.constant 16 : index
    %swap3A_358 = tpu.vector_load %arg19[%swap3A_356, %swap3A_357] {strides = array<i32>} : memref<1x32xi32, #tpu.memory_space<vmem>>, vector<16xi32>,
    tpu.vector_store %arg19[%swap3A_356, %swap3A_357], %shift_right_logical3A_354 {strides = array<i32>} : memref<1x32xi32, #tpu.memory_space<vmem>>, vector<16xi32>,
    %dma_start3A_359 = arith.constant 0 : i32
    %dma_start3A_360 = arith.constant 0 : i32
    %dma_start3A_361 = tpu.memref_slice %arg17[%dma_start3A_359, %dma_start3A_360] : memref<1x32xi32, #tpu.memory_space<vmem>> -> memref<1x32xi32, #tpu.memory_space<vmem>>
    %dma_start3A_362 = tpu.memref_squeeze %dma_start3A_361 : memref<1x32xi32, #tpu.memory_space<vmem>> -> memref<32xi32, #tpu.memory_space<vmem>>
    %dma_start3A_363 = arith.constant 0 : i32
    %dma_start3A_364 = arith.constant 0 : i32
    %dma_start3A_365 = tpu.memref_slice %arg2[%dma_start3A_363, %dma_start3A_364] : memref<10000x128xf32, #tpu.memory_space<hbm>> -> memref<10000x128xf32, #tpu.memory_space<hbm>>
    tpu.enqueue_indirect_dma source(%dma_start3A_365 : memref<10000x128xf32, #tpu.memory_space<hbm>>) target(%arg11 : memref<32x128xf32, #tpu.memory_space<vmem>>) offsets(%dma_start3A_362 : memref<32xi32, #tpu.memory_space<vmem>>) semaphore(%arg27 : memref<!tpu.dma_semaphore, #tpu.memory_space<semaphore_mem>>)
    %dma_start3A_366 = arith.constant 0 : i32
    %dma_start3A_367 = arith.constant 0 : i32
    %dma_start3A_368 = tpu.memref_slice %arg19[%dma_start3A_366, %dma_start3A_367] : memref<1x32xi32, #tpu.memory_space<vmem>> -> memref<1x32xi32, #tpu.memory_space<vmem>>
    %dma_start3A_369 = tpu.memref_squeeze %dma_start3A_368 : memref<1x32xi32, #tpu.memory_space<vmem>> -> memref<32xi32, #tpu.memory_space<vmem>>
    %dma_start3A_370 = arith.constant 0 : i32
    %dma_start3A_371 = arith.constant 0 : i32
    %dma_start3A_372 = tpu.memref_slice %arg3[%dma_start3A_370, %dma_start3A_371] : memref<10240x128xf32, #tpu.memory_space<hbm>> -> memref<10240x128xf32, #tpu.memory_space<hbm>>
    tpu.enqueue_indirect_dma source(%dma_start3A_372 : memref<10240x128xf32, #tpu.memory_space<hbm>>) target(%arg13 : memref<32x128xf32, #tpu.memory_space<vmem>>) offsets(%dma_start3A_369 : memref<32xi32, #tpu.memory_space<vmem>>) semaphore(%arg28 : memref<!tpu.dma_semaphore, #tpu.memory_space<semaphore_mem>>)
    %parallel_loop3A_373 = arith.constant 0 : i32
    %parallel_loop3A_374 = arith.constant 32 : i32
    %parallel_loop3A_375 = arith.constant 1 : i32
    scf.for %parallel_loop3A_465 = %parallel_loop3A_373 to %parallel_loop3A_374 step %parallel_loop3A_375  : i32 {
      %parallel_loop3A_466 = arith.index_cast %parallel_loop3A_465 : i32 to index
      %parallel_loop3A_467 = arith.constant 0 : index
      %parallel_loop3A_468 = tpu.vector_load %arg10[%parallel_loop3A_466, %parallel_loop3A_467] {strides = array<i32>} : memref<32x128xf32, #tpu.memory_space<vmem>>, vector<16xf32>,
      %parallel_loop3A_469 = arith.index_cast %parallel_loop3A_465 : i32 to index
      %parallel_loop3A_470 = arith.constant 16 : index
      %parallel_loop3A_471 = tpu.vector_load %arg10[%parallel_loop3A_469, %parallel_loop3A_470] {strides = array<i32>} : memref<32x128xf32, #tpu.memory_space<vmem>>, vector<16xf32>,
      %parallel_loop3A_472 = arith.index_cast %parallel_loop3A_465 : i32 to index
      %parallel_loop3A_473 = arith.constant 32 : index
      %parallel_loop3A_474 = tpu.vector_load %arg10[%parallel_loop3A_472, %parallel_loop3A_473] {strides = array<i32>} : memref<32x128xf32, #tpu.memory_space<vmem>>, vector<16xf32>,
      %parallel_loop3A_475 = arith.index_cast %parallel_loop3A_465 : i32 to index
      %parallel_loop3A_476 = arith.constant 48 : index
      %parallel_loop3A_477 = tpu.vector_load %arg10[%parallel_loop3A_475, %parallel_loop3A_476] {strides = array<i32>} : memref<32x128xf32, #tpu.memory_space<vmem>>, vector<16xf32>,
      %parallel_loop3A_478 = arith.index_cast %parallel_loop3A_465 : i32 to index
      %parallel_loop3A_479 = arith.constant 64 : index
      %parallel_loop3A_480 = tpu.vector_load %arg10[%parallel_loop3A_478, %parallel_loop3A_479] {strides = array<i32>} : memref<32x128xf32, #tpu.memory_space<vmem>>, vector<16xf32>,
      %parallel_loop3A_481 = arith.index_cast %parallel_loop3A_465 : i32 to index
      %parallel_loop3A_482 = arith.constant 80 : index
      %parallel_loop3A_483 = tpu.vector_load %arg10[%parallel_loop3A_481, %parallel_loop3A_482] {strides = array<i32>} : memref<32x128xf32, #tpu.memory_space<vmem>>, vector<16xf32>,
      %parallel_loop3A_484 = arith.index_cast %parallel_loop3A_465 : i32 to index
      %parallel_loop3A_485 = arith.constant 96 : index
      %parallel_loop3A_486 = tpu.vector_load %arg10[%parallel_loop3A_484, %parallel_loop3A_485] {strides = array<i32>} : memref<32x128xf32, #tpu.memory_space<vmem>>, vector<16xf32>,
      %parallel_loop3A_487 = arith.index_cast %parallel_loop3A_465 : i32 to index
      %parallel_loop3A_488 = arith.constant 112 : index
      %parallel_loop3A_489 = tpu.vector_load %arg10[%parallel_loop3A_487, %parallel_loop3A_488] {strides = array<i32>} : memref<32x128xf32, #tpu.memory_space<vmem>>, vector<16xf32>,
      %parallel_loop3A_490 = arith.index_cast %parallel_loop3A_465 : i32 to index
      %parallel_loop3A_491 = arith.constant 0 : index
      %parallel_loop3A_492 = tpu.vector_load %arg12[%parallel_loop3A_490, %parallel_loop3A_491] {strides = array<i32>} : memref<32x128xf32, #tpu.memory_space<vmem>>, vector<16xf32>,
      %parallel_loop3A_493 = arith.index_cast %parallel_loop3A_465 : i32 to index
      %parallel_loop3A_494 = arith.constant 16 : index
      %parallel_loop3A_495 = tpu.vector_load %arg12[%parallel_loop3A_493, %parallel_loop3A_494] {strides = array<i32>} : memref<32x128xf32, #tpu.memory_space<vmem>>, vector<16xf32>,
      %parallel_loop3A_496 = arith.index_cast %parallel_loop3A_465 : i32 to index
      %parallel_loop3A_497 = arith.constant 32 : index
      %parallel_loop3A_498 = tpu.vector_load %arg12[%parallel_loop3A_496, %parallel_loop3A_497] {strides = array<i32>} : memref<32x128xf32, #tpu.memory_space<vmem>>, vector<16xf32>,
      %parallel_loop3A_499 = arith.index_cast %parallel_loop3A_465 : i32 to index
      %parallel_loop3A_500 = arith.constant 48 : index
      %parallel_loop3A_501 = tpu.vector_load %arg12[%parallel_loop3A_499, %parallel_loop3A_500] {strides = array<i32>} : memref<32x128xf32, #tpu.memory_space<vmem>>, vector<16xf32>,
      %parallel_loop3A_502 = arith.index_cast %parallel_loop3A_465 : i32 to index
      %parallel_loop3A_503 = arith.constant 64 : index
      %parallel_loop3A_504 = tpu.vector_load %arg12[%parallel_loop3A_502, %parallel_loop3A_503] {strides = array<i32>} : memref<32x128xf32, #tpu.memory_space<vmem>>, vector<16xf32>,
      %parallel_loop3A_505 = arith.index_cast %parallel_loop3A_465 : i32 to index
      %parallel_loop3A_506 = arith.constant 80 : index
      %parallel_loop3A_507 = tpu.vector_load %arg12[%parallel_loop3A_505, %parallel_loop3A_506] {strides = array<i32>} : memref<32x128xf32, #tpu.memory_space<vmem>>, vector<16xf32>,
      %parallel_loop3A_508 = arith.index_cast %parallel_loop3A_465 : i32 to index
      %parallel_loop3A_509 = arith.constant 96 : index
      %parallel_loop3A_510 = tpu.vector_load %arg12[%parallel_loop3A_508, %parallel_loop3A_509] {strides = array<i32>} : memref<32x128xf32, #tpu.memory_space<vmem>>, vector<16xf32>,
      %parallel_loop3A_511 = arith.index_cast %parallel_loop3A_465 : i32 to index
      %parallel_loop3A_512 = arith.constant 112 : index
      %parallel_loop3A_513 = tpu.vector_load %arg12[%parallel_loop3A_511, %parallel_loop3A_512] {strides = array<i32>} : memref<32x128xf32, #tpu.memory_space<vmem>>, vector<16xf32>,
      %parallel_loop3A_514 = arith.mulf %parallel_loop3A_468, %parallel_loop3A_492 : vector<16xf32>
      %parallel_loop3A_515 = arith.mulf %parallel_loop3A_471, %parallel_loop3A_495 : vector<16xf32>
      %parallel_loop3A_516 = arith.mulf %parallel_loop3A_474, %parallel_loop3A_498 : vector<16xf32>
      %parallel_loop3A_517 = arith.mulf %parallel_loop3A_477, %parallel_loop3A_501 : vector<16xf32>
      %parallel_loop3A_518 = arith.mulf %parallel_loop3A_468, %parallel_loop3A_468 : vector<16xf32>
      %parallel_loop3A_519 = arith.mulf %parallel_loop3A_471, %parallel_loop3A_471 : vector<16xf32>
      %parallel_loop3A_520 = arith.mulf %parallel_loop3A_474, %parallel_loop3A_474 : vector<16xf32>
      %parallel_loop3A_521 = arith.mulf %parallel_loop3A_477, %parallel_loop3A_477 : vector<16xf32>
      %parallel_loop3A_522 = arith.mulf %parallel_loop3A_480, %parallel_loop3A_504 : vector<16xf32>
      %parallel_loop3A_523 = arith.addf %parallel_loop3A_514, %parallel_loop3A_522 : vector<16xf32>
      %parallel_loop3A_524 = arith.mulf %parallel_loop3A_483, %parallel_loop3A_507 : vector<16xf32>
      %parallel_loop3A_525 = arith.addf %parallel_loop3A_515, %parallel_loop3A_524 : vector<16xf32>
      %parallel_loop3A_526 = arith.mulf %parallel_loop3A_486, %parallel_loop3A_510 : vector<16xf32>
      %parallel_loop3A_527 = arith.addf %parallel_loop3A_516, %parallel_loop3A_526 : vector<16xf32>
      %parallel_loop3A_528 = arith.mulf %parallel_loop3A_489, %parallel_loop3A_513 : vector<16xf32>
      %parallel_loop3A_529 = arith.addf %parallel_loop3A_517, %parallel_loop3A_528 : vector<16xf32>
      %parallel_loop3A_530 = arith.mulf %parallel_loop3A_480, %parallel_loop3A_480 : vector<16xf32>
      %parallel_loop3A_531 = arith.addf %parallel_loop3A_518, %parallel_loop3A_530 : vector<16xf32>
      %parallel_loop3A_532 = arith.mulf %parallel_loop3A_483, %parallel_loop3A_483 : vector<16xf32>
      %parallel_loop3A_533 = arith.addf %parallel_loop3A_519, %parallel_loop3A_532 : vector<16xf32>
      %parallel_loop3A_534 = arith.mulf %parallel_loop3A_486, %parallel_loop3A_486 : vector<16xf32>
      %parallel_loop3A_535 = arith.addf %parallel_loop3A_520, %parallel_loop3A_534 : vector<16xf32>
      %parallel_loop3A_536 = arith.mulf %parallel_loop3A_489, %parallel_loop3A_489 : vector<16xf32>
      %parallel_loop3A_537 = arith.addf %parallel_loop3A_521, %parallel_loop3A_536 : vector<16xf32>
      %parallel_loop3A_538 = arith.addf %parallel_loop3A_523, %parallel_loop3A_525 : vector<16xf32>
      %parallel_loop3A_539 = arith.addf %parallel_loop3A_527, %parallel_loop3A_529 : vector<16xf32>
      %parallel_loop3A_540 = arith.addf %parallel_loop3A_538, %parallel_loop3A_539 : vector<16xf32>
      %parallel_loop3A_541 = arith.constant true
      %parallel_loop3A_542 = vector.broadcast %parallel_loop3A_541 : i1 to vector<16xi1>
      %parallel_loop3A_543 = tpu.scan <sum>, %parallel_loop3A_540 masked %parallel_loop3A_542 : vector<16xf32>, vector<16xi1> -> vector<16xf32>
      %parallel_loop3A_544 = vector.extract %parallel_loop3A_543[15] : f32 from vector<16xf32>
      %parallel_loop3A_545 = arith.addf %parallel_loop3A_531, %parallel_loop3A_533 : vector<16xf32>
      %parallel_loop3A_546 = arith.addf %parallel_loop3A_535, %parallel_loop3A_537 : vector<16xf32>
      %parallel_loop3A_547 = arith.addf %parallel_loop3A_545, %parallel_loop3A_546 : vector<16xf32>
      %parallel_loop3A_548 = arith.constant true
      %parallel_loop3A_549 = vector.broadcast %parallel_loop3A_548 : i1 to vector<16xi1>
      %parallel_loop3A_550 = tpu.scan <sum>, %parallel_loop3A_547 masked %parallel_loop3A_549 : vector<16xf32>, vector<16xi1> -> vector<16xf32>
      %parallel_loop3A_551 = vector.extract %parallel_loop3A_550[15] : f32 from vector<16xf32>
      %parallel_loop3A_552 = vector.broadcast %parallel_loop3A_551 : f32 to vector<16xf32>
      %parallel_loop3A_553 = arith.mulf %parallel_loop3A_552, %broadcast_in_dim3A_103 : vector<16xf32>
      %parallel_loop3A_554 = arith.constant 1.000000e-24 : f32
      %parallel_loop3A_555 = vector.broadcast %parallel_loop3A_554 : f32 to vector<16xf32>
      %parallel_loop3A_556 = arith.maximumf %parallel_loop3A_553, %parallel_loop3A_555 : vector<16xf32>
      %parallel_loop3A_557 = tpu.bitcast %parallel_loop3A_556 : vector<16xf32> -> vector<16xi32>
      %parallel_loop3A_558 = arith.shrui %parallel_loop3A_557, %broadcast_in_dim3A_107 : vector<16xi32>
      %parallel_loop3A_559 = arith.subi %broadcast_in_dim3A_105, %parallel_loop3A_558 : vector<16xi32>
      %parallel_loop3A_560 = tpu.bitcast %parallel_loop3A_559 : vector<16xi32> -> vector<16xf32>
      %parallel_loop3A_561 = arith.mulf %broadcast_in_dim3A_109, %parallel_loop3A_556 : vector<16xf32>
      %parallel_loop3A_562 = arith.mulf %parallel_loop3A_561, %parallel_loop3A_560 : vector<16xf32>
      %parallel_loop3A_563 = arith.mulf %parallel_loop3A_562, %parallel_loop3A_560 : vector<16xf32>
      %parallel_loop3A_564 = arith.subf %broadcast_in_dim3A_111, %parallel_loop3A_563 : vector<16xf32>
      %parallel_loop3A_565 = arith.mulf %parallel_loop3A_560, %parallel_loop3A_564 : vector<16xf32>
      %parallel_loop3A_566 = arith.mulf %parallel_loop3A_561, %parallel_loop3A_565 : vector<16xf32>
      %parallel_loop3A_567 = arith.mulf %parallel_loop3A_566, %parallel_loop3A_565 : vector<16xf32>
      %parallel_loop3A_568 = arith.subf %broadcast_in_dim3A_111, %parallel_loop3A_567 : vector<16xf32>
      %parallel_loop3A_569 = arith.mulf %parallel_loop3A_565, %parallel_loop3A_568 : vector<16xf32>
      %parallel_loop3A_570 = arith.mulf %parallel_loop3A_561, %parallel_loop3A_569 : vector<16xf32>
      %parallel_loop3A_571 = arith.mulf %parallel_loop3A_570, %parallel_loop3A_569 : vector<16xf32>
      %parallel_loop3A_572 = arith.subf %broadcast_in_dim3A_111, %parallel_loop3A_571 : vector<16xf32>
      %parallel_loop3A_573 = arith.mulf %parallel_loop3A_569, %parallel_loop3A_572 : vector<16xf32>
      %parallel_loop3A_574 = vector.broadcast %parallel_loop3A_544 : f32 to vector<16xf32>
      %parallel_loop3A_575 = arith.mulf %parallel_loop3A_574, %get3A_3 : vector<16xf32>
      %parallel_loop3A_576 = arith.mulf %parallel_loop3A_575, %parallel_loop3A_573 : vector<16xf32>
      %parallel_loop3A_577 = arith.addf %parallel_loop3A_576, %get3A_7 : vector<16xf32>
      %parallel_loop3A_578 = math.exp %parallel_loop3A_577 : vector<16xf32>
      %parallel_loop3A_579 = arith.mulf %parallel_loop3A_468, %parallel_loop3A_578 : vector<16xf32>
      %parallel_loop3A_580 = arith.index_cast %parallel_loop3A_465 : i32 to index
      %parallel_loop3A_581 = arith.constant 0 : index
      %parallel_loop3A_582 = tpu.vector_load %arg14[%parallel_loop3A_580, %parallel_loop3A_581] {strides = array<i32>} : memref<32x144xf32, #tpu.memory_space<vmem>>, vector<16xf32>,
      tpu.vector_store %arg14[%parallel_loop3A_580, %parallel_loop3A_581], %parallel_loop3A_579 {strides = array<i32>} : memref<32x144xf32, #tpu.memory_space<vmem>>, vector<16xf32>,
      %parallel_loop3A_583 = arith.mulf %parallel_loop3A_471, %parallel_loop3A_578 : vector<16xf32>
      %parallel_loop3A_584 = arith.index_cast %parallel_loop3A_465 : i32 to index
      %parallel_loop3A_585 = arith.constant 16 : index
      %parallel_loop3A_586 = tpu.vector_load %arg14[%parallel_loop3A_584, %parallel_loop3A_585] {strides = array<i32>} : memref<32x144xf32, #tpu.memory_space<vmem>>, vector<16xf32>,
      tpu.vector_store %arg14[%parallel_loop3A_584, %parallel_loop3A_585], %parallel_loop3A_583 {strides = array<i32>} : memref<32x144xf32, #tpu.memory_space<vmem>>, vector<16xf32>,
      %parallel_loop3A_587 = arith.mulf %parallel_loop3A_474, %parallel_loop3A_578 : vector<16xf32>
      %parallel_loop3A_588 = arith.index_cast %parallel_loop3A_465 : i32 to index
      %parallel_loop3A_589 = arith.constant 32 : index
      %parallel_loop3A_590 = tpu.vector_load %arg14[%parallel_loop3A_588, %parallel_loop3A_589] {strides = array<i32>} : memref<32x144xf32, #tpu.memory_space<vmem>>, vector<16xf32>,
      tpu.vector_store %arg14[%parallel_loop3A_588, %parallel_loop3A_589], %parallel_loop3A_587 {strides = array<i32>} : memref<32x144xf32, #tpu.memory_space<vmem>>, vector<16xf32>,
      %parallel_loop3A_591 = arith.mulf %parallel_loop3A_477, %parallel_loop3A_578 : vector<16xf32>
      %parallel_loop3A_592 = arith.index_cast %parallel_loop3A_465 : i32 to index
      %parallel_loop3A_593 = arith.constant 48 : index
      %parallel_loop3A_594 = tpu.vector_load %arg14[%parallel_loop3A_592, %parallel_loop3A_593] {strides = array<i32>} : memref<32x144xf32, #tpu.memory_space<vmem>>, vector<16xf32>,
      tpu.vector_store %arg14[%parallel_loop3A_592, %parallel_loop3A_593], %parallel_loop3A_591 {strides = array<i32>} : memref<32x144xf32, #tpu.memory_space<vmem>>, vector<16xf32>,
      %parallel_loop3A_595 = arith.mulf %parallel_loop3A_480, %parallel_loop3A_578 : vector<16xf32>
      %parallel_loop3A_596 = arith.index_cast %parallel_loop3A_465 : i32 to index
      %parallel_loop3A_597 = arith.constant 64 : index
      %parallel_loop3A_598 = tpu.vector_load %arg14[%parallel_loop3A_596, %parallel_loop3A_597] {strides = array<i32>} : memref<32x144xf32, #tpu.memory_space<vmem>>, vector<16xf32>,
      tpu.vector_store %arg14[%parallel_loop3A_596, %parallel_loop3A_597], %parallel_loop3A_595 {strides = array<i32>} : memref<32x144xf32, #tpu.memory_space<vmem>>, vector<16xf32>,
      %parallel_loop3A_599 = arith.mulf %parallel_loop3A_483, %parallel_loop3A_578 : vector<16xf32>
      %parallel_loop3A_600 = arith.index_cast %parallel_loop3A_465 : i32 to index
      %parallel_loop3A_601 = arith.constant 80 : index
      %parallel_loop3A_602 = tpu.vector_load %arg14[%parallel_loop3A_600, %parallel_loop3A_601] {strides = array<i32>} : memref<32x144xf32, #tpu.memory_space<vmem>>, vector<16xf32>,
      tpu.vector_store %arg14[%parallel_loop3A_600, %parallel_loop3A_601], %parallel_loop3A_599 {strides = array<i32>} : memref<32x144xf32, #tpu.memory_space<vmem>>, vector<16xf32>,
      %parallel_loop3A_603 = arith.mulf %parallel_loop3A_486, %parallel_loop3A_578 : vector<16xf32>
      %parallel_loop3A_604 = arith.index_cast %parallel_loop3A_465 : i32 to index
      %parallel_loop3A_605 = arith.constant 96 : index
      %parallel_loop3A_606 = tpu.vector_load %arg14[%parallel_loop3A_604, %parallel_loop3A_605] {strides = array<i32>} : memref<32x144xf32, #tpu.memory_space<vmem>>, vector<16xf32>,
      tpu.vector_store %arg14[%parallel_loop3A_604, %parallel_loop3A_605], %parallel_loop3A_603 {strides = array<i32>} : memref<32x144xf32, #tpu.memory_space<vmem>>, vector<16xf32>,
      %parallel_loop3A_607 = arith.mulf %parallel_loop3A_489, %parallel_loop3A_578 : vector<16xf32>
      %parallel_loop3A_608 = arith.index_cast %parallel_loop3A_465 : i32 to index
      %parallel_loop3A_609 = arith.constant 112 : index
      %parallel_loop3A_610 = tpu.vector_load %arg14[%parallel_loop3A_608, %parallel_loop3A_609] {strides = array<i32>} : memref<32x144xf32, #tpu.memory_space<vmem>>, vector<16xf32>,
      tpu.vector_store %arg14[%parallel_loop3A_608, %parallel_loop3A_609], %parallel_loop3A_607 {strides = array<i32>} : memref<32x144xf32, #tpu.memory_space<vmem>>, vector<16xf32>,
      %parallel_loop3A_611 = arith.index_cast %parallel_loop3A_465 : i32 to index
      %parallel_loop3A_612 = arith.constant 128 : index
      %parallel_loop3A_613 = tpu.vector_load %arg14[%parallel_loop3A_611, %parallel_loop3A_612] {strides = array<i32>} : memref<32x144xf32, #tpu.memory_space<vmem>>, vector<16xf32>,
      tpu.vector_store %arg14[%parallel_loop3A_611, %parallel_loop3A_612], %parallel_loop3A_578 {strides = array<i32>} : memref<32x144xf32, #tpu.memory_space<vmem>>, vector<16xf32>,
    } {sc.loop_unroll_factor = 4 : i64, sc.parallel_access}
    %get3A_376 = arith.constant 39 : i32
    %get3A_377 = arith.index_cast %get3A_376 : i32 to index
    %get3A_378 = arith.constant 96 : index
    %get3A_379 = tpu.vector_load %arg9[%get3A_377, %get3A_378] {strides = array<i32>} : memref<40x128xi32, #tpu.memory_space<vmem>>, vector<16xi32>,
    %and3A_380 = arith.andi %get3A_379, %broadcast_in_dim3A_99 : vector<16xi32>
    %swap3A_381 = arith.constant 0 : i32
    %swap3A_382 = arith.index_cast %swap3A_381 : i32 to index
    %swap3A_383 = arith.constant 0 : index
    %swap3A_384 = tpu.vector_load %arg20[%swap3A_382, %swap3A_383] {strides = array<i32>} : memref<1x32xi32, #tpu.memory_space<vmem>>, vector<16xi32>,
    tpu.vector_store %arg20[%swap3A_382, %swap3A_383], %and3A_380 {strides = array<i32>} : memref<1x32xi32, #tpu.memory_space<vmem>>, vector<16xi32>,
    %shift_right_logical3A_385 = arith.shrui %get3A_379, %broadcast_in_dim3A_101 : vector<16xi32>
    %swap3A_386 = arith.constant 0 : i32
    %swap3A_387 = arith.index_cast %swap3A_386 : i32 to index
    %swap3A_388 = arith.constant 16 : index
    %swap3A_389 = tpu.vector_load %arg20[%swap3A_387, %swap3A_388] {strides = array<i32>} : memref<1x32xi32, #tpu.memory_space<vmem>>, vector<16xi32>,
    tpu.vector_store %arg20[%swap3A_387, %swap3A_388], %shift_right_logical3A_385 {strides = array<i32>} : memref<1x32xi32, #tpu.memory_space<vmem>>, vector<16xi32>,
    %dma_start3A_390 = arith.constant 0 : i32
    %dma_start3A_391 = arith.constant 0 : i32
    %dma_start3A_392 = tpu.memref_slice %arg20[%dma_start3A_390, %dma_start3A_391] : memref<1x32xi32, #tpu.memory_space<vmem>> -> memref<1x32xi32, #tpu.memory_space<vmem>>
    %dma_start3A_393 = tpu.memref_squeeze %dma_start3A_392 : memref<1x32xi32, #tpu.memory_space<vmem>> -> memref<32xi32, #tpu.memory_space<vmem>>
    %dma_start3A_394 = arith.constant 0 : i32
    %dma_start3A_395 = arith.constant 0 : i32
    %dma_start3A_396 = tpu.memref_slice %arg23[%dma_start3A_394, %dma_start3A_395] : memref<10240x144xf32, #tpu.memory_space<vmem_shared>> -> memref<10240x144xf32, #tpu.memory_space<vmem_shared>>
    tpu.enqueue_indirect_dma source(%arg14 : memref<32x144xf32, #tpu.memory_space<vmem>>) target(%dma_start3A_396 : memref<10240x144xf32, #tpu.memory_space<vmem_shared>>) offsets(%dma_start3A_393 : memref<32xi32, #tpu.memory_space<vmem>>) semaphore(%arg26 : memref<!tpu.dma_semaphore, #tpu.memory_space<semaphore_mem>>) {add = true}
    %dma_wait3A_397 = arith.constant 0 : i32
    %dma_wait3A_398 = arith.constant 0 : i32
    %dma_wait3A_399 = tpu.memref_slice %arg2[%dma_wait3A_397, %dma_wait3A_398] : memref<10000x128xf32, #tpu.memory_space<hbm>> -> memref<32x128xf32, #tpu.memory_space<hbm>>
    %dma_wait3A_400 = arith.constant 0 : i32
    %dma_wait3A_401 = arith.constant 0 : i32
    %dma_wait3A_402 = tpu.memref_slice %arg2[%dma_wait3A_400, %dma_wait3A_401] : memref<10000x128xf32, #tpu.memory_space<hbm>> -> memref<32x128xf32, #tpu.memory_space<hbm>>
    tpu.wait_dma2 semaphore(%arg27 : memref<!tpu.dma_semaphore, #tpu.memory_space<semaphore_mem>>) src(%dma_wait3A_402 : memref<32x128xf32, #tpu.memory_space<hbm>>) dst(%arg11 : memref<32x128xf32, #tpu.memory_space<vmem>>)
    %dma_wait3A_403 = arith.constant 0 : i32
    %dma_wait3A_404 = arith.constant 0 : i32
    %dma_wait3A_405 = tpu.memref_slice %arg3[%dma_wait3A_403, %dma_wait3A_404] : memref<10240x128xf32, #tpu.memory_space<hbm>> -> memref<32x128xf32, #tpu.memory_space<hbm>>
    %dma_wait3A_406 = arith.constant 0 : i32
    %dma_wait3A_407 = arith.constant 0 : i32
    %dma_wait3A_408 = tpu.memref_slice %arg3[%dma_wait3A_406, %dma_wait3A_407] : memref<10240x128xf32, #tpu.memory_space<hbm>> -> memref<32x128xf32, #tpu.memory_space<hbm>>
    tpu.wait_dma2 semaphore(%arg28 : memref<!tpu.dma_semaphore, #tpu.memory_space<semaphore_mem>>) src(%dma_wait3A_408 : memref<32x128xf32, #tpu.memory_space<hbm>>) dst(%arg13 : memref<32x128xf32, #tpu.memory_space<vmem>>)
    %dma_wait3A_409 = arith.constant 0 : i32
    %dma_wait3A_410 = arith.constant 0 : i32
    %dma_wait3A_411 = arith.constant 0 : i32
    %dma_wait3A_412 = tpu.memref_slice %arg7[%dma_wait3A_409, %dma_wait3A_410, %dma_wait3A_411] : memref<2x10240x144xf32, #tpu.memory_space<hbm>> -> memref<1x32x144xf32, #tpu.memory_space<hbm>>
    %dma_wait3A_413 = tpu.memref_squeeze %dma_wait3A_412 : memref<1x32x144xf32, #tpu.memory_space<hbm>> -> memref<32x144xf32, #tpu.memory_space<hbm>>
    %dma_wait3A_414 = arith.constant 0 : i32
    %dma_wait3A_415 = arith.constant 0 : i32
    %dma_wait3A_416 = tpu.memref_slice %arg7[%dma_wait3A_409, %dma_wait3A_414, %dma_wait3A_415] : memref<2x10240x144xf32, #tpu.memory_space<hbm>> -> memref<1x32x144xf32, #tpu.memory_space<hbm>>
    %dma_wait3A_417 = tpu.memref_squeeze %dma_wait3A_416 : memref<1x32x144xf32, #tpu.memory_space<hbm>> -> memref<32x144xf32, #tpu.memory_space<hbm>>
    tpu.wait_dma2 semaphore(%arg29 : memref<!tpu.dma_semaphore, #tpu.memory_space<semaphore_mem>>) src(%dma_wait3A_417 : memref<32x144xf32, #tpu.memory_space<hbm>>) dst(%arg15 : memref<32x144xf32, #tpu.memory_space<vmem>>)
    %parallel_loop3A_418 = arith.constant 0 : i32
    %parallel_loop3A_419 = arith.constant 32 : i32
    %parallel_loop3A_420 = arith.constant 1 : i32
    scf.for %parallel_loop3A_465 = %parallel_loop3A_418 to %parallel_loop3A_419 step %parallel_loop3A_420  : i32 {
      %parallel_loop3A_466 = arith.index_cast %parallel_loop3A_465 : i32 to index
      %parallel_loop3A_467 = arith.constant 0 : index
      %parallel_loop3A_468 = tpu.vector_load %arg11[%parallel_loop3A_466, %parallel_loop3A_467] {strides = array<i32>} : memref<32x128xf32, #tpu.memory_space<vmem>>, vector<16xf32>,
      %parallel_loop3A_469 = arith.index_cast %parallel_loop3A_465 : i32 to index
      %parallel_loop3A_470 = arith.constant 16 : index
      %parallel_loop3A_471 = tpu.vector_load %arg11[%parallel_loop3A_469, %parallel_loop3A_470] {strides = array<i32>} : memref<32x128xf32, #tpu.memory_space<vmem>>, vector<16xf32>,
      %parallel_loop3A_472 = arith.index_cast %parallel_loop3A_465 : i32 to index
      %parallel_loop3A_473 = arith.constant 32 : index
      %parallel_loop3A_474 = tpu.vector_load %arg11[%parallel_loop3A_472, %parallel_loop3A_473] {strides = array<i32>} : memref<32x128xf32, #tpu.memory_space<vmem>>, vector<16xf32>,
      %parallel_loop3A_475 = arith.index_cast %parallel_loop3A_465 : i32 to index
      %parallel_loop3A_476 = arith.constant 48 : index
      %parallel_loop3A_477 = tpu.vector_load %arg11[%parallel_loop3A_475, %parallel_loop3A_476] {strides = array<i32>} : memref<32x128xf32, #tpu.memory_space<vmem>>, vector<16xf32>,
      %parallel_loop3A_478 = arith.index_cast %parallel_loop3A_465 : i32 to index
      %parallel_loop3A_479 = arith.constant 64 : index
      %parallel_loop3A_480 = tpu.vector_load %arg11[%parallel_loop3A_478, %parallel_loop3A_479] {strides = array<i32>} : memref<32x128xf32, #tpu.memory_space<vmem>>, vector<16xf32>,
      %parallel_loop3A_481 = arith.index_cast %parallel_loop3A_465 : i32 to index
      %parallel_loop3A_482 = arith.constant 80 : index
      %parallel_loop3A_483 = tpu.vector_load %arg11[%parallel_loop3A_481, %parallel_loop3A_482] {strides = array<i32>} : memref<32x128xf32, #tpu.memory_space<vmem>>, vector<16xf32>,
      %parallel_loop3A_484 = arith.index_cast %parallel_loop3A_465 : i32 to index
      %parallel_loop3A_485 = arith.constant 96 : index
      %parallel_loop3A_486 = tpu.vector_load %arg11[%parallel_loop3A_484, %parallel_loop3A_485] {strides = array<i32>} : memref<32x128xf32, #tpu.memory_space<vmem>>, vector<16xf32>,
      %parallel_loop3A_487 = arith.index_cast %parallel_loop3A_465 : i32 to index
      %parallel_loop3A_488 = arith.constant 112 : index
      %parallel_loop3A_489 = tpu.vector_load %arg11[%parallel_loop3A_487, %parallel_loop3A_488] {strides = array<i32>} : memref<32x128xf32, #tpu.memory_space<vmem>>, vector<16xf32>,
      %parallel_loop3A_490 = arith.index_cast %parallel_loop3A_465 : i32 to index
      %parallel_loop3A_491 = arith.constant 0 : index
      %parallel_loop3A_492 = tpu.vector_load %arg13[%parallel_loop3A_490, %parallel_loop3A_491] {strides = array<i32>} : memref<32x128xf32, #tpu.memory_space<vmem>>, vector<16xf32>,
      %parallel_loop3A_493 = arith.index_cast %parallel_loop3A_465 : i32 to index
      %parallel_loop3A_494 = arith.constant 16 : index
      %parallel_loop3A_495 = tpu.vector_load %arg13[%parallel_loop3A_493, %parallel_loop3A_494] {strides = array<i32>} : memref<32x128xf32, #tpu.memory_space<vmem>>, vector<16xf32>,
      %parallel_loop3A_496 = arith.index_cast %parallel_loop3A_465 : i32 to index
      %parallel_loop3A_497 = arith.constant 32 : index
      %parallel_loop3A_498 = tpu.vector_load %arg13[%parallel_loop3A_496, %parallel_loop3A_497] {strides = array<i32>} : memref<32x128xf32, #tpu.memory_space<vmem>>, vector<16xf32>,
      %parallel_loop3A_499 = arith.index_cast %parallel_loop3A_465 : i32 to index
      %parallel_loop3A_500 = arith.constant 48 : index
      %parallel_loop3A_501 = tpu.vector_load %arg13[%parallel_loop3A_499, %parallel_loop3A_500] {strides = array<i32>} : memref<32x128xf32, #tpu.memory_space<vmem>>, vector<16xf32>,
      %parallel_loop3A_502 = arith.index_cast %parallel_loop3A_465 : i32 to index
      %parallel_loop3A_503 = arith.constant 64 : index
      %parallel_loop3A_504 = tpu.vector_load %arg13[%parallel_loop3A_502, %parallel_loop3A_503] {strides = array<i32>} : memref<32x128xf32, #tpu.memory_space<vmem>>, vector<16xf32>,
      %parallel_loop3A_505 = arith.index_cast %parallel_loop3A_465 : i32 to index
      %parallel_loop3A_506 = arith.constant 80 : index
      %parallel_loop3A_507 = tpu.vector_load %arg13[%parallel_loop3A_505, %parallel_loop3A_506] {strides = array<i32>} : memref<32x128xf32, #tpu.memory_space<vmem>>, vector<16xf32>,
      %parallel_loop3A_508 = arith.index_cast %parallel_loop3A_465 : i32 to index
      %parallel_loop3A_509 = arith.constant 96 : index
      %parallel_loop3A_510 = tpu.vector_load %arg13[%parallel_loop3A_508, %parallel_loop3A_509] {strides = array<i32>} : memref<32x128xf32, #tpu.memory_space<vmem>>, vector<16xf32>,
      %parallel_loop3A_511 = arith.index_cast %parallel_loop3A_465 : i32 to index
      %parallel_loop3A_512 = arith.constant 112 : index
      %parallel_loop3A_513 = tpu.vector_load %arg13[%parallel_loop3A_511, %parallel_loop3A_512] {strides = array<i32>} : memref<32x128xf32, #tpu.memory_space<vmem>>, vector<16xf32>,
      %parallel_loop3A_514 = arith.mulf %parallel_loop3A_468, %parallel_loop3A_492 : vector<16xf32>
      %parallel_loop3A_515 = arith.mulf %parallel_loop3A_471, %parallel_loop3A_495 : vector<16xf32>
      %parallel_loop3A_516 = arith.mulf %parallel_loop3A_474, %parallel_loop3A_498 : vector<16xf32>
      %parallel_loop3A_517 = arith.mulf %parallel_loop3A_477, %parallel_loop3A_501 : vector<16xf32>
      %parallel_loop3A_518 = arith.mulf %parallel_loop3A_468, %parallel_loop3A_468 : vector<16xf32>
      %parallel_loop3A_519 = arith.mulf %parallel_loop3A_471, %parallel_loop3A_471 : vector<16xf32>
      %parallel_loop3A_520 = arith.mulf %parallel_loop3A_474, %parallel_loop3A_474 : vector<16xf32>
      %parallel_loop3A_521 = arith.mulf %parallel_loop3A_477, %parallel_loop3A_477 : vector<16xf32>
      %parallel_loop3A_522 = arith.mulf %parallel_loop3A_480, %parallel_loop3A_504 : vector<16xf32>
      %parallel_loop3A_523 = arith.addf %parallel_loop3A_514, %parallel_loop3A_522 : vector<16xf32>
      %parallel_loop3A_524 = arith.mulf %parallel_loop3A_483, %parallel_loop3A_507 : vector<16xf32>
      %parallel_loop3A_525 = arith.addf %parallel_loop3A_515, %parallel_loop3A_524 : vector<16xf32>
      %parallel_loop3A_526 = arith.mulf %parallel_loop3A_486, %parallel_loop3A_510 : vector<16xf32>
      %parallel_loop3A_527 = arith.addf %parallel_loop3A_516, %parallel_loop3A_526 : vector<16xf32>
      %parallel_loop3A_528 = arith.mulf %parallel_loop3A_489, %parallel_loop3A_513 : vector<16xf32>
      %parallel_loop3A_529 = arith.addf %parallel_loop3A_517, %parallel_loop3A_528 : vector<16xf32>
      %parallel_loop3A_530 = arith.mulf %parallel_loop3A_480, %parallel_loop3A_480 : vector<16xf32>
      %parallel_loop3A_531 = arith.addf %parallel_loop3A_518, %parallel_loop3A_530 : vector<16xf32>
      %parallel_loop3A_532 = arith.mulf %parallel_loop3A_483, %parallel_loop3A_483 : vector<16xf32>
      %parallel_loop3A_533 = arith.addf %parallel_loop3A_519, %parallel_loop3A_532 : vector<16xf32>
      %parallel_loop3A_534 = arith.mulf %parallel_loop3A_486, %parallel_loop3A_486 : vector<16xf32>
      %parallel_loop3A_535 = arith.addf %parallel_loop3A_520, %parallel_loop3A_534 : vector<16xf32>
      %parallel_loop3A_536 = arith.mulf %parallel_loop3A_489, %parallel_loop3A_489 : vector<16xf32>
      %parallel_loop3A_537 = arith.addf %parallel_loop3A_521, %parallel_loop3A_536 : vector<16xf32>
      %parallel_loop3A_538 = arith.addf %parallel_loop3A_523, %parallel_loop3A_525 : vector<16xf32>
      %parallel_loop3A_539 = arith.addf %parallel_loop3A_527, %parallel_loop3A_529 : vector<16xf32>
      %parallel_loop3A_540 = arith.addf %parallel_loop3A_538, %parallel_loop3A_539 : vector<16xf32>
      %parallel_loop3A_541 = arith.constant true
      %parallel_loop3A_542 = vector.broadcast %parallel_loop3A_541 : i1 to vector<16xi1>
      %parallel_loop3A_543 = tpu.scan <sum>, %parallel_loop3A_540 masked %parallel_loop3A_542 : vector<16xf32>, vector<16xi1> -> vector<16xf32>
      %parallel_loop3A_544 = vector.extract %parallel_loop3A_543[15] : f32 from vector<16xf32>
      %parallel_loop3A_545 = arith.addf %parallel_loop3A_531, %parallel_loop3A_533 : vector<16xf32>
      %parallel_loop3A_546 = arith.addf %parallel_loop3A_535, %parallel_loop3A_537 : vector<16xf32>
      %parallel_loop3A_547 = arith.addf %parallel_loop3A_545, %parallel_loop3A_546 : vector<16xf32>
      %parallel_loop3A_548 = arith.constant true
      %parallel_loop3A_549 = vector.broadcast %parallel_loop3A_548 : i1 to vector<16xi1>
      %parallel_loop3A_550 = tpu.scan <sum>, %parallel_loop3A_547 masked %parallel_loop3A_549 : vector<16xf32>, vector<16xi1> -> vector<16xf32>
      %parallel_loop3A_551 = vector.extract %parallel_loop3A_550[15] : f32 from vector<16xf32>
      %parallel_loop3A_552 = vector.broadcast %parallel_loop3A_551 : f32 to vector<16xf32>
      %parallel_loop3A_553 = arith.mulf %parallel_loop3A_552, %broadcast_in_dim3A_103 : vector<16xf32>
      %parallel_loop3A_554 = arith.constant 1.000000e-24 : f32
      %parallel_loop3A_555 = vector.broadcast %parallel_loop3A_554 : f32 to vector<16xf32>
      %parallel_loop3A_556 = arith.maximumf %parallel_loop3A_553, %parallel_loop3A_555 : vector<16xf32>
      %parallel_loop3A_557 = tpu.bitcast %parallel_loop3A_556 : vector<16xf32> -> vector<16xi32>
      %parallel_loop3A_558 = arith.shrui %parallel_loop3A_557, %broadcast_in_dim3A_107 : vector<16xi32>
      %parallel_loop3A_559 = arith.subi %broadcast_in_dim3A_105, %parallel_loop3A_558 : vector<16xi32>
      %parallel_loop3A_560 = tpu.bitcast %parallel_loop3A_559 : vector<16xi32> -> vector<16xf32>
      %parallel_loop3A_561 = arith.mulf %broadcast_in_dim3A_109, %parallel_loop3A_556 : vector<16xf32>
      %parallel_loop3A_562 = arith.mulf %parallel_loop3A_561, %parallel_loop3A_560 : vector<16xf32>
      %parallel_loop3A_563 = arith.mulf %parallel_loop3A_562, %parallel_loop3A_560 : vector<16xf32>
      %parallel_loop3A_564 = arith.subf %broadcast_in_dim3A_111, %parallel_loop3A_563 : vector<16xf32>
      %parallel_loop3A_565 = arith.mulf %parallel_loop3A_560, %parallel_loop3A_564 : vector<16xf32>
      %parallel_loop3A_566 = arith.mulf %parallel_loop3A_561, %parallel_loop3A_565 : vector<16xf32>
      %parallel_loop3A_567 = arith.mulf %parallel_loop3A_566, %parallel_loop3A_565 : vector<16xf32>
      %parallel_loop3A_568 = arith.subf %broadcast_in_dim3A_111, %parallel_loop3A_567 : vector<16xf32>
      %parallel_loop3A_569 = arith.mulf %parallel_loop3A_565, %parallel_loop3A_568 : vector<16xf32>
      %parallel_loop3A_570 = arith.mulf %parallel_loop3A_561, %parallel_loop3A_569 : vector<16xf32>
      %parallel_loop3A_571 = arith.mulf %parallel_loop3A_570, %parallel_loop3A_569 : vector<16xf32>
      %parallel_loop3A_572 = arith.subf %broadcast_in_dim3A_111, %parallel_loop3A_571 : vector<16xf32>
      %parallel_loop3A_573 = arith.mulf %parallel_loop3A_569, %parallel_loop3A_572 : vector<16xf32>
      %parallel_loop3A_574 = vector.broadcast %parallel_loop3A_544 : f32 to vector<16xf32>
      %parallel_loop3A_575 = arith.mulf %parallel_loop3A_574, %get3A_3 : vector<16xf32>
      %parallel_loop3A_576 = arith.mulf %parallel_loop3A_575, %parallel_loop3A_573 : vector<16xf32>
      %parallel_loop3A_577 = arith.addf %parallel_loop3A_576, %get3A_7 : vector<16xf32>
      %parallel_loop3A_578 = math.exp %parallel_loop3A_577 : vector<16xf32>
      %parallel_loop3A_579 = arith.mulf %parallel_loop3A_468, %parallel_loop3A_578 : vector<16xf32>
      %parallel_loop3A_580 = arith.index_cast %parallel_loop3A_465 : i32 to index
      %parallel_loop3A_581 = arith.constant 0 : index
      %parallel_loop3A_582 = tpu.vector_load %arg15[%parallel_loop3A_580, %parallel_loop3A_581] {strides = array<i32>} : memref<32x144xf32, #tpu.memory_space<vmem>>, vector<16xf32>,
      tpu.vector_store %arg15[%parallel_loop3A_580, %parallel_loop3A_581], %parallel_loop3A_579 {strides = array<i32>} : memref<32x144xf32, #tpu.memory_space<vmem>>, vector<16xf32>,
      %parallel_loop3A_583 = arith.mulf %parallel_loop3A_471, %parallel_loop3A_578 : vector<16xf32>
      %parallel_loop3A_584 = arith.index_cast %parallel_loop3A_465 : i32 to index
      %parallel_loop3A_585 = arith.constant 16 : index
      %parallel_loop3A_586 = tpu.vector_load %arg15[%parallel_loop3A_584, %parallel_loop3A_585] {strides = array<i32>} : memref<32x144xf32, #tpu.memory_space<vmem>>, vector<16xf32>,
      tpu.vector_store %arg15[%parallel_loop3A_584, %parallel_loop3A_585], %parallel_loop3A_583 {strides = array<i32>} : memref<32x144xf32, #tpu.memory_space<vmem>>, vector<16xf32>,
      %parallel_loop3A_587 = arith.mulf %parallel_loop3A_474, %parallel_loop3A_578 : vector<16xf32>
      %parallel_loop3A_588 = arith.index_cast %parallel_loop3A_465 : i32 to index
      %parallel_loop3A_589 = arith.constant 32 : index
      %parallel_loop3A_590 = tpu.vector_load %arg15[%parallel_loop3A_588, %parallel_loop3A_589] {strides = array<i32>} : memref<32x144xf32, #tpu.memory_space<vmem>>, vector<16xf32>,
      tpu.vector_store %arg15[%parallel_loop3A_588, %parallel_loop3A_589], %parallel_loop3A_587 {strides = array<i32>} : memref<32x144xf32, #tpu.memory_space<vmem>>, vector<16xf32>,
      %parallel_loop3A_591 = arith.mulf %parallel_loop3A_477, %parallel_loop3A_578 : vector<16xf32>
      %parallel_loop3A_592 = arith.index_cast %parallel_loop3A_465 : i32 to index
      %parallel_loop3A_593 = arith.constant 48 : index
      %parallel_loop3A_594 = tpu.vector_load %arg15[%parallel_loop3A_592, %parallel_loop3A_593] {strides = array<i32>} : memref<32x144xf32, #tpu.memory_space<vmem>>, vector<16xf32>,
      tpu.vector_store %arg15[%parallel_loop3A_592, %parallel_loop3A_593], %parallel_loop3A_591 {strides = array<i32>} : memref<32x144xf32, #tpu.memory_space<vmem>>, vector<16xf32>,
      %parallel_loop3A_595 = arith.mulf %parallel_loop3A_480, %parallel_loop3A_578 : vector<16xf32>
      %parallel_loop3A_596 = arith.index_cast %parallel_loop3A_465 : i32 to index
      %parallel_loop3A_597 = arith.constant 64 : index
      %parallel_loop3A_598 = tpu.vector_load %arg15[%parallel_loop3A_596, %parallel_loop3A_597] {strides = array<i32>} : memref<32x144xf32, #tpu.memory_space<vmem>>, vector<16xf32>,
      tpu.vector_store %arg15[%parallel_loop3A_596, %parallel_loop3A_597], %parallel_loop3A_595 {strides = array<i32>} : memref<32x144xf32, #tpu.memory_space<vmem>>, vector<16xf32>,
      %parallel_loop3A_599 = arith.mulf %parallel_loop3A_483, %parallel_loop3A_578 : vector<16xf32>
      %parallel_loop3A_600 = arith.index_cast %parallel_loop3A_465 : i32 to index
      %parallel_loop3A_601 = arith.constant 80 : index
      %parallel_loop3A_602 = tpu.vector_load %arg15[%parallel_loop3A_600, %parallel_loop3A_601] {strides = array<i32>} : memref<32x144xf32, #tpu.memory_space<vmem>>, vector<16xf32>,
      tpu.vector_store %arg15[%parallel_loop3A_600, %parallel_loop3A_601], %parallel_loop3A_599 {strides = array<i32>} : memref<32x144xf32, #tpu.memory_space<vmem>>, vector<16xf32>,
      %parallel_loop3A_603 = arith.mulf %parallel_loop3A_486, %parallel_loop3A_578 : vector<16xf32>
      %parallel_loop3A_604 = arith.index_cast %parallel_loop3A_465 : i32 to index
      %parallel_loop3A_605 = arith.constant 96 : index
      %parallel_loop3A_606 = tpu.vector_load %arg15[%parallel_loop3A_604, %parallel_loop3A_605] {strides = array<i32>} : memref<32x144xf32, #tpu.memory_space<vmem>>, vector<16xf32>,
      tpu.vector_store %arg15[%parallel_loop3A_604, %parallel_loop3A_605], %parallel_loop3A_603 {strides = array<i32>} : memref<32x144xf32, #tpu.memory_space<vmem>>, vector<16xf32>,
      %parallel_loop3A_607 = arith.mulf %parallel_loop3A_489, %parallel_loop3A_578 : vector<16xf32>
      %parallel_loop3A_608 = arith.index_cast %parallel_loop3A_465 : i32 to index
      %parallel_loop3A_609 = arith.constant 112 : index
      %parallel_loop3A_610 = tpu.vector_load %arg15[%parallel_loop3A_608, %parallel_loop3A_609] {strides = array<i32>} : memref<32x144xf32, #tpu.memory_space<vmem>>, vector<16xf32>,
      tpu.vector_store %arg15[%parallel_loop3A_608, %parallel_loop3A_609], %parallel_loop3A_607 {strides = array<i32>} : memref<32x144xf32, #tpu.memory_space<vmem>>, vector<16xf32>,
      %parallel_loop3A_611 = arith.index_cast %parallel_loop3A_465 : i32 to index
      %parallel_loop3A_612 = arith.constant 128 : index
      %parallel_loop3A_613 = tpu.vector_load %arg15[%parallel_loop3A_611, %parallel_loop3A_612] {strides = array<i32>} : memref<32x144xf32, #tpu.memory_space<vmem>>, vector<16xf32>,
      tpu.vector_store %arg15[%parallel_loop3A_611, %parallel_loop3A_612], %parallel_loop3A_578 {strides = array<i32>} : memref<32x144xf32, #tpu.memory_space<vmem>>, vector<16xf32>,
    } {sc.loop_unroll_factor = 4 : i64, sc.parallel_access}
    %get3A_421 = arith.constant 39 : i32
    %get3A_422 = arith.index_cast %get3A_421 : i32 to index
    %get3A_423 = arith.constant 112 : index
    %get3A_424 = tpu.vector_load %arg9[%get3A_422, %get3A_423] {strides = array<i32>} : memref<40x128xi32, #tpu.memory_space<vmem>>, vector<16xi32>,
    %and3A_425 = arith.andi %get3A_424, %broadcast_in_dim3A_99 : vector<16xi32>
    %swap3A_426 = arith.constant 0 : i32
    %swap3A_427 = arith.index_cast %swap3A_426 : i32 to index
    %swap3A_428 = arith.constant 0 : index
    %swap3A_429 = tpu.vector_load %arg21[%swap3A_427, %swap3A_428] {strides = array<i32>} : memref<1x32xi32, #tpu.memory_space<vmem>>, vector<16xi32>,
    tpu.vector_store %arg21[%swap3A_427, %swap3A_428], %and3A_425 {strides = array<i32>} : memref<1x32xi32, #tpu.memory_space<vmem>>, vector<16xi32>,
    %shift_right_logical3A_430 = arith.shrui %get3A_424, %broadcast_in_dim3A_101 : vector<16xi32>
    %swap3A_431 = arith.constant 0 : i32
    %swap3A_432 = arith.index_cast %swap3A_431 : i32 to index
    %swap3A_433 = arith.constant 16 : index
    %swap3A_434 = tpu.vector_load %arg21[%swap3A_432, %swap3A_433] {strides = array<i32>} : memref<1x32xi32, #tpu.memory_space<vmem>>, vector<16xi32>,
    tpu.vector_store %arg21[%swap3A_432, %swap3A_433], %shift_right_logical3A_430 {strides = array<i32>} : memref<1x32xi32, #tpu.memory_space<vmem>>, vector<16xi32>,
    %dma_start3A_435 = arith.constant 0 : i32
    %dma_start3A_436 = arith.constant 0 : i32
    %dma_start3A_437 = tpu.memref_slice %arg21[%dma_start3A_435, %dma_start3A_436] : memref<1x32xi32, #tpu.memory_space<vmem>> -> memref<1x32xi32, #tpu.memory_space<vmem>>
    %dma_start3A_438 = tpu.memref_squeeze %dma_start3A_437 : memref<1x32xi32, #tpu.memory_space<vmem>> -> memref<32xi32, #tpu.memory_space<vmem>>
    %dma_start3A_439 = arith.constant 0 : i32
    %dma_start3A_440 = arith.constant 0 : i32
    %dma_start3A_441 = tpu.memref_slice %arg23[%dma_start3A_439, %dma_start3A_440] : memref<10240x144xf32, #tpu.memory_space<vmem_shared>> -> memref<10240x144xf32, #tpu.memory_space<vmem_shared>>
    tpu.enqueue_indirect_dma source(%arg15 : memref<32x144xf32, #tpu.memory_space<vmem>>) target(%dma_start3A_441 : memref<10240x144xf32, #tpu.memory_space<vmem_shared>>) offsets(%dma_start3A_438 : memref<32xi32, #tpu.memory_space<vmem>>) semaphore(%arg29 : memref<!tpu.dma_semaphore, #tpu.memory_space<semaphore_mem>>) {add = true}
    %dma_wait3A_442 = arith.constant 0 : i32
    %dma_wait3A_443 = arith.constant 0 : i32
    %dma_wait3A_444 = arith.constant 0 : i32
    %dma_wait3A_445 = tpu.memref_slice %arg7[%dma_wait3A_442, %dma_wait3A_443, %dma_wait3A_444] : memref<2x10240x144xf32, #tpu.memory_space<hbm>> -> memref<1x32x144xf32, #tpu.memory_space<hbm>>
    %dma_wait3A_446 = tpu.memref_squeeze %dma_wait3A_445 : memref<1x32x144xf32, #tpu.memory_space<hbm>> -> memref<32x144xf32, #tpu.memory_space<hbm>>
    %dma_wait3A_447 = arith.constant 0 : i32
    %dma_wait3A_448 = arith.constant 0 : i32
    %dma_wait3A_449 = tpu.memref_slice %arg7[%dma_wait3A_442, %dma_wait3A_447, %dma_wait3A_448] : memref<2x10240x144xf32, #tpu.memory_space<hbm>> -> memref<1x32x144xf32, #tpu.memory_space<hbm>>
    %dma_wait3A_450 = tpu.memref_squeeze %dma_wait3A_449 : memref<1x32x144xf32, #tpu.memory_space<hbm>> -> memref<32x144xf32, #tpu.memory_space<hbm>>
    tpu.wait_dma2 semaphore(%arg26 : memref<!tpu.dma_semaphore, #tpu.memory_space<semaphore_mem>>) src(%dma_wait3A_450 : memref<32x144xf32, #tpu.memory_space<hbm>>) dst(%arg14 : memref<32x144xf32, #tpu.memory_space<vmem>>)
    %dma_wait3A_451 = arith.constant 0 : i32
    %dma_wait3A_452 = arith.constant 0 : i32
    %dma_wait3A_453 = arith.constant 0 : i32
    %dma_wait3A_454 = tpu.memref_slice %arg7[%dma_wait3A_451, %dma_wait3A_452, %dma_wait3A_453] : memref<2x10240x144xf32, #tpu.memory_space<hbm>> -> memref<1x32x144xf32, #tpu.memory_space<hbm>>
    %dma_wait3A_455 = tpu.memref_squeeze %dma_wait3A_454 : memref<1x32x144xf32, #tpu.memory_space<hbm>> -> memref<32x144xf32, #tpu.memory_space<hbm>>
    %dma_wait3A_456 = arith.constant 0 : i32
    %dma_wait3A_457 = arith.constant 0 : i32
    %dma_wait3A_458 = tpu.memref_slice %arg7[%dma_wait3A_451, %dma_wait3A_456, %dma_wait3A_457] : memref<2x10240x144xf32, #tpu.memory_space<hbm>> -> memref<1x32x144xf32, #tpu.memory_space<hbm>>
    %dma_wait3A_459 = tpu.memref_squeeze %dma_wait3A_458 : memref<1x32x144xf32, #tpu.memory_space<hbm>> -> memref<32x144xf32, #tpu.memory_space<hbm>>
    tpu.wait_dma2 semaphore(%arg29 : memref<!tpu.dma_semaphore, #tpu.memory_space<semaphore_mem>>) src(%dma_wait3A_459 : memref<32x144xf32, #tpu.memory_space<hbm>>) dst(%arg15 : memref<32x144xf32, #tpu.memory_space<vmem>>)
    %barrier3A_460 = arith.constant 0 : index
    tpu.barrier barrier_id(%barrier3A_460)
    %mul3A_461 = arith.constant 640 : i32
    %mul3A_462 = arith.muli %arg1, %mul3A_461 : i32
    %mul3A_463 = arith.constant 640 : i32
    %mul3A_464 = arith.muli %arg1, %mul3A_463 : i32
    "tpu.region"() ({
      %run_scoped3A = tpu.sem_alloc : memref<!tpu.dma_semaphore, #tpu.memory_space<semaphore_mem>>
      %dma_start3A_465 = arith.constant 0 : i32
      %dma_start3A_466 = tpu.memref_slice %arg7[%arg0, %mul3A_464, %dma_start3A_465] : memref<2x10240x144xf32, #tpu.memory_space<hbm>> -> memref<1x640x144xf32, #tpu.memory_space<hbm>>
      %dma_start3A_467 = tpu.memref_squeeze %dma_start3A_466 : memref<1x640x144xf32, #tpu.memory_space<hbm>> -> memref<640x144xf32, #tpu.memory_space<hbm>>
      %dma_start3A_468 = arith.constant 0 : i32
      %dma_start3A_469 = tpu.memref_slice %arg23[%mul3A_462, %dma_start3A_468] : memref<10240x144xf32, #tpu.memory_space<vmem_shared>> -> memref<640x144xf32, #tpu.memory_space<vmem_shared>>
      tpu.enqueue_dma source(%dma_start3A_469 : memref<640x144xf32, #tpu.memory_space<vmem_shared>>) target(%dma_start3A_467 : memref<640x144xf32, #tpu.memory_space<hbm>>) target_semaphore(%run_scoped3A : memref<!tpu.dma_semaphore, #tpu.memory_space<semaphore_mem>>)
      %dma_wait3A_470 = arith.constant 0 : i32
      %dma_wait3A_471 = tpu.memref_slice %arg7[%arg0, %mul3A_464, %dma_wait3A_470] : memref<2x10240x144xf32, #tpu.memory_space<hbm>> -> memref<1x640x144xf32, #tpu.memory_space<hbm>>
      %dma_wait3A_472 = tpu.memref_squeeze %dma_wait3A_471 : memref<1x640x144xf32, #tpu.memory_space<hbm>> -> memref<640x144xf32, #tpu.memory_space<hbm>>
      %dma_wait3A_473 = arith.constant 0 : i32
      %dma_wait3A_474 = tpu.memref_slice %arg23[%mul3A_462, %dma_wait3A_473] : memref<10240x144xf32, #tpu.memory_space<vmem_shared>> -> memref<640x144xf32, #tpu.memory_space<vmem_shared>>
      tpu.wait_dma2 semaphore(%run_scoped3A : memref<!tpu.dma_semaphore, #tpu.memory_space<semaphore_mem>>) src(%dma_wait3A_474 : memref<640x144xf32, #tpu.memory_space<vmem_shared>>) dst(%dma_wait3A_472 : memref<640x144xf32, #tpu.memory_space<hbm>>)
      tpu.yield
    }) : () -> ()
    return
  }
}

module attributes {stable_mosaic.version = 14 : i64} {
  func.func @_combine_body(%arg0: memref<1xf32, #tpu.memory_space<smem>>, %arg1: memref<10000x128xf32, #tpu.memory_space<vmem>>, %arg2: memref<2x10240x144xf32, #tpu.memory_space<vmem>>, %arg3: memref<10000x128xf32, #tpu.memory_space<vmem>>) attributes {dimension_semantics = [], scalar_prefetch = 0 : i64, scratch_operands = 0 : i64, tpu.core_type = #tpu.core_type<tc>} {
    %get3A = arith.constant 0 : index
    %get3A_0 = arith.constant 0 : index
    %get3A_1 = vector.load %arg1[%get3A, %get3A_0] : memref<10000x128xf32, #tpu.memory_space<vmem>>, vector<10000x128xf32>
    %get3A_2 = arith.constant 0 : index
    %get3A_3 = memref.load %arg0[%get3A_2] : memref<1xf32, #tpu.memory_space<smem>>
    %mul3A = arith.mulf %get3A_1, %get3A_1 : vector<10000x128xf32>
    %reduce_sum3A = arith.constant dense<0.000000e+00> : vector<10000xf32>
    %reduce_sum3A_4 = vector.multi_reduction <add>, %mul3A, %reduce_sum3A [1] : vector<10000x128xf32> to vector<10000xf32>
    %broadcast_in_dim3A = vector.shape_cast %reduce_sum3A_4 : vector<10000xf32> to vector<10000x1xf32>
    %sqrt3A = math.sqrt %broadcast_in_dim3A : vector<10000x1xf32>
    %max3A = arith.constant 9.99999996E-13 : f32
    %max3A_5 = vector.broadcast %max3A : f32 to vector<10000x1xf32>
    %max3A_6 = arith.maximumf %sqrt3A, %max3A_5 : vector<10000x1xf32>
    %mul3A_7 = arith.mulf %max3A_6, %max3A_6 : vector<10000x1xf32>
    %div3A = arith.divf %broadcast_in_dim3A, %mul3A_7 : vector<10000x1xf32>
    %mul3A_8 = vector.broadcast %get3A_3 : f32 to vector<10000x1xf32>
    %mul3A_9 = arith.mulf %mul3A_8, %div3A : vector<10000x1xf32>
    %abs3A = math.absf %get3A_3 : f32
    %sub3A = vector.broadcast %abs3A : f32 to vector<10000x1xf32>
    %sub3A_10 = arith.subf %mul3A_9, %sub3A : vector<10000x1xf32>
    %exp3A = math.exp %sub3A_10 : vector<10000x1xf32>
    %get3A_11 = arith.constant 0 : index
    %get3A_12 = arith.constant 0 : index
    %get3A_13 = arith.constant 0 : index
    %get3A_14 = vector.load %arg2[%get3A_11, %get3A_12, %get3A_13] : memref<2x10240x144xf32, #tpu.memory_space<vmem>>, vector<1x10000x128xf32>
    %get3A_15 = vector.shape_cast %get3A_14 : vector<1x10000x128xf32> to vector<10000x128xf32>
    %get3A_16 = arith.constant 1 : index
    %get3A_17 = arith.constant 0 : index
    %get3A_18 = arith.constant 0 : index
    %get3A_19 = vector.load %arg2[%get3A_16, %get3A_17, %get3A_18] : memref<2x10240x144xf32, #tpu.memory_space<vmem>>, vector<1x10000x128xf32>
    %get3A_20 = vector.shape_cast %get3A_19 : vector<1x10000x128xf32> to vector<10000x128xf32>
    %add3A = arith.addf %get3A_15, %get3A_20 : vector<10000x128xf32>
    %mul3A_21 = vector.broadcast %exp3A : vector<10000x1xf32> to vector<10000x128xf32>
    %mul3A_22 = arith.mulf %mul3A_21, %get3A_1 : vector<10000x128xf32>
    %add3A_23 = arith.addf %add3A, %mul3A_22 : vector<10000x128xf32>
    %get3A_24 = arith.constant 0 : index
    %get3A_25 = arith.constant 0 : index
    %get3A_26 = arith.constant 128 : index
    %get3A_27 = vector.load %arg2[%get3A_24, %get3A_25, %get3A_26] : memref<2x10240x144xf32, #tpu.memory_space<vmem>>, vector<1x10000x1xf32>
    %get3A_28 = vector.shape_cast %get3A_27 : vector<1x10000x1xf32> to vector<10000x1xf32>
    %get3A_29 = arith.constant 1 : index
    %get3A_30 = arith.constant 0 : index
    %get3A_31 = arith.constant 128 : index
    %get3A_32 = vector.load %arg2[%get3A_29, %get3A_30, %get3A_31] : memref<2x10240x144xf32, #tpu.memory_space<vmem>>, vector<1x10000x1xf32>
    %get3A_33 = vector.shape_cast %get3A_32 : vector<1x10000x1xf32> to vector<10000x1xf32>
    %add3A_34 = arith.addf %get3A_28, %get3A_33 : vector<10000x1xf32>
    %add3A_35 = arith.addf %add3A_34, %exp3A : vector<10000x1xf32>
    %div3A_36 = vector.broadcast %add3A_35 : vector<10000x1xf32> to vector<10000x128xf32>
    %div3A_37 = arith.divf %add3A_23, %div3A_36 : vector<10000x128xf32>
    %swap3A = arith.constant 0 : index
    %swap3A_38 = arith.constant 0 : index
    %swap3A_39 = vector.load %arg3[%swap3A, %swap3A_38] : memref<10000x128xf32, #tpu.memory_space<vmem>>, vector<10000x128xf32>
    tpu.vector_store %arg3[%swap3A, %swap3A_38], %div3A_37 {strides = array<i32>} : memref<10000x128xf32, #tpu.memory_space<vmem>>, vector<10000x128xf32>,
    return
  }
}

module attributes {stable_mosaic.version = 14 : i64} {
  func.func @_prep_body(%arg0: memref<1xf32, #tpu.memory_space<smem>>, %arg1: memref<10000x128xf32, #tpu.memory_space<vmem>>, %arg2: memref<2x2500x128xi32, #tpu.memory_space<vmem>>, %arg3: memref<10240x128xf32, #tpu.memory_space<vmem>>, %arg4: memref<8x128xf32, #tpu.memory_space<vmem>>, %arg5: memref<1280x128xi32, #tpu.memory_space<vmem>>, %arg6: memref<1280x128xi32, #tpu.memory_space<vmem>>) attributes {dimension_semantics = [], scalar_prefetch = 0 : i64, scratch_operands = 0 : i64, tpu.core_type = #tpu.core_type<tc>} {
    %get3A = arith.constant 0 : index
    %get3A_0 = arith.constant 0 : index
    %get3A_1 = vector.load %arg1[%get3A, %get3A_0] : memref<10000x128xf32, #tpu.memory_space<vmem>>, vector<10000x128xf32>
    %mul3A = arith.mulf %get3A_1, %get3A_1 : vector<10000x128xf32>
    %reduce_sum3A = arith.constant dense<0.000000e+00> : vector<10000xf32>
    %reduce_sum3A_2 = vector.multi_reduction <add>, %mul3A, %reduce_sum3A [1] : vector<10000x128xf32> to vector<10000xf32>
    %broadcast_in_dim3A = vector.shape_cast %reduce_sum3A_2 : vector<10000xf32> to vector<10000x1xf32>
    %sqrt3A = math.sqrt %broadcast_in_dim3A : vector<10000x1xf32>
    %max3A = arith.constant 9.99999996E-13 : f32
    %max3A_3 = vector.broadcast %max3A : f32 to vector<10000x1xf32>
    %max3A_4 = arith.maximumf %sqrt3A, %max3A_3 : vector<10000x1xf32>
    %div3A = vector.broadcast %max3A_4 : vector<10000x1xf32> to vector<10000x128xf32>
    %div3A_5 = arith.divf %get3A_1, %div3A : vector<10000x128xf32>
    %swap3A = arith.constant 0 : index
    %swap3A_6 = arith.constant 0 : index
    %swap3A_7 = vector.load %arg3[%swap3A, %swap3A_6] : memref<10240x128xf32, #tpu.memory_space<vmem>>, vector<10000x128xf32>
    tpu.vector_store %arg3[%swap3A, %swap3A_6], %div3A_5 {strides = array<i32>} : memref<10240x128xf32, #tpu.memory_space<vmem>>, vector<10000x128xf32>,
    %broadcast_in_dim3A_8 = arith.constant 0.000000e+00 : f32
    %broadcast_in_dim3A_9 = vector.broadcast %broadcast_in_dim3A_8 : f32 to vector<240x128xf32>
    %swap3A_10 = arith.constant 10000 : index
    %swap3A_11 = arith.constant 0 : index
    %swap3A_12 = vector.load %arg3[%swap3A_10, %swap3A_11] : memref<10240x128xf32, #tpu.memory_space<vmem>>, vector<240x128xf32>
    tpu.vector_store %arg3[%swap3A_10, %swap3A_11], %broadcast_in_dim3A_9 {strides = array<i32>} : memref<10240x128xf32, #tpu.memory_space<vmem>>, vector<240x128xf32>,
    %get3A_13 = arith.constant 0 : index
    %get3A_14 = memref.load %arg0[%get3A_13] : memref<1xf32, #tpu.memory_space<smem>>
    %broadcast_in_dim3A_15 = arith.constant 0.000000e+00 : f32
    %broadcast_in_dim3A_16 = vector.broadcast %broadcast_in_dim3A_15 : f32 to vector<8x128xf32>
    %swap3A_17 = arith.constant 0 : index
    %swap3A_18 = arith.constant 0 : index
    %swap3A_19 = vector.load %arg4[%swap3A_17, %swap3A_18] : memref<8x128xf32, #tpu.memory_space<vmem>>, vector<8x128xf32>
    tpu.vector_store %arg4[%swap3A_17, %swap3A_18], %broadcast_in_dim3A_16 {strides = array<i32>} : memref<8x128xf32, #tpu.memory_space<vmem>>, vector<8x128xf32>,
    %broadcast_in_dim3A_20 = vector.broadcast %get3A_14 : f32 to vector<1x128xf32>
    %swap3A_21 = arith.constant 0 : index
    %swap3A_22 = arith.constant 0 : index
    %swap3A_23 = vector.load %arg4[%swap3A_21, %swap3A_22] : memref<8x128xf32, #tpu.memory_space<vmem>>, vector<1x128xf32>
    tpu.vector_store %arg4[%swap3A_21, %swap3A_22], %broadcast_in_dim3A_20 {strides = array<i32>} : memref<8x128xf32, #tpu.memory_space<vmem>>, vector<1x128xf32>,
    %abs3A = math.absf %get3A_14 : f32
    %neg3A = arith.constant 0.000000e+00 : f32
    %neg3A_24 = arith.subf %neg3A, %abs3A : f32
    %broadcast_in_dim3A_25 = vector.broadcast %neg3A_24 : f32 to vector<1x128xf32>
    %swap3A_26 = arith.constant 1 : index
    %swap3A_27 = arith.constant 0 : index
    %swap3A_28 = vector.load %arg4[%swap3A_26, %swap3A_27] : memref<8x128xf32, #tpu.memory_space<vmem>>, vector<1x128xf32>
    tpu.vector_store %arg4[%swap3A_26, %swap3A_27], %broadcast_in_dim3A_25 {strides = array<i32>} : memref<8x128xf32, #tpu.memory_space<vmem>>, vector<1x128xf32>,
    %get3A_29 = arith.constant 0 : index
    %get3A_30 = arith.constant 0 : index
    %get3A_31 = arith.constant 0 : index
    %get3A_32 = vector.load %arg2[%get3A_29, %get3A_30, %get3A_31] : memref<2x2500x128xi32, #tpu.memory_space<vmem>>, vector<1x2500x128xi32>
    %get3A_33 = vector.shape_cast %get3A_32 : vector<1x2500x128xi32> to vector<2500x128xi32>
    %reshape3A = vector.shape_cast %get3A_33 : vector<2500x128xi32> to vector<1250x2x128xi32>
    %slice3A = vector.extract_strided_slice %reshape3A {offsets = [0, 0, 0], sizes = [1250, 1, 128], strides = [1, 1, 1]} : vector<1250x2x128xi32> to vector<1250x1x128xi32>
    %squeeze3A = vector.shape_cast %slice3A : vector<1250x1x128xi32> to vector<1250x128xi32>
    %slice3A_34 = vector.extract_strided_slice %reshape3A {offsets = [0, 1, 0], sizes = [1250, 1, 128], strides = [1, 1, 1]} : vector<1250x2x128xi32> to vector<1250x1x128xi32>
    %squeeze3A_35 = vector.shape_cast %slice3A_34 : vector<1250x1x128xi32> to vector<1250x128xi32>
    %shift_left3A = arith.constant 16 : i32
    %shift_left3A_36 = vector.broadcast %shift_left3A : i32 to vector<1250x128xi32>
    %shift_left3A_37 = arith.shli %squeeze3A_35, %shift_left3A_36 : vector<1250x128xi32>
    %or3A = arith.ori %squeeze3A, %shift_left3A_37 : vector<1250x128xi32>
    %swap3A_38 = arith.constant 0 : index
    %swap3A_39 = arith.constant 0 : index
    %swap3A_40 = vector.load %arg5[%swap3A_38, %swap3A_39] : memref<1280x128xi32, #tpu.memory_space<vmem>>, vector<1250x128xi32>
    tpu.vector_store %arg5[%swap3A_38, %swap3A_39], %or3A {strides = array<i32>} : memref<1280x128xi32, #tpu.memory_space<vmem>>, vector<1250x128xi32>,
    %get3A_41 = arith.constant 1 : index
    %get3A_42 = arith.constant 0 : index
    %get3A_43 = arith.constant 0 : index
    %get3A_44 = vector.load %arg2[%get3A_41, %get3A_42, %get3A_43] : memref<2x2500x128xi32, #tpu.memory_space<vmem>>, vector<1x2500x128xi32>
    %get3A_45 = vector.shape_cast %get3A_44 : vector<1x2500x128xi32> to vector<2500x128xi32>
    %reshape3A_46 = vector.shape_cast %get3A_45 : vector<2500x128xi32> to vector<1250x2x128xi32>
    %slice3A_47 = vector.extract_strided_slice %reshape3A_46 {offsets = [0, 0, 0], sizes = [1250, 1, 128], strides = [1, 1, 1]} : vector<1250x2x128xi32> to vector<1250x1x128xi32>
    %squeeze3A_48 = vector.shape_cast %slice3A_47 : vector<1250x1x128xi32> to vector<1250x128xi32>
    %slice3A_49 = vector.extract_strided_slice %reshape3A_46 {offsets = [0, 1, 0], sizes = [1250, 1, 128], strides = [1, 1, 1]} : vector<1250x2x128xi32> to vector<1250x1x128xi32>
    %squeeze3A_50 = vector.shape_cast %slice3A_49 : vector<1250x1x128xi32> to vector<1250x128xi32>
    %shift_left3A_51 = arith.constant 16 : i32
    %shift_left3A_52 = vector.broadcast %shift_left3A_51 : i32 to vector<1250x128xi32>
    %shift_left3A_53 = arith.shli %squeeze3A_50, %shift_left3A_52 : vector<1250x128xi32>
    %or3A_54 = arith.ori %squeeze3A_48, %shift_left3A_53 : vector<1250x128xi32>
    %swap3A_55 = arith.constant 0 : index
    %swap3A_56 = arith.constant 0 : index
    %swap3A_57 = vector.load %arg6[%swap3A_55, %swap3A_56] : memref<1280x128xi32, #tpu.memory_space<vmem>>, vector<1250x128xi32>
    tpu.vector_store %arg6[%swap3A_55, %swap3A_56], %or3A_54 {strides = array<i32>} : memref<1280x128xi32, #tpu.memory_space<vmem>>, vector<1250x128xi32>,
    %iota3A = tpu.iota {dimensions = array<i32: 0>} : vector<30x128xi32>
    %mul3A_58 = arith.constant 128 : i32
    %mul3A_59 = vector.broadcast %mul3A_58 : i32 to vector<30x128xi32>
    %mul3A_60 = arith.muli %iota3A, %mul3A_59 : vector<30x128xi32>
    %iota3A_61 = tpu.iota {dimensions = array<i32: 1>} : vector<30x128xi32>
    %add3A = arith.addi %mul3A_60, %iota3A_61 : vector<30x128xi32>
    %mul3A_62 = arith.constant 2 : i32
    %mul3A_63 = vector.broadcast %mul3A_62 : i32 to vector<30x128xi32>
    %mul3A_64 = arith.muli %mul3A_63, %add3A : vector<30x128xi32>
    %jit3A = arith.constant 9973 : i32
    %eq3A = arith.constant 0 : i32
    %eq3A_65 = arith.cmpi eq, %jit3A, %eq3A : i32
    %jit3A_66 = arith.constant 1 : i32
    %select_n3A = arith.select %eq3A_65, %jit3A_66, %jit3A : i32
    %rem3A = vector.broadcast %select_n3A : i32 to vector<30x128xi32>
    %rem3A_67 = arith.remsi %mul3A_64, %rem3A : vector<30x128xi32>
    %ne3A = arith.constant 0 : i32
    %ne3A_68 = vector.broadcast %ne3A : i32 to vector<30x128xi32>
    %ne3A_69 = arith.cmpi ne, %rem3A_67, %ne3A_68 : vector<30x128xi32>
    %lt3A = arith.constant 0 : i32
    %lt3A_70 = vector.broadcast %lt3A : i32 to vector<30x128xi32>
    %lt3A_71 = arith.cmpi slt, %rem3A_67, %lt3A_70 : vector<30x128xi32>
    %lt3A_72 = arith.constant 0 : i32
    %lt3A_73 = arith.cmpi slt, %select_n3A, %lt3A_72 : i32
    %ne3A_74 = vector.broadcast %lt3A_73 : i1 to vector<30x128xi1>
    %ne3A_75 = vector.broadcast %ne3A_74 : vector<30x128xi1> to vector<30x128xi1>
    %ne3A_76 = arith.xori %lt3A_71, %ne3A_75 : vector<30x128xi1>
    %and3A = arith.andi %ne3A_76, %ne3A_69 : vector<30x128xi1>
    %add3A_77 = vector.broadcast %select_n3A : i32 to vector<30x128xi32>
    %add3A_78 = arith.addi %rem3A_67, %add3A_77 : vector<30x128xi32>
    %select_n3A_79 = arith.select %and3A, %add3A_78, %rem3A_67 : vector<30x128xi1>, vector<30x128xi32>
    %mul3A_80 = arith.constant 2 : i32
    %mul3A_81 = vector.broadcast %mul3A_80 : i32 to vector<30x128xi32>
    %mul3A_82 = arith.muli %mul3A_81, %add3A : vector<30x128xi32>
    %add3A_83 = arith.constant 1 : i32
    %add3A_84 = vector.broadcast %add3A_83 : i32 to vector<30x128xi32>
    %add3A_85 = arith.addi %mul3A_82, %add3A_84 : vector<30x128xi32>
    %jit3A_86 = arith.constant 9973 : i32
    %eq3A_87 = arith.constant 0 : i32
    %eq3A_88 = arith.cmpi eq, %jit3A_86, %eq3A_87 : i32
    %jit3A_89 = arith.constant 1 : i32
    %select_n3A_90 = arith.select %eq3A_88, %jit3A_89, %jit3A_86 : i32
    %rem3A_91 = vector.broadcast %select_n3A_90 : i32 to vector<30x128xi32>
    %rem3A_92 = arith.remsi %add3A_85, %rem3A_91 : vector<30x128xi32>
    %ne3A_93 = arith.constant 0 : i32
    %ne3A_94 = vector.broadcast %ne3A_93 : i32 to vector<30x128xi32>
    %ne3A_95 = arith.cmpi ne, %rem3A_92, %ne3A_94 : vector<30x128xi32>
    %lt3A_96 = arith.constant 0 : i32
    %lt3A_97 = vector.broadcast %lt3A_96 : i32 to vector<30x128xi32>
    %lt3A_98 = arith.cmpi slt, %rem3A_92, %lt3A_97 : vector<30x128xi32>
    %lt3A_99 = arith.constant 0 : i32
    %lt3A_100 = arith.cmpi slt, %select_n3A_90, %lt3A_99 : i32
    %ne3A_101 = vector.broadcast %lt3A_100 : i1 to vector<30x128xi1>
    %ne3A_102 = vector.broadcast %ne3A_101 : vector<30x128xi1> to vector<30x128xi1>
    %ne3A_103 = arith.xori %lt3A_98, %ne3A_102 : vector<30x128xi1>
    %and3A_104 = arith.andi %ne3A_103, %ne3A_95 : vector<30x128xi1>
    %add3A_105 = vector.broadcast %select_n3A_90 : i32 to vector<30x128xi32>
    %add3A_106 = arith.addi %rem3A_92, %add3A_105 : vector<30x128xi32>
    %select_n3A_107 = arith.select %and3A_104, %add3A_106, %rem3A_92 : vector<30x128xi1>, vector<30x128xi32>
    %shift_left3A_108 = arith.constant 16 : i32
    %shift_left3A_109 = vector.broadcast %shift_left3A_108 : i32 to vector<30x128xi32>
    %shift_left3A_110 = arith.shli %select_n3A_107, %shift_left3A_109 : vector<30x128xi32>
    %or3A_111 = arith.ori %select_n3A_79, %shift_left3A_110 : vector<30x128xi32>
    %swap3A_112 = arith.constant 1250 : index
    %swap3A_113 = arith.constant 0 : index
    %swap3A_114 = vector.load %arg5[%swap3A_112, %swap3A_113] : memref<1280x128xi32, #tpu.memory_space<vmem>>, vector<30x128xi32>
    tpu.vector_store %arg5[%swap3A_112, %swap3A_113], %or3A_111 {strides = array<i32>} : memref<1280x128xi32, #tpu.memory_space<vmem>>, vector<30x128xi32>,
    %mul3A_115 = arith.constant 2 : i32
    %mul3A_116 = vector.broadcast %mul3A_115 : i32 to vector<30x128xi32>
    %mul3A_117 = arith.muli %mul3A_116, %add3A : vector<30x128xi32>
    %jit3A_118 = arith.constant 240 : i32
    %eq3A_119 = arith.constant 0 : i32
    %eq3A_120 = arith.cmpi eq, %jit3A_118, %eq3A_119 : i32
    %jit3A_121 = arith.constant 1 : i32
    %select_n3A_122 = arith.select %eq3A_120, %jit3A_121, %jit3A_118 : i32
    %rem3A_123 = vector.broadcast %select_n3A_122 : i32 to vector<30x128xi32>
    %rem3A_124 = arith.remsi %mul3A_117, %rem3A_123 : vector<30x128xi32>
    %ne3A_125 = arith.constant 0 : i32
    %ne3A_126 = vector.broadcast %ne3A_125 : i32 to vector<30x128xi32>
    %ne3A_127 = arith.cmpi ne, %rem3A_124, %ne3A_126 : vector<30x128xi32>
    %lt3A_128 = arith.constant 0 : i32
    %lt3A_129 = vector.broadcast %lt3A_128 : i32 to vector<30x128xi32>
    %lt3A_130 = arith.cmpi slt, %rem3A_124, %lt3A_129 : vector<30x128xi32>
    %lt3A_131 = arith.constant 0 : i32
    %lt3A_132 = arith.cmpi slt, %select_n3A_122, %lt3A_131 : i32
    %ne3A_133 = vector.broadcast %lt3A_132 : i1 to vector<30x128xi1>
    %ne3A_134 = vector.broadcast %ne3A_133 : vector<30x128xi1> to vector<30x128xi1>
    %ne3A_135 = arith.xori %lt3A_130, %ne3A_134 : vector<30x128xi1>
    %and3A_136 = arith.andi %ne3A_135, %ne3A_127 : vector<30x128xi1>
    %add3A_137 = vector.broadcast %select_n3A_122 : i32 to vector<30x128xi32>
    %add3A_138 = arith.addi %rem3A_124, %add3A_137 : vector<30x128xi32>
    %select_n3A_139 = arith.select %and3A_136, %add3A_138, %rem3A_124 : vector<30x128xi1>, vector<30x128xi32>
    %add3A_140 = arith.constant 10000 : i32
    %add3A_141 = vector.broadcast %add3A_140 : i32 to vector<30x128xi32>
    %add3A_142 = arith.addi %add3A_141, %select_n3A_139 : vector<30x128xi32>
    %mul3A_143 = arith.constant 2 : i32
    %mul3A_144 = vector.broadcast %mul3A_143 : i32 to vector<30x128xi32>
    %mul3A_145 = arith.muli %mul3A_144, %add3A : vector<30x128xi32>
    %add3A_146 = arith.constant 1 : i32
    %add3A_147 = vector.broadcast %add3A_146 : i32 to vector<30x128xi32>
    %add3A_148 = arith.addi %mul3A_145, %add3A_147 : vector<30x128xi32>
    %jit3A_149 = arith.constant 240 : i32
    %eq3A_150 = arith.constant 0 : i32
    %eq3A_151 = arith.cmpi eq, %jit3A_149, %eq3A_150 : i32
    %jit3A_152 = arith.constant 1 : i32
    %select_n3A_153 = arith.select %eq3A_151, %jit3A_152, %jit3A_149 : i32
    %rem3A_154 = vector.broadcast %select_n3A_153 : i32 to vector<30x128xi32>
    %rem3A_155 = arith.remsi %add3A_148, %rem3A_154 : vector<30x128xi32>
    %ne3A_156 = arith.constant 0 : i32
    %ne3A_157 = vector.broadcast %ne3A_156 : i32 to vector<30x128xi32>
    %ne3A_158 = arith.cmpi ne, %rem3A_155, %ne3A_157 : vector<30x128xi32>
    %lt3A_159 = arith.constant 0 : i32
    %lt3A_160 = vector.broadcast %lt3A_159 : i32 to vector<30x128xi32>
    %lt3A_161 = arith.cmpi slt, %rem3A_155, %lt3A_160 : vector<30x128xi32>
    %lt3A_162 = arith.constant 0 : i32
    %lt3A_163 = arith.cmpi slt, %select_n3A_153, %lt3A_162 : i32
    %ne3A_164 = vector.broadcast %lt3A_163 : i1 to vector<30x128xi1>
    %ne3A_165 = vector.broadcast %ne3A_164 : vector<30x128xi1> to vector<30x128xi1>
    %ne3A_166 = arith.xori %lt3A_161, %ne3A_165 : vector<30x128xi1>
    %and3A_167 = arith.andi %ne3A_166, %ne3A_158 : vector<30x128xi1>
    %add3A_168 = vector.broadcast %select_n3A_153 : i32 to vector<30x128xi32>
    %add3A_169 = arith.addi %rem3A_155, %add3A_168 : vector<30x128xi32>
    %select_n3A_170 = arith.select %and3A_167, %add3A_169, %rem3A_155 : vector<30x128xi1>, vector<30x128xi32>
    %add3A_171 = arith.constant 10000 : i32
    %add3A_172 = vector.broadcast %add3A_171 : i32 to vector<30x128xi32>
    %add3A_173 = arith.addi %add3A_172, %select_n3A_170 : vector<30x128xi32>
    %shift_left3A_174 = arith.constant 16 : i32
    %shift_left3A_175 = vector.broadcast %shift_left3A_174 : i32 to vector<30x128xi32>
    %shift_left3A_176 = arith.shli %add3A_173, %shift_left3A_175 : vector<30x128xi32>
    %or3A_177 = arith.ori %add3A_142, %shift_left3A_176 : vector<30x128xi32>
    %swap3A_178 = arith.constant 1250 : index
    %swap3A_179 = arith.constant 0 : index
    %swap3A_180 = vector.load %arg6[%swap3A_178, %swap3A_179] : memref<1280x128xi32, #tpu.memory_space<vmem>>, vector<30x128xi32>
    tpu.vector_store %arg6[%swap3A_178, %swap3A_179], %or3A_177 {strides = array<i32>} : memref<1280x128xi32, #tpu.memory_space<vmem>>, vector<30x128xi32>,
    return
  }
}

</mosaic_0001>

<sc_bundles>
// kernel: kernel.5.cloned.1.call-start
scs
__scs_entry_jumppad:
0x0: {  	(pc) =	sbr.rel $0x88, $3  }
0x1: {  	(tag) =	ssettag $0x0;
	lr =	simm.s32 $0x1  }
0x2: {  	[smem:$0x3F9E] =	sst lr;
	_ =	strace $0xD0000000  }
0x3: {  	_ = 	snop  }
0x4: {  	_ = 	snop  }
0x5: {  	_ = 	snop  }
0x6: {  	_ = 	snop  }
0x7: {  	_ = 	snop  }
__scs_overlays_trampoline_lowered:
0x8: {  	[smem:$0x3FAD] =	sst s0  }
0x9: {  	[smem:$0x3FAE] =	sst s1  }
0xa: {  	[smem:$0x3FAF] =	sst s2  }
0xb: {  	[smem:$0x3FB0] =	sst s3  }
0xc: {  	[smem:$0x3FB1] =	sst s4  }
0xd: {  	[smem:$0x3FB2] =	sst s5  }
0xe: {  	[smem:$0x3FB3] =	sst s6  }
0xf: {  	[smem:$0x3FB4] =	sst s7  }
0x10: {  	[smem:$0x3FB5] =	sst s8  }
0x11: {  	[smem:$0x3FB6] =	sst s9;
	s0 =	simm.s32 @!p0 $0x0  }
0x12: {  	s1 =	sld [smem:$0x3F9C];
	s0 =	simm.s32 @p0 $0x1  }
0x13: {  	[smem:$0x3FB7] =	sst s0;
	s0 =	simm.s32 @!p1 $0x0  }
0x14: {  	s2 =	sld [smem:$0x3F9B];
	s0 =	simm.s32 @p1 $0x1  }
0x15: {  	[smem:$0x3FB8] =	sst s0;
	s0 =	simm.s32 @!p2 $0x0  }
0x16: {  	s3 =	sld [smem:$0x3FDB];
	s0 =	simm.s32 @p2 $0x1  }
0x17: {  	s4 =	simm.s32 $0x1BF5;
	[smem:$0x3FBA] =	sst s0  }
0x18: {  	s0 =	sld [smem:$0x3F9D];
	_ =	swait.ge [sflag:s4], $0x0  }
0x19: {  	s7 =	sld [smem:$0x3F9E]  }
0x1a: {  	s8 =	sadd.s32 $0xFFFFE003, lr  }
0x1b: {  	s9 =	sadd.s32 $0xFFFFFEF7, lr;
	s5 =	simm.s32 $0xFFFFFFFF;
	p2 =	slt.u32 s8, $0xFFFFF086  }
0x1c: {  	p1 =	slt.u32 s9, $0xF7A;
	s5 =	simm.s32 @!p2 $0x0  }
0x1d: {  	s5 =	simm.s32 @p1 $0x1;
	p0 =	seq.s32 s7, s2  }
0x1e: {  	s7 =	smul.u32 @!p0 $0xF7A, s2;
	p2 =	seq.s32 @!p0 s5, $0x0  }
0x1f: {  	s9 =	smul.u32 $0xF7A, s1;
	s8 =	simm.s32 @!p0 $0x1BF5;
	p2 =	por !p2, p0  }
0x20: {  	[sflag:s8] =	ssyncset.s32 @!p0 $0xFFFFF086;
	s6 =	sadd.s32 @!p0 s3, s7;
	s7 =	simm.s32 @!p0 $0x108  }
0x21: {  	s3 =	sadd.s32 s3, s9;
	s6 =	sadd.s32 @!p0 $0x88, s6;
	s7 =	simm.s32 @p2 $0x1082  }
0x22: {  	[simem:s7], [sflag:s8] =	dma.local @!p0 [hbm:s6], $0xF7A  }
0x23: {  	s9 =	sor.u32 $0xD0000000, s2;
	s6 =	simm.s32 $0x108;
	_ =	swait.ge @!p0 [sflag:s8], $0x0  }
0x24: {  	s3 =	sadd.s32 $0x88, s3;
	s6 =	simm.s32 @!p1 $0x1082;
	[sflag:s4] =	ssyncset.s32 $0xFFFFF086  }
0x25: {  	[simem:s6], [sflag:s4] =	dma.local [hbm:s3], $0xF7A  }
0x26: {  	[smem:$0x3F9E] =	sst s1;
	(tag) =	ssettag s2;
	_ =	strace s9  }
0x27: {  	s1 =	sld [smem:$0x3FAE]  }
0x28: {  	s2 =	sld [smem:$0x3FAF]  }
0x29: {  	s4 =	sld [smem:$0x3FB1]  }
0x2a: {  	p0 =	seq.s32 s5, $0x0;
	s5 =	sld [smem:$0x3FB2]  }
0x2b: {  	s6 =	sld [smem:$0x3FB3]  }
0x2c: {  	s7 =	sld [smem:$0x3FB4]  }
0x2d: {  	s3 =	simm.s32 $0x108;
	s8 =	sld [smem:$0x3FB5]  }
0x2e: {  	s3 =	simm.s32 @!p0 $0x1082;
	s9 =	sld [smem:$0x3FB6]  }
0x2f: {  	lr =	sadd.s32 s0, s3;
	s0 =	sld [smem:$0x3FAD]  }
0x30: {  	s3 =	sld [smem:$0x3FB0]  }
0x31: {  	[smem:$0x3FB9] =	sst s10  }
0x32: {  	s10 =	sld [smem:$0x3FB7];
	_ =	sdelay $0x3  }
0x33: {  	p0 =	seq.s32 s10, $0x1;
	s10 =	sld [smem:$0x3FB9];
	_ =	sdelay $0x3  }
0x34: {  	[smem:$0x3FB9] =	sst s10  }
0x35: {  	s10 =	sld [smem:$0x3FB8];
	_ =	sdelay $0x3  }
0x36: {  	p1 =	seq.s32 s10, $0x1;
	s10 =	sld [smem:$0x3FB9];
	_ =	sdelay $0x3  }
0x37: {  	[smem:$0x3FB9] =	sst s10  }
0x38: {  	s10 =	sld [smem:$0x3FBA]  }
0x39: {  	_ = 	snop;
	(pc) =	sbr.ind lr, $3  }
0x3a: {  	_ = 	snop  }
0x3b: {  	_ = 	snop  }
0x3c: {  	p2 =	seq.s32 s10, $0x1;
	s10 =	sld [smem:$0x3FB9]  }
0x3d: {  	_ =	shalt  }
0x3e: {  	_ =	shalt  }
0x3f: {  	_ =	shalt  }
0x40: {  	_ =	shalt  }
0x41: {  	_ =	shalt  }
0x42: {  	_ =	shalt  }
0x43: {  	_ =	shalt  }
0x44: {  	_ =	shalt  }
0x45: {  	_ =	shalt  }
0x46: {  	_ =	shalt  }
0x47: {  	_ =	shalt  }
0x48: {  	_ =	shalt  }
0x49: {  	_ =	shalt  }
0x4a: {  	_ =	shalt  }
0x4b: {  	_ =	shalt  }
0x4c: {  	_ =	shalt  }
0x4d: {  	_ =	shalt  }
0x4e: {  	_ =	shalt  }
0x4f: {  	_ =	shalt  }
0x50: {  	_ =	shalt  }
0x51: {  	_ =	shalt  }
0x52: {  	_ =	shalt  }
0x53: {  	_ =	shalt  }
0x54: {  	_ =	shalt  }
0x55: {  	_ =	shalt  }
0x56: {  	_ =	shalt  }
0x57: {  	_ =	shalt  }
0x58: {  	_ =	shalt  }
0x59: {  	_ =	shalt  }
0x5a: {  	_ =	shalt  }
0x5b: {  	_ =	shalt  }
0x5c: {  	_ =	shalt  }
0x5d: {  	_ =	shalt  }
0x5e: {  	_ =	shalt  }
0x5f: {  	_ =	shalt  }
0x60: {  	_ =	shalt  }
0x61: {  	_ =	shalt  }
0x62: {  	_ =	shalt  }
0x63: {  	_ =	shalt  }
0x64: {  	_ =	shalt  }
0x65: {  	_ =	shalt  }
0x66: {  	_ =	shalt  }
0x67: {  	_ =	shalt  }
0x68: {  	_ =	shalt  }
0x69: {  	_ =	shalt  }
0x6a: {  	_ =	shalt  }
0x6b: {  	_ =	shalt  }
0x6c: {  	_ =	shalt  }
0x6d: {  	_ =	shalt  }
0x6e: {  	_ =	shalt  }
0x6f: {  	_ =	shalt  }
0x70: {  	_ =	shalt  }
0x71: {  	_ =	shalt  }
0x72: {  	_ =	shalt  }
0x73: {  	_ =	shalt  }
0x74: {  	_ =	shalt  }
0x75: {  	_ =	shalt  }
0x76: {  	_ =	shalt  }
0x77: {  	_ =	shalt  }
0x78: {  	_ =	shalt  }
0x79: {  	_ =	shalt  }
0x7a: {  	_ =	shalt  }
0x7b: {  	_ =	shalt  }
0x7c: {  	_ =	shalt  }
0x7d: {  	_ =	shalt  }
0x7e: {  	_ =	shalt  }
0x7f: {  	_ =	shalt  }
0x80: {  	_ =	shalt  }
0x81: {  	_ =	shalt  }
0x82: {  	_ =	shalt  }
0x83: {  	_ =	shalt  }
0x84: {  	_ =	shalt  }
0x85: {  	_ =	shalt  }
0x86: {  	_ =	shalt  }
0x87: {  	_ =	shalt  }
.Lfunc_end0:
.L_simem_size_0:
called_computation_lowered:
.L_overlay_start_0:
0x88: {  	s2 =	sld [smem:$0x3FD9]  }
0x89: {  	s3 =	sld [smem:$0x3FFE];
	_ =	sdelay $0x1  }
0x8a: {  	s1 =	srdreg.scid  }
0x8b: {  	s0 =	sand.u32 $0x1, s1  }
0x8c: {  	s17 =	sshll.u32 s0, $0xA;
	s2 =	sadd.s32 s3, s2  }
0x8d: {  	s2 =	sadd.s32 s2, s17  }
0x8e: {  	[smem:$0x3FC5] =	sst s2  }
0x8f: {  	_ = 	snop  }
0x90: {  	s2 =	sld [smem:$0x3FC9]  }
0x91: {  	s18 =	sld [smem:$0x3FD0];
	(tm) =	ssettm $0x1  }
0x92: {  	s4 =	sld [smem:$0x3FFB];
	_ =	sdelay $0x3  }
0x93: {  	_ =	strace s4  }
0x94: {  	s4 =	sld [smem:$0x3FFC];
	_ =	sdelay $0x3  }
0x95: {  	_ =	strace s4  }
0x96: {  	s4 =	sld [smem:$0x3FFD];
	_ =	sdelay $0x3  }
0x97: {  	_ =	strace s4  }
0x98: {  	_ =	strace $0x8FFFFFFF  }
0x99: {  	s19 =	sld [smem:$0x3FDB];
	_ =	sdelay $0x1  }
0x9a: {  	s5 =	simm.s32 $_scs_section_size  }
0x9b: {  	s6 =	simm.s32 $_size__tile_overlayer_lowered;
	s7 =	simm.s32 $_tile_overlayer_lowered  }
0x9c: {  	s22 =	simm.s32 $0x1BFF;
	s21 =	sshll.u32 s7, $0x1;
	s4 =	sadd.s32 s5, s19  }
0x9d: {  	s8 =	simm.s32 $0x0;
	s20 =	sshll.u32 s6, $0x1;
	s6 =	sadd.s32 s21, s4  }
0x9e: {  	[timem:s8], [sflag:s22] =	dma.local [hbm:s6], s20  }
0x9f: {  	_ =	swait.ge [sflag:s22], s20  }
0xa0: {  	s5 =	ssub.s32 $0x0, s20;
	[sflag:s22] =	ssyncset.done $0x0  }
0xa1: {  	[sflag:s22] =	ssyncadd.s32 s5;
	_ =	sdelay $0x1  }
0xa2: {  	s23 =	simm.s32 $0x1B8B  }
0xa3: {  	_ =	swait.ge [sflag:s23], $0x1  }
0xa4: {  	[sflag:s23] =	ssyncset.done $0x0  }
0xa5: {  	s25 =	simm.s32 $0x1B8E;
	s24 =	sld [smem:$0x3FFE];
	[sflag:s23] =	ssyncadd.s32 $0xFFFFFFFF  }
0xa6: {  	s26 =	simm.s32 $execute0_lowered;
	[smem:$0x3FD2] =	sst s25  }
0xa7: {  	s6 =	sshll.u32 s26, $0x1;
	_ =	strace $0x80000046;
	[dreg:$0x1] =	wrdreg $0xFFFFFFFF  }
0xa8: {  	s28 =	simm.s32 $_size_execute0_lowered;
	s4 =	sadd.s32 s4, s6;
	[dreg:$0x0] =	wrdreg $0x0  }
0xa9: {  	s6 =	sshll.u32 s28, $0x1;
	[dreg:$0x2] =	wrdreg s4  }
0xaa: {  	[dreg:$0x3] =	wrdreg s6  }
0xab: {  	[dreg:$0x4] =	wrdreg $0xC0  }
0xac: {  	_ =	task [dreg:s8], $0x5FFFF  }
0xad: {  	[dreg:$0x1] =	wrdreg $0xFFFFFFFF  }
0xae: {  	[dreg:$0x0] =	wrdreg $0x60  }
0xaf: {  	[dreg:$0x2] =	wrdreg s2  }
0xb0: {  	[dreg:$0x3] =	wrdreg s24  }
0xb1: {  	[dreg:$0x4] =	wrdreg s18  }
0xb2: {  	[dreg:$0x5] =	wrdreg $0x90C00  }
0xb3: {  	[dreg:$0x6] =	wrdreg $0x9  }
0xb4: {  	_ =	task.clear_ibuf [dreg:s8], $0x7FFFF;
	_ =	strace $0x90000046  }
0xb5: {  	s29 =	simm.s32 $0x9;
	_ =	strace $0x80000048  }
0xb6: {  	_ =	swait.ge [sflag:s29], $0x1  }
0xb7: {  	[sflag:s29] =	ssyncadd.s32 $0xFFFFFFFF  }
0xb8: {  	_ =	strace $0x90000048  }
0xb9: {  	_ =	sfence  }
0xba: {  	s30 =	sld [smem:$0x0];
	_ =	sdelay $0x2  }
0xbb: {  	s31 =	sshll.u32 s1, $0xD;
	s1 =	sshrl.u32 s1, $0x2  }
0xbc: {  	s3 =	sand.u32 $0x4000, s31;
	s1 =	sadd.s32 s1, s30  }
0xbd: {  	s0 =	sor.u32 s3, s0;
	s1 =	sshll.u32 s1, $0x11  }
0xbe: {  	s0 =	sor.u32 s1, s0  }
0xbf: {  	s0 =	sadd.s32 $0x8F2B, s0  }
0xc0: {  	[sflag:s0] =	ssyncadd.remote.s32 $0x1  }
0xc1: {  	_ =	sfence.sel $0xFFFF  }
0xc2: {  	[dreg:$0x0] =	wrdreg $0xFFFFFFFF;
	(pc) =	sbr.abs _section_cstart, $3  }
0xc3: {  	[dreg:$0x1] =	wrdreg $0xFFFFFFFF  }
0xc4: {  	_ =	task.clear_ibuf [dreg:s8], $0x2FFFF;
	_ =	strace $0x9FFFFFFF  }
0xc5: {  	(tm) =	ssettm $0x7FFFFFFF  }
tec
execute0_lowered:
.L_overlay_start_1:
0x0: {  	(tag) =	ssettag $0x1  }
0x1: {  	s1 =	rddreg [dreg:$0x0]  }
0x2: {  	s0 =	rddreg [dreg:$0x1]  }
0x3: {  	s2 =	rddreg [dreg:$0x2]  }
0x4: {  	s3 =	rddreg [dreg:$0x3];
	s4 =	srdreg.scid;
	s5 =	simm.s32 $0x0  }
0x5: {  	s9 =	stileid.u32;
	s4 =	sand.u32 $0x1, s4;
	[smem:$0x7FF] =	sst s5  }
0x6: {  	s6 =	smul.u32 $0x16800, s9;
	s10 =	sadd.s32 $0x2E800, s0;
	s29 =	sshll.u32 s4, $0x4  }
0x7: {  	_ =	strace $0x80000047;
	s8 =	smul.u32 $0x168000, s4;
	[dreg:$0x5] =	wrdreg s10  }
0x8: {  	s4 =	ssub.s32 $0x2, s4;
	s7 =	sor.u32 s9, s29;
	s9 =	smul.u32 $0x5A000, s9  }
0x9: {  	s11 =	sshrl.u32 s4, $0x1;
	s25 =	sadd.s32 s6, s3;
	s7 =	smul.u32 $0x280, s7  }
0xa: {  	s4 =	ssub.s32 s4, s11;
	[dreg:$0x8] =	wrdreg s25  }
0xb: {  	s31 =	sshrl.u32 s9, $0x2;
	s30 =	sadd.s32 s7, s0;
	s2 =	sadd.s32 s2, s7  }
0xc: {  	s10 =	sadd.s32 s31, s3;
	s31 =	smax.u32 s4, $0x1;
	[dreg:$0x6] =	wrdreg s2  }
0xd: {  	s9 =	sadd.s32 $0x29800, s30;
	[dreg:$0x1d] =	wrdreg s31  }
0xe: {  	s11 =	sadd.s32 $0x1200, s10;
	[dreg:$0x7] =	wrdreg s9  }
0xf: {  	s12 =	sadd.s32 $0x2400, s10;
	[dreg:$0x9] =	wrdreg s11  }
0x10: {  	s13 =	sadd.s32 $0x3600, s10;
	[dreg:$0xa] =	wrdreg s12  }
0x11: {  	s14 =	sadd.s32 $0x4800, s10;
	[dreg:$0xb] =	wrdreg s13  }
0x12: {  	s15 =	sadd.s32 $0x5A00, s10;
	[dreg:$0xc] =	wrdreg s14  }
0x13: {  	s16 =	sadd.s32 $0x6C00, s10;
	[dreg:$0xd] =	wrdreg s15  }
0x14: {  	s17 =	sadd.s32 $0x7E00, s10;
	[dreg:$0xe] =	wrdreg s16  }
0x15: {  	s18 =	sadd.s32 $0x9000, s10;
	[dreg:$0xf] =	wrdreg s17  }
0x16: {  	s19 =	sadd.s32 $0xA200, s10;
	[dreg:$0x10] =	wrdreg s18  }
0x17: {  	s20 =	sadd.s32 $0xB400, s10;
	[dreg:$0x11] =	wrdreg s19  }
0x18: {  	s21 =	sadd.s32 $0xC600, s10;
	[dreg:$0x12] =	wrdreg s20  }
0x19: {  	s22 =	sadd.s32 $0xD800, s10;
	[dreg:$0x13] =	wrdreg s21  }
0x1a: {  	s5 =	sadd.s32 $0x1800, s0;
	s23 =	sadd.s32 $0xEA00, s10;
	[dreg:$0x14] =	wrdreg s22  }
0x1b: {  	s8 =	sadd.s32 s6, s8;
	s24 =	sadd.s32 $0xFC00, s10;
	[dreg:$0x15] =	wrdreg s23  }
0x1c: {  	s6 =	simm.s32 $0x20;
	s26 =	sadd.s32 $0x10E00, s10;
	[dreg:$0x16] =	wrdreg s24  }
0x1d: {  	s8 =	sshrl.u32 s8, $0x3;
	s28 =	sadd.s32 $0x12000, s10;
	[dreg:$0x17] =	wrdreg s26  }
0x1e: {  	s0 =	sadd.s32 s8, s0;
	s29 =	sadd.s32 $0x13200, s10;
	[dreg:$0x18] =	wrdreg s28  }
0x1f: {  	s7 =	simm.s32 $0x8C00;
	s30 =	sadd.s32 $0x14400, s10;
	[dreg:$0x19] =	wrdreg s29  }
0x20: {  	s8 =	simm.s32 $0x2800;
	s2 =	sadd.s32 $0x15600, s10;
	[dreg:$0x1a] =	wrdreg s30  }
0x21: {  	s0 =	sadd.s32 $0x2EA00, s0;
	s10 =	simm.s32 $0x8C40;
	[dreg:$0x1b] =	wrdreg s2  }
0x22: {  	[dreg:$0x1c] =	wrdreg s0;
	s0 =	simm.s32 $0x7;
	s2 =	simm.s32 $0x6800  }
0x23: {  	s11 =	simm.s32 $0x4800;
	s12 =	simm.s32 $0x1;
	s13 =	simm.s32 $0x2  }
0x24: {  	s14 =	simm.s32 $0x8C20;
	s15 =	simm.s32 $0x3800;
	s16 =	simm.s32 $0x8C60  }
0x25: {  	s17 =	simm.s32 $0x5800;
	s18 =	simm.s32 $0x8C80;
	s19 =	simm.s32 $0x4  }
0x26: {  	s20 =	simm.s32 $0x5;
	s21 =	simm.s32 $0x8CA0;
	s22 =	simm.s32 $0x7A00  }
0x27: {  	v0 =	vimm.f32 $0.0e+00;
	s23 =	simm.s32 $0x3;
	s24 =	simm.s32 $0x6;
	s9 =	simm.s32 $0x0  }
.LBB2_1:
0x28: {  	[dreg:$0x1e] =	wrdreg s9  }
0x29: {  	s4 =	simm.s32 $0x0;
	s28 =	rddreg [dreg:$0x5];
	s26 =	simm.s32 $0x8CC0  }
0x2a: {  	[tilespmem:s26], [sflag:$0x7] =	stream.linear.gather [hbm4b:s28+s4], $0x400, $0x38;
	[tilespmem:$0x1F8C0] =	vst v63  }
0x2b: {  	_ =	swait.ge [sflag:s0], $0x400  }
0x2c: {  	[sflag:s0] =	ssyncset.done $0x0  }
0x2d: {  	[sflag:s0] =	ssyncadd.s32 $0xFFFFFC00  }
0x2e: {  	v1 =	vld [tilespmem:$0x8D40];
	_ =	sdelay $0x2  }
0x2f: {  	s29 =	rddreg [dreg:$0x6]  }
0x30: {  	v56 =	vld [tilespmem:$0x8CC0];
	[tilespmem:s4], [sflag:$0x7] =	stream.linear.gather [hbm4b:s29+s4], $0x1400, $0x38  }
0x31: {  	[tilespmem:$0x1FFF0] =	vst v1  }
0x32: {  	_ =	swait.ge [sflag:s0], $0x1400  }
0x33: {  	[sflag:s0] =	ssyncset.done $0x0  }
0x34: {  	s31 =	simm.s32 $0x1400;
	s30 =	rddreg [dreg:$0x7];
	[sflag:s0] =	ssyncadd.s32 $0xFFFFEC00  }
0x35: {  	[tilespmem:s31], [sflag:$0x7] =	stream.linear.gather [hbm4b:s30+s4], $0x1400, $0x38;
	[tilespmem:$0x1F8C0] =	vst v63  }
0x36: {  	_ =	swait.ge [sflag:s0], $0x1400  }
0x37: {  	[sflag:s0] =	ssyncset.done $0x0  }
0x38: {  	s9 =	simm.s32 $0x240;
	s4 =	simm.s32 $0x0;
	[sflag:s0] =	ssyncadd.s32 $0xFFFFEC00  }
.LBB2_2:
0x39: {  	p0 =	sne.s32 s9, $0x45C0;
	[tilespmem:s4+$0x6880] =	vst v0  }
0x3a: {  	[tilespmem:s4+$0x6800] =	vst v0  }
0x3b: {  	[tilespmem:s4+$0x6810] =	vst v0  }
0x3c: {  	[tilespmem:s4+$0x6820] =	vst v0  }
.Ltmp0:
0x3d: {  	[tilespmem:s4+$0x6830] =	vst v0;
	(pc) =	sbr.rel @p0 .LBB2_2-.Ltmp0, $4  }
0x3e: {  	[tilespmem:s4+$0x6840] =	vst v0  }
0x3f: {  	[tilespmem:s4+$0x6850] =	vst v0  }
0x40: {  	[tilespmem:s4+$0x6860] =	vst v0  }
0x41: {  	[tilespmem:s4+$0x6870] =	vst v0;
	s4 =	sshra.s32 s9, $0x2;
	s9 =	sadd.s32 $0x240, s9  }
0x42: {  	[tilespmem:s4+$0x6880] =	vst v0  }
0x43: {  	[tilespmem:s4+$0x6800] =	vst v0  }
0x44: {  	[tilespmem:s4+$0x6810] =	vst v0  }
0x45: {  	[tilespmem:s4+$0x6820] =	vst v0  }
0x46: {  	[tilespmem:s4+$0x6830] =	vst v0  }
0x47: {  	[tilespmem:s4+$0x6840] =	vst v0  }
0x48: {  	[tilespmem:s4+$0x6850] =	vst v0  }
0x49: {  	[tilespmem:s4+$0x6860] =	vst v0  }
0x4a: {  	[tilespmem:s4+$0x6870] =	vst v0  }
0x4b: {  	[spmem:s25] =	stream.linear.scatter [tilespmem:s2], [sflag:$0x7], $0x1200, $0x38;
	[tilespmem:$0x1F8C0] =	vst v63  }
0x4c: {  	_ =	swait.ge [sflag:s0], $0x1200  }
0x4d: {  	[sflag:s0] =	ssyncset.done $0x0  }
0x4e: {  	s9 =	rddreg [dreg:$0x9];
	[sflag:s0] =	ssyncadd.s32 $0xFFFFEE00  }
0x4f: {  	[spmem:s9] =	stream.linear.scatter [tilespmem:s2], [sflag:$0x7], $0x1200, $0x38;
	[tilespmem:$0x1F8C0] =	vst v63  }
0x50: {  	_ =	swait.ge [sflag:s0], $0x1200  }
0x51: {  	[sflag:s0] =	ssyncset.done $0x0  }
0x52: {  	s25 =	rddreg [dreg:$0xa];
	[sflag:s0] =	ssyncadd.s32 $0xFFFFEE00  }
0x53: {  	[spmem:s25] =	stream.linear.scatter [tilespmem:s2], [sflag:$0x7], $0x1200, $0x38;
	[tilespmem:$0x1F8C0] =	vst v63  }
0x54: {  	_ =	swait.ge [sflag:s0], $0x1200  }
0x55: {  	[sflag:s0] =	ssyncset.done $0x0  }
0x56: {  	s26 =	rddreg [dreg:$0xb];
	[sflag:s0] =	ssyncadd.s32 $0xFFFFEE00  }
0x57: {  	[spmem:s26] =	stream.linear.scatter [tilespmem:s2], [sflag:$0x7], $0x1200, $0x38;
	[tilespmem:$0x1F8C0] =	vst v63  }
0x58: {  	_ =	swait.ge [sflag:s0], $0x1200  }
0x59: {  	[sflag:s0] =	ssyncset.done $0x0  }
0x5a: {  	s30 =	rddreg [dreg:$0xc];
	[sflag:s0] =	ssyncadd.s32 $0xFFFFEE00  }
0x5b: {  	[spmem:s30] =	stream.linear.scatter [tilespmem:s2], [sflag:$0x7], $0x1200, $0x38;
	[tilespmem:$0x1F8C0] =	vst v63  }
0x5c: {  	_ =	swait.ge [sflag:s0], $0x1200  }
0x5d: {  	[sflag:s0] =	ssyncset.done $0x0  }
0x5e: {  	s31 =	rddreg [dreg:$0xd];
	[sflag:s0] =	ssyncadd.s32 $0xFFFFEE00  }
0x5f: {  	[spmem:s31] =	stream.linear.scatter [tilespmem:s2], [sflag:$0x7], $0x1200, $0x38;
	[tilespmem:$0x1F8C0] =	vst v63  }
0x60: {  	_ =	swait.ge [sflag:s0], $0x1200  }
0x61: {  	[sflag:s0] =	ssyncset.done $0x0  }
0x62: {  	s9 =	rddreg [dreg:$0xe];
	[sflag:s0] =	ssyncadd.s32 $0xFFFFEE00  }
0x63: {  	[spmem:s9] =	stream.linear.scatter [tilespmem:s2], [sflag:$0x7], $0x1200, $0x38;
	[tilespmem:$0x1F8C0] =	vst v63  }
0x64: {  	_ =	swait.ge [sflag:s0], $0x1200  }
0x65: {  	[sflag:s0] =	ssyncset.done $0x0  }
0x66: {  	s25 =	rddreg [dreg:$0xf];
	[sflag:s0] =	ssyncadd.s32 $0xFFFFEE00  }
0x67: {  	[spmem:s25] =	stream.linear.scatter [tilespmem:s2], [sflag:$0x7], $0x1200, $0x38;
	[tilespmem:$0x1F8C0] =	vst v63  }
0x68: {  	_ =	swait.ge [sflag:s0], $0x1200  }
0x69: {  	[sflag:s0] =	ssyncset.done $0x0  }
0x6a: {  	s26 =	rddreg [dreg:$0x10];
	[sflag:s0] =	ssyncadd.s32 $0xFFFFEE00  }
0x6b: {  	[spmem:s26] =	stream.linear.scatter [tilespmem:s2], [sflag:$0x7], $0x1200, $0x38;
	[tilespmem:$0x1F8C0] =	vst v63  }
0x6c: {  	_ =	swait.ge [sflag:s0], $0x1200  }
0x6d: {  	[sflag:s0] =	ssyncset.done $0x0  }
0x6e: {  	s30 =	rddreg [dreg:$0x11];
	[sflag:s0] =	ssyncadd.s32 $0xFFFFEE00  }
0x6f: {  	[spmem:s30] =	stream.linear.scatter [tilespmem:s2], [sflag:$0x7], $0x1200, $0x38;
	[tilespmem:$0x1F8C0] =	vst v63  }
0x70: {  	_ =	swait.ge [sflag:s0], $0x1200  }
0x71: {  	[sflag:s0] =	ssyncset.done $0x0  }
0x72: {  	s31 =	rddreg [dreg:$0x12];
	[sflag:s0] =	ssyncadd.s32 $0xFFFFEE00  }
0x73: {  	[spmem:s31] =	stream.linear.scatter [tilespmem:s2], [sflag:$0x7], $0x1200, $0x38;
	[tilespmem:$0x1F8C0] =	vst v63  }
0x74: {  	_ =	swait.ge [sflag:s0], $0x1200  }
0x75: {  	[sflag:s0] =	ssyncset.done $0x0  }
0x76: {  	s9 =	rddreg [dreg:$0x13];
	[sflag:s0] =	ssyncadd.s32 $0xFFFFEE00  }
0x77: {  	[spmem:s9] =	stream.linear.scatter [tilespmem:s2], [sflag:$0x7], $0x1200, $0x38;
	[tilespmem:$0x1F8C0] =	vst v63  }
0x78: {  	_ =	swait.ge [sflag:s0], $0x1200  }
0x79: {  	[sflag:s0] =	ssyncset.done $0x0  }
0x7a: {  	s25 =	rddreg [dreg:$0x14];
	[sflag:s0] =	ssyncadd.s32 $0xFFFFEE00  }
0x7b: {  	[spmem:s25] =	stream.linear.scatter [tilespmem:s2], [sflag:$0x7], $0x1200, $0x38;
	[tilespmem:$0x1F8C0] =	vst v63  }
0x7c: {  	_ =	swait.ge [sflag:s0], $0x1200  }
0x7d: {  	[sflag:s0] =	ssyncset.done $0x0  }
0x7e: {  	s26 =	rddreg [dreg:$0x15];
	[sflag:s0] =	ssyncadd.s32 $0xFFFFEE00  }
0x7f: {  	[spmem:s26] =	stream.linear.scatter [tilespmem:s2], [sflag:$0x7], $0x1200, $0x38;
	[tilespmem:$0x1F8C0] =	vst v63  }
0x80: {  	_ =	swait.ge [sflag:s0], $0x1200  }
0x81: {  	[sflag:s0] =	ssyncset.done $0x0  }
0x82: {  	s30 =	rddreg [dreg:$0x16];
	[sflag:s0] =	ssyncadd.s32 $0xFFFFEE00  }
0x83: {  	[spmem:s30] =	stream.linear.scatter [tilespmem:s2], [sflag:$0x7], $0x1200, $0x38;
	[tilespmem:$0x1F8C0] =	vst v63  }
0x84: {  	_ =	swait.ge [sflag:s0], $0x1200  }
0x85: {  	[sflag:s0] =	ssyncset.done $0x0  }
0x86: {  	s31 =	rddreg [dreg:$0x17];
	[sflag:s0] =	ssyncadd.s32 $0xFFFFEE00  }
0x87: {  	[spmem:s31] =	stream.linear.scatter [tilespmem:s2], [sflag:$0x7], $0x1200, $0x38;
	[tilespmem:$0x1F8C0] =	vst v63  }
0x88: {  	_ =	swait.ge [sflag:s0], $0x1200  }
0x89: {  	[sflag:s0] =	ssyncset.done $0x0  }
0x8a: {  	s9 =	rddreg [dreg:$0x18];
	[sflag:s0] =	ssyncadd.s32 $0xFFFFEE00  }
0x8b: {  	[spmem:s9] =	stream.linear.scatter [tilespmem:s2], [sflag:$0x7], $0x1200, $0x38;
	[tilespmem:$0x1F8C0] =	vst v63  }
0x8c: {  	_ =	swait.ge [sflag:s0], $0x1200  }
0x8d: {  	[sflag:s0] =	ssyncset.done $0x0  }
0x8e: {  	s25 =	rddreg [dreg:$0x19];
	[sflag:s0] =	ssyncadd.s32 $0xFFFFEE00  }
0x8f: {  	[spmem:s25] =	stream.linear.scatter [tilespmem:s2], [sflag:$0x7], $0x1200, $0x38;
	[tilespmem:$0x1F8C0] =	vst v63  }
0x90: {  	_ =	swait.ge [sflag:s0], $0x1200  }
0x91: {  	[sflag:s0] =	ssyncset.done $0x0  }
0x92: {  	s26 =	rddreg [dreg:$0x1a];
	[sflag:s0] =	ssyncadd.s32 $0xFFFFEE00  }
0x93: {  	[spmem:s26] =	stream.linear.scatter [tilespmem:s2], [sflag:$0x7], $0x1200, $0x38;
	[tilespmem:$0x1F8C0] =	vst v63  }
0x94: {  	_ =	swait.ge [sflag:s0], $0x1200  }
0x95: {  	[sflag:s0] =	ssyncset.done $0x0  }
0x96: {  	s30 =	rddreg [dreg:$0x1b];
	[sflag:s0] =	ssyncadd.s32 $0xFFFFEE00  }
0x97: {  	[spmem:s30] =	stream.linear.scatter [tilespmem:s2], [sflag:$0x7], $0x1200, $0x38;
	[tilespmem:$0x1F8C0] =	vst v63  }
0x98: {  	_ =	swait.ge [sflag:s0], $0x1200  }
0x99: {  	[sflag:s0] =	ssyncset.done $0x0  }
0x9a: {  	[sflag:s0] =	ssyncadd.s32 $0xFFFFEE00  }
0x9b: {  	[bflag:$0x0] =	sbarrier.arrive $0xFFFF  }
0x9c: {  	v3 =	vld [tilespmem:$0x0];
	_ =	sdelay $0x1  }
0x9d: {  	v4 =	vld [tilespmem:$0x1400];
	_ =	sdelay $0x2  }
0x9e: {  	v5 =	vand.u32 $0xFFFF, v3  }
0x9f: {  	v3 =	vshrl.u32 v3, $0x10;
	[tilespmem:$0x8C00] =	vst v5  }
0xa0: {  	[tilespmem:$0x8C10] =	vst v3;
	v3 =	vand.u32 $0xFFFF, v4  }
0xa1: {  	[tilespmem:$0x8C40] =	vst v3;
	v3 =	vshrl.u32 v4, $0x10  }
0xa2: {  	[tilespmem:$0x8C50] =	vst v3  }
0xa3: {  	[tilespmem:s8], [sflag:$0x1] =	stream.indirect.gather [hbm4b:s1+s6], $0x80, s7, s6, $0xb8;
	[tilespmem:$0x1F8C0] =	vst v63  }
0xa4: {  	_ = 	snop  }
0xa5: {  	[tilespmem:s11], [sflag:$0x2] =	stream.indirect.gather [hbm4b:s5+s6], $0x80, s10, s6, $0xb8;
	[tilespmem:$0x1F8C0] =	vst v63  }
0xa6: {  	_ =	swait.ge [sflag:s12], $0x1000  }
0xa7: {  	[sflag:s12] =	ssyncset.done $0x0  }
0xa8: {  	[sflag:s12] =	ssyncadd.s32 $0xFFFFF000  }
0xa9: {  	_ =	swait.ge [sflag:s13], $0x1000  }
0xaa: {  	[sflag:s13] =	ssyncset.done $0x0  }
0xab: {  	[sflag:s13] =	ssyncadd.s32 $0xFFFFF000  }
0xac: {  	v3 =	vld [tilespmem:$0x10];
	_ =	sdelay $0x1  }
0xad: {  	v4 =	vld [tilespmem:$0x1410];
	_ =	sdelay $0x2  }
0xae: {  	v5 =	vand.u32 $0xFFFF, v3  }
0xaf: {  	v3 =	vshrl.u32 v3, $0x10;
	[tilespmem:$0x8C20] =	vst v5  }
0xb0: {  	[tilespmem:$0x8C30] =	vst v3;
	v3 =	vand.u32 $0xFFFF, v4  }
0xb1: {  	[tilespmem:$0x8C60] =	vst v3;
	v3 =	vshrl.u32 v4, $0x10  }
0xb2: {  	[tilespmem:$0x8C70] =	vst v3  }
0xb3: {  	[tilespmem:s15], [sflag:$0x4] =	stream.indirect.gather [hbm4b:s1+s6], $0x80, s14, s6, $0xb8;
	[tilespmem:$0x1F8C0] =	vst v63  }
0xb4: {  	s31 =	simm.s32 $0x2900  }
0xb5: {  	[tilespmem:s17], [sflag:$0x5] =	stream.indirect.gather [hbm4b:s5+s6], $0x80, s16, s6, $0xb8;
	[tilespmem:$0x1F8C0] =	vst v63  }
0xb6: {  	v17 =	vld [tilespmem:s31+$0x80]  }
0xb7: {  	v18 =	vld [tilespmem:s31+$0x90]  }
0xb8: {  	v27 =	vld [tilespmem:s31+$0xA0]  }
0xb9: {  	v28 =	vld [tilespmem:s31+$0xB0]  }
0xba: {  	v29 =	vld [tilespmem:s31+$0xC0]  }
0xbb: {  	v11 =	vld [tilespmem:s31+$0xD0]  }
0xbc: {  	v23 =	vld [tilespmem:s31+$0xE0]  }
0xbd: {  	v34 =	vld [tilespmem:s31+$0xF0]  }
0xbe: {  	v12 =	vld [tilespmem:s31+$0xFFFFFF10]  }
0xbf: {  	v8 =	vld [tilespmem:s31+$0xFFFFFF20]  }
0xc0: {  	v13 =	vld [tilespmem:s31+$0xFFFFFF30]  }
0xc1: {  	v9 =	vld [tilespmem:s31+$0xFFFFFF40];
	v3 =	vmul.f32 v17, v17;
	v4 =	vmul.f32 v18, v18  }
0xc2: {  	v10 =	vld [tilespmem:s31+$0xFFFFFF50];
	v6 =	vmul.f32 v27, v27;
	v7 =	vmul.f32 v28, v28  }
0xc3: {  	v5 =	vld [tilespmem:s31+$0xFFFFFF60];
	v14 =	vmul.f32 v29, v29;
	v15 =	vmul.f32 v11, v11  }
0xc4: {  	v22 =	vld [tilespmem:s31+$0xFFFFFF80];
	v16 =	vmul.f32 v23, v23;
	v19 =	vmul.f32 v34, v34  }
0xc5: {  	v20 =	vld [tilespmem:s31+$0xFFFFFF90];
	v3 =	vadd.f32 v14, v3;
	v4 =	vadd.f32 v15, v4  }
0xc6: {  	v57 =	vld [tilespmem:s31+$0xFFFFFFE0];
	v6 =	vadd.f32 v16, v6;
	v7 =	vadd.f32 v19, v7  }
0xc7: {  	v58 =	vld [tilespmem:s31+$0xFFFFFFF0]  }
0xc8: {  	v14 =	vld [tilespmem:s31+$0xFFFFFFA0];
	v3 =	vadd.f32 v4, v3;
	v4 =	vadd.f32 v7, v6  }
0xc9: {  	v19 =	vld [tilespmem:s31+$0xFFFFFFC0]  }
0xca: {  	v16 =	vld [tilespmem:s31+$0xFFFFFFD0];
	v3 =	vadd.f32 v4, v3  }
0xcb: {  	v15 =	vld [tilespmem:s31+$0xFFFFFFB0]  }
0xcc: {  	v21 =	vld [tilespmem:s31+$0xFFFFFF70];
	v24 =	vmul.f32 v12, v12;
	v30 =	vmul.f32 v10, v10;
	(xrf2) =	vadd.scan.msk.f32 $0xffff, v3  }
0xcd: {  	s26 =	simm.s32 $0x4900;
	v59 =	vld [tilespmem:s31+$0x10];
	v31 =	vmul.f32 v22, v22;
	v32 =	vmul.f32 v20, v20  }
0xce: {  	v33 =	vld [tilespmem:s26+$0x80];
	v41 =	vadd.f32 v30, v24;
	v24 =	vmul.f32 v57, v57;
	v30 =	vmul.f32 v58, v58  }
0xcf: {  	v40 =	vld [tilespmem:s26+$0xA0];
	v38 =	vmul.f32 v19, v19;
	v39 =	vmul.f32 v16, v16  }
0xd0: {  	v42 =	vld [tilespmem:s26+$0xB0];
	v35 =	vmul.f32 v14, v14;
	v36 =	vmul.f32 v15, v15  }
0xd1: {  	v45 =	vld [tilespmem:s26+$0xE0];
	v31 =	vadd.f32 v38, v31;
	v32 =	vadd.f32 v39, v32  }
0xd2: {  	v63 =	vld [tilespmem:s26+$0xF0];
	v25 =	vmul.f32 v8, v8;
	v24 =	vadd.f32 v24, v35;
	v30 =	vadd.f32 v30, v36  }
0xd3: {  	v37 =	vld [tilespmem:s26+$0x90];
	v26 =	vmul.f32 v13, v13;
	v43 =	vmul.f32 v5, v5  }
0xd4: {  	v60 =	vld [tilespmem:s26+$0xC0];
	v62 =	vmul.f32 v21, v21;
	v31 =	vadd.f32 v32, v31;
	v30 =	vadd.f32 v30, v24  }
0xd5: {  	v61 =	vld [tilespmem:s26+$0xD0];
	v47 =	vmul.f32 v33, v17;
	v40 =	vmul.f32 v40, v27  }
0xd6: {  	v42 =	vmul.f32 v42, v28;
	v33 =	vld [tilespmem:s31+$0xFFFFFF00];
	v43 =	vadd.f32 v43, v25;
	v30 =	vadd.f32 v30, v31;
	v25, _, _ =	vpop (xrf2)  }
0xd7: {  	v45 =	vmul.f32 v45, v23;
	v50 =	vmul.f32 v63, v34;
	v7 =	vld [tilespmem:s31+$0x0];
	v24 =	vmax.f32 v25, $1.000000020e-24  }
0xd8: {  	v37 =	vmul.f32 v37, v18;
	v36 =	vadd.f32 v62, v26;
	v32 =	vld [tilespmem:s31+$0x70];
	(xrf2) =	vadd.scan.msk.f32 $0xffff, v30;
	v26 =	vbroadcast v24, $0xF  }
0xd9: {  	v40 =	vadd.f32 v45, v40;
	v42 =	vadd.f32 v50, v42;
	v39 =	vmul.f32 v9, v9;
	v30 =	vld [tilespmem:s31+$0x50]  }
0xda: {  	v38 =	vmul.f32 v60, v29;
	v25 =	vld [tilespmem:s31+$0x30];
	v31 =	vshrl.u32 v26, $0x1;
	v48 =	vmul.f32 $5.000000000e-01, v26  }
0xdb: {  	v35 =	vmul.f32 v61, v11;
	v62 =	vmul.f32 v33, v33;
	v24 =	vld [tilespmem:s31+$0x20];
	v49 =	vsub.s32 $0x5F3759DF, v31  }
0xdc: {  	v61 =	vadd.f32 v42, v40;
	v38 =	vadd.f32 v38, v47;
	v26 =	vld [tilespmem:s31+$0x40];
	v52 =	vmul.f32 v49, v48  }
0xdd: {  	v46 =	vmul.f32 v59, v59;
	v35 =	vadd.f32 v35, v37;
	v39 =	vadd.f32 v39, v62;
	v31 =	vld [tilespmem:s31+$0x60]  }
0xde: {  	v36 =	vadd.f32 v36, v43;
	v60 =	vmul.f32 v30, v30;
	v53 =	vmul.f32 v49, v52  }
0xdf: {  	v51 =	vld [tilespmem:s26+$0xFFFFFF00];
	v44 =	vmul.f32 v7, v7;
	v35 =	vadd.f32 v35, v38;
	v39 =	vadd.f32 v41, v39  }
0xe0: {  	v50 =	vld [tilespmem:s26+$0xFFFFFF80];
	v45 =	vmul.f32 v25, v25;
	v54 =	vmul.f32 v24, v24;
	v37 =	vsub.f32 $1.500000000e+00, v53  }
0xe1: {  	v42 =	vld [tilespmem:s26+$0xFFFFFF10];
	v35 =	vadd.f32 v61, v35;
	v52 =	vmul.f32 v32, v32;
	v55 =	vmul.f32 v26, v26  }
0xe2: {  	v41 =	vld [tilespmem:s26+$0xFFFFFF50];
	v46 =	vadd.f32 v60, v46;
	v60, _, _ =	vpop (xrf2);
	v63 =	vmul.f32 v31, v31;
	v37 =	vmul.f32 v49, v37  }
0xe3: {  	v36 =	vadd.f32 v36, v39;
	v39 =	vld [tilespmem:s26+$0xFFFFFF70];
	v61 =	vmax.f32 v60, $1.000000020e-24;
	v45 =	vadd.f32 v52, v45  }
0xe4: {  	(xrf2) =	vadd.scan.msk.f32 $0xffff, v35;
	v60 =	vld [tilespmem:s26+$0xFFFFFFA0];
	v44 =	vadd.f32 v55, v44;
	v53 =	vadd.f32 v63, v54;
	v55 =	vmul.f32 v37, v48  }
0xe5: {  	v62 =	vmul.f32 v51, v33;
	v52 =	vld [tilespmem:s26+$0xFFFFFFC0]  }
0xe6: {  	v49 =	vld [tilespmem:s26+$0xFFFFFF20];
	v44 =	vadd.f32 v46, v44;
	v38 =	vadd.f32 v45, v53;
	v47 =	vmul.f32 v55, v37  }
0xe7: {  	v41 =	vmul.f32 v41, v10;
	(xrf2) =	vadd.scan.msk.f32 $0xffff, v36;
	v36 =	vmul.f32 v42, v12;
	v54 =	vld [tilespmem:s26+$0xFFFFFF40]  }
0xe8: {  	v39 =	vmul.f32 v39, v21;
	v63 =	vld [tilespmem:s26+$0xFFFFFF90];
	v38 =	vadd.f32 v38, v44;
	v47 =	vsub.f32 $1.500000000e+00, v47  }
0xe9: {  	v36 =	vadd.f32 v41, v36;
	v41 =	vmul.f32 v50, v22;
	v35 =	vbroadcast v61, $0xF;
	v46 =	vld [tilespmem:s26+$0xFFFFFF60]  }
0xea: {  	v40 =	vld [tilespmem:s26+$0xFFFFFF30];
	v51 =	vmul.f32 v60, v14;
	(xrf2) =	vadd.scan.msk.f32 $0xffff, v38;
	v37 =	vmul.f32 v47, v37  }
0xeb: {  	v61 =	vld [tilespmem:s26+$0xFFFFFFB0];
	v60 =	vmul.f32 v52, v19;
	v55 =	vshrl.u32 v35, $0x1;
	v35 =	vmul.f32 $5.000000000e-01, v35  }
0xec: {  	v53 =	vld [tilespmem:s26+$0xFFFFFFD0];
	v43 =	vmul.f32 v54, v9;
	v48 =	vmul.f32 v37, v48  }
0xed: {  	v49 =	vmul.f32 v49, v8;
	v44 =	vsub.s32 $0x5F3759DF, v55;
	v42 =	vmul.f32 v63, v20;
	v54 =	vld [tilespmem:s26+$0xFFFFFFF0]  }
0xee: {  	v63, _, _ =	vpop (xrf2);
	v46 =	vmul.f32 v46, v5;
	v43 =	vadd.f32 v43, v62;
	v62 =	vmul.f32 v48, v37  }
0xef: {  	v41 =	vadd.f32 v60, v41;
	v38 =	vmul.f32 v40, v13;
	v50 =	vbroadcast v63, $0xF  }
0xf0: {  	v40 =	vmul.f32 v61, v15;
	v47 =	vmul.f32 v44, v35;
	v46 =	vadd.f32 v46, v49  }
0xf1: {  	v38 =	vadd.f32 v39, v38;
	v49 =	vmul.f32 v53, v16;
	v45 =	vsub.f32 $1.500000000e+00, v62  }
0xf2: {  	v61 =	vmul.f32 v50, v56;
	v36 =	vadd.f32 v36, v43;
	v52 =	vmul.f32 v54, v58;
	v48 =	vld [tilespmem:s26+$0xFFFFFFE0];
	v62, _, _ =	vpop (xrf2)  }
0xf3: {  	v2 =	vld [tilespmem:$0x1FFF0];
	v42 =	vadd.f32 v49, v42;
	v37 =	vmul.f32 v45, v37;
	v45 =	vmax.f32 v62, $1.000000020e-24  }
0xf4: {  	v50 =	vld [tilespmem:s26+$0x0];
	v47 =	vmul.f32 v44, v47;
	v38 =	vadd.f32 v38, v46;
	v60, _, _ =	vpop (xrf2);
	v63 =	vbroadcast v45, $0xF  }
0xf5: {  	v40 =	vadd.f32 v52, v40;
	v37 =	vmul.f32 v37, v61;
	v61 =	vmax.f32 v60, $1.000000020e-24  }
0xf6: {  	v55 =	vld [tilespmem:s26+$0x20];
	v39 =	vbroadcast v61, $0xF;
	v62 =	vshrl.u32 v63, $0x1;
	v43 =	vmul.f32 $5.000000000e-01, v63  }
0xf7: {  	v36 =	vadd.f32 v38, v36;
	v48 =	vmul.f32 v48, v57;
	v49 =	vsub.s32 $0x5F3759DF, v62  }
0xf8: {  	v63 =	vshrl.u32 v39, $0x1;
	v39 =	vmul.f32 $5.000000000e-01, v39;
	v53 =	vmul.f32 v49, v43  }
0xf9: {  	v50 =	vmul.f32 v50, v7;
	(xrf2) =	vadd.scan.msk.f32 $0xffff, v36;
	v36 =	vld [tilespmem:s26+$0x70];
	v37 =	vadd.f32 v37, v2;
	v54 =	vsub.s32 $0x5F3759DF, v63  }
0xfa: {  	v45 =	vld [tilespmem:s26+$0x10];
	v48 =	vadd.f32 v48, v51;
	v61 =	vmul.f32 v54, v39;
	v60 =	vmul.f32 v49, v53  }
0xfb: {  	v47 =	vsub.f32 $1.500000000e+00, v47;
	v51 =	vmul.f32 v55, v24;
	v37 =	vmul.f32 $1.442695020e+00, v37  }
0xfc: {  	v40 =	vadd.f32 v40, v48;
	v48 =	vld [tilespmem:s26+$0x60];
	v63 =	vmul.f32 v54, v61;
	v62 =	vsub.f32 $1.500000000e+00, v60  }
0xfd: {  	(erf) = vpow2.f32 v37;
	v37 =	vmul.f32 v44, v47  }
0xfe: {  	v36 =	vmul.f32 v36, v32;
	v44 =	vld [tilespmem:s26+$0x40];
	v60 =	vsub.f32 $1.500000000e+00, v63;
	v38 =	vmul.f32 v49, v62  }
0xff: {  	v41 =	vadd.f32 v42, v41;
	v45 =	vmul.f32 v45, v59;
	v53 =	vld [tilespmem:s26+$0x30];
	v61 =	vmul.f32 v37, v35  }
0x100: {  	v47 =	vld [tilespmem:s26+$0x50];
	v46 =	vmul.f32 v54, v60;
	v49 =	vmul.f32 v38, v43  }
0x101: {  	v40 =	vadd.f32 v40, v41;
	v48 =	vmul.f32 v48, v31;
	v62 =	vmul.f32 v61, v37  }
0x102: {  	v60 =	vmul.f32 v46, v39;
	v63 =	vmul.f32 v49, v38  }
0x103: {  	(xrf2) =	vadd.scan.msk.f32 $0xffff, v40;
	v51 =	vadd.f32 v48, v51;
	v44 =	vmul.f32 v44, v26;
	v41 =	vsub.f32 $1.500000000e+00, v62  }
0x104: {  	v61 =	vmul.f32 v53, v25;
	v42 =	vsub.f32 $1.500000000e+00, v63;
	v63 =	vmul.f32 v60, v46  }
0x105: {  	v62 =	vmul.f32 v47, v30;
	v44 =	vadd.f32 v44, v50;
	v41 =	vmul.f32 v41, v37  }
0x106: {  	v53 =	vadd.f32 v36, v61;
	v38 =	vmul.f32 v42, v38;
	v50 =	vsub.f32 $1.500000000e+00, v63  }
0x107: {  	v40 =	vadd.f32 v62, v45;
	v35 =	vmul.f32 v41, v35  }
0x108: {  	v47 =	vpop (erf);
	v55 =	vadd.f32 v53, v51;
	v43 =	vmul.f32 v38, v43;
	v36 =	vmul.f32 v50, v46  }
0x109: {  	v54 =	vadd.f32 v40, v44;
	v34 =	vmul.f32 v47, v34;
	v35 =	vmul.f32 v35, v41  }
0x10a: {  	v61, _, _ =	vpop (xrf2);
	v60 =	vmul.f32 v43, v38;
	v39 =	vmul.f32 v36, v39  }
0x10b: {  	s4 =	simm.s32 $0x6920;
	v40 =	vadd.f32 v55, v54;
	v35 =	vsub.f32 $1.500000000e+00, v35;
	v43 =	vbroadcast v61, $0xF  }
0x10c: {  	[tilespmem:s4+$0x110] =	vst v47;
	v42 =	vsub.f32 $1.500000000e+00, v60;
	v62 =	vmul.f32 v39, v36  }
0x10d: {  	[tilespmem:s4+$0x100] =	vst v34;
	v63, _, _ =	vpop (xrf2);
	(xrf2) =	vadd.scan.msk.f32 $0xffff, v40;
	v34 =	vmul.f32 v35, v41;
	v37 =	vmul.f32 v43, v56  }
0x10e: {  	s29 =	simm.s32 $0x0;
	s28 =	simm.s32 $0x6920;
	s9 =	simm.s32 $0x2B00;
	[tilespmem:$0x1FFE0] =	vst v56;
	v39 =	vbroadcast v63, $0xF;
	v38 =	vmul.f32 v42, v38;
	v35 =	vsub.f32 $1.500000000e+00, v62  }
.LBB2_4:
0x10f: {  	v40 =	vmul.f32 v47, v17;
	v17 =	vld [tilespmem:s9+$0x80]  }
0x110: {  	v41 =	vmul.f32 v47, v18;
	v18 =	vld [tilespmem:s9+$0x90]  }
0x111: {  	v42 =	vld [tilespmem:s9+$0xA0]  }
0x112: {  	v45 =	vld [tilespmem:s9+$0xFFFFFF30]  }
0x113: {  	v27 =	vmul.f32 v47, v27;
	v28 =	vmul.f32 v47, v28;
	v46 =	vld [tilespmem:s9+$0xFFFFFF40]  }
0x114: {  	v0 =	vmul.f32 v47, v29;
	v37 =	vmul.f32 v38, v37;
	[tilespmem:s4+$0x90] =	vst v40;
	v40 =	vld [tilespmem:s9+$0xFFFFFF10]  }
0x115: {  	v29 =	vmul.f32 v47, v11;
	v39 =	vmul.f32 v39, v56;
	v60 =	vld [tilespmem:s9+$0xB0];
	[tilespmem:s4+$0xA0] =	vst v41  }
0x116: {  	v23 =	vmul.f32 v47, v23;
	v35 =	vmul.f32 v35, v36;
	v61 =	vld [tilespmem:s9+$0xC0];
	v37 =	vadd.f32 v37, v2;
	[tilespmem:s4+$0xB0] =	vst v27  }
0x117: {  	v34 =	vmul.f32 v34, v39;
	v55, _, _ =	vpop (xrf2);
	v11 =	vld [tilespmem:s9+$0xD0];
	v43 =	vmul.f32 v17, v17  }
0x118: {  	v41 =	vld [tilespmem:s9+$0xE0];
	[tilespmem:s4+$0xC0] =	vst v28;
	v27 =	vmov v42;
	v36 =	vbroadcast v55, $0xF;
	v37 =	vmul.f32 $1.442695020e+00, v37  }
0x119: {  	v62 =	vadd.f32 v34, v2;
	v44 =	vmul.f32 v18, v18;
	v34 =	vld [tilespmem:s9+$0xF0];
	v42 =	vmul.f32 v42, v27  }
0x11a: {  	v50 =	vld [tilespmem:s9+$0xFFFFFF50];
	v36 =	vmul.f32 v36, v56;
	(erf) = vpow2.f32 v37  }
0x11b: {  	v51 =	vld [tilespmem:s9+$0xFFFFFF60];
	v63 =	vmul.f32 $1.442695020e+00, v62;
	v49 =	vmul.f32 v40, v40;
	v28 =	vmov v60  }
0x11c: {  	[tilespmem:s4+$0xE0] =	vst v29;
	v37 =	vld [tilespmem:s9+$0xFFFFFF20];
	v29 =	vmov v61;
	v38 =	vmul.f32 v60, v28;
	v35 =	vmul.f32 v35, v36  }
0x11d: {  	v53 =	vld [tilespmem:s9+$0xFFFFFF80];
	[tilespmem:s4+$0xF0] =	vst v23;
	v39 =	vmul.f32 v61, v29;
	v60 =	vmul.f32 v11, v11;
	v23 =	vmov v41  }
0x11e: {  	v56 =	vld [tilespmem:s9+$0xFFFFFFB0];
	v41 =	vmul.f32 v41, v23;
	v48 =	vmul.f32 v34, v34;
	v35 =	vadd.f32 v35, v2  }
0x11f: {  	[tilespmem:$0x1FFC0] =	vst v31;
	v62 =	vmul.f32 v50, v50;
	v39 =	vadd.f32 v39, v43;
	v61 =	vadd.f32 v60, v44;
	v44 =	vld [tilespmem:s9+$0xFFFFFF70]  }
0x120: {  	v31 =	vmovc v26;
	v47 =	vmul.f32 v46, v46;
	v43 =	vld [tilespmem:s9+$0xFFFFFFA0];
	v41 =	vadd.f32 v41, v42;
	v38 =	vadd.f32 v48, v38  }
0x121: {  	v26 =	vmovc v24;
	v52 =	vmul.f32 v37, v37;
	v42 =	vmul.f32 v45, v45;
	v48 =	vadd.f32 v62, v49  }
0x122: {  	v24 =	vmovc v7;
	v62 =	vmul.f32 v53, v53;
	v39 =	vadd.f32 v61, v39;
	v38 =	vadd.f32 v38, v41  }
0x123: {  	[tilespmem:$0x1FFD0] =	vst v32;
	v54 =	vld [tilespmem:s9+$0xFFFFFF90];
	v32 =	vmov v30;
	v55 =	vpop (erf);
	(erf) = vpow2.f32 v63;
	v63 =	vmul.f32 v51, v51  }
0x124: {  	v30 =	vmovc v25;
	v25 =	vmovc v59;
	v59 =	vmul.f32 v56, v56;
	v35 =	vmul.f32 $1.442695020e+00, v35;
	v41 =	vld [tilespmem:s9+$0xFFFFFFC0];
	v38 =	vadd.f32 v38, v39  }
0x125: {  	v7 =	vmovc v58;
	v60 =	vmul.f32 v44, v44;
	v58 =	vmul.f32 v43, v43;
	v61 =	vadd.f32 v63, v52;
	v52 =	vld [tilespmem:s9+$0xFFFFFFD0]  }
0x126: {  	v1 =	vmov v57;
	v39 =	vld [tilespmem:s9+$0xFFFFFFE0];
	(erf) = vpow2.f32 v35;
	v33 =	vmul.f32 v55, v33  }
0x127: {  	s26 =	sadd.s32 $0x200, s26;
	[tilespmem:s4+$0xD0] =	vst v0;
	v36 =	vld [tilespmem:s9+$0xFFFFFFF0];
	v0 =	vmul.f32 v55, v12;
	v12 =	vmovc v40;
	v40 =	vmul.f32 v55, v9;
	(xrf2) =	vadd.scan.msk.f32 $0xffff, v38  }
0x128: {  	v57 =	vld [tilespmem:s26+$0x90];
	[tilespmem:s4+$0xFFFFFF60] =	vst v55;
	v21 =	vmul.f32 v55, v21;
	v35 =	vadd.f32 v60, v42;
	v42 =	vmul.f32 v54, v54  }
0x129: {  	v9 =	vmov v46;
	v46 =	vld [tilespmem:s26+$0x80];
	v63 =	vmul.f32 v55, v8;
	[tilespmem:s4+$0xFFFFFEF0] =	vst v0;
	v0 =	vmul.f32 v55, v13  }
0x12a: {  	v8 =	vmov v37;
	v37 =	vld [tilespmem:s9+$0x0];
	[tilespmem:s4+$0xFFFFFEE0] =	vst v33;
	v2 =	vmul.f32 v41, v41;
	v60 =	vmul.f32 v52, v52  }
0x12b: {  	v38 =	vld [tilespmem:s9+$0x10];
	v49 =	vadd.f32 v35, v61;
	[tilespmem:s4+$0xFFFFFF00] =	vst v63;
	v61 =	vmul.f32 v55, v5;
	v63 =	vmul.f32 v39, v39  }
0x12c: {  	[tilespmem:s4+$0xFFFFFF10] =	vst v0;
	v0 =	vmul.f32 v55, v10;
	v55 =	vld [tilespmem:s26+$0xA0];
	v42 =	vadd.f32 v60, v42;
	v60 =	vmul.f32 v36, v36  }
0x12d: {  	[tilespmem:s4+$0xFFFFFF20] =	vst v40;
	v33 =	vadd.f32 v63, v58;
	v58 =	vld [tilespmem:s26+$0xB0]  }
0x12e: {  	v13 =	vmov v45;
	[tilespmem:s4+$0xFFFFFF50] =	vst v21;
	v62 =	vadd.f32 v2, v62;
	v40 =	vpop (erf);
	v45 =	vadd.f32 v60, v59;
	v59 =	vld [tilespmem:s26+$0xC0]  }
0x12f: {  	v5 =	vmovc v51;
	v10 =	vmov v50;
	[tilespmem:s4+$0xFFFFFF30] =	vst v0;
	v51 =	vmul.f32 v37, v37;
	v0 =	vmul.f32 v40, v22;
	v60 =	vld [tilespmem:s26+$0xD0]  }
0x130: {  	[tilespmem:s4+$0xFFFFFF40] =	vst v61;
	v20 =	vmul.f32 v40, v20;
	v63 =	vmul.f32 v40, v16;
	v42 =	vadd.f32 v42, v62;
	v62 =	vld [tilespmem:s26+$0xE0]  }
0x131: {  	v50 =	vmul.f32 v38, v38;
	[tilespmem:s4+$0xFFFFFF70] =	vst v0;
	v22, _, _ =	vpop (xrf2);
	v0 =	vmul.f32 v40, v14;
	v14 =	vmov v43;
	v43 =	vld [tilespmem:s9+$0x30]  }
0x132: {  	v21 =	vmovc v44;
	v61 =	vmul.f32 v40, v15;
	v3 =	vmul.f32 v40, v19;
	[tilespmem:s4+$0xFFFFFFC0] =	vst v63;
	v63 =	vld [tilespmem:s26+$0xFFFFFF10];
	v2 =	vmax.f32 v22, $1.000000020e-24  }
0x133: {  	v15 =	vmovc v56;
	v56 =	vmul.f32 v57, v18;
	v33 =	vadd.f32 v45, v33;
	v22 =	vmovc v53;
	v53 =	vld [tilespmem:s26+$0xF0];
	v44 =	vbroadcast v2, $0xF  }
0x134: {  	v55 =	vmul.f32 v55, v27;
	[tilespmem:s4+$0xFFFFFF80] =	vst v20;
	v45 =	vld [tilespmem:s9+$0x20];
	v20 =	vmov v54;
	v54 =	vmul.f32 v46, v17  }
0x135: {  	v35 =	vpop (erf);
	[tilespmem:s4+$0xFFFFFFA0] =	vst v61;
	v46 =	vld [tilespmem:s9+$0x40];
	v33 =	vadd.f32 v33, v42;
	v61 =	vshrl.u32 v44, $0x1;
	v57 =	vmul.f32 $5.000000000e-01, v44  }
0x136: {  	v16 =	vmovc v52;
	v52 =	vmul.f32 v58, v28;
	v42 =	vld [tilespmem:s9+$0x60];
	v58 =	vmul.f32 v59, v29;
	v59 =	vsub.s32 $0x5F3759DF, v61  }
0x137: {  	v44 =	vld [tilespmem:s9+$0x50];
	[tilespmem:s4+$0x80] =	vst v35;
	(xrf2) =	vadd.scan.msk.f32 $0xffff, v33;
	v33 =	vmul.f32 v60, v11;
	v60 =	vmul.f32 v59, v57  }
0x138: {  	v19 =	vmov v41;
	v61 =	vmul.f32 v62, v23;
	v41 =	vld [tilespmem:s9+$0x70];
	v53 =	vmul.f32 v53, v34  }
0x139: {  	v54 =	vadd.f32 v58, v54;
	v56 =	vadd.f32 v33, v56;
	v33 =	vld [tilespmem:s9+$0xFFFFFF00];
	v58 =	vmul.f32 v59, v60  }
0x13a: {  	[tilespmem:s4+$0xFFFFFFB0] =	vst v3;
	v3 =	vld [tilespmem:s26+$0xFFFFFF50];
	v55 =	vadd.f32 v61, v55;
	v61 =	vmul.f32 v43, v43;
	v62 =	vmul.f32 v46, v46  }
0x13b: {  	v6 =	vld [tilespmem:s26+$0x0];
	v60 =	vmul.f32 v45, v45;
	v52 =	vadd.f32 v53, v52;
	v58 =	vsub.f32 $1.500000000e+00, v58  }
0x13c: {  	[tilespmem:s4+$0xFFFFFF90] =	vst v0;
	v53 =	vld [tilespmem:s26+$0xFFFFFF00];
	v0 =	vmul.f32 v44, v44;
	v54 =	vadd.f32 v56, v54;
	v2 =	vadd.f32 v62, v51  }
0x13d: {  	v56 =	vmul.f32 v42, v42;
	v52 =	vadd.f32 v52, v55;
	v55 =	vld [tilespmem:s26+$0xFFFFFF20];
	v58 =	vmul.f32 v59, v58  }
0x13e: {  	v0 =	vadd.f32 v0, v50;
	v50 =	vmul.f32 v41, v41;
	v59 =	vld [tilespmem:s26+$0xFFFFFF30];
	v62 =	vmul.f32 v33, v33  }
0x13f: {  	v56 =	vadd.f32 v56, v60;
	v52 =	vadd.f32 v52, v54;
	v54 =	vld [tilespmem:s26+$0xFFFFFF40];
	v60 =	vmul.f32 v58, v57  }
0x140: {  	[tilespmem:s4+$0xFFFFFFF0] =	vst v40;
	v0 =	vadd.f32 v0, v2;
	v2 =	vld [tilespmem:$0x1FFE0];
	v47 =	vadd.f32 v47, v62  }
0x141: {  	v50 =	vadd.f32 v50, v61;
	v62 =	vmul.f32 v63, v12;
	v63 =	vld [tilespmem:s26+$0xFFFFFF90];
	v61, _, _ =	vpop (xrf2);
	(xrf2) =	vadd.scan.msk.f32 $0xffff, v52;
	v60 =	vmul.f32 v60, v58  }
0x142: {  	v3 =	vmul.f32 v3, v10;
	v52 =	vld [tilespmem:s26+$0xFFFFFF60];
	v47 =	vadd.f32 v48, v47  }
0x143: {  	v6 =	vmul.f32 v6, v37;
	v50 =	vadd.f32 v50, v56;
	v56 =	vld [tilespmem:s26+$0xFFFFFF80];
	v60 =	vsub.f32 $1.500000000e+00, v60  }
0x144: {  	v53 =	vmul.f32 v53, v33;
	v51 =	vmax.f32 v61, $1.000000020e-24;
	v61 =	vld [tilespmem:s26+$0xFFFFFF70];
	v47 =	vadd.f32 v49, v47  }
0x145: {  	v51 =	vbroadcast v51, $0xF;
	v0 =	vadd.f32 v50, v0;
	v50 =	vmul.f32 v60, v58;
	v58 =	vld [tilespmem:s26+$0xFFFFFFB0]  }
0x146: {  	v55 =	vmul.f32 v55, v8;
	v3 =	vadd.f32 v3, v62;
	v54 =	vmul.f32 v54, v9;
	v60 =	vld [tilespmem:s26+$0xFFFFFFC0];
	(xrf2) =	vadd.scan.msk.f32 $0xffff, v47  }
0x147: {  	v62 =	vld [tilespmem:s26+$0xFFFFFFF0];
	v4 =	vshrl.u32 v51, $0x1;
	v48 =	vmul.f32 $5.000000000e-01, v51;
	v51 =	vmul.f32 v59, v13  }
0x148: {  	v49 =	vld [tilespmem:s26+$0xFFFFFFA0];
	v53 =	vadd.f32 v54, v53;
	v47 =	vmul.f32 v52, v5;
	v57 =	vmul.f32 v50, v57  }
0x149: {  	v63 =	vmul.f32 v63, v20;
	v4 =	vsub.s32 $0x5F3759DF, v4;
	v52 =	vld [tilespmem:s26+$0xFFFFFFD0];
	v54 =	vmul.f32 v61, v21  }
0x14a: {  	v56 =	vmul.f32 v56, v22;
	v61 =	vld [tilespmem:s26+$0xFFFFFFE0];
	(xrf2) =	vadd.scan.msk.f32 $0xffff, v0;
	v47 =	vadd.f32 v47, v55;
	v57 =	vmul.f32 v57, v50  }
0x14b: {  	v51 =	vadd.f32 v54, v51;
	v54 =	vld [tilespmem:s26+$0x20];
	v0, _, _ =	vpop (xrf2);
	v55 =	vmul.f32 v58, v15;
	v58 =	vmul.f32 v60, v19  }
0x14c: {  	v59 =	vmul.f32 v4, v48;
	v60 =	vld [tilespmem:s26+$0x10];
	v57 =	vsub.f32 $1.500000000e+00, v57;
	v0 =	vbroadcast v0, $0xF  }
0x14d: {  	v3 =	vadd.f32 v3, v53;
	v53 =	vmul.f32 v62, v36;
	v56 =	vadd.f32 v58, v56;
	v58 =	vld [tilespmem:s26+$0x30]  }
0x14e: {  	v50 =	vmul.f32 v57, v50;
	v0 =	vmul.f32 v0, v2;
	v2 =	vld [tilespmem:$0x1FFF0]  }
0x14f: {  	v52 =	vmul.f32 v52, v16;
	v57 =	vmul.f32 v61, v39;
	v61 =	vld [tilespmem:s26+$0x40]  }
0x150: {  	v49 =	vmul.f32 v49, v14;
	v47 =	vadd.f32 v51, v47;
	v0 =	vmul.f32 v50, v0;
	v62, _, _ =	vpop (xrf2)  }
0x151: {  	v50 =	vadd.f32 v52, v63;
	v52 =	vmul.f32 v4, v59;
	v59 =	vld [tilespmem:s26+$0x50];
	v62 =	vmax.f32 v62, $1.000000020e-24  }
0x152: {  	v53 =	vadd.f32 v53, v55;
	v49 =	vadd.f32 v57, v49;
	v57 =	vld [tilespmem:s26+$0x60];
	v62 =	vbroadcast v62, $0xF  }
0x153: {  	v54 =	vmul.f32 v54, v45;
	v60 =	vmul.f32 v60, v38;
	v0 =	vadd.f32 v0, v2  }
0x154: {  	v55 =	vld [tilespmem:s26+$0x70];
	v51 =	vmul.f32 v58, v43;
	v58 =	vmul.f32 v61, v46;
	v61, _, _ =	vpop (xrf2);
	v63 =	vshrl.u32 v62, $0x1  }
0x155: {  	v61 =	vmax.f32 v61, $1.000000020e-24;
	v62 =	vmul.f32 $5.000000000e-01, v62;
	v0 =	vmul.f32 $1.442695020e+00, v0  }
0x156: {  	v61 =	vbroadcast v61, $0xF;
	v6 =	vadd.f32 v58, v6;
	v58 =	vmul.f32 v59, v44  }
0x157: {  	v57 =	vmul.f32 v57, v42;
	(erf) = vpow2.f32 v0;
	v0 =	vsub.s32 $0x5F3759DF, v63  }
0x158: {  	v63 =	vshrl.u32 v61, $0x1;
	v61 =	vmul.f32 $5.000000000e-01, v61;
	v59 =	vmul.f32 v0, v62  }
0x159: {  	v55 =	vmul.f32 v55, v41;
	v58 =	vadd.f32 v58, v60;
	v60 =	vsub.s32 $0x5F3759DF, v63  }
0x15a: {  	v54 =	vadd.f32 v57, v54;
	v57 =	vmul.f32 v60, v61;
	v59 =	vmul.f32 v0, v59;
	_ =	sdelay $0x1  }
0x15b: {  	v51 =	vadd.f32 v55, v51;
	v57 =	vmul.f32 v60, v57;
	v63 =	vsub.f32 $1.500000000e+00, v59  }
0x15c: {  	v52 =	vsub.f32 $1.500000000e+00, v52;
	v6 =	vadd.f32 v58, v6  }
0x15d: {  	v51 =	vadd.f32 v51, v54;
	v0 =	vmul.f32 v0, v63;
	v63 =	vsub.f32 $1.500000000e+00, v57  }
0x15e: {  	v50 =	vadd.f32 v50, v56;
	v49 =	vadd.f32 v53, v49;
	v4 =	vmul.f32 v4, v52  }
0x15f: {  	v3 =	vadd.f32 v47, v3;
	v6 =	vadd.f32 v51, v6;
	v51 =	vmul.f32 v60, v63  }
0x160: {  	v49 =	vadd.f32 v49, v50;
	v59 =	vmul.f32 v4, v48  }
0x161: {  	(xrf2) =	vadd.scan.msk.f32 $0xffff, v3;
	v50 =	vmul.f32 v35, v31;
	v53 =	vmul.f32 v51, v61  }
0x162: {  	(xrf2) =	vadd.scan.msk.f32 $0xffff, v49;
	v3 =	vmul.f32 v59, v4;
	v54 =	vmul.f32 v0, v62  }
0x163: {  	(xrf2) =	vadd.scan.msk.f32 $0xffff, v6;
	v6 =	vmul.f32 v35, v30;
	v60 =	vmul.f32 v53, v51  }
0x164: {  	v63 =	vmul.f32 v40, v1;
	v3 =	vsub.f32 $1.500000000e+00, v3;
	v1 =	vld [tilespmem:$0x1FFC0];
	v52 =	vmul.f32 v54, v0  }
0x165: {  	[tilespmem:s28+$0x40] =	vst v50;
	v54 =	vmul.f32 v35, v24;
	v24 =	vmov v45;
	v45 =	vsub.f32 $1.500000000e+00, v60  }
0x166: {  	s4 =	sadd.s32 $0x240, s4;
	[tilespmem:s28+$0x30] =	vst v6;
	v47 =	vpop (erf);
	v40 =	vmul.f32 v40, v7;
	v3 =	vmul.f32 v3, v4;
	v55 =	vsub.f32 $1.500000000e+00, v52  }
0x167: {  	v58 =	vmov v36;
	v34 =	vmul.f32 v47, v34;
	[tilespmem:s4+$0x110] =	vst v47;
	v36 =	vmul.f32 v45, v51  }
0x168: {  	[tilespmem:s28+$0xFFFFFFD0] =	vst v63;
	v48 =	vmul.f32 v3, v48;
	v0 =	vmul.f32 v55, v0  }
0x169: {  	[tilespmem:s28+$0xFFFFFFE0] =	vst v40;
	v55 =	vmul.f32 v36, v61;
	v61 =	vmul.f32 v35, v1;
	v1 =	vld [tilespmem:$0x1FFD0]  }
0x16a: {  	s29 =	sadd.s32 $0x4, s29;
	v56 =	vld [tilespmem:$0x1FFE0];
	v4 =	vmul.f32 v35, v26;
	[tilespmem:s4+$0x100] =	vst v34;
	v52 =	vmul.f32 v0, v62  }
0x16b: {  	p0 =	slt.u32 s29, $0x1C;
	v63 =	vmul.f32 v35, v25;
	[tilespmem:s28+$0x0] =	vst v54;
	v53 =	vmul.f32 v48, v3  }
.Ltmp1:
0x16c: {  	v31 =	vmov v42;
	[tilespmem:s28+$0x20] =	vst v4;
	v4 =	vmul.f32 v35, v32;
	v60, _, _ =	vpop (xrf2);
	v54 =	vmul.f32 v52, v0;
	(pc) =	sbr.rel @p0 .LBB2_4-.Ltmp1, $4  }
0x16d: {  	v30 =	vmovc v44;
	v57 =	vmovc v39;
	v7 =	vmov v37;
	[tilespmem:s28+$0x10] =	vst v63;
	v34 =	vsub.f32 $1.500000000e+00, v53;
	v6 =	vbroadcast v60, $0xF  }
0x16e: {  	v59 =	vmovc v38;
	[tilespmem:s28+$0x50] =	vst v4;
	v62 =	vsub.f32 $1.500000000e+00, v54;
	v63 =	vmul.f32 v55, v36;
	v4 =	vmul.f32 v35, v1  }
0x16f: {  	v25 =	vmov v43;
	v34 =	vmul.f32 v34, v3;
	v3, _, _ =	vpop (xrf2);
	v37 =	vmul.f32 v6, v56;
	[tilespmem:s28+$0x60] =	vst v61  }
0x170: {  	s9 =	sadd.s32 $0x200, s9;
	v2 =	vld [tilespmem:$0x1FFF0];
	v26 =	vmovc v46;
	v32 =	vmovc v41;
	v39 =	vbroadcast v3, $0xF;
	v38 =	vmul.f32 v62, v0;
	v35 =	vsub.f32 $1.500000000e+00, v63;
	[tilespmem:s28+$0x70] =	vst v4;
	s28 =	smov.u32 s4  }
0x171: {  	_ =	sdelay $0x1  }
0x172: {  	v0 =	vmul.f32 v38, v37;
	_ =	sdelay $0x1  }
0x173: {  	v0 =	vadd.f32 v0, v2;
	_ =	sdelay $0x1  }
0x174: {  	v0 =	vmul.f32 $1.442695020e+00, v0;
	_ =	sdelay $0x1  }
0x175: {  	(erf) = vpow2.f32 v0;
	v0 =	vmul.f32 v47, v17;
	_ =	sdelay $0x1  }
0x176: {  	[tilespmem:s4+$0x90] =	vst v0  }
0x177: {  	v4 =	vmul.f32 v47, v18;
	v1 =	vld [tilespmem:$0x1FFF0]  }
0x178: {  	v6, _, _ =	vpop (xrf2);
	v3 =	vmul.f32 v39, v56;
	v0 =	vmul.f32 v47, v27  }
0x179: {  	v11 =	vmul.f32 v47, v11;
	v6 =	vbroadcast v6, $0xF;
	[tilespmem:s4+$0xA0] =	vst v4  }
0x17a: {  	v3 =	vmul.f32 v34, v3;
	[tilespmem:s4+$0xB0] =	vst v0;
	v0 =	vmul.f32 v47, v29  }
0x17b: {  	v4 =	vmul.f32 v47, v28;
	[tilespmem:s4+$0xE0] =	vst v11  }
0x17c: {  	[tilespmem:s4+$0xD0] =	vst v0;
	v0 =	vmul.f32 v47, v23;
	v3 =	vadd.f32 v3, v1  }
0x17d: {  	[tilespmem:s4+$0xC0] =	vst v4;
	v4 =	vmul.f32 v6, v56;
	v6 =	vpop (erf)  }
0x17e: {  	[tilespmem:s4+$0xF0] =	vst v0;
	v3 =	vmul.f32 $1.442695020e+00, v3;
	v0 =	vmul.f32 v6, v33  }
0x17f: {  	[tilespmem:s4+$0xFFFFFF60] =	vst v6  }
0x180: {  	(erf) = vpow2.f32 v3;
	v3 =	vmul.f32 v35, v36;
	[tilespmem:s4+$0xFFFFFEE0] =	vst v0  }
0x181: {  	v1 =	vld [tilespmem:$0x1FFF0]  }
0x182: {  	v3 =	vmul.f32 v3, v4;
	v4 =	vmul.f32 v6, v12  }
0x183: {  	v0 =	vmul.f32 v6, v8  }
0x184: {  	[tilespmem:s4+$0xFFFFFEF0] =	vst v4;
	v4 =	vmul.f32 v6, v13  }
0x185: {  	[tilespmem:s4+$0xFFFFFF00] =	vst v0;
	v0 =	vmul.f32 v6, v9  }
0x186: {  	v3 =	vadd.f32 v3, v1;
	[tilespmem:s4+$0xFFFFFF10] =	vst v4;
	v4 =	vmul.f32 v6, v10  }
0x187: {  	[tilespmem:s4+$0xFFFFFF20] =	vst v0;
	v0 =	vmul.f32 v6, v5  }
0x188: {  	v3 =	vmul.f32 $1.442695020e+00, v3  }
0x189: {  	[tilespmem:s4+$0xFFFFFF40] =	vst v0  }
0x18a: {  	[tilespmem:s4+$0xFFFFFF30] =	vst v4;
	(erf) = vpow2.f32 v3;
	v3 =	vmul.f32 v6, v21;
	v4 =	vpop (erf)  }
0x18b: {  	v0 =	vmul.f32 v4, v22;
	[tilespmem:s4+$0xFFFFFFF0] =	vst v4  }
0x18c: {  	[tilespmem:s4+$0xFFFFFF50] =	vst v3;
	v3 =	vmul.f32 v4, v20  }
0x18d: {  	[tilespmem:s4+$0xFFFFFF70] =	vst v0;
	v0 =	vmul.f32 v4, v14  }
0x18e: {  	v5 =	vmul.f32 v4, v19;
	[tilespmem:s4+$0xFFFFFF80] =	vst v3  }
0x18f: {  	v3 =	vmul.f32 v4, v15;
	[tilespmem:s4+$0xFFFFFF90] =	vst v0;
	v0 =	vmul.f32 v4, v16  }
0x190: {  	[tilespmem:s4+$0xFFFFFFB0] =	vst v5  }
0x191: {  	[tilespmem:s4+$0xFFFFFFC0] =	vst v0;
	v0 =	vmul.f32 v4, v57  }
0x192: {  	[tilespmem:s4+$0xFFFFFFA0] =	vst v3;
	v4 =	vmul.f32 v4, v58  }
0x193: {  	v3 =	vpop (erf);
	[tilespmem:s28+$0xFFFFFFD0] =	vst v0  }
0x194: {  	[tilespmem:s28+$0xFFFFFFE0] =	vst v4;
	v5 =	vmul.f32 v3, v7  }
0x195: {  	[tilespmem:s4+$0x80] =	vst v3;
	v0 =	vmul.f32 v3, v59  }
0x196: {  	v4 =	vmul.f32 v3, v24;
	[tilespmem:s28+$0x0] =	vst v5  }
0x197: {  	v5 =	vmul.f32 v3, v25;
	[tilespmem:s28+$0x10] =	vst v0  }
0x198: {  	v0 =	vmul.f32 v3, v26;
	[tilespmem:s28+$0x20] =	vst v4  }
0x199: {  	v4 =	vmul.f32 v3, v30;
	[tilespmem:s28+$0x30] =	vst v5  }
0x19a: {  	[tilespmem:s28+$0x40] =	vst v0;
	v0 =	vmul.f32 v3, v31  }
0x19b: {  	[tilespmem:s28+$0x50] =	vst v4;
	v3 =	vmul.f32 v3, v32  }
0x19c: {  	[tilespmem:s28+$0x60] =	vst v0  }
0x19d: {  	[tilespmem:s28+$0x70] =	vst v3  }
0x19e: {  	v0 =	vld [tilespmem:$0x1400];
	_ =	sdelay $0x4  }
0x19f: {  	v3 =	vand.u32 $0xFFFF, v0  }
0x1a0: {  	v0 =	vshrl.u32 v0, $0x10;
	[tilespmem:$0x8C80] =	vst v3  }
0x1a1: {  	[tilespmem:$0x8C90] =	vst v0  }
0x1a2: {  	[spmem:s3] =	stream.indirect.scatter.add.f32 [tilespmem:s2], [sflag:$0x3], $0x90, s18, s6, $0xb8;
	[tilespmem:$0x1F8C0] =	vst v63  }
0x1a3: {  	_ =	swait.ge [sflag:s19], $0x1000  }
0x1a4: {  	[sflag:s19] =	ssyncset.done $0x0  }
0x1a5: {  	[sflag:s19] =	ssyncadd.s32 $0xFFFFF000  }
0x1a6: {  	_ =	swait.ge [sflag:s20], $0x1000  }
0x1a7: {  	[sflag:s20] =	ssyncset.done $0x0  }
0x1a8: {  	[sflag:s20] =	ssyncadd.s32 $0xFFFFF000  }
0x1a9: {  	v0 =	vld [tilespmem:$0x20];
	_ =	sdelay $0x1  }
0x1aa: {  	v3 =	vld [tilespmem:$0x1420];
	_ =	sdelay $0x2  }
0x1ab: {  	v4 =	vand.u32 $0xFFFF, v0  }
0x1ac: {  	v0 =	vshrl.u32 v0, $0x10;
	[tilespmem:$0x8C00] =	vst v4  }
0x1ad: {  	[tilespmem:$0x8C10] =	vst v0;
	v0 =	vand.u32 $0xFFFF, v3  }
0x1ae: {  	[tilespmem:$0x8C40] =	vst v0;
	v0 =	vshrl.u32 v3, $0x10  }
0x1af: {  	[tilespmem:$0x8C50] =	vst v0  }
0x1b0: {  	[tilespmem:s8], [sflag:$0x1] =	stream.indirect.gather [hbm4b:s1+s6], $0x80, s7, s6, $0xb8;
	[tilespmem:$0x1F8C0] =	vst v63  }
0x1b1: {  	s31 =	simm.s32 $0x3900  }
0x1b2: {  	[tilespmem:s11], [sflag:$0x2] =	stream.indirect.gather [hbm4b:s5+s6], $0x80, s10, s6, $0xb8;
	[tilespmem:$0x1F8C0] =	vst v63  }
0x1b3: {  	v17 =	vld [tilespmem:s31+$0x80]  }
0x1b4: {  	v18 =	vld [tilespmem:s31+$0x90]  }
0x1b5: {  	v27 =	vld [tilespmem:s31+$0xA0]  }
0x1b6: {  	v28 =	vld [tilespmem:s31+$0xB0]  }
0x1b7: {  	v29 =	vld [tilespmem:s31+$0xC0]  }
0x1b8: {  	v11 =	vld [tilespmem:s31+$0xD0]  }
0x1b9: {  	v23 =	vld [tilespmem:s31+$0xE0]  }
0x1ba: {  	v34 =	vld [tilespmem:s31+$0xF0]  }
0x1bb: {  	v12 =	vld [tilespmem:s31+$0xFFFFFF10]  }
0x1bc: {  	v8 =	vld [tilespmem:s31+$0xFFFFFF20]  }
0x1bd: {  	v13 =	vld [tilespmem:s31+$0xFFFFFF30]  }
0x1be: {  	v9 =	vld [tilespmem:s31+$0xFFFFFF40]  }
0x1bf: {  	v10 =	vld [tilespmem:s31+$0xFFFFFF50]  }
0x1c0: {  	v5 =	vld [tilespmem:s31+$0xFFFFFF60];
	v0 =	vmul.f32 v17, v17;
	v3 =	vmul.f32 v18, v18  }
0x1c1: {  	v21 =	vld [tilespmem:s31+$0xFFFFFF70];
	v4 =	vmul.f32 v27, v27;
	v6 =	vmul.f32 v28, v28  }
0x1c2: {  	v22 =	vld [tilespmem:s31+$0xFFFFFF80];
	v7 =	vmul.f32 v29, v29;
	v14 =	vmul.f32 v11, v11  }
0x1c3: {  	v20 =	vld [tilespmem:s31+$0xFFFFFF90];
	v15 =	vmul.f32 v23, v23;
	v16 =	vmul.f32 v34, v34  }
0x1c4: {  	v19 =	vld [tilespmem:s31+$0xFFFFFFC0];
	v0 =	vadd.f32 v7, v0;
	v3 =	vadd.f32 v14, v3  }
0x1c5: {  	v1 =	vld [tilespmem:s31+$0xFFFFFFE0];
	v4 =	vadd.f32 v15, v4;
	v6 =	vadd.f32 v16, v6  }
0x1c6: {  	s26 =	simm.s32 $0x5900;
	v55 =	vld [tilespmem:s31+$0xFFFFFFF0]  }
0x1c7: {  	v63 =	vld [tilespmem:s26+$0x80];
	v0 =	vadd.f32 v3, v0;
	v3 =	vadd.f32 v6, v4  }
0x1c8: {  	v49 =	vld [tilespmem:s26+$0x90]  }
0x1c9: {  	v24 =	vmul.f32 v8, v8;
	v25 =	vmul.f32 v13, v13;
	v14 =	vld [tilespmem:s31+$0xFFFFFFA0];
	v0 =	vadd.f32 v3, v0  }
0x1ca: {  	v26 =	vmul.f32 v10, v10;
	v30 =	vmul.f32 v22, v22;
	v16 =	vld [tilespmem:s31+$0xFFFFFFD0]  }
0x1cb: {  	v31 =	vmul.f32 v20, v20;
	v50 =	vmul.f32 v19, v19;
	v15 =	vld [tilespmem:s31+$0xFFFFFFB0];
	(xrf2) =	vadd.scan.msk.f32 $0xffff, v0  }
0x1cc: {  	v52 =	vld [tilespmem:s26+$0xA0];
	v40 =	vmul.f32 v55, v55;
	v42 =	vmul.f32 v5, v5  }
0x1cd: {  	v41 =	vld [tilespmem:s26+$0xB0];
	v38 =	vmul.f32 v9, v9;
	v59 =	vmul.f32 v21, v21  }
0x1ce: {  	v53 =	vld [tilespmem:s26+$0xC0];
	v32 =	vmul.f32 v63, v17;
	v0 =	vmul.f32 v12, v12  }
0x1cf: {  	v58 =	vld [tilespmem:s26+$0xD0];
	v47 =	vmul.f32 v14, v14;
	v51 =	vmul.f32 v16, v16  }
0x1d0: {  	v44 =	vld [tilespmem:s26+$0xE0];
	v48 =	vmul.f32 v15, v15;
	v0 =	vadd.f32 v26, v0;
	v26 =	vmul.f32 v1, v1  }
0x1d1: {  	v57 =	vld [tilespmem:s31+$0x10];
	v36 =	vmul.f32 v49, v18;
	v30 =	vadd.f32 v50, v30;
	v31 =	vadd.f32 v51, v31  }
0x1d2: {  	v45 =	vld [tilespmem:s26+$0xF0];
	v39 =	vmul.f32 v52, v27;
	v54 =	vadd.f32 v40, v48;
	v26 =	vadd.f32 v26, v47  }
0x1d3: {  	v33 =	vld [tilespmem:s31+$0xFFFFFF00];
	v41 =	vmul.f32 v41, v28;
	v42 =	vadd.f32 v42, v24;
	v30 =	vadd.f32 v31, v30  }
0x1d4: {  	v37 =	vmul.f32 v53, v29;
	v7 =	vld [tilespmem:s31+$0x0];
	v31 =	vadd.f32 v59, v25;
	v26 =	vadd.f32 v54, v26  }
0x1d5: {  	v35 =	vmul.f32 v58, v11;
	v44 =	vmul.f32 v44, v23;
	v25 =	vld [tilespmem:s31+$0x30];
	v24, _, _ =	vpop (xrf2)  }
0x1d6: {  	v42 =	vadd.f32 v31, v42;
	v31 =	vld [tilespmem:s31+$0x60];
	v30 =	vadd.f32 v26, v30;
	v24 =	vmax.f32 v24, $1.000000020e-24  }
0x1d7: {  	v45 =	vmul.f32 v45, v34;
	v37 =	vadd.f32 v37, v32;
	v26 =	vld [tilespmem:s31+$0x40];
	v61 =	vbroadcast v24, $0xF  }
0x1d8: {  	v60 =	vmul.f32 v57, v57;
	v35 =	vadd.f32 v35, v36;
	v39 =	vadd.f32 v44, v39;
	(xrf2) =	vadd.scan.msk.f32 $0xffff, v30;
	v30 =	vld [tilespmem:s31+$0x50]  }
0x1d9: {  	v41 =	vadd.f32 v45, v41;
	v24 =	vld [tilespmem:s31+$0x20];
	v46 =	vshrl.u32 v61, $0x1;
	v47 =	vmul.f32 $5.000000000e-01, v61  }
0x1da: {  	v32 =	vld [tilespmem:s31+$0x70];
	v35 =	vadd.f32 v35, v37;
	v43 =	vmul.f32 v7, v7;
	v46 =	vsub.s32 $0x5F3759DF, v46  }
0x1db: {  	v53 =	vadd.f32 v41, v39;
	v54 =	vmul.f32 v33, v33;
	v48 =	vmul.f32 v46, v47  }
0x1dc: {  	v44 =	vmul.f32 v25, v25;
	v58 =	vmul.f32 v31, v31  }
0x1dd: {  	v35 =	vadd.f32 v53, v35;
	v49 =	vmul.f32 v30, v30;
	v62 =	vmul.f32 v46, v48  }
0x1de: {  	v45 =	vld [tilespmem:s26+$0xFFFFFF40];
	v38 =	vadd.f32 v38, v54;
	v52 =	vmul.f32 v26, v26;
	v63 =	vmul.f32 v24, v24  }
0x1df: {  	v41 =	vld [tilespmem:s26+$0xFFFFFF10];
	v40 =	vadd.f32 v49, v60;
	v60 =	vmul.f32 v32, v32;
	v36 =	vsub.f32 $1.500000000e+00, v62  }
0x1e0: {  	v59 =	vld [tilespmem:s26+$0xFFFFFF20];
	v0 =	vadd.f32 v0, v38;
	(xrf2) =	vadd.scan.msk.f32 $0xffff, v35;
	v43 =	vadd.f32 v52, v43  }
0x1e1: {  	v38 =	vld [tilespmem:s26+$0xFFFFFF50];
	v44 =	vadd.f32 v60, v44;
	v62 =	vadd.f32 v58, v63;
	v36 =	vmul.f32 v46, v36  }
0x1e2: {  	v0 =	vadd.f32 v42, v0;
	v61 =	vld [tilespmem:s26+$0xFFFFFF30]  }
0x1e3: {  	v42 =	vld [tilespmem:s26+$0xFFFFFF70];
	v40 =	vadd.f32 v40, v43;
	v52, _, _ =	vpop (xrf2);
	v37 =	vadd.f32 v44, v62;
	v63 =	vmul.f32 v36, v47  }
0x1e4: {  	v50 =	vld [tilespmem:s26+$0xFFFFFF00];
	v45 =	vmul.f32 v45, v9;
	v53 =	vmax.f32 v52, $1.000000020e-24  }
0x1e5: {  	v54 =	vld [tilespmem:s26+$0xFFFFFF60];
	v35 =	vbroadcast v53, $0xF;
	v37 =	vadd.f32 v37, v40;
	v48 =	vmul.f32 v63, v36  }
0x1e6: {  	v51 =	vld [tilespmem:s26+$0xFFFFFFC0];
	(xrf2) =	vadd.scan.msk.f32 $0xffff, v0;
	v0 =	vmul.f32 v41, v12;
	v38 =	vmul.f32 v38, v10  }
0x1e7: {  	v60 =	vmul.f32 v61, v13;
	v61 =	vld [tilespmem:s26+$0xFFFFFFB0];
	v58 =	vshrl.u32 v35, $0x1;
	(xrf2) =	vadd.scan.msk.f32 $0xffff, v37;
	v48 =	vsub.f32 $1.500000000e+00, v48  }
0x1e8: {  	v42 =	vmul.f32 v42, v21;
	v46 =	vmul.f32 v59, v8;
	v59 =	vld [tilespmem:s26+$0xFFFFFFA0]  }
0x1e9: {  	v0 =	vadd.f32 v38, v0;
	v62 =	vmul.f32 v50, v33;
	v53 =	vld [tilespmem:s26+$0xFFFFFFF0];
	v36 =	vmul.f32 v48, v36  }
0x1ea: {  	v43 =	vmul.f32 v54, v5;
	v35 =	vmul.f32 $5.000000000e-01, v35;
	v41 =	vsub.s32 $0x5F3759DF, v58;
	v63 =	vld [tilespmem:s26+$0xFFFFFF80];
	v58, _, _ =	vpop (xrf2)  }
0x1eb: {  	v40 =	vld [tilespmem:s26+$0xFFFFFF90];
	v44 =	vadd.f32 v45, v62;
	v49 =	vbroadcast v58, $0xF;
	v47 =	vmul.f32 v36, v47  }
0x1ec: {  	v43 =	vadd.f32 v43, v46;
	v39 =	vmul.f32 v61, v15;
	v37 =	vadd.f32 v42, v60  }
0x1ed: {  	v0 =	vadd.f32 v0, v44;
	v60 =	vmul.f32 v49, v56;
	v49 =	vld [tilespmem:s26+$0x0];
	v62 =	vmul.f32 v47, v36  }
0x1ee: {  	v52 =	vld [tilespmem:s26+$0xFFFFFFD0];
	v50 =	vmul.f32 v59, v14;
	v59 =	vmul.f32 v51, v19;
	v37 =	vadd.f32 v37, v43  }
0x1ef: {  	v51 =	vmul.f32 v53, v55;
	v63 =	vmul.f32 v63, v22;
	v45 =	vsub.f32 $1.500000000e+00, v62  }
0x1f0: {  	v61, _, _ =	vpop (xrf2);
	v40 =	vmul.f32 v40, v20;
	v48 =	vmul.f32 v41, v35;
	v0 =	vadd.f32 v37, v0  }
0x1f1: {  	v2 =	vld [tilespmem:$0x1FFF0];
	v38 =	vadd.f32 v59, v63;
	v58, _, _ =	vpop (xrf2);
	v36 =	vmul.f32 v45, v36;
	v45 =	vmax.f32 v61, $1.000000020e-24  }
0x1f2: {  	v47 =	vld [tilespmem:s26+$0xFFFFFFE0];
	v49 =	vmul.f32 v49, v7;
	v59 =	vmax.f32 v58, $1.000000020e-24;
	v63 =	vbroadcast v45, $0xF  }
0x1f3: {  	v62 =	vmul.f32 v52, v16;
	v42 =	vbroadcast v59, $0xF  }
0x1f4: {  	(xrf2) =	vadd.scan.msk.f32 $0xffff, v0;
	v0 =	vld [tilespmem:s26+$0x70];
	v36 =	vmul.f32 v36, v60;
	v60 =	vshrl.u32 v63, $0x1;
	v44 =	vmul.f32 $5.000000000e-01, v63  }
0x1f5: {  	v40 =	vadd.f32 v62, v40;
	v61 =	vmul.f32 v41, v48;
	v62 =	vsub.s32 $0x5F3759DF, v60  }
0x1f6: {  	v63 =	vshrl.u32 v42, $0x1;
	v42 =	vmul.f32 $5.000000000e-01, v42;
	v52 =	vmul.f32 v62, v44  }
0x1f7: {  	v47 =	vmul.f32 v47, v1;
	v36 =	vadd.f32 v36, v2;
	v53 =	vsub.s32 $0x5F3759DF, v63  }
0x1f8: {  	v39 =	vadd.f32 v51, v39;
	v45 =	vld [tilespmem:s26+$0x10];
	v59 =	vmul.f32 v53, v42;
	v58 =	vmul.f32 v62, v52  }
0x1f9: {  	v0 =	vmul.f32 v0, v32;
	v46 =	vsub.f32 $1.500000000e+00, v61;
	v36 =	vmul.f32 $1.442695020e+00, v36  }
0x1fa: {  	v54 =	vld [tilespmem:s26+$0x20];
	v47 =	vadd.f32 v47, v50;
	v61 =	vmul.f32 v53, v59;
	v60 =	vsub.f32 $1.500000000e+00, v58  }
0x1fb: {  	v38 =	vadd.f32 v40, v38;
	v52 =	vld [tilespmem:s26+$0x30];
	(erf) = vpow2.f32 v36;
	v36 =	vmul.f32 v41, v46  }
0x1fc: {  	v39 =	vadd.f32 v39, v47;
	v41 =	vld [tilespmem:s26+$0x40];
	v37 =	vmul.f32 v62, v60;
	v62 =	vsub.f32 $1.500000000e+00, v61  }
0x1fd: {  	v45 =	vmul.f32 v45, v57;
	v46 =	vld [tilespmem:s26+$0x50];
	v63 =	vmul.f32 v36, v35  }
0x1fe: {  	v38 =	vadd.f32 v39, v38;
	v58 =	vld [tilespmem:s26+$0x60];
	v48 =	vmul.f32 v37, v44;
	v43 =	vmul.f32 v53, v62  }
0x1ff: {  	v59 =	vmul.f32 v54, v24;
	v60 =	vmul.f32 v63, v36  }
0x200: {  	(xrf2) =	vadd.scan.msk.f32 $0xffff, v38;
	v61 =	vmul.f32 v48, v37;
	v62 =	vmul.f32 v43, v42  }
0x201: {  	v63 =	vmul.f32 v52, v25;
	v41 =	vmul.f32 v41, v26;
	v39 =	vsub.f32 $1.500000000e+00, v60  }
0x202: {  	v52 =	vmul.f32 v46, v30;
	v40 =	vsub.f32 $1.500000000e+00, v61;
	v53 =	vmul.f32 v62, v43  }
0x203: {  	v47 =	vmul.f32 v58, v31;
	v0 =	vadd.f32 v0, v63;
	v39 =	vmul.f32 v39, v36  }
0x204: {  	v41 =	vadd.f32 v41, v49;
	v40 =	vmul.f32 v40, v37;
	v54 =	vsub.f32 $1.500000000e+00, v53  }
0x205: {  	v58 =	vadd.f32 v52, v45;
	v59 =	vadd.f32 v47, v59;
	v35 =	vmul.f32 v39, v35  }
0x206: {  	v44 =	vmul.f32 v40, v44;
	v36 =	vmul.f32 v54, v43  }
0x207: {  	v0 =	vadd.f32 v0, v59;
	v37 =	vadd.f32 v58, v41;
	v35 =	vmul.f32 v35, v39  }
0x208: {  	v47 =	vpop (erf);
	v60 =	vmul.f32 v44, v40;
	v61 =	vmul.f32 v36, v42  }
0x209: {  	s4 =	simm.s32 $0x7B20;
	v34 =	vmul.f32 v47, v34;
	v62, _, _ =	vpop (xrf2);
	v0 =	vadd.f32 v0, v37;
	v35 =	vsub.f32 $1.500000000e+00, v35  }
0x20a: {  	[tilespmem:s4+$0x110] =	vst v47;
	v63, _, _ =	vpop (xrf2);
	v42 =	vbroadcast v62, $0xF;
	v38 =	vsub.f32 $1.500000000e+00, v60;
	v41 =	vmul.f32 v61, v36  }
0x20b: {  	[tilespmem:s4+$0x100] =	vst v34;
	v34 =	vmul.f32 v35, v39;
	v39 =	vbroadcast v63, $0xF  }
0x20c: {  	s29 =	simm.s32 $0x0;
	s9 =	simm.s32 $0x3B00;
	s28 =	simm.s32 $0x7B20;
	(xrf2) =	vadd.scan.msk.f32 $0xffff, v0;
	v37 =	vmul.f32 v42, v56;
	v38 =	vmul.f32 v38, v40;
	v35 =	vsub.f32 $1.500000000e+00, v41  }
.LBB2_6:
0x20d: {  	v0 =	vmul.f32 v47, v17;
	v17 =	vld [tilespmem:s9+$0x80]  }
0x20e: {  	v40 =	vmul.f32 v47, v18;
	v18 =	vld [tilespmem:s9+$0x90]  }
0x20f: {  	v41 =	vld [tilespmem:s9+$0xA0]  }
0x210: {  	v42 =	vld [tilespmem:s9+$0xFFFFFF10]  }
0x211: {  	v27 =	vmul.f32 v47, v27;
	v45 =	vld [tilespmem:s9+$0xFFFFFF40]  }
0x212: {  	v28 =	vmul.f32 v47, v28;
	v3 =	vmul.f32 v47, v29;
	v52 =	vld [tilespmem:s9+$0xFFFFFF80]  }
0x213: {  	[tilespmem:$0x1FFB0] =	vst v32;
	v29 =	vmul.f32 v47, v11;
	v44 =	vld [tilespmem:s9+$0xFFFFFF30];
	v39 =	vmul.f32 v39, v56  }
0x214: {  	v23 =	vmul.f32 v47, v23;
	v50 =	vld [tilespmem:s9+$0xFFFFFF50];
	v37 =	vmul.f32 v38, v37;
	[tilespmem:s4+$0x90] =	vst v0  }
0x215: {  	v32 =	vmovc v30;
	v30 =	vmov v25;
	v35 =	vmul.f32 v35, v36;
	v0 =	vld [tilespmem:s9+$0xB0];
	v34 =	vmul.f32 v34, v39;
	[tilespmem:s4+$0xA0] =	vst v40  }
0x216: {  	v62 =	vld [tilespmem:s9+$0xC0];
	v37 =	vadd.f32 v37, v2;
	[tilespmem:s4+$0xB0] =	vst v27;
	v43 =	vmul.f32 v18, v18;
	v48 =	vmul.f32 v42, v42  }
0x217: {  	v25 =	vmov v57;
	v61, _, _ =	vpop (xrf2);
	v11 =	vld [tilespmem:s9+$0xD0];
	v47 =	vmul.f32 v45, v45;
	v57 =	vmul.f32 v52, v52  }
0x218: {  	v40 =	vld [tilespmem:s9+$0xE0];
	[tilespmem:s4+$0xC0] =	vst v28;
	v27 =	vmov v41;
	v36 =	vbroadcast v61, $0xF;
	v37 =	vmul.f32 $1.442695020e+00, v37  }
0x219: {  	v39 =	vadd.f32 v34, v2;
	v34 =	vld [tilespmem:s9+$0xF0];
	v41 =	vmul.f32 v41, v27;
	v61 =	vmul.f32 v44, v44  }
0x21a: {  	v53 =	vld [tilespmem:s9+$0xFFFFFF90];
	v36 =	vmul.f32 v36, v56;
	(erf) = vpow2.f32 v37  }
0x21b: {  	v63 =	vmul.f32 $1.442695020e+00, v39;
	v28 =	vmov v0;
	v37 =	vld [tilespmem:s9+$0xFFFFFF20];
	v56 =	vmul.f32 v17, v17  }
0x21c: {  	v54 =	vld [tilespmem:s9+$0xFFFFFFA0];
	[tilespmem:s4+$0xE0] =	vst v29;
	v29 =	vmov v62;
	v0 =	vmul.f32 v0, v28;
	v35 =	vmul.f32 v35, v36  }
0x21d: {  	[tilespmem:s4+$0xF0] =	vst v23;
	v38 =	vmul.f32 v62, v29;
	v46 =	vmul.f32 v11, v11;
	v23 =	vmov v40  }
0x21e: {  	v51 =	vld [tilespmem:s9+$0xFFFFFF60];
	v40 =	vmul.f32 v40, v23;
	v58 =	vmul.f32 v34, v34;
	v35 =	vadd.f32 v35, v2  }
0x21f: {  	v62 =	vmul.f32 v50, v50;
	v38 =	vadd.f32 v38, v56;
	v59 =	vadd.f32 v46, v43;
	v43 =	vld [tilespmem:s9+$0xFFFFFF70]  }
0x220: {  	v56 =	vld [tilespmem:s9+$0xFFFFFFC0];
	v60 =	vmul.f32 v37, v37;
	v2 =	vadd.f32 v40, v41;
	v0 =	vadd.f32 v58, v0  }
0x221: {  	[tilespmem:$0x1FFA0] =	vst v31;
	v31 =	vmovc v26;
	v26 =	vmov v24;
	v41 =	vmul.f32 v53, v53;
	v58 =	vmul.f32 v54, v54  }
0x222: {  	v24 =	vmovc v7;
	v7 =	vmovc v55;
	v55 =	vld [tilespmem:s9+$0xFFFFFFB0];
	v35 =	vmul.f32 $1.442695020e+00, v35;
	v38 =	vadd.f32 v59, v38;
	v0 =	vadd.f32 v0, v2  }
0x223: {  	v46 =	vld [tilespmem:s9+$0xFFFFFFD0];
	v40 =	vpop (erf);
	(erf) = vpow2.f32 v63;
	v63 =	vmul.f32 v51, v51  }
0x224: {  	[tilespmem:s4+$0xD0] =	vst v3;
	v39 =	vld [tilespmem:s9+$0xFFFFFFE0];
	v0 =	vadd.f32 v0, v38;
	v49 =	vmul.f32 v43, v43;
	v33 =	vmul.f32 v40, v33  }
0x225: {  	v36 =	vld [tilespmem:s9+$0xFFFFFFF0];
	v48 =	vadd.f32 v62, v48;
	v2 =	vmul.f32 v56, v56;
	[tilespmem:s4+$0xFFFFFF60] =	vst v40;
	v62 =	vmul.f32 v40, v9  }
0x226: {  	(erf) = vpow2.f32 v35;
	(xrf2) =	vadd.scan.msk.f32 $0xffff, v0;
	v0 =	vmul.f32 v40, v12;
	[tilespmem:s4+$0xFFFFFEE0] =	vst v33  }
0x227: {  	s26 =	sadd.s32 $0x200, s26;
	v38 =	vld [tilespmem:s9+$0x10];
	v60 =	vadd.f32 v63, v60;
	v35 =	vadd.f32 v49, v61;
	v61 =	vmul.f32 v40, v8;
	[tilespmem:s4+$0xFFFFFF20] =	vst v62  }
0x228: {  	v59 =	vld [tilespmem:s26+$0x80];
	v12 =	vmovc v42;
	v8 =	vmov v37;
	v42 =	vmul.f32 v55, v55;
	v63 =	vmul.f32 v46, v46;
	[tilespmem:s4+$0xFFFFFEF0] =	vst v0  }
0x229: {  	v37 =	vld [tilespmem:s9+$0x0];
	v62 =	vmul.f32 v39, v39;
	v0 =	vmul.f32 v40, v13;
	v49 =	vadd.f32 v35, v60;
	[tilespmem:s4+$0xFFFFFF00] =	vst v61  }
0x22a: {  	v60 =	vmul.f32 v40, v5;
	v5 =	vmovc v51;
	v51 =	vld [tilespmem:s26+$0x90];
	v3 =	vadd.f32 v63, v41;
	v63 =	vmul.f32 v36, v36  }
0x22b: {  	v9 =	vmov v45;
	v61 =	vadd.f32 v2, v57;
	v57 =	vld [tilespmem:s26+$0xB0];
	[tilespmem:s4+$0xFFFFFF10] =	vst v0;
	v0 =	vmul.f32 v40, v10  }
0x22c: {  	v13 =	vmovc v44;
	v33 =	vadd.f32 v62, v58;
	v58 =	vmul.f32 v38, v38;
	v4 =	vadd.f32 v63, v42;
	v42 =	vld [tilespmem:s26+$0xC0]  }
0x22d: {  	v44 =	vld [tilespmem:s26+$0xA0];
	v10 =	vmov v50;
	v45 =	vadd.f32 v3, v61;
	[tilespmem:s4+$0xFFFFFF30] =	vst v0;
	v0 =	vmul.f32 v40, v21;
	v40 =	vpop (erf)  }
0x22e: {  	[tilespmem:s4+$0xFFFFFF40] =	vst v60;
	v60 =	vld [tilespmem:s26+$0xD0];
	v50 =	vmul.f32 v37, v37;
	v33 =	vadd.f32 v4, v33;
	v2 =	vmul.f32 v40, v22  }
0x22f: {  	v62 =	vld [tilespmem:s26+$0xE0];
	v21 =	vmov v43;
	v51 =	vmul.f32 v51, v18;
	[tilespmem:s4+$0xFFFFFF50] =	vst v0;
	v0 =	vmul.f32 v40, v20  }
0x230: {  	v43 =	vld [tilespmem:s9+$0x30];
	v61 =	vmul.f32 v40, v15;
	v3 =	vmul.f32 v40, v19;
	v33 =	vadd.f32 v33, v45;
	[tilespmem:s4+$0xFFFFFF70] =	vst v2  }
0x231: {  	v19 =	vmov v56;
	v56 =	vmul.f32 v57, v28;
	v57 =	vmul.f32 v42, v29;
	v42 =	vld [tilespmem:s9+$0x60];
	v22, _, _ =	vpop (xrf2);
	[tilespmem:s4+$0xFFFFFF80] =	vst v0  }
0x232: {  	v0 =	vmul.f32 v40, v14;
	v14 =	vmovc v54;
	v54 =	vmul.f32 v44, v27;
	v2 =	vmax.f32 v22, $1.000000020e-24;
	v22 =	vmovc v52;
	v52 =	vld [tilespmem:s26+$0xF0]  }
0x233: {  	[tilespmem:s4+$0xFFFFFFB0] =	vst v3;
	(xrf2) =	vadd.scan.msk.f32 $0xffff, v33;
	v44 =	vld [tilespmem:s9+$0x50];
	v33 =	vmul.f32 v60, v11;
	v63 =	vbroadcast v2, $0xF  }
0x234: {  	v20 =	vmov v53;
	v53 =	vmul.f32 v59, v17;
	v3 =	vld [tilespmem:s26+$0xFFFFFF50];
	[tilespmem:s4+$0xFFFFFF90] =	vst v0;
	v0 =	vmul.f32 v40, v16  }
0x235: {  	v15 =	vmovc v55;
	[tilespmem:s4+$0xFFFFFFA0] =	vst v61;
	v51 =	vadd.f32 v33, v51;
	v33 =	vld [tilespmem:s9+$0xFFFFFF00];
	v61 =	vshrl.u32 v63, $0x1;
	v55 =	vmul.f32 $5.000000000e-01, v63  }
0x236: {  	v53 =	vadd.f32 v57, v53;
	v16 =	vmovc v46;
	v46 =	vld [tilespmem:s9+$0x40];
	[tilespmem:s4+$0xFFFFFFC0] =	vst v0;
	v0 =	vmul.f32 v62, v23;
	v59 =	vsub.s32 $0x5F3759DF, v61  }
0x237: {  	v35 =	vpop (erf);
	v45 =	vld [tilespmem:s9+$0x20];
	v60 =	vmul.f32 v59, v55;
	v52 =	vmul.f32 v52, v34  }
0x238: {  	[tilespmem:s4+$0x80] =	vst v35;
	v62 =	vld [tilespmem:s26+$0xFFFFFF10];
	v51 =	vadd.f32 v51, v53;
	v53 =	vmul.f32 v42, v42;
	v63 =	vmul.f32 v44, v44  }
0x239: {  	v41 =	vld [tilespmem:s9+$0x70];
	v0 =	vadd.f32 v0, v54;
	v57 =	vmul.f32 v59, v60;
	v52 =	vadd.f32 v52, v56  }
0x23a: {  	v3 =	vmul.f32 v3, v10;
	v2 =	vadd.f32 v63, v58;
	v63 =	vmul.f32 v33, v33  }
0x23b: {  	v6 =	vld [tilespmem:s26+$0x0];
	v61 =	vmul.f32 v46, v46;
	v57 =	vsub.f32 $1.500000000e+00, v57;
	v0 =	vadd.f32 v52, v0  }
0x23c: {  	[tilespmem:s4+$0xFFFFFFF0] =	vst v40;
	v54 =	vld [tilespmem:s26+$0xFFFFFF00];
	v60 =	vmul.f32 v45, v45;
	v56 =	vmul.f32 v43, v43;
	v47 =	vadd.f32 v47, v63  }
0x23d: {  	v62 =	vmul.f32 v62, v12;
	v63 =	vld [tilespmem:s26+$0xFFFFFF90];
	v57 =	vmul.f32 v59, v57;
	v0 =	vadd.f32 v0, v51  }
0x23e: {  	v58 =	vmul.f32 v41, v41;
	v50 =	vadd.f32 v61, v50;
	v52 =	vld [tilespmem:s26+$0xFFFFFF20];
	v53 =	vadd.f32 v53, v60  }
0x23f: {  	v61, _, _ =	vpop (xrf2);
	v47 =	vadd.f32 v48, v47;
	v3 =	vadd.f32 v3, v62;
	v62 =	vld [tilespmem:s26+$0xFFFFFFF0];
	v60 =	vmul.f32 v57, v55;
	(xrf2) =	vadd.scan.msk.f32 $0xffff, v0  }
0x240: {  	v56 =	vadd.f32 v58, v56;
	v51 =	vld [tilespmem:s26+$0xFFFFFF40]  }
0x241: {  	v58 =	vmax.f32 v61, $1.000000020e-24;
	v61 =	vld [tilespmem:s26+$0xFFFFFF70];
	v47 =	vadd.f32 v49, v47;
	v60 =	vmul.f32 v60, v57  }
0x242: {  	v50 =	vadd.f32 v2, v50;
	v53 =	vadd.f32 v56, v53;
	v56 =	vld [tilespmem:s26+$0xFFFFFF80]  }
0x243: {  	v6 =	vmul.f32 v6, v37;
	v58 =	vbroadcast v58, $0xF;
	v0 =	vld [tilespmem:s26+$0xFFFFFF60];
	(xrf2) =	vadd.scan.msk.f32 $0xffff, v47;
	v60 =	vsub.f32 $1.500000000e+00, v60  }
0x244: {  	v54 =	vmul.f32 v54, v33;
	v59 =	vld [tilespmem:s26+$0xFFFFFF30];
	v50 =	vadd.f32 v53, v50;
	v63 =	vmul.f32 v63, v20  }
0x245: {  	v4 =	vshrl.u32 v58, $0x1;
	v48 =	vmul.f32 $5.000000000e-01, v58;
	v58 =	vld [tilespmem:s26+$0xFFFFFFB0];
	v53 =	vmul.f32 v60, v57  }
0x246: {  	v52 =	vmul.f32 v52, v8;
	v51 =	vmul.f32 v51, v9;
	v60 =	vld [tilespmem:s26+$0xFFFFFFC0]  }
0x247: {  	v2 =	vld [tilespmem:$0x1FFE0];
	v56 =	vmul.f32 v56, v22;
	v55 =	vmul.f32 v53, v55  }
0x248: {  	v47 =	vld [tilespmem:s26+$0xFFFFFFD0];
	v0 =	vmul.f32 v0, v5;
	v51 =	vadd.f32 v51, v54;
	v54 =	vmul.f32 v61, v21  }
0x249: {  	v4 =	vsub.s32 $0x5F3759DF, v4;
	(xrf2) =	vadd.scan.msk.f32 $0xffff, v50;
	v61 =	vld [tilespmem:s26+$0xFFFFFFE0];
	v57 =	vmul.f32 v59, v13;
	v55 =	vmul.f32 v55, v53;
	v50, _, _ =	vpop (xrf2)  }
0x24a: {  	v49 =	vld [tilespmem:s26+$0xFFFFFFA0];
	v0 =	vadd.f32 v0, v52;
	v52 =	vmul.f32 v58, v15;
	v50 =	vbroadcast v50, $0xF  }
0x24b: {  	v54 =	vadd.f32 v54, v57;
	v57 =	vld [tilespmem:s26+$0x20];
	v58 =	vmul.f32 v60, v19;
	v55 =	vsub.f32 $1.500000000e+00, v55  }
0x24c: {  	v59 =	vmul.f32 v4, v48;
	v3 =	vadd.f32 v3, v51;
	v50 =	vmul.f32 v50, v2;
	v2 =	vmovc v1;
	v1 =	vld [tilespmem:$0x1FFF0]  }
0x24d: {  	v51 =	vmul.f32 v62, v36;
	v62, _, _ =	vpop (xrf2);
	v53 =	vmul.f32 v55, v53;
	v55 =	vadd.f32 v58, v56;
	v58 =	vld [tilespmem:s26+$0x30]  }
0x24e: {  	v47 =	vmul.f32 v47, v16;
	v62 =	vmax.f32 v62, $1.000000020e-24;
	v56 =	vmul.f32 v61, v39;
	v61 =	vld [tilespmem:s26+$0x40]  }
0x24f: {  	v49 =	vmul.f32 v49, v14;
	v60 =	vld [tilespmem:s26+$0x10];
	v62 =	vbroadcast v62, $0xF  }
0x250: {  	v47 =	vadd.f32 v47, v63;
	v50 =	vmul.f32 v53, v50;
	v53 =	vmul.f32 v4, v59;
	v59 =	vld [tilespmem:s26+$0x50]  }
0x251: {  	v51 =	vadd.f32 v51, v52;
	v57 =	vmul.f32 v57, v45;
	v49 =	vadd.f32 v56, v49;
	v56 =	vld [tilespmem:s26+$0x60]  }
0x252: {  	v63 =	vshrl.u32 v62, $0x1;
	v62 =	vmul.f32 $5.000000000e-01, v62;
	v50 =	vadd.f32 v50, v1  }
0x253: {  	v0 =	vadd.f32 v54, v0;
	v54 =	vmul.f32 v58, v43;
	v58 =	vmul.f32 v61, v46;
	v61, _, _ =	vpop (xrf2)  }
0x254: {  	v60 =	vmul.f32 v60, v38;
	v50 =	vmul.f32 $1.442695020e+00, v50;
	v61 =	vmax.f32 v61, $1.000000020e-24  }
0x255: {  	v61 =	vbroadcast v61, $0xF;
	v6 =	vadd.f32 v58, v6;
	v58 =	vmul.f32 v59, v44  }
0x256: {  	v56 =	vmul.f32 v56, v42;
	(erf) = vpow2.f32 v50;
	v50 =	vsub.s32 $0x5F3759DF, v63  }
0x257: {  	v52 =	vld [tilespmem:s26+$0x70];
	v59 =	vmul.f32 v50, v62;
	v63 =	vshrl.u32 v61, $0x1;
	v61 =	vmul.f32 $5.000000000e-01, v61  }
0x258: {  	v58 =	vadd.f32 v58, v60;
	v60 =	vsub.s32 $0x5F3759DF, v63  }
0x259: {  	v56 =	vadd.f32 v56, v57;
	v59 =	vmul.f32 v50, v59;
	v57 =	vmul.f32 v60, v61;
	_ =	sdelay $0x1  }
0x25a: {  	v55 =	vadd.f32 v47, v55;
	v63 =	vsub.f32 $1.500000000e+00, v59;
	v47 =	vmul.f32 v60, v57  }
0x25b: {  	v52 =	vmul.f32 v52, v41;
	v53 =	vsub.f32 $1.500000000e+00, v53  }
0x25c: {  	v0 =	vadd.f32 v0, v3;
	v3 =	vmul.f32 v50, v63;
	v57 =	vsub.f32 $1.500000000e+00, v47  }
0x25d: {  	v4 =	vmul.f32 v4, v53;
	v1 =	vadd.f32 v52, v54  }
0x25e: {  	v6 =	vadd.f32 v58, v6;
	v58 =	vmul.f32 v3, v62;
	v50 =	vmul.f32 v60, v57  }
0x25f: {  	v49 =	vadd.f32 v51, v49;
	v53 =	vmul.f32 v4, v48  }
0x260: {  	v54 =	vadd.f32 v1, v56;
	v60 =	vmul.f32 v58, v3;
	v63 =	vmul.f32 v50, v61  }
0x261: {  	(xrf2) =	vadd.scan.msk.f32 $0xffff, v0;
	v49 =	vadd.f32 v49, v55;
	v52 =	vmul.f32 v35, v31;
	v0 =	vmul.f32 v53, v4  }
0x262: {  	v6 =	vadd.f32 v54, v6;
	v54 =	vsub.f32 $1.500000000e+00, v60;
	v60 =	vmul.f32 v63, v50  }
0x263: {  	(xrf2) =	vadd.scan.msk.f32 $0xffff, v49;
	v49 =	vmul.f32 v35, v24;
	v0 =	vsub.f32 $1.500000000e+00, v0;
	v59 =	vmul.f32 v40, v2;
	v2 =	vld [tilespmem:$0x1FFA0]  }
0x264: {  	v24 =	vmov v45;
	[tilespmem:s28+$0x40] =	vst v52;
	v40 =	vmul.f32 v40, v7;
	v45 =	vsub.f32 $1.500000000e+00, v60  }
0x265: {  	[tilespmem:s28+$0x0] =	vst v49;
	v0 =	vmul.f32 v0, v4;
	v4 =	vmul.f32 v35, v26  }
0x266: {  	v55 =	vmovc v36;
	[tilespmem:s28+$0xFFFFFFD0] =	vst v59;
	(xrf2) =	vadd.scan.msk.f32 $0xffff, v6;
	v6 =	vmul.f32 v35, v30;
	v36 =	vmul.f32 v45, v50  }
0x267: {  	[tilespmem:s28+$0xFFFFFFE0] =	vst v40;
	v51 =	vmul.f32 v0, v48;
	v3 =	vmul.f32 v54, v3  }
0x268: {  	[tilespmem:s28+$0x20] =	vst v4;
	v59 =	vmul.f32 v36, v61;
	v61 =	vmul.f32 v35, v2;
	v2 =	vld [tilespmem:$0x1FFB0]  }
0x269: {  	s29 =	sadd.s32 $0x4, s29;
	s4 =	sadd.s32 $0x240, s4;
	v56 =	vld [tilespmem:$0x1FFE0];
	v4 =	vmul.f32 v35, v32;
	v47 =	vpop (erf);
	[tilespmem:s28+$0x30] =	vst v6;
	v53 =	vmul.f32 v3, v62  }
0x26a: {  	p0 =	slt.u32 s29, $0x1C;
	v34 =	vmul.f32 v47, v34;
	[tilespmem:s4+$0x110] =	vst v47;
	v54 =	vmul.f32 v51, v0  }
.Ltmp2:
0x26b: {  	v31 =	vmov v42;
	[tilespmem:s28+$0x50] =	vst v4;
	v63 =	vmul.f32 v35, v25;
	v60, _, _ =	vpop (xrf2);
	v58 =	vmul.f32 v53, v3;
	(pc) =	sbr.rel @p0 .LBB2_6-.Ltmp2, $4  }
0x26c: {  	v1 =	vmovc v39;
	v7 =	vmovc v37;
	v26 =	vmov v46;
	[tilespmem:s4+$0x100] =	vst v34;
	v34 =	vsub.f32 $1.500000000e+00, v54;
	v6 =	vbroadcast v60, $0xF  }
0x26d: {  	v30 =	vmovc v44;
	[tilespmem:s28+$0x10] =	vst v63;
	v62 =	vsub.f32 $1.500000000e+00, v58;
	v63 =	vmul.f32 v59, v36;
	v4 =	vmul.f32 v35, v2  }
0x26e: {  	v32 =	vmov v41;
	v34 =	vmul.f32 v34, v0;
	v0, _, _ =	vpop (xrf2);
	v37 =	vmul.f32 v6, v56;
	[tilespmem:s28+$0x60] =	vst v61  }
0x26f: {  	s9 =	sadd.s32 $0x200, s9;
	v57 =	vmovc v38;
	v25 =	vmovc v43;
	v39 =	vbroadcast v0, $0xF;
	v38 =	vmul.f32 v62, v3;
	v35 =	vsub.f32 $1.500000000e+00, v63;
	v2 =	vld [tilespmem:$0x1FFF0];
	[tilespmem:s28+$0x70] =	vst v4;
	s28 =	smov.u32 s4  }
0x270: {  	_ = 	snop  }
0x271: {  	v3 =	vmul.f32 v39, v56  }
0x272: {  	v0 =	vmul.f32 v38, v37  }
0x273: {  	v3 =	vmul.f32 v34, v3  }
0x274: {  	v0 =	vadd.f32 v0, v2  }
0x275: {  	v3 =	vadd.f32 v3, v2  }
0x276: {  	v0 =	vmul.f32 $1.442695020e+00, v0  }
0x277: {  	v3 =	vmul.f32 $1.442695020e+00, v3  }
0x278: {  	(erf) = vpow2.f32 v0  }
0x279: {  	v17 =	vmul.f32 v47, v17;
	(erf) = vpow2.f32 v3  }
0x27a: {  	v4 =	vmul.f32 v47, v18  }
0x27b: {  	v27 =	vmul.f32 v47, v27;
	[tilespmem:s4+$0x90] =	vst v17  }
0x27c: {  	v28 =	vmul.f32 v47, v28;
	[tilespmem:s4+$0xA0] =	vst v4  }
0x27d: {  	v29 =	vmul.f32 v47, v29;
	[tilespmem:s4+$0xB0] =	vst v27  }
0x27e: {  	v6, _, _ =	vpop (xrf2);
	v11 =	vmul.f32 v47, v11;
	[tilespmem:s4+$0xC0] =	vst v28  }
0x27f: {  	v6 =	vbroadcast v6, $0xF;
	[tilespmem:s4+$0xD0] =	vst v29;
	v34 =	vmul.f32 v47, v23  }
0x280: {  	[tilespmem:s4+$0xE0] =	vst v11  }
0x281: {  	v35 =	vmul.f32 v35, v36;
	v36 =	vmul.f32 v6, v56;
	[tilespmem:s4+$0xF0] =	vst v34;
	v37 =	vpop (erf)  }
0x282: {  	v38 =	vmul.f32 v37, v33;
	[tilespmem:s4+$0xFFFFFF60] =	vst v37;
	v46 =	vpop (erf)  }
0x283: {  	v3 =	vmul.f32 v35, v36;
	v39 =	vmul.f32 v37, v12;
	[tilespmem:s4+$0xFFFFFFF0] =	vst v46  }
0x284: {  	v40 =	vmul.f32 v37, v8;
	[tilespmem:s4+$0xFFFFFEE0] =	vst v38  }
0x285: {  	v3 =	vadd.f32 v3, v2;
	v41 =	vmul.f32 v37, v13;
	[tilespmem:s4+$0xFFFFFEF0] =	vst v39  }
0x286: {  	v42 =	vmul.f32 v37, v9;
	[tilespmem:s4+$0xFFFFFF00] =	vst v40  }
0x287: {  	v3 =	vmul.f32 $1.442695020e+00, v3;
	v43 =	vmul.f32 v37, v10;
	[tilespmem:s4+$0xFFFFFF10] =	vst v41  }
0x288: {  	v44 =	vmul.f32 v37, v5;
	[tilespmem:s4+$0xFFFFFF20] =	vst v42  }
0x289: {  	(erf) = vpow2.f32 v3;
	v45 =	vmul.f32 v37, v21;
	[tilespmem:s4+$0xFFFFFF30] =	vst v43  }
0x28a: {  	v47 =	vmul.f32 v46, v22;
	[tilespmem:s4+$0xFFFFFF40] =	vst v44  }
0x28b: {  	v48 =	vmul.f32 v46, v20;
	[tilespmem:s4+$0xFFFFFF50] =	vst v45  }
0x28c: {  	v49 =	vmul.f32 v46, v14;
	[tilespmem:s4+$0xFFFFFF70] =	vst v47  }
0x28d: {  	v50 =	vmul.f32 v46, v15;
	[tilespmem:s4+$0xFFFFFF80] =	vst v48  }
0x28e: {  	v51 =	vmul.f32 v46, v19;
	[tilespmem:s4+$0xFFFFFF90] =	vst v49  }
0x28f: {  	v52 =	vmul.f32 v46, v16;
	[tilespmem:s4+$0xFFFFFFA0] =	vst v50  }
0x290: {  	v54 =	vmul.f32 v46, v1;
	[tilespmem:s4+$0xFFFFFFB0] =	vst v51  }
0x291: {  	v4 =	vmul.f32 v46, v55;
	[tilespmem:s4+$0xFFFFFFC0] =	vst v52  }
0x292: {  	[tilespmem:s28+$0xFFFFFFD0] =	vst v54;
	v53 =	vpop (erf)  }
0x293: {  	[tilespmem:s28+$0xFFFFFFE0] =	vst v4;
	v55 =	vmul.f32 v53, v7  }
0x294: {  	[tilespmem:s4+$0x80] =	vst v53;
	v57 =	vmul.f32 v53, v57  }
0x295: {  	v58 =	vmul.f32 v53, v24;
	[tilespmem:s28+$0x0] =	vst v55  }
0x296: {  	v59 =	vmul.f32 v53, v25;
	[tilespmem:s28+$0x10] =	vst v57  }
0x297: {  	v60 =	vmul.f32 v53, v26;
	[tilespmem:s28+$0x20] =	vst v58  }
0x298: {  	v61 =	vmul.f32 v53, v30;
	[tilespmem:s28+$0x30] =	vst v59  }
0x299: {  	v62 =	vmul.f32 v53, v31;
	[tilespmem:s28+$0x40] =	vst v60  }
0x29a: {  	v3 =	vmul.f32 v53, v32;
	[tilespmem:s28+$0x50] =	vst v61  }
0x29b: {  	[tilespmem:s28+$0x60] =	vst v62  }
0x29c: {  	[tilespmem:s28+$0x70] =	vst v3  }
0x29d: {  	v0 =	vld [tilespmem:$0x1410];
	_ =	sdelay $0x4  }
0x29e: {  	v63 =	vand.u32 $0xFFFF, v0  }
0x29f: {  	v0 =	vshrl.u32 v0, $0x10;
	[tilespmem:$0x8CA0] =	vst v63  }
0x2a0: {  	s26 =	simm.s32 $0x1;
	[tilespmem:$0x8CB0] =	vst v0  }
0x2a1: {  	[spmem:s3] =	stream.indirect.scatter.add.f32 [tilespmem:s22], [sflag:$0x6], $0x90, s21, s6, $0xb8;
	[tilespmem:$0x1F8C0] =	vst v63  }
.LBB2_8:
0x2a2: {  	_ =	swait.ge [sflag:s12], $0x1000  }
0x2a3: {  	[sflag:s12] =	ssyncset.done $0x0  }
0x2a4: {  	[sflag:s12] =	ssyncadd.s32 $0xFFFFF000  }
0x2a5: {  	_ =	swait.ge [sflag:s13], $0x1000  }
0x2a6: {  	[sflag:s13] =	ssyncset.done $0x0  }
0x2a7: {  	[sflag:s13] =	ssyncadd.s32 $0xFFFFF000  }
0x2a8: {  	_ =	swait.ge [sflag:s23], $0x1200  }
0x2a9: {  	[sflag:s23] =	ssyncset.done $0x0  }
0x2aa: {  	s29 =	sshll.u32 s26, $0x5;
	[sflag:s23] =	ssyncadd.s32 $0xFFFFEE00  }
0x2ab: {  	v0 =	vld [tilespmem:s29+$0x10];
	_ =	sdelay $0x4  }
0x2ac: {  	v3 =	vand.u32 $0xFFFF, v0  }
0x2ad: {  	v0 =	vshrl.u32 v0, $0x10;
	[tilespmem:$0x8C20] =	vst v3  }
0x2ae: {  	[tilespmem:$0x8C30] =	vst v0  }
0x2af: {  	v0 =	vld [tilespmem:s29+$0x1410];
	_ =	sdelay $0x4  }
0x2b0: {  	v3 =	vand.u32 $0xFFFF, v0  }
0x2b1: {  	v0 =	vshrl.u32 v0, $0x10;
	[tilespmem:$0x8C60] =	vst v3  }
0x2b2: {  	[tilespmem:$0x8C70] =	vst v0  }
0x2b3: {  	[tilespmem:s15], [sflag:$0x4] =	stream.indirect.gather [hbm4b:s1+s6], $0x80, s14, s6, $0xb8;
	[tilespmem:$0x1F8C0] =	vst v63  }
0x2b4: {  	s4 =	simm.s32 $0x2900  }
0x2b5: {  	[tilespmem:s17], [sflag:$0x5] =	stream.indirect.gather [hbm4b:s5+s6], $0x80, s16, s6, $0xb8;
	[tilespmem:$0x1F8C0] =	vst v63  }
0x2b6: {  	v17 =	vld [tilespmem:s4+$0x80]  }
0x2b7: {  	v18 =	vld [tilespmem:s4+$0x90]  }
0x2b8: {  	v27 =	vld [tilespmem:s4+$0xA0]  }
0x2b9: {  	v28 =	vld [tilespmem:s4+$0xB0]  }
0x2ba: {  	v29 =	vld [tilespmem:s4+$0xC0]  }
0x2bb: {  	v11 =	vld [tilespmem:s4+$0xD0]  }
0x2bc: {  	v23 =	vld [tilespmem:s4+$0xE0]  }
0x2bd: {  	v34 =	vld [tilespmem:s4+$0xF0]  }
0x2be: {  	v12 =	vld [tilespmem:s4+$0xFFFFFF10]  }
0x2bf: {  	v8 =	vld [tilespmem:s4+$0xFFFFFF20]  }
0x2c0: {  	v13 =	vld [tilespmem:s4+$0xFFFFFF30]  }
0x2c1: {  	v9 =	vld [tilespmem:s4+$0xFFFFFF40]  }
0x2c2: {  	v10 =	vld [tilespmem:s4+$0xFFFFFF50]  }
0x2c3: {  	v5 =	vld [tilespmem:s4+$0xFFFFFF60];
	v55 =	vmul.f32 v17, v17;
	v3 =	vmul.f32 v18, v18  }
0x2c4: {  	v21 =	vld [tilespmem:s4+$0xFFFFFF70];
	v4 =	vmul.f32 v27, v27;
	v6 =	vmul.f32 v28, v28  }
0x2c5: {  	v22 =	vld [tilespmem:s4+$0xFFFFFF80];
	v7 =	vmul.f32 v29, v29;
	v14 =	vmul.f32 v11, v11  }
0x2c6: {  	v20 =	vld [tilespmem:s4+$0xFFFFFF90];
	v15 =	vmul.f32 v23, v23;
	v16 =	vmul.f32 v34, v34  }
0x2c7: {  	s30 =	simm.s32 $0x4900;
	v19 =	vld [tilespmem:s4+$0xFFFFFFC0];
	v0 =	vadd.f32 v7, v55;
	v3 =	vadd.f32 v14, v3  }
0x2c8: {  	v32 =	vld [tilespmem:s30+$0x80];
	v4 =	vadd.f32 v15, v4;
	v6 =	vadd.f32 v16, v6  }
0x2c9: {  	v36 =	vld [tilespmem:s30+$0x90]  }
0x2ca: {  	v39 =	vld [tilespmem:s30+$0xA0];
	v0 =	vadd.f32 v3, v0;
	v3 =	vadd.f32 v6, v4  }
0x2cb: {  	v14 =	vld [tilespmem:s4+$0xFFFFFFA0]  }
0x2cc: {  	v15 =	vld [tilespmem:s4+$0xFFFFFFB0];
	v0 =	vadd.f32 v3, v0  }
0x2cd: {  	v16 =	vld [tilespmem:s4+$0xFFFFFFD0]  }
0x2ce: {  	v57 =	vmul.f32 v12, v12;
	v24 =	vmul.f32 v8, v8;
	v55 =	vld [tilespmem:s4+$0xFFFFFFF0];
	(xrf2) =	vadd.scan.msk.f32 $0xffff, v0  }
0x2cf: {  	v25 =	vmul.f32 v13, v13;
	v26 =	vmul.f32 v10, v10;
	v4 =	vld [tilespmem:s4+$0xFFFFFFE0]  }
0x2d0: {  	v58 =	vld [tilespmem:s30+$0xC0];
	v30 =	vmul.f32 v22, v22;
	v31 =	vmul.f32 v20, v20  }
0x2d1: {  	v41 =	vld [tilespmem:s30+$0xB0];
	v37 =	vmul.f32 v19, v19;
	v42 =	vmul.f32 v5, v5  }
0x2d2: {  	v60 =	vld [tilespmem:s30+$0xD0];
	v32 =	vmul.f32 v32, v17;
	v33 =	vmul.f32 v14, v14  }
0x2d3: {  	v44 =	vld [tilespmem:s30+$0xE0];
	v30 =	vadd.f32 v37, v30;
	v35 =	vmul.f32 v15, v15;
	v38 =	vmul.f32 v16, v16  }
0x2d4: {  	v45 =	vld [tilespmem:s30+$0xF0];
	v40 =	vmul.f32 v55, v55;
	v0 =	vadd.f32 v26, v57;
	v26 =	vmul.f32 v4, v4  }
0x2d5: {  	v7 =	vld [tilespmem:s4+$0x10];
	v42 =	vadd.f32 v42, v24;
	v37 =	vmul.f32 v58, v29;
	v31 =	vadd.f32 v38, v31  }
0x2d6: {  	v61 =	vmul.f32 v21, v21;
	v6 =	vld [tilespmem:s4+$0x0];
	v59 =	vadd.f32 v40, v35;
	v26 =	vadd.f32 v26, v33  }
0x2d7: {  	v39 =	vmul.f32 v39, v27;
	v37 =	vadd.f32 v37, v32;
	v32 =	vld [tilespmem:s4+$0x70];
	v30 =	vadd.f32 v31, v30  }
0x2d8: {  	v41 =	vmul.f32 v41, v28;
	v31 =	vadd.f32 v61, v25;
	v25 =	vld [tilespmem:s4+$0x30];
	v26 =	vadd.f32 v59, v26;
	v24, _, _ =	vpop (xrf2)  }
0x2d9: {  	v44 =	vmul.f32 v44, v23;
	v45 =	vmul.f32 v45, v34;
	v33 =	vld [tilespmem:s4+$0xFFFFFF00];
	v24 =	vmax.f32 v24, $1.000000020e-24  }
0x2da: {  	v42 =	vadd.f32 v31, v42;
	v31 =	vld [tilespmem:s4+$0x60];
	v30 =	vadd.f32 v26, v30;
	v63 =	vbroadcast v24, $0xF  }
0x2db: {  	v36 =	vmul.f32 v36, v18;
	v39 =	vadd.f32 v44, v39;
	v41 =	vadd.f32 v45, v41;
	v26 =	vld [tilespmem:s4+$0x40]  }
0x2dc: {  	v35 =	vmul.f32 v60, v11;
	(xrf2) =	vadd.scan.msk.f32 $0xffff, v30;
	v30 =	vld [tilespmem:s4+$0x50];
	v46 =	vshrl.u32 v63, $0x1;
	v47 =	vmul.f32 $5.000000000e-01, v63  }
0x2dd: {  	v62 =	vmul.f32 v7, v7;
	v38 =	vmul.f32 v9, v9;
	v24 =	vld [tilespmem:s4+$0x20];
	v46 =	vsub.s32 $0x5F3759DF, v46  }
0x2de: {  	v43 =	vmul.f32 v6, v6;
	v35 =	vadd.f32 v35, v36;
	v48 =	vmul.f32 v46, v47  }
0x2df: {  	v54 =	vadd.f32 v41, v39;
	v60 =	vmul.f32 v32, v32;
	v57 =	vmul.f32 v33, v33  }
0x2e0: {  	v35 =	vadd.f32 v35, v37;
	v52 =	vmul.f32 v25, v25;
	v1 =	vmul.f32 v46, v48  }
0x2e1: {  	v50 =	vld [tilespmem:s30+$0xFFFFFF00];
	v59 =	vmul.f32 v31, v31;
	v38 =	vadd.f32 v38, v57;
	v53 =	vmul.f32 v26, v26  }
0x2e2: {  	v58 =	vld [tilespmem:s30+$0xFFFFFF10];
	v49 =	vmul.f32 v30, v30;
	v2 =	vmul.f32 v24, v24;
	v36 =	vsub.f32 $1.500000000e+00, v1  }
0x2e3: {  	v45 =	vld [tilespmem:s30+$0xFFFFFF40];
	v44 =	vadd.f32 v60, v52;
	v43 =	vadd.f32 v53, v43  }
0x2e4: {  	v61 =	vld [tilespmem:s30+$0xFFFFFF30];
	v40 =	vadd.f32 v49, v62;
	v62 =	vadd.f32 v59, v2;
	v36 =	vmul.f32 v46, v36  }
0x2e5: {  	v35 =	vadd.f32 v54, v35;
	v60 =	vld [tilespmem:s30+$0xFFFFFFA0];
	v0 =	vadd.f32 v0, v38  }
0x2e6: {  	v38 =	vld [tilespmem:s30+$0xFFFFFF50];
	v40 =	vadd.f32 v40, v43;
	v37 =	vadd.f32 v44, v62;
	v63 =	vmul.f32 v36, v47  }
0x2e7: {  	v51 =	vld [tilespmem:s30+$0xFFFFFFC0];
	(xrf2) =	vadd.scan.msk.f32 $0xffff, v35;
	v0 =	vadd.f32 v42, v0  }
0x2e8: {  	v49 =	vld [tilespmem:s30+$0xFFFFFF80];
	v37 =	vadd.f32 v37, v40;
	v48 =	vmul.f32 v63, v36  }
0x2e9: {  	v58 =	vmul.f32 v58, v12;
	v45 =	vmul.f32 v45, v9;
	v54 =	vld [tilespmem:s30+$0xFFFFFF60];
	(xrf2) =	vadd.scan.msk.f32 $0xffff, v0  }
0x2ea: {  	v61 =	vmul.f32 v61, v13;
	v57 =	vmul.f32 v50, v33;
	v52, _, _ =	vpop (xrf2);
	v62 =	vld [tilespmem:s30+$0xFFFFFFB0];
	(xrf2) =	vadd.scan.msk.f32 $0xffff, v37;
	v48 =	vsub.f32 $1.500000000e+00, v48  }
0x2eb: {  	v50 =	vmul.f32 v60, v14;
	v38 =	vmul.f32 v38, v10;
	v53 =	vmax.f32 v52, $1.000000020e-24;
	v63 =	vld [tilespmem:s30+$0xFFFFFF70]  }
0x2ec: {  	v35 =	vbroadcast v53, $0xF;
	v53 =	vld [tilespmem:s30+$0xFFFFFFF0];
	v36 =	vmul.f32 v48, v36  }
0x2ed: {  	v60 =	vmul.f32 v51, v19;
	v0 =	vadd.f32 v38, v58;
	v58 =	vmul.f32 v49, v22;
	v46 =	vld [tilespmem:s30+$0xFFFFFF20]  }
0x2ee: {  	v44 =	vadd.f32 v45, v57;
	v40 =	vld [tilespmem:s30+$0xFFFFFF90];
	v59 =	vshrl.u32 v35, $0x1;
	v47 =	vmul.f32 v36, v47  }
0x2ef: {  	v43 =	vmul.f32 v54, v5;
	v35 =	vmul.f32 $5.000000000e-01, v35;
	v38 =	vadd.f32 v60, v58  }
0x2f0: {  	v57 =	vld [tilespmem:s30+$0xFFFFFFE0];
	v0 =	vadd.f32 v0, v44;
	v42 =	vmul.f32 v63, v21;
	v63 =	vmul.f32 v47, v36  }
0x2f1: {  	v52 =	vld [tilespmem:s30+$0xFFFFFFD0];
	v41 =	vsub.s32 $0x5F3759DF, v59;
	v59, _, _ =	vpop (xrf2);
	v39 =	vmul.f32 v62, v15;
	v51 =	vmul.f32 v53, v55  }
0x2f2: {  	v46 =	vmul.f32 v46, v8;
	v49 =	vbroadcast v59, $0xF;
	v45 =	vsub.f32 $1.500000000e+00, v63  }
0x2f3: {  	v62, _, _ =	vpop (xrf2);
	v40 =	vmul.f32 v40, v20;
	v39 =	vadd.f32 v51, v39;
	v37 =	vadd.f32 v42, v61  }
0x2f4: {  	v61 =	vmul.f32 v49, v56;
	v58, _, _ =	vpop (xrf2);
	v36 =	vmul.f32 v45, v36;
	v45 =	vmax.f32 v62, $1.000000020e-24  }
0x2f5: {  	v1 =	vld [tilespmem:$0x1FFF0];
	v47 =	vmul.f32 v57, v4;
	v59 =	vmax.f32 v58, $1.000000020e-24;
	v57 =	vbroadcast v45, $0xF  }
0x2f6: {  	v43 =	vadd.f32 v43, v46;
	v63 =	vmul.f32 v52, v16;
	v42 =	vbroadcast v59, $0xF  }
0x2f7: {  	v36 =	vmul.f32 v36, v61;
	v61 =	vshrl.u32 v57, $0x1;
	v44 =	vmul.f32 $5.000000000e-01, v57  }
0x2f8: {  	v60 =	vld [tilespmem:s30+$0x10];
	v48 =	vmul.f32 v41, v35;
	v40 =	vadd.f32 v63, v40;
	v63 =	vsub.s32 $0x5F3759DF, v61  }
0x2f9: {  	v57 =	vshrl.u32 v42, $0x1;
	v42 =	vmul.f32 $5.000000000e-01, v42;
	v52 =	vmul.f32 v63, v44  }
0x2fa: {  	v49 =	vld [tilespmem:s30+$0x0];
	v62 =	vmul.f32 v41, v48;
	v36 =	vadd.f32 v36, v1;
	v53 =	vsub.s32 $0x5F3759DF, v57  }
0x2fb: {  	v37 =	vadd.f32 v37, v43;
	v59 =	vmul.f32 v53, v42;
	v58 =	vmul.f32 v63, v52  }
0x2fc: {  	v47 =	vadd.f32 v47, v50;
	v46 =	vsub.f32 $1.500000000e+00, v62;
	v36 =	vmul.f32 $1.442695020e+00, v36  }
0x2fd: {  	v54 =	vld [tilespmem:s30+$0x20];
	v45 =	vmul.f32 v60, v7;
	v61 =	vmul.f32 v53, v59;
	v60 =	vsub.f32 $1.500000000e+00, v58  }
0x2fe: {  	v0 =	vadd.f32 v37, v0;
	v57 =	vld [tilespmem:s30+$0x60];
	(erf) = vpow2.f32 v36;
	v36 =	vmul.f32 v41, v46  }
0x2ff: {  	v49 =	vmul.f32 v49, v6;
	v52 =	vld [tilespmem:s30+$0x30];
	v62 =	vsub.f32 $1.500000000e+00, v61;
	v37 =	vmul.f32 v63, v60  }
0x300: {  	v39 =	vadd.f32 v39, v47;
	v38 =	vadd.f32 v40, v38;
	v41 =	vld [tilespmem:s30+$0x40];
	v63 =	vmul.f32 v36, v35  }
0x301: {  	(xrf2) =	vadd.scan.msk.f32 $0xffff, v0;
	v58 =	vld [tilespmem:s30+$0x70];
	v43 =	vmul.f32 v53, v62;
	v48 =	vmul.f32 v37, v44  }
0x302: {  	v38 =	vadd.f32 v39, v38;
	v59 =	vmul.f32 v54, v24;
	v46 =	vld [tilespmem:s30+$0x50];
	v60 =	vmul.f32 v63, v36  }
0x303: {  	v62 =	vmul.f32 v43, v42;
	v61 =	vmul.f32 v48, v37  }
0x304: {  	(xrf2) =	vadd.scan.msk.f32 $0xffff, v38;
	v47 =	vmul.f32 v57, v31;
	v63 =	vmul.f32 v52, v25;
	v39 =	vsub.f32 $1.500000000e+00, v60  }
0x305: {  	v41 =	vmul.f32 v41, v26;
	v54 =	vmul.f32 v62, v43;
	v40 =	vsub.f32 $1.500000000e+00, v61  }
0x306: {  	v59 =	vadd.f32 v47, v59;
	v0 =	vmul.f32 v58, v32;
	v39 =	vmul.f32 v39, v36  }
0x307: {  	v53 =	vmul.f32 v46, v30;
	v57 =	vsub.f32 $1.500000000e+00, v54;
	v40 =	vmul.f32 v40, v37  }
0x308: {  	v41 =	vadd.f32 v41, v49;
	v0 =	vadd.f32 v0, v63;
	v35 =	vmul.f32 v39, v35  }
0x309: {  	v58 =	vadd.f32 v53, v45;
	v36 =	vmul.f32 v57, v43;
	v44 =	vmul.f32 v40, v44  }
0x30a: {  	v47 =	vpop (erf);
	v0 =	vadd.f32 v0, v59;
	v35 =	vmul.f32 v35, v39  }
0x30b: {  	v62, _, _ =	vpop (xrf2);
	v37 =	vadd.f32 v58, v41;
	v61 =	vmul.f32 v36, v42;
	v60 =	vmul.f32 v44, v40  }
0x30c: {  	s4 =	simm.s32 $0x6920;
	v34 =	vmul.f32 v47, v34;
	v42 =	vbroadcast v62, $0xF;
	v35 =	vsub.f32 $1.500000000e+00, v35  }
0x30d: {  	[tilespmem:s4+$0x110] =	vst v47;
	v0 =	vadd.f32 v0, v37;
	v41 =	vmul.f32 v61, v36;
	v38 =	vsub.f32 $1.500000000e+00, v60  }
0x30e: {  	s9 =	simm.s32 $0x0;
	v63, _, _ =	vpop (xrf2);
	[tilespmem:s4+$0x100] =	vst v34;
	v37 =	vmul.f32 v42, v56;
	v34 =	vmul.f32 v35, v39  }
0x30f: {  	s25 =	simm.s32 $0x2B00;
	s31 =	simm.s32 $0x6920;
	s28 =	sor.u32 $0x10, s29;
	(xrf2) =	vadd.scan.msk.f32 $0xffff, v0;
	v39 =	vbroadcast v63, $0xF;
	v35 =	vsub.f32 $1.500000000e+00, v41;
	v38 =	vmul.f32 v38, v40  }
.LBB2_9:
0x310: {  	v0 =	vmul.f32 v47, v17;
	v17 =	vld [tilespmem:s25+$0x80]  }
0x311: {  	v40 =	vmul.f32 v47, v18;
	v18 =	vld [tilespmem:s25+$0x90]  }
0x312: {  	v41 =	vld [tilespmem:s25+$0xA0]  }
0x313: {  	[tilespmem:$0x1FF80] =	vst v4;
	v4 =	vld [tilespmem:$0x1FFF0]  }
0x314: {  	v27 =	vmul.f32 v47, v27;
	v42 =	vld [tilespmem:s25+$0xFFFFFF10];
	[tilespmem:s4+$0x90] =	vst v0  }
0x315: {  	v28 =	vmul.f32 v47, v28;
	v39 =	vmul.f32 v39, v56;
	v0 =	vld [tilespmem:s25+$0xB0];
	[tilespmem:s4+$0xA0] =	vst v40  }
0x316: {  	v1 =	vmul.f32 v47, v29;
	v37 =	vmul.f32 v38, v37;
	v62 =	vld [tilespmem:s25+$0xC0];
	[tilespmem:s4+$0xB0] =	vst v27  }
0x317: {  	v29 =	vmul.f32 v47, v11;
	v34 =	vmul.f32 v34, v39;
	v11 =	vld [tilespmem:s25+$0xD0]  }
0x318: {  	v23 =	vmul.f32 v47, v23;
	v35 =	vmul.f32 v35, v36;
	v37 =	vadd.f32 v37, v4;
	v40 =	vld [tilespmem:s25+$0xE0];
	[tilespmem:s4+$0xC0] =	vst v28  }
0x319: {  	v39 =	vadd.f32 v34, v4;
	v57 =	vmul.f32 v17, v17;
	v43 =	vmul.f32 v18, v18;
	v34 =	vld [tilespmem:s25+$0xF0]  }
0x31a: {  	v44 =	vld [tilespmem:s25+$0xFFFFFF30];
	v61, _, _ =	vpop (xrf2);
	v27 =	vmov v41;
	v48 =	vmul.f32 v42, v42;
	v37 =	vmul.f32 $1.442695020e+00, v37  }
0x31b: {  	v45 =	vld [tilespmem:s25+$0xFFFFFF40];
	v36 =	vbroadcast v61, $0xF;
	v41 =	vmul.f32 v41, v27;
	v28 =	vmov v0  }
0x31c: {  	v50 =	vld [tilespmem:s25+$0xFFFFFF50];
	[tilespmem:s4+$0xE0] =	vst v29;
	(erf) = vpow2.f32 v37;
	v29 =	vmov v62;
	v0 =	vmul.f32 v0, v28  }
0x31d: {  	v51 =	vld [tilespmem:s25+$0xFFFFFF60];
	[tilespmem:s4+$0xF0] =	vst v23;
	v38 =	vmul.f32 v62, v29;
	v46 =	vmul.f32 v11, v11;
	v23 =	vmov v40  }
0x31e: {  	v52 =	vld [tilespmem:s25+$0xFFFFFF80];
	v40 =	vmul.f32 v40, v23;
	v58 =	vmul.f32 v34, v34  }
0x31f: {  	v36 =	vmul.f32 v36, v56;
	v37 =	vld [tilespmem:s25+$0xFFFFFF20];
	v38 =	vadd.f32 v38, v57;
	v59 =	vadd.f32 v46, v43  }
0x320: {  	[tilespmem:$0x1FF90] =	vst v31;
	v54 =	vld [tilespmem:s25+$0xFFFFFFA0];
	v47 =	vmul.f32 v45, v45;
	v60 =	vadd.f32 v40, v41;
	v0 =	vadd.f32 v58, v0  }
0x321: {  	v31 =	vmovc v30;
	v30 =	vmovc v26;
	v26 =	vmov v25;
	v61 =	vmul.f32 v50, v50;
	v35 =	vmul.f32 v35, v36  }
0x322: {  	v25 =	vmovc v24;
	v24 =	vmovc v7;
	v63 =	vmul.f32 $1.442695020e+00, v39;
	v43 =	vld [tilespmem:s25+$0xFFFFFF70];
	v38 =	vadd.f32 v59, v38;
	v0 =	vadd.f32 v0, v60  }
0x323: {  	v53 =	vld [tilespmem:s25+$0xFFFFFF90];
	v7 =	vmovc v6;
	v62 =	vmul.f32 v51, v51;
	v35 =	vadd.f32 v35, v4;
	v57 =	vmul.f32 v52, v52  }
0x324: {  	v6 =	vmovc v55;
	v55 =	vld [tilespmem:s25+$0xFFFFFFB0];
	v41 =	vmul.f32 v44, v44;
	v46 =	vmul.f32 v37, v37;
	v0 =	vadd.f32 v0, v38  }
0x325: {  	[tilespmem:s4+$0xD0] =	vst v1;
	v56 =	vld [tilespmem:s25+$0xFFFFFFC0];
	v58 =	vmul.f32 v54, v54;
	v40 =	vpop (erf);
	(erf) = vpow2.f32 v63  }
0x326: {  	v35 =	vmul.f32 $1.442695020e+00, v35;
	v49 =	vadd.f32 v62, v46;
	v46 =	vld [tilespmem:s25+$0xFFFFFFD0];
	v33 =	vmul.f32 v40, v33;
	(xrf2) =	vadd.scan.msk.f32 $0xffff, v0  }
0x327: {  	v39 =	vld [tilespmem:s25+$0xFFFFFFE0];
	v63 =	vmul.f32 v43, v43;
	[tilespmem:s4+$0xFFFFFF60] =	vst v40;
	v60 =	vmul.f32 v40, v12  }
0x328: {  	s30 =	sadd.s32 $0x200, s30;
	v48 =	vadd.f32 v61, v48;
	v36 =	vld [tilespmem:s25+$0xFFFFFFF0];
	(erf) = vpow2.f32 v35;
	v61 =	vmul.f32 v40, v8;
	[tilespmem:s4+$0xFFFFFEE0] =	vst v33  }
0x329: {  	v59 =	vld [tilespmem:s30+$0x80];
	v62 =	vmul.f32 v40, v13;
	v12 =	vmovc v42;
	v8 =	vmov v37;
	v42 =	vmul.f32 v55, v55;
	[tilespmem:s4+$0xFFFFFEF0] =	vst v60  }
0x32a: {  	v38 =	vld [tilespmem:s25+$0x10];
	v35 =	vadd.f32 v63, v41;
	v63 =	vmul.f32 v40, v9;
	[tilespmem:s4+$0xFFFFFF00] =	vst v61;
	v60 =	vmul.f32 v56, v56  }
0x32b: {  	v37 =	vld [tilespmem:s25+$0x0];
	v13 =	vmovc v44;
	v41 =	vmul.f32 v53, v53;
	v9 =	vmov v45;
	[tilespmem:s4+$0xFFFFFF10] =	vst v62;
	v62 =	vmul.f32 v46, v46  }
0x32c: {  	v44 =	vld [tilespmem:s30+$0xA0];
	v61 =	vmul.f32 v40, v10;
	[tilespmem:s4+$0xFFFFFF20] =	vst v63;
	v63 =	vmul.f32 v40, v5;
	v45 =	vadd.f32 v60, v57  }
0x32d: {  	v5 =	vmovc v51;
	v51 =	vld [tilespmem:s30+$0x90];
	v60 =	vmul.f32 v39, v39;
	v2 =	vadd.f32 v62, v41;
	v62 =	vmul.f32 v36, v36  }
0x32e: {  	v49 =	vadd.f32 v35, v49;
	[tilespmem:s4+$0xFFFFFF30] =	vst v61;
	v61 =	vmul.f32 v40, v21;
	v57 =	vld [tilespmem:s30+$0xB0];
	v21 =	vmov v43;
	v40 =	vpop (erf)  }
0x32f: {  	v43 =	vld [tilespmem:s25+$0x30];
	[tilespmem:s4+$0xFFFFFF40] =	vst v63;
	v33 =	vadd.f32 v60, v58;
	v3 =	vadd.f32 v62, v42;
	v63 =	vmul.f32 v40, v22  }
0x330: {  	[tilespmem:s4+$0xFFFFFF50] =	vst v61;
	v41 =	vadd.f32 v2, v45;
	v42 =	vld [tilespmem:s30+$0xC0];
	v0 =	vmul.f32 v40, v20;
	v45 =	vmul.f32 v40, v14;
	v22, _, _ =	vpop (xrf2)  }
0x331: {  	v60 =	vld [tilespmem:s30+$0xD0];
	v61 =	vmul.f32 v40, v15;
	v2 =	vmul.f32 v40, v19;
	[tilespmem:s4+$0xFFFFFF70] =	vst v63;
	v63 =	vmax.f32 v22, $1.000000020e-24  }
0x332: {  	v62 =	vld [tilespmem:s30+$0xE0];
	v33 =	vadd.f32 v3, v33;
	v20 =	vmovc v53;
	v53 =	vmul.f32 v59, v17;
	v63 =	vbroadcast v63, $0xF  }
0x333: {  	v14 =	vmovc v54;
	v54 =	vmul.f32 v44, v27;
	v19 =	vmov v56;
	v56 =	vmul.f32 v57, v28;
	v44 =	vld [tilespmem:s25+$0x50]  }
0x334: {  	v15 =	vmovc v55;
	v33 =	vadd.f32 v33, v41;
	v22 =	vmovc v52;
	v52 =	vld [tilespmem:s30+$0xF0];
	v1 =	vshrl.u32 v63, $0x1;
	v55 =	vmul.f32 $5.000000000e-01, v63  }
0x335: {  	[tilespmem:s4+$0xFFFFFF80] =	vst v0;
	v0 =	vmul.f32 v40, v16;
	v16 =	vmovc v46;
	v46 =	vld [tilespmem:s25+$0x40];
	v57 =	vmul.f32 v42, v29;
	v59 =	vsub.s32 $0x5F3759DF, v1  }
0x336: {  	v35 =	vpop (erf);
	[tilespmem:s4+$0xFFFFFF90] =	vst v45;
	v42 =	vld [tilespmem:s25+$0x60];
	(xrf2) =	vadd.scan.msk.f32 $0xffff, v33;
	v33 =	vmul.f32 v60, v11;
	v60 =	vmul.f32 v59, v55  }
0x337: {  	v10 =	vmov v50;
	v50 =	vmul.f32 v37, v37;
	v51 =	vmul.f32 v51, v18;
	v45 =	vld [tilespmem:s25+$0x20];
	[tilespmem:s4+$0x80] =	vst v35  }
0x338: {  	v41 =	vld [tilespmem:s25+$0x70];
	[tilespmem:s4+$0xFFFFFFC0] =	vst v0;
	v0 =	vmul.f32 v62, v23;
	v53 =	vadd.f32 v57, v53;
	v57 =	vmul.f32 v59, v60  }
0x339: {  	v58 =	vmul.f32 v38, v38;
	v51 =	vadd.f32 v33, v51;
	v63 =	vmul.f32 v44, v44  }
0x33a: {  	v33 =	vld [tilespmem:s25+$0xFFFFFF00];
	v0 =	vadd.f32 v0, v54;
	v52 =	vmul.f32 v52, v34;
	v57 =	vsub.f32 $1.500000000e+00, v57  }
0x33b: {  	[tilespmem:s4+$0xFFFFFFA0] =	vst v61;
	v61 =	vmul.f32 v46, v46;
	v51 =	vadd.f32 v51, v53;
	v53 =	vmul.f32 v42, v42  }
0x33c: {  	[tilespmem:s4+$0xFFFFFFB0] =	vst v2;
	v3 =	vld [tilespmem:s30+$0x0];
	v2 =	vadd.f32 v63, v58;
	v60 =	vmul.f32 v45, v45;
	v57 =	vmul.f32 v59, v57  }
0x33d: {  	v62 =	vld [tilespmem:s30+$0xFFFFFF10];
	v58 =	vmul.f32 v41, v41;
	v52 =	vadd.f32 v52, v56;
	v56 =	vmul.f32 v43, v43  }
0x33e: {  	v54 =	vld [tilespmem:s30+$0xFFFFFF00];
	v50 =	vadd.f32 v61, v50;
	v53 =	vadd.f32 v53, v60;
	v60 =	vmul.f32 v57, v55  }
0x33f: {  	v1 =	vld [tilespmem:s30+$0xFFFFFF50];
	v63 =	vmul.f32 v33, v33;
	v0 =	vadd.f32 v52, v0  }
0x340: {  	[tilespmem:s4+$0xFFFFFFF0] =	vst v40;
	v52 =	vld [tilespmem:s30+$0xFFFFFF20];
	v56 =	vadd.f32 v58, v56;
	v50 =	vadd.f32 v2, v50;
	v60 =	vmul.f32 v60, v57  }
0x341: {  	v47 =	vadd.f32 v47, v63;
	v63 =	vld [tilespmem:s30+$0xFFFFFF90];
	v0 =	vadd.f32 v0, v51  }
0x342: {  	v59 =	vld [tilespmem:s30+$0xFFFFFF30];
	v53 =	vadd.f32 v56, v53;
	v60 =	vsub.f32 $1.500000000e+00, v60  }
0x343: {  	v51 =	vld [tilespmem:s30+$0xFFFFFF40];
	v47 =	vadd.f32 v48, v47  }
0x344: {  	v62 =	vmul.f32 v62, v12;
	v61, _, _ =	vpop (xrf2);
	v56 =	vld [tilespmem:s30+$0xFFFFFF80];
	(xrf2) =	vadd.scan.msk.f32 $0xffff, v0;
	v50 =	vadd.f32 v53, v50;
	v53 =	vmul.f32 v60, v57  }
0x345: {  	v1 =	vmul.f32 v1, v10;
	v58 =	vmax.f32 v61, $1.000000020e-24;
	v0 =	vld [tilespmem:s30+$0xFFFFFF60];
	v47 =	vadd.f32 v49, v47  }
0x346: {  	v61 =	vld [tilespmem:s30+$0xFFFFFF70];
	v58 =	vbroadcast v58, $0xF;
	v55 =	vmul.f32 v53, v55  }
0x347: {  	v1 =	vadd.f32 v1, v62;
	v62 =	vld [tilespmem:s30+$0xFFFFFFF0];
	(xrf2) =	vadd.scan.msk.f32 $0xffff, v47  }
0x348: {  	v2 =	vshrl.u32 v58, $0x1;
	v48 =	vmul.f32 $5.000000000e-01, v58;
	v58 =	vld [tilespmem:s30+$0xFFFFFFB0];
	v55 =	vmul.f32 v55, v53  }
0x349: {  	v54 =	vmul.f32 v54, v33;
	v49 =	vld [tilespmem:s30+$0xFFFFFFA0];
	v51 =	vmul.f32 v51, v9  }
0x34a: {  	v52 =	vmul.f32 v52, v8;
	v0 =	vmul.f32 v0, v5;
	v60 =	vld [tilespmem:s30+$0xFFFFFFC0];
	v55 =	vsub.f32 $1.500000000e+00, v55  }
0x34b: {  	v3 =	vmul.f32 v3, v37;
	v47 =	vld [tilespmem:s30+$0xFFFFFFD0];
	v51 =	vadd.f32 v51, v54;
	v54 =	vmul.f32 v61, v21  }
0x34c: {  	v57 =	vmul.f32 v59, v13;
	v0 =	vadd.f32 v0, v52;
	v53 =	vmul.f32 v55, v53;
	v55 =	vld [tilespmem:$0x1FFE0]  }
0x34d: {  	(xrf2) =	vadd.scan.msk.f32 $0xffff, v50;
	v61 =	vld [tilespmem:s30+$0xFFFFFFE0];
	v52 =	vmul.f32 v58, v15;
	v1 =	vadd.f32 v1, v51;
	v51 =	vmul.f32 v62, v36  }
0x34e: {  	v2 =	vsub.s32 $0x5F3759DF, v2;
	v56 =	vmul.f32 v56, v22;
	v54 =	vadd.f32 v54, v57;
	v57 =	vld [tilespmem:s30+$0x20];
	v50, _, _ =	vpop (xrf2)  }
0x34f: {  	v51 =	vadd.f32 v51, v52;
	v52 =	vld [tilespmem:s30+$0x70];
	v50 =	vbroadcast v50, $0xF;
	v58 =	vmul.f32 v60, v19  }
0x350: {  	v63 =	vmul.f32 v63, v20;
	v59 =	vmul.f32 v2, v48;
	v60 =	vld [tilespmem:s30+$0x10]  }
0x351: {  	v47 =	vmul.f32 v47, v16;
	v62, _, _ =	vpop (xrf2);
	v50 =	vmul.f32 v50, v55;
	v55 =	vadd.f32 v58, v56;
	v58 =	vld [tilespmem:s30+$0x30]  }
0x352: {  	v49 =	vmul.f32 v49, v14;
	v62 =	vmax.f32 v62, $1.000000020e-24;
	v56 =	vmul.f32 v61, v39;
	v61 =	vld [tilespmem:s30+$0x40]  }
0x353: {  	v47 =	vadd.f32 v47, v63;
	v57 =	vmul.f32 v57, v45;
	v62 =	vbroadcast v62, $0xF  }
0x354: {  	v0 =	vadd.f32 v54, v0;
	v50 =	vmul.f32 v53, v50;
	v53 =	vmul.f32 v2, v59;
	v59 =	vld [tilespmem:s30+$0x50]  }
0x355: {  	v52 =	vmul.f32 v52, v41;
	v60 =	vmul.f32 v60, v38;
	v49 =	vadd.f32 v56, v49;
	v56 =	vld [tilespmem:s30+$0x60]  }
0x356: {  	v63 =	vshrl.u32 v62, $0x1;
	v62 =	vmul.f32 $5.000000000e-01, v62;
	v50 =	vadd.f32 v50, v4  }
0x357: {  	v55 =	vadd.f32 v47, v55;
	v54 =	vmul.f32 v58, v43;
	v58 =	vmul.f32 v61, v46;
	v61, _, _ =	vpop (xrf2)  }
0x358: {  	v53 =	vsub.f32 $1.500000000e+00, v53;
	v50 =	vmul.f32 $1.442695020e+00, v50;
	v61 =	vmax.f32 v61, $1.000000020e-24  }
0x359: {  	v61 =	vbroadcast v61, $0xF;
	v3 =	vadd.f32 v58, v3;
	v58 =	vmul.f32 v59, v44  }
0x35a: {  	v56 =	vmul.f32 v56, v42;
	(erf) = vpow2.f32 v50;
	v50 =	vsub.s32 $0x5F3759DF, v63  }
0x35b: {  	v59 =	vmul.f32 v50, v62;
	v63 =	vshrl.u32 v61, $0x1;
	v61 =	vmul.f32 $5.000000000e-01, v61  }
0x35c: {  	v49 =	vadd.f32 v51, v49;
	v58 =	vadd.f32 v58, v60;
	v60 =	vsub.s32 $0x5F3759DF, v63  }
0x35d: {  	v56 =	vadd.f32 v56, v57;
	v59 =	vmul.f32 v50, v59;
	v57 =	vmul.f32 v60, v61  }
0x35e: {  	v0 =	vadd.f32 v0, v1;
	v2 =	vmul.f32 v2, v53;
	v4 =	vadd.f32 v52, v54  }
0x35f: {  	v49 =	vadd.f32 v49, v55;
	v63 =	vsub.f32 $1.500000000e+00, v59;
	v47 =	vmul.f32 v60, v57  }
0x360: {  	v53 =	vmul.f32 v2, v48;
	v3 =	vadd.f32 v58, v3;
	v54 =	vadd.f32 v4, v56  }
0x361: {  	(xrf2) =	vadd.scan.msk.f32 $0xffff, v0;
	v1 =	vmul.f32 v50, v63;
	v57 =	vsub.f32 $1.500000000e+00, v47  }
0x362: {  	(xrf2) =	vadd.scan.msk.f32 $0xffff, v49;
	v49 =	vmul.f32 v35, v30;
	v3 =	vadd.f32 v54, v3;
	v59 =	vmul.f32 v53, v2  }
0x363: {  	v4 =	vld [tilespmem:$0x1FF80];
	v58 =	vmul.f32 v1, v62;
	v50 =	vmul.f32 v60, v57  }
0x364: {  	v53 =	vmul.f32 v35, v31;
	v0 =	vsub.f32 $1.500000000e+00, v59;
	(xrf2) =	vadd.scan.msk.f32 $0xffff, v3;
	v3 =	vmul.f32 v35, v26  }
0x365: {  	v47 =	vpop (erf);
	v60 =	vmul.f32 v58, v1;
	v63 =	vmul.f32 v50, v61  }
0x366: {  	[tilespmem:s31+$0x40] =	vst v49;
	v0 =	vmul.f32 v0, v2;
	v34 =	vmul.f32 v47, v34  }
0x367: {  	s4 =	sadd.s32 $0x240, s4;
	[tilespmem:s31+$0x50] =	vst v53;
	v57 =	vmul.f32 v35, v7;
	v58 =	vsub.f32 $1.500000000e+00, v60;
	v59 =	vmul.f32 v63, v50  }
0x368: {  	v48 =	vmul.f32 v0, v48;
	[tilespmem:s4+$0x100] =	vst v34;
	v34 =	vmul.f32 v40, v4  }
0x369: {  	v31 =	vld [tilespmem:$0x1FF90];
	[tilespmem:s31+$0x30] =	vst v3;
	v60 =	vmul.f32 v35, v24;
	v24 =	vmovc v45;
	v1 =	vmul.f32 v58, v1;
	v45 =	vsub.f32 $1.500000000e+00, v59  }
0x36a: {  	[tilespmem:s4+$0x110] =	vst v47;
	v40 =	vmul.f32 v40, v6;
	v63 =	vmul.f32 v35, v25  }
0x36b: {  	s9 =	sadd.s32 $0x4, s9;
	v55 =	vmov v36;
	[tilespmem:s31+$0x0] =	vst v57;
	v51 =	vmul.f32 v1, v62;
	v36 =	vmul.f32 v45, v50  }
0x36c: {  	p0 =	slt.u32 s9, $0x1C;
	v30 =	vmov v44;
	v56 =	vld [tilespmem:$0x1FFE0];
	v26 =	vmov v46;
	v52 =	vmul.f32 v48, v0;
	[tilespmem:s31+$0xFFFFFFD0] =	vst v34  }
.Ltmp3:
0x36d: {  	v7 =	vmovc v38;
	v4 =	vmov v39;
	[tilespmem:s31+$0xFFFFFFE0] =	vst v40;
	v54 =	vmul.f32 v51, v1;
	v57 =	vmul.f32 v36, v61;
	(pc) =	sbr.rel @p0 .LBB2_9-.Ltmp3, $4  }
0x36e: {  	[tilespmem:s31+$0x10] =	vst v60;
	v34 =	vsub.f32 $1.500000000e+00, v52;
	v59 =	vmul.f32 v35, v31;
	v58, _, _ =	vpop (xrf2);
	v62 =	vmul.f32 v35, v32  }
0x36f: {  	[tilespmem:s31+$0x20] =	vst v63;
	v3 =	vbroadcast v58, $0xF;
	v63, _, _ =	vpop (xrf2);
	v60 =	vsub.f32 $1.500000000e+00, v54;
	v61 =	vmul.f32 v57, v36  }
0x370: {  	v6 =	vmovc v37;
	v25 =	vmovc v43;
	v31 =	vmov v42;
	v34 =	vmul.f32 v34, v0;
	[tilespmem:s31+$0x60] =	vst v59;
	v39 =	vbroadcast v63, $0xF  }
0x371: {  	s25 =	sadd.s32 $0x200, s25;
	v32 =	vmovc v41;
	[tilespmem:s31+$0x70] =	vst v62;
	s31 =	smov.u32 s4;
	v37 =	vmul.f32 v3, v56;
	v38 =	vmul.f32 v60, v1;
	v35 =	vsub.f32 $1.500000000e+00, v61  }
0x372: {  	v52 =	vld [tilespmem:$0x1FFF0];
	_ =	sdelay $0x1  }
0x373: {  	v1 =	vmul.f32 v39, v56  }
0x374: {  	v0 =	vmul.f32 v38, v37  }
0x375: {  	v1 =	vmul.f32 v34, v1  }
0x376: {  	v0 =	vadd.f32 v0, v52  }
0x377: {  	v1 =	vadd.f32 v1, v52  }
0x378: {  	v0 =	vmul.f32 $1.442695020e+00, v0  }
0x379: {  	v1 =	vmul.f32 $1.442695020e+00, v1  }
0x37a: {  	(erf) = vpow2.f32 v0  }
0x37b: {  	v63 =	vmul.f32 v47, v17;
	(erf) = vpow2.f32 v1  }
0x37c: {  	v2 =	vmul.f32 v47, v18  }
0x37d: {  	v39 =	vmul.f32 v47, v29;
	[tilespmem:s4+$0x90] =	vst v63  }
0x37e: {  	v3, _, _ =	vpop (xrf2);
	v11 =	vmul.f32 v47, v11;
	[tilespmem:s4+$0xA0] =	vst v2  }
0x37f: {  	v40 =	vmul.f32 v47, v23;
	v3 =	vbroadcast v3, $0xF;
	[tilespmem:s4+$0xD0] =	vst v39  }
0x380: {  	v37 =	vmul.f32 v47, v27;
	[tilespmem:s4+$0xE0] =	vst v11  }
0x381: {  	v38 =	vmul.f32 v47, v28;
	[tilespmem:s4+$0xF0] =	vst v40  }
0x382: {  	[tilespmem:s4+$0xB0] =	vst v37  }
0x383: {  	v41 =	vmul.f32 v35, v36;
	[tilespmem:s4+$0xC0] =	vst v38;
	v42 =	vmul.f32 v3, v56;
	v3 =	vpop (erf)  }
0x384: {  	v43 =	vmul.f32 v3, v33;
	[tilespmem:s4+$0xFFFFFF60] =	vst v3;
	v51 =	vpop (erf)  }
0x385: {  	v1 =	vmul.f32 v41, v42;
	v44 =	vmul.f32 v3, v12;
	[tilespmem:s4+$0xFFFFFFF0] =	vst v51  }
0x386: {  	v45 =	vmul.f32 v3, v8;
	[tilespmem:s4+$0xFFFFFEE0] =	vst v43  }
0x387: {  	v1 =	vadd.f32 v1, v52;
	v46 =	vmul.f32 v3, v13;
	[tilespmem:s4+$0xFFFFFEF0] =	vst v44  }
0x388: {  	v47 =	vmul.f32 v3, v9;
	[tilespmem:s4+$0xFFFFFF00] =	vst v45  }
0x389: {  	v1 =	vmul.f32 $1.442695020e+00, v1;
	v48 =	vmul.f32 v3, v10;
	[tilespmem:s4+$0xFFFFFF10] =	vst v46  }
0x38a: {  	v49 =	vmul.f32 v3, v5;
	[tilespmem:s4+$0xFFFFFF20] =	vst v47  }
0x38b: {  	(erf) = vpow2.f32 v1;
	v50 =	vmul.f32 v3, v21;
	[tilespmem:s4+$0xFFFFFF30] =	vst v48  }
0x38c: {  	v53 =	vmul.f32 v51, v22;
	[tilespmem:s4+$0xFFFFFF40] =	vst v49  }
0x38d: {  	v54 =	vmul.f32 v51, v20;
	[tilespmem:s4+$0xFFFFFF50] =	vst v50  }
0x38e: {  	v57 =	vmul.f32 v51, v14;
	[tilespmem:s4+$0xFFFFFF70] =	vst v53  }
0x38f: {  	v58 =	vmul.f32 v51, v15;
	[tilespmem:s4+$0xFFFFFF80] =	vst v54  }
0x390: {  	v3 =	vmul.f32 v51, v19;
	[tilespmem:s4+$0xFFFFFF90] =	vst v57  }
0x391: {  	v59 =	vmul.f32 v51, v16;
	[tilespmem:s4+$0xFFFFFFA0] =	vst v58  }
0x392: {  	v61 =	vmul.f32 v51, v4;
	[tilespmem:s4+$0xFFFFFFB0] =	vst v3  }
0x393: {  	v2 =	vmul.f32 v51, v55;
	[tilespmem:s4+$0xFFFFFFC0] =	vst v59  }
0x394: {  	[tilespmem:s31+$0xFFFFFFD0] =	vst v61;
	v60 =	vpop (erf)  }
0x395: {  	[tilespmem:s31+$0xFFFFFFE0] =	vst v2;
	v3 =	vmul.f32 v60, v6  }
0x396: {  	[tilespmem:s4+$0x80] =	vst v60;
	v62 =	vmul.f32 v60, v7  }
0x397: {  	v63 =	vmul.f32 v60, v24;
	[tilespmem:s31+$0x0] =	vst v3  }
0x398: {  	v33 =	vmul.f32 v60, v26;
	[tilespmem:s31+$0x10] =	vst v62  }
0x399: {  	v34 =	vmul.f32 v60, v30;
	[tilespmem:s31+$0x20] =	vst v63  }
0x39a: {  	v35 =	vmul.f32 v60, v31;
	[tilespmem:s31+$0x40] =	vst v33  }
0x39b: {  	v1 =	vmul.f32 v60, v32;
	[tilespmem:s31+$0x50] =	vst v34  }
0x39c: {  	v3 =	vmul.f32 v60, v25;
	[tilespmem:s31+$0x60] =	vst v35  }
0x39d: {  	s25 =	sand.u32 $0x60, s29;
	s9 =	sand.u32 $0x1F80, s29;
	[tilespmem:s31+$0x70] =	vst v1  }
0x39e: {  	s4 =	sor.u32 s25, s9;
	[tilespmem:s31+$0x30] =	vst v3  }
0x39f: {  	v0 =	vld [tilespmem:s4+$0x1400];
	_ =	sdelay $0x4  }
0x3a0: {  	v36 =	vand.u32 $0xFFFF, v0  }
0x3a1: {  	v0 =	vshrl.u32 v0, $0x10;
	[tilespmem:$0x8C80] =	vst v36  }
0x3a2: {  	[tilespmem:$0x8C90] =	vst v0  }
0x3a3: {  	[spmem:s3] =	stream.indirect.scatter.add.f32 [tilespmem:s2], [sflag:$0x3], $0x90, s18, s6, $0xb8;
	[tilespmem:$0x1F8C0] =	vst v63  }
0x3a4: {  	_ =	swait.ge [sflag:s19], $0x1000  }
0x3a5: {  	[sflag:s19] =	ssyncset.done $0x0  }
0x3a6: {  	[sflag:s19] =	ssyncadd.s32 $0xFFFFF000  }
0x3a7: {  	_ =	swait.ge [sflag:s20], $0x1000  }
0x3a8: {  	[sflag:s20] =	ssyncset.done $0x0  }
0x3a9: {  	[sflag:s20] =	ssyncadd.s32 $0xFFFFF000  }
0x3aa: {  	_ =	swait.ge [sflag:s24], $0x1200  }
0x3ab: {  	[sflag:s24] =	ssyncset.done $0x0  }
0x3ac: {  	[sflag:s24] =	ssyncadd.s32 $0xFFFFEE00  }
0x3ad: {  	v37 =	vld [tilespmem:s29+$0x20];
	_ =	sdelay $0x4  }
0x3ae: {  	v38 =	vand.u32 $0xFFFF, v37  }
0x3af: {  	v0 =	vshrl.u32 v37, $0x10;
	[tilespmem:$0x8C00] =	vst v38  }
0x3b0: {  	[tilespmem:$0x8C10] =	vst v0  }
0x3b1: {  	v0 =	vld [tilespmem:s29+$0x1420];
	_ =	sdelay $0x4  }
0x3b2: {  	v39 =	vand.u32 $0xFFFF, v0  }
0x3b3: {  	v0 =	vshrl.u32 v0, $0x10;
	[tilespmem:$0x8C40] =	vst v39  }
0x3b4: {  	[tilespmem:$0x8C50] =	vst v0  }
0x3b5: {  	[tilespmem:s8], [sflag:$0x1] =	stream.indirect.gather [hbm4b:s1+s6], $0x80, s7, s6, $0xb8;
	[tilespmem:$0x1F8C0] =	vst v63  }
0x3b6: {  	s31 =	simm.s32 $0x3900  }
0x3b7: {  	[tilespmem:s11], [sflag:$0x2] =	stream.indirect.gather [hbm4b:s5+s6], $0x80, s10, s6, $0xb8;
	[tilespmem:$0x1F8C0] =	vst v63  }
0x3b8: {  	v17 =	vld [tilespmem:s31+$0x80]  }
0x3b9: {  	v18 =	vld [tilespmem:s31+$0x90]  }
0x3ba: {  	v27 =	vld [tilespmem:s31+$0xA0]  }
0x3bb: {  	v28 =	vld [tilespmem:s31+$0xB0]  }
0x3bc: {  	v29 =	vld [tilespmem:s31+$0xC0]  }
0x3bd: {  	v11 =	vld [tilespmem:s31+$0xD0]  }
0x3be: {  	v23 =	vld [tilespmem:s31+$0xE0]  }
0x3bf: {  	v34 =	vld [tilespmem:s31+$0xF0]  }
0x3c0: {  	v12 =	vld [tilespmem:s31+$0xFFFFFF10]  }
0x3c1: {  	v8 =	vld [tilespmem:s31+$0xFFFFFF20]  }
0x3c2: {  	v13 =	vld [tilespmem:s31+$0xFFFFFF30];
	v40 =	vmul.f32 v17, v17;
	v41 =	vmul.f32 v18, v18  }
0x3c3: {  	v9 =	vld [tilespmem:s31+$0xFFFFFF40];
	v42 =	vmul.f32 v27, v27;
	v3 =	vmul.f32 v28, v28  }
0x3c4: {  	v10 =	vld [tilespmem:s31+$0xFFFFFF50];
	v4 =	vmul.f32 v29, v29;
	v6 =	vmul.f32 v11, v11  }
0x3c5: {  	v5 =	vld [tilespmem:s31+$0xFFFFFF60];
	v7 =	vmul.f32 v23, v23;
	v14 =	vmul.f32 v34, v34  }
0x3c6: {  	v21 =	vld [tilespmem:s31+$0xFFFFFF70];
	v0 =	vadd.f32 v4, v40;
	v1 =	vadd.f32 v6, v41  }
0x3c7: {  	v22 =	vld [tilespmem:s31+$0xFFFFFF80];
	v2 =	vadd.f32 v7, v42;
	v3 =	vadd.f32 v14, v3  }
0x3c8: {  	v20 =	vld [tilespmem:s31+$0xFFFFFF90]  }
0x3c9: {  	v15 =	vld [tilespmem:s31+$0xFFFFFFB0];
	v0 =	vadd.f32 v1, v0;
	v43 =	vadd.f32 v3, v2  }
0x3ca: {  	v19 =	vld [tilespmem:s31+$0xFFFFFFC0]  }
0x3cb: {  	v16 =	vld [tilespmem:s31+$0xFFFFFFD0];
	v0 =	vadd.f32 v43, v0  }
0x3cc: {  	v53 =	vld [tilespmem:s31+$0xFFFFFFE0]  }
0x3cd: {  	v54 =	vld [tilespmem:s31+$0x10];
	v44 =	vmul.f32 v12, v12;
	(xrf2) =	vadd.scan.msk.f32 $0xffff, v0  }
0x3ce: {  	v45 =	vmul.f32 v8, v8;
	v46 =	vmul.f32 v13, v13;
	v14 =	vld [tilespmem:s31+$0xFFFFFFA0]  }
0x3cf: {  	s29 =	simm.s32 $0x5900;
	v24 =	vmul.f32 v10, v10;
	v25 =	vmul.f32 v22, v22;
	v6 =	vld [tilespmem:s31+$0xFFFFFFF0]  }
0x3d0: {  	v51 =	vld [tilespmem:s29+$0xA0];
	v26 =	vmul.f32 v20, v20;
	v47 =	vmul.f32 v15, v15  }
0x3d1: {  	v57 =	vld [tilespmem:s29+$0xB0];
	v49 =	vmul.f32 v19, v19;
	v50 =	vmul.f32 v16, v16  }
0x3d2: {  	v58 =	vld [tilespmem:s29+$0xC0];
	v36 =	vmul.f32 v9, v9;
	v60 =	vmul.f32 v21, v21  }
0x3d3: {  	v30 =	vld [tilespmem:s29+$0x80];
	v62 =	vmul.f32 v54, v54;
	v31 =	vmul.f32 v14, v14  }
0x3d4: {  	v59 =	vld [tilespmem:s29+$0xD0];
	v55 =	vmul.f32 v6, v6;
	v0 =	vadd.f32 v24, v44;
	v24 =	vmul.f32 v53, v53  }
0x3d5: {  	v48 =	vld [tilespmem:s29+$0x90];
	v37 =	vmul.f32 v51, v27;
	v25 =	vadd.f32 v49, v25;
	v26 =	vadd.f32 v50, v26  }
0x3d6: {  	v61 =	vld [tilespmem:s29+$0xF0];
	v39 =	vmul.f32 v57, v28;
	v24 =	vadd.f32 v24, v31;
	v31 =	vadd.f32 v55, v47  }
0x3d7: {  	v35 =	vmul.f32 v58, v29;
	v40 =	vmul.f32 v5, v5;
	v42 =	vld [tilespmem:s29+$0xE0];
	v41, _, _ =	vpop (xrf2)  }
0x3d8: {  	v33 =	vld [tilespmem:s31+$0xFFFFFF00];
	v25 =	vadd.f32 v26, v25;
	v26 =	vadd.f32 v31, v24;
	v24 =	vmax.f32 v41, $1.000000020e-24  }
0x3d9: {  	v32 =	vld [tilespmem:s31+$0x70];
	v50 =	vmul.f32 v59, v11;
	v31 =	vbroadcast v24, $0xF  }
0x3da: {  	v7 =	vld [tilespmem:s31+$0x0];
	v1 =	vadd.f32 v40, v45;
	v2 =	vadd.f32 v60, v46;
	v44 =	vmul.f32 v30, v17  }
0x3db: {  	v43 =	vadd.f32 v26, v25;
	v25 =	vld [tilespmem:s31+$0x30];
	v30 =	vshrl.u32 v31, $0x1;
	v46 =	vmul.f32 $5.000000000e-01, v31  }
0x3dc: {  	v45 =	vmul.f32 v48, v18;
	v42 =	vmul.f32 v42, v23;
	v26 =	vld [tilespmem:s31+$0x40];
	v63 =	vsub.s32 $0x5F3759DF, v30  }
0x3dd: {  	v1 =	vadd.f32 v2, v1;
	(xrf2) =	vadd.scan.msk.f32 $0xffff, v43;
	v41 =	vmul.f32 v61, v34;
	v30 =	vld [tilespmem:s31+$0x50];
	v51 =	vmul.f32 v63, v46  }
0x3de: {  	v59 =	vmul.f32 v33, v33;
	v2 =	vadd.f32 v50, v45;
	v35 =	vadd.f32 v35, v44;
	v24 =	vld [tilespmem:s31+$0x20]  }
0x3df: {  	v37 =	vadd.f32 v42, v37;
	v39 =	vadd.f32 v41, v39;
	v31 =	vld [tilespmem:s31+$0x60];
	v43 =	vmul.f32 v63, v51  }
0x3e0: {  	v48 =	vld [tilespmem:s29+$0xFFFFFF00];
	v36 =	vadd.f32 v36, v59;
	v40 =	vmul.f32 v7, v7;
	v2 =	vadd.f32 v2, v35  }
0x3e1: {  	v60 =	vld [tilespmem:s29+$0xFFFFFF10];
	v55 =	vmul.f32 v26, v26;
	v58 =	vadd.f32 v39, v37;
	v43 =	vsub.f32 $1.500000000e+00, v43  }
0x3e2: {  	v45 =	vld [tilespmem:s29+$0xFFFFFF80];
	v0 =	vadd.f32 v0, v36;
	v41 =	vmul.f32 v25, v25;
	v57 =	vmul.f32 v30, v30  }
0x3e3: {  	v42 =	vld [tilespmem:s29+$0xFFFFFF40];
	v44 =	vmul.f32 v24, v24;
	v2 =	vadd.f32 v58, v2;
	v43 =	vmul.f32 v63, v43  }
0x3e4: {  	v36 =	vld [tilespmem:s29+$0xFFFFFF50];
	v61 =	vmul.f32 v31, v31;
	v38 =	vadd.f32 v57, v62;
	v62 =	vmul.f32 v32, v32  }
0x3e5: {  	v47 =	vld [tilespmem:s29+$0xFFFFFF20];
	v0 =	vadd.f32 v1, v0;
	v40 =	vadd.f32 v55, v40;
	v50 =	vmul.f32 v43, v46  }
0x3e6: {  	v59 =	vmul.f32 v60, v12;
	v60 =	vld [tilespmem:s29+$0xFFFFFF90];
	(xrf2) =	vadd.scan.msk.f32 $0xffff, v2;
	v49 =	vadd.f32 v61, v44;
	v41 =	vadd.f32 v62, v41  }
0x3e7: {  	v51, _, _ =	vpop (xrf2);
	v63 =	vld [tilespmem:s29+$0xFFFFFF30];
	v44 =	vmul.f32 v50, v43  }
0x3e8: {  	(xrf2) =	vadd.scan.msk.f32 $0xffff, v0;
	v55 =	vmax.f32 v51, $1.000000020e-24;
	v57 =	vld [tilespmem:s29+$0xFFFFFF70];
	v38 =	vadd.f32 v38, v40;
	v35 =	vadd.f32 v41, v49  }
0x3e9: {  	v36 =	vmul.f32 v36, v10;
	v2 =	vbroadcast v55, $0xF;
	v55 =	vld [tilespmem:s29+$0xFFFFFFB0];
	v44 =	vsub.f32 $1.500000000e+00, v44  }
0x3ea: {  	v42 =	vmul.f32 v42, v9;
	v47 =	vmul.f32 v47, v8;
	v40 =	vld [tilespmem:s29+$0xFFFFFF60];
	v35 =	vadd.f32 v35, v38  }
0x3eb: {  	v58 =	vmul.f32 v48, v33;
	v0 =	vadd.f32 v36, v59;
	v62 =	vld [tilespmem:s29+$0xFFFFFFA0];
	v43 =	vmul.f32 v44, v43  }
0x3ec: {  	v59 =	vmul.f32 v45, v22;
	v61 =	vshrl.u32 v2, $0x1;
	v2 =	vmul.f32 $5.000000000e-01, v2;
	v49 =	vld [tilespmem:s29+$0xFFFFFFC0];
	(xrf2) =	vadd.scan.msk.f32 $0xffff, v35  }
0x3ed: {  	v50 =	vld [tilespmem:s29+$0xFFFFFFD0];
	v41 =	vadd.f32 v42, v58;
	v63 =	vmul.f32 v63, v13;
	v46 =	vmul.f32 v43, v46  }
0x3ee: {  	v39 =	vsub.s32 $0x5F3759DF, v61;
	v1 =	vmul.f32 v57, v21;
	v37 =	vmul.f32 v55, v15  }
0x3ef: {  	v58 =	vld [tilespmem:s29+$0xFFFFFFE0];
	v38 =	vmul.f32 v60, v20;
	v0 =	vadd.f32 v0, v41;
	v57 =	vmul.f32 v46, v43  }
0x3f0: {  	v40 =	vmul.f32 v40, v5;
	v60, _, _ =	vpop (xrf2);
	v48 =	vmul.f32 v62, v14;
	v1 =	vadd.f32 v1, v63  }
0x3f1: {  	v44 =	vmul.f32 v39, v2;
	v45 =	vbroadcast v60, $0xF;
	v42 =	vsub.f32 $1.500000000e+00, v57  }
0x3f2: {  	v40 =	vadd.f32 v40, v47;
	v61 =	vmul.f32 v49, v19;
	v49, _, _ =	vpop (xrf2);
	v55 =	vmul.f32 v50, v16  }
0x3f3: {  	v63 =	vmul.f32 v45, v56;
	v62 =	vmul.f32 v42, v43;
	v43 =	vmax.f32 v49, $1.000000020e-24  }
0x3f4: {  	v36 =	vadd.f32 v61, v59;
	v46 =	vmul.f32 v58, v53;
	v57 =	vld [tilespmem:s29+$0x0];
	v58 =	vbroadcast v43, $0xF  }
0x3f5: {  	v44 =	vmul.f32 v39, v44;
	v38 =	vadd.f32 v55, v38;
	v1 =	vadd.f32 v1, v40  }
0x3f6: {  	v51 =	vld [tilespmem:s29+$0xFFFFFFF0];
	v59, _, _ =	vpop (xrf2);
	v35 =	vmul.f32 v62, v63;
	v62 =	vshrl.u32 v58, $0x1;
	v41 =	vmul.f32 $5.000000000e-01, v58  }
0x3f7: {  	v61 =	vld [tilespmem:s29+$0x10];
	v44 =	vsub.f32 $1.500000000e+00, v44;
	v60 =	vmax.f32 v59, $1.000000020e-24;
	v63 =	vsub.s32 $0x5F3759DF, v62  }
0x3f8: {  	v0 =	vadd.f32 v1, v0;
	v42 =	vbroadcast v60, $0xF;
	v50 =	vmul.f32 v63, v41  }
0x3f9: {  	v46 =	vadd.f32 v46, v48;
	v47 =	vmul.f32 v57, v7;
	v35 =	vadd.f32 v35, v52  }
0x3fa: {  	v59 =	vld [tilespmem:s29+$0x20];
	v55 =	vshrl.u32 v42, $0x1;
	v42 =	vmul.f32 $5.000000000e-01, v42;
	v57 =	vmul.f32 v63, v50  }
0x3fb: {  	v49 =	vmul.f32 v51, v6;
	v35 =	vmul.f32 $1.442695020e+00, v35;
	v51 =	vsub.s32 $0x5F3759DF, v55;
	v55 =	vld [tilespmem:s29+$0x60]  }
0x3fc: {  	v43 =	vmul.f32 v61, v54;
	v50 =	vld [tilespmem:s29+$0x30];
	v58 =	vmul.f32 v51, v42;
	v60 =	vsub.f32 $1.500000000e+00, v57  }
0x3fd: {  	v37 =	vadd.f32 v49, v37;
	(erf) = vpow2.f32 v35;
	v35 =	vmul.f32 v39, v44;
	v39 =	vld [tilespmem:s29+$0x40]  }
0x3fe: {  	v36 =	vadd.f32 v38, v36;
	v44 =	vld [tilespmem:s29+$0x50];
	v61 =	vmul.f32 v51, v58;
	v1 =	vmul.f32 v63, v60  }
0x3ff: {  	v37 =	vadd.f32 v37, v46;
	v59 =	vmul.f32 v59, v24;
	v58 =	vld [tilespmem:s29+$0x70];
	v63 =	vmul.f32 v35, v2  }
0x400: {  	v62 =	vsub.f32 $1.500000000e+00, v61;
	v45 =	vmul.f32 v55, v31;
	v57 =	vmul.f32 v1, v41  }
0x401: {  	v60 =	vmul.f32 v63, v35;
	v63 =	vmul.f32 v50, v25  }
0x402: {  	(xrf2) =	vadd.scan.msk.f32 $0xffff, v0;
	v36 =	vadd.f32 v37, v36;
	v39 =	vmul.f32 v39, v26;
	v40 =	vmul.f32 v51, v62  }
0x403: {  	v50 =	vmul.f32 v44, v30;
	v61 =	vmul.f32 v57, v1;
	v37 =	vsub.f32 $1.500000000e+00, v60  }
0x404: {  	(xrf2) =	vadd.scan.msk.f32 $0xffff, v36;
	v39 =	vadd.f32 v39, v47;
	v0 =	vmul.f32 v58, v32;
	v62 =	vmul.f32 v40, v42  }
0x405: {  	v55 =	vadd.f32 v50, v43;
	v57 =	vadd.f32 v45, v59  }
0x406: {  	v38 =	vsub.f32 $1.500000000e+00, v61;
	v0 =	vadd.f32 v0, v63;
	v51 =	vmul.f32 v62, v40  }
0x407: {  	v35 =	vmul.f32 v37, v35;
	v58 =	vadd.f32 v55, v39  }
0x408: {  	v1 =	vmul.f32 v38, v1;
	v0 =	vadd.f32 v0, v57;
	v52 =	vsub.f32 $1.500000000e+00, v51  }
0x409: {  	v2 =	vmul.f32 v35, v2  }
0x40a: {  	v41 =	vmul.f32 v1, v41;
	v0 =	vadd.f32 v0, v58;
	v36 =	vmul.f32 v52, v40  }
0x40b: {  	v47 =	vpop (erf);
	v2 =	vmul.f32 v2, v35  }
0x40c: {  	v61, _, _ =	vpop (xrf2);
	v59 =	vmul.f32 v41, v1;
	(xrf2) =	vadd.scan.msk.f32 $0xffff, v0;
	v60 =	vmul.f32 v36, v42  }
0x40d: {  	v34 =	vmul.f32 v47, v34;
	v40 =	vbroadcast v61, $0xF  }
0x40e: {  	s4 =	simm.s32 $0x7B20;
	v63, _, _ =	vpop (xrf2);
	v2 =	vsub.f32 $1.500000000e+00, v2;
	v38 =	vsub.f32 $1.500000000e+00, v59;
	v62 =	vmul.f32 v60, v36  }
0x40f: {  	[tilespmem:s4+$0x110] =	vst v47;
	v39 =	vbroadcast v63, $0xF;
	v37 =	vmul.f32 v40, v56  }
0x410: {  	s30 =	simm.s32 $0x7B20;
	s9 =	simm.s32 $0x0;
	s25 =	simm.s32 $0x3B00;
	[tilespmem:s4+$0x100] =	vst v34;
	v34 =	vmul.f32 v2, v35;
	v38 =	vmul.f32 v38, v1;
	v35 =	vsub.f32 $1.500000000e+00, v62  }
.LBB2_11:
0x411: {  	v0 =	vmul.f32 v47, v17;
	v17 =	vld [tilespmem:s25+$0x80]  }
0x412: {  	v1 =	vmul.f32 v47, v18;
	v18 =	vld [tilespmem:s25+$0x90]  }
0x413: {  	v50 =	vld [tilespmem:s25+$0xA0]  }
0x414: {  	v4 =	vld [tilespmem:$0x1FFF0]  }
0x415: {  	v51 =	vmul.f32 v47, v27;
	v40 =	vld [tilespmem:s25+$0xFFFFFF10]  }
0x416: {  	v45 =	vld [tilespmem:s25+$0xFFFFFF50];
	v2 =	vmul.f32 v39, v56;
	v35 =	vmul.f32 v35, v36;
	[tilespmem:s4+$0x90] =	vst v0;
	v49, _, _ =	vpop (xrf2)  }
0x417: {  	v37 =	vmul.f32 v38, v37;
	v0 =	vld [tilespmem:s25+$0xB0];
	[tilespmem:s4+$0xA0] =	vst v1;
	v36 =	vbroadcast v49, $0xF  }
0x418: {  	v28 =	vmul.f32 v47, v28;
	v58 =	vmul.f32 v47, v23;
	v52 =	vld [tilespmem:s25+$0xC0];
	[tilespmem:s4+$0xB0] =	vst v51  }
0x419: {  	v2 =	vmul.f32 v34, v2;
	v3 =	vadd.f32 v37, v4;
	v57 =	vld [tilespmem:s25+$0xE0];
	v55 =	vmul.f32 v36, v56  }
0x41a: {  	v56 =	vmul.f32 v47, v29;
	v29 =	vmul.f32 v47, v11;
	v11 =	vld [tilespmem:s25+$0xD0];
	[tilespmem:s4+$0xC0] =	vst v28  }
0x41b: {  	v41 =	vmul.f32 v17, v17;
	v37 =	vmul.f32 $1.442695020e+00, v3;
	v34 =	vld [tilespmem:s25+$0xF0]  }
0x41c: {  	[tilespmem:$0x1FF70] =	vst v32;
	v32 =	vmovc v30;
	v30 =	vmov v25;
	v42 =	vmul.f32 v18, v18;
	v48 =	vmul.f32 v40, v40  }
0x41d: {  	v25 =	vmovc v54;
	v54 =	vld [tilespmem:s25+$0xFFFFFFC0];
	v27 =	vmovc v50;
	v62 =	vmul.f32 v45, v45;
	v28 =	vmov v0;
	(erf) = vpow2.f32 v37  }
0x41e: {  	v1 =	vld [tilespmem:s25+$0xFFFFFF30];
	v39 =	vmul.f32 v50, v27;
	v0 =	vmul.f32 v0, v28;
	[tilespmem:s4+$0xE0] =	vst v29;
	v23 =	vmovc v57;
	v29 =	vmov v52  }
0x41f: {  	[tilespmem:$0x1FF60] =	vst v31;
	v51 =	vld [tilespmem:s25+$0xFFFFFF90];
	v36 =	vmul.f32 v57, v23;
	v38 =	vmul.f32 v52, v29  }
0x420: {  	v31 =	vmovc v26;
	v2 =	vadd.f32 v2, v4;
	v50 =	vld [tilespmem:s25+$0xFFFFFF60];
	v44 =	vmul.f32 v11, v11;
	v46 =	vmul.f32 v34, v34  }
0x421: {  	v26 =	vmovc v24;
	v37 =	vld [tilespmem:s25+$0xFFFFFF20];
	v35 =	vmul.f32 v35, v55;
	v36 =	vadd.f32 v36, v39;
	v38 =	vadd.f32 v38, v41  }
0x422: {  	v43 =	vld [tilespmem:s25+$0xFFFFFF40];
	v24 =	vmovc v7;
	v7 =	vmovc v6;
	v2 =	vmul.f32 $1.442695020e+00, v2;
	v59 =	vadd.f32 v44, v42;
	v0 =	vadd.f32 v46, v0  }
0x423: {  	v6 =	vmovc v53;
	v53 =	vld [tilespmem:s25+$0xFFFFFFB0];
	v3 =	vmul.f32 v54, v54;
	v61 =	vmul.f32 v1, v1;
	v35 =	vadd.f32 v35, v4  }
0x424: {  	[tilespmem:s4+$0xD0] =	vst v56;
	v56 =	vmul.f32 v51, v51;
	v42 =	vld [tilespmem:s25+$0xFFFFFF70];
	v38 =	vadd.f32 v59, v38;
	v0 =	vadd.f32 v0, v36  }
0x425: {  	v63 =	vmul.f32 v50, v50;
	v35 =	vmul.f32 $1.442695020e+00, v35;
	v44 =	vld [tilespmem:s25+$0xFFFFFFD0]  }
0x426: {  	v60 =	vmul.f32 v37, v37;
	v46 =	vld [tilespmem:s25+$0xFFFFFF80];
	v52 =	vpop (erf);
	(erf) = vpow2.f32 v2;
	v0 =	vadd.f32 v0, v38  }
0x427: {  	v39 =	vld [tilespmem:s25+$0xFFFFFFE0];
	(erf) = vpow2.f32 v35;
	v33 =	vmul.f32 v52, v33  }
0x428: {  	v41 =	vld [tilespmem:s25+$0xFFFFFFA0];
	v2 =	vadd.f32 v63, v60;
	v49 =	vmul.f32 v52, v12;
	v60 =	vmul.f32 v52, v8;
	(xrf2) =	vadd.scan.msk.f32 $0xffff, v0  }
0x429: {  	v48 =	vadd.f32 v62, v48;
	[tilespmem:s4+$0xF0] =	vst v58;
	v36 =	vld [tilespmem:s25+$0xFFFFFFF0];
	v62 =	vmul.f32 v52, v9;
	v38 =	vmul.f32 v42, v42  }
0x42a: {  	[tilespmem:s4+$0xFFFFFF60] =	vst v52;
	v8 =	vmov v37;
	v37 =	vld [tilespmem:s25+$0x0];
	v63 =	vmul.f32 v52, v10;
	v59 =	vmul.f32 v52, v5  }
0x42b: {  	s29 =	sadd.s32 $0x200, s29;
	v58 =	vmul.f32 v44, v44;
	v55 =	vmul.f32 v46, v46;
	[tilespmem:s4+$0xFFFFFEF0] =	vst v49;
	v35 =	vadd.f32 v38, v61;
	v38 =	vld [tilespmem:s25+$0x10]  }
0x42c: {  	[tilespmem:s4+$0xFFFFFF20] =	vst v62;
	v62 =	vmul.f32 v52, v21;
	v61 =	vmul.f32 v52, v13;
	v52 =	vld [tilespmem:s29+$0xA0]  }
0x42d: {  	v47 =	vmul.f32 v43, v43;
	v12 =	vmov v40;
	v57 =	vmul.f32 v41, v41;
	[tilespmem:s4+$0xFFFFFF00] =	vst v60  }
0x42e: {  	v9 =	vmovc v43;
	v43 =	vld [tilespmem:s29+$0x80];
	[tilespmem:s4+$0xFFFFFF40] =	vst v59;
	v13 =	vmov v1;
	v1 =	vadd.f32 v58, v56;
	v60 =	vadd.f32 v3, v55  }
0x42f: {  	v59 =	vld [tilespmem:s29+$0xD0];
	v3 =	vmul.f32 v36, v36;
	v49 =	vadd.f32 v35, v2;
	[tilespmem:s4+$0xFFFFFF10] =	vst v61;
	v61 =	vmul.f32 v39, v39  }
0x430: {  	v5 =	vmovc v50;
	v56 =	vld [tilespmem:s29+$0xB0];
	v2 =	vmul.f32 v53, v53;
	v50 =	vmul.f32 v37, v37;
	v1 =	vadd.f32 v1, v60  }
0x431: {  	[tilespmem:s4+$0xFFFFFEE0] =	vst v33;
	v58 =	vld [tilespmem:s29+$0xC0];
	v33 =	vadd.f32 v61, v57;
	v40 =	vpop (erf);
	v57 =	vmul.f32 v38, v38;
	v52 =	vmul.f32 v52, v27  }
0x432: {  	[tilespmem:s4+$0xFFFFFF30] =	vst v63;
	v55 =	vld [tilespmem:s29+$0x90];
	v2 =	vadd.f32 v3, v2;
	v22 =	vmul.f32 v40, v22;
	v63 =	vmul.f32 v40, v20;
	v20, _, _ =	vpop (xrf2)  }
0x433: {  	v10 =	vmovc v45;
	[tilespmem:s4+$0xFFFFFF50] =	vst v62;
	v61 =	vld [tilespmem:s29+$0xF0];
	v45 =	vmul.f32 v40, v14;
	v60 =	vmul.f32 v40, v15;
	v3 =	vmax.f32 v20, $1.000000020e-24  }
0x434: {  	v2 =	vadd.f32 v2, v33;
	v33 =	vld [tilespmem:s29+$0xE0];
	v62 =	vmul.f32 v40, v19;
	[tilespmem:s4+$0xFFFFFF80] =	vst v63;
	v63 =	vbroadcast v3, $0xF  }
0x435: {  	v0 =	vmul.f32 v40, v16;
	v19 =	vmovc v54;
	v16 =	vmov v44;
	v54 =	vmul.f32 v56, v28;
	v44 =	vld [tilespmem:s25+$0x50];
	[tilespmem:s4+$0xFFFFFF90] =	vst v45  }
0x436: {  	v15 =	vmovc v53;
	v1 =	vadd.f32 v2, v1;
	v45 =	vld [tilespmem:s25+$0x20];
	[tilespmem:s4+$0xFFFFFFA0] =	vst v60;
	v60 =	vshrl.u32 v63, $0x1;
	v53 =	vmul.f32 $5.000000000e-01, v63  }
0x437: {  	v35 =	vpop (erf);
	v2 =	vmul.f32 v43, v17;
	v43 =	vld [tilespmem:s25+$0x30];
	[tilespmem:s4+$0xFFFFFFB0] =	vst v62;
	v62 =	vmul.f32 v59, v11;
	v56 =	vsub.s32 $0x5F3759DF, v60  }
0x438: {  	[tilespmem:s4+$0xFFFFFF70] =	vst v22;
	v22 =	vmovc v46;
	v46 =	vld [tilespmem:s25+$0x40];
	v20 =	vmov v51;
	v51 =	vmul.f32 v55, v18;
	v63 =	vmul.f32 v56, v53  }
0x439: {  	v21 =	vmovc v42;
	v42 =	vld [tilespmem:s25+$0x60];
	v14 =	vmov v41;
	[tilespmem:s4+$0x80] =	vst v35;
	v55 =	vmul.f32 v58, v29;
	v60 =	vmul.f32 v33, v23  }
0x43a: {  	v61 =	vmul.f32 v61, v34;
	(xrf2) =	vadd.scan.msk.f32 $0xffff, v1;
	v41 =	vld [tilespmem:s25+$0x70];
	v1 =	vadd.f32 v62, v51;
	v62 =	vmul.f32 v56, v63  }
0x43b: {  	[tilespmem:s4+$0xFFFFFFC0] =	vst v0;
	v2 =	vadd.f32 v55, v2;
	v55 =	vmul.f32 v45, v45;
	v33 =	vld [tilespmem:s25+$0xFFFFFF00];
	v0 =	vadd.f32 v60, v52  }
0x43c: {  	v58 =	vmul.f32 v43, v43;
	v52 =	vadd.f32 v61, v54;
	v51 =	vsub.f32 $1.500000000e+00, v62  }
0x43d: {  	v59 =	vmul.f32 v46, v46;
	v1 =	vadd.f32 v1, v2;
	v61 =	vmul.f32 v44, v44  }
0x43e: {  	v2 =	vld [tilespmem:s29+$0xFFFFFF20];
	v0 =	vadd.f32 v52, v0;
	v52 =	vmul.f32 v42, v42;
	v51 =	vmul.f32 v56, v51  }
0x43f: {  	v54 =	vld [tilespmem:s29+$0xFFFFFF00];
	v50 =	vadd.f32 v59, v50;
	v59 =	vmul.f32 v41, v41;
	v3 =	vadd.f32 v61, v57  }
0x440: {  	v60 =	vld [tilespmem:s29+$0xFFFFFF10];
	v61 =	vmul.f32 v33, v33;
	v52 =	vadd.f32 v52, v55;
	v55 =	vmul.f32 v51, v53  }
0x441: {  	v58 =	vadd.f32 v59, v58;
	v59 =	vld [tilespmem:s29+$0xFFFFFF70]  }
0x442: {  	v62 =	vld [tilespmem:s29+$0xFFFFFF50];
	v47 =	vadd.f32 v47, v61;
	v55 =	vmul.f32 v55, v51  }
0x443: {  	v0 =	vadd.f32 v0, v1;
	v1 =	vld [tilespmem:s29+$0xFFFFFF40]  }
0x444: {  	v56 =	vld [tilespmem:s29+$0xFFFFFF30];
	v47 =	vadd.f32 v48, v47;
	v55 =	vsub.f32 $1.500000000e+00, v55  }
0x445: {  	[tilespmem:s4+$0xFFFFFFF0] =	vst v40;
	v63, _, _ =	vpop (xrf2);
	v50 =	vadd.f32 v3, v50;
	v3 =	vld [tilespmem:s29+$0x0]  }
0x446: {  	v57 =	vmax.f32 v63, $1.000000020e-24;
	v61 =	vld [tilespmem:s29+$0xFFFFFF90];
	(xrf2) =	vadd.scan.msk.f32 $0xffff, v0;
	v47 =	vadd.f32 v49, v47;
	v51 =	vmul.f32 v55, v51  }
0x447: {  	v60 =	vmul.f32 v60, v12;
	v57 =	vbroadcast v57, $0xF;
	v0 =	vld [tilespmem:s29+$0xFFFFFF60]  }
0x448: {  	v52 =	vadd.f32 v58, v52;
	v58 =	vld [tilespmem:s29+$0xFFFFFF80];
	(xrf2) =	vadd.scan.msk.f32 $0xffff, v47;
	v47 =	vmul.f32 v62, v10;
	v53 =	vmul.f32 v51, v53  }
0x449: {  	v54 =	vmul.f32 v54, v33;
	v55 =	vmul.f32 v56, v13;
	v56 =	vld [tilespmem:s29+$0xFFFFFFB0]  }
0x44a: {  	v63 =	vshrl.u32 v57, $0x1;
	v47 =	vadd.f32 v47, v60;
	v60 =	vld [tilespmem:s29+$0xFFFFFFF0];
	v53 =	vmul.f32 v53, v51  }
0x44b: {  	v50 =	vadd.f32 v52, v50;
	v52 =	vsub.s32 $0x5F3759DF, v63;
	v63 =	vld [tilespmem:s29+$0xFFFFFFC0];
	v1 =	vmul.f32 v1, v9  }
0x44c: {  	v2 =	vmul.f32 v2, v8;
	v49 =	vld [tilespmem:s29+$0xFFFFFFA0];
	v0 =	vmul.f32 v0, v5;
	v53 =	vsub.f32 $1.500000000e+00, v53  }
0x44d: {  	v1 =	vadd.f32 v1, v54;
	v54 =	vmul.f32 v59, v21;
	v59 =	vld [tilespmem:s29+$0xFFFFFFE0]  }
0x44e: {  	v48 =	vmul.f32 $5.000000000e-01, v57;
	v0 =	vadd.f32 v0, v2;
	v51 =	vmul.f32 v53, v51;
	v53 =	vld [tilespmem:$0x1FFE0]  }
0x44f: {  	v62 =	vld [tilespmem:s29+$0xFFFFFFD0];
	(xrf2) =	vadd.scan.msk.f32 $0xffff, v50;
	v1 =	vadd.f32 v47, v1;
	v2 =	vmul.f32 v56, v15;
	v47 =	vmul.f32 v60, v36  }
0x450: {  	v57 =	vmul.f32 v52, v48;
	v58 =	vmul.f32 v58, v22;
	v54 =	vadd.f32 v54, v55;
	v55 =	vld [tilespmem:s29+$0x20];
	v50, _, _ =	vpop (xrf2)  }
0x451: {  	v50 =	vbroadcast v50, $0xF;
	v56 =	vmul.f32 v63, v19;
	v2 =	vadd.f32 v47, v2;
	v47 =	vld [tilespmem:s29+$0x70]  }
0x452: {  	v3 =	vmul.f32 v3, v37;
	v61 =	vmul.f32 v61, v20;
	v63 =	vld [tilespmem:s29+$0x10]  }
0x453: {  	v50 =	vmul.f32 v50, v53;
	v53 =	vadd.f32 v56, v58;
	v58 =	vmul.f32 v59, v39;
	v59 =	vld [tilespmem:s29+$0x30]  }
0x454: {  	v49 =	vmul.f32 v49, v14;
	v60 =	vld [tilespmem:s29+$0x40];
	v56 =	vmul.f32 v62, v16  }
0x455: {  	v55 =	vmul.f32 v55, v45;
	v62, _, _ =	vpop (xrf2);
	v50 =	vmul.f32 v51, v50  }
0x456: {  	v47 =	vmul.f32 v47, v41;
	v62 =	vmax.f32 v62, $1.000000020e-24;
	v51 =	vadd.f32 v56, v61  }
0x457: {  	v56 =	vmul.f32 v52, v57;
	v57 =	vld [tilespmem:s29+$0x50];
	v61 =	vmul.f32 v63, v38;
	v50 =	vadd.f32 v50, v4  }
0x458: {  	v0 =	vadd.f32 v54, v0;
	v62 =	vbroadcast v62, $0xF;
	v54 =	vmul.f32 v59, v43  }
0x459: {  	v49 =	vadd.f32 v58, v49;
	v59 =	vmul.f32 v60, v46;
	v60, _, _ =	vpop (xrf2);
	v50 =	vmul.f32 $1.442695020e+00, v50  }
0x45a: {  	v63 =	vshrl.u32 v62, $0x1;
	v62 =	vmul.f32 $5.000000000e-01, v62;
	v60 =	vmax.f32 v60, $1.000000020e-24  }
0x45b: {  	v58 =	vld [tilespmem:s29+$0x60];
	v60 =	vbroadcast v60, $0xF;
	(erf) = vpow2.f32 v50;
	v50 =	vsub.s32 $0x5F3759DF, v63  }
0x45c: {  	v3 =	vadd.f32 v59, v3;
	v57 =	vmul.f32 v57, v44;
	v59 =	vmul.f32 v50, v62  }
0x45d: {  	v56 =	vsub.f32 $1.500000000e+00, v56;
	v63 =	vshrl.u32 v60, $0x1;
	v60 =	vmul.f32 $5.000000000e-01, v60  }
0x45e: {  	v57 =	vadd.f32 v57, v61;
	v61 =	vsub.s32 $0x5F3759DF, v63;
	v59 =	vmul.f32 v50, v59  }
0x45f: {  	v51 =	vadd.f32 v51, v53;
	v2 =	vadd.f32 v2, v49;
	v63 =	vmul.f32 v61, v60  }
0x460: {  	v58 =	vmul.f32 v58, v42;
	v4 =	vadd.f32 v47, v54;
	v47 =	vsub.f32 $1.500000000e+00, v59  }
0x461: {  	v0 =	vadd.f32 v0, v1;
	v52 =	vmul.f32 v52, v56;
	v59 =	vmul.f32 v61, v63  }
0x462: {  	v2 =	vadd.f32 v2, v51;
	v55 =	vadd.f32 v58, v55;
	v1 =	vmul.f32 v50, v47  }
0x463: {  	v51 =	vmul.f32 v35, v24;
	v63 =	vmul.f32 v52, v48;
	v49 =	vsub.f32 $1.500000000e+00, v59  }
0x464: {  	v3 =	vadd.f32 v57, v3;
	v55 =	vadd.f32 v4, v55;
	v50 =	vmul.f32 v1, v62  }
0x465: {  	(xrf2) =	vadd.scan.msk.f32 $0xffff, v0;
	v58 =	vmul.f32 v63, v52;
	v49 =	vmul.f32 v61, v49  }
0x466: {  	(xrf2) =	vadd.scan.msk.f32 $0xffff, v2;
	v3 =	vadd.f32 v55, v3;
	v59 =	vmul.f32 v50, v1  }
0x467: {  	[tilespmem:s30+$0x0] =	vst v51;
	v63 =	vmul.f32 v40, v7;
	v47 =	vpop (erf);
	v0 =	vsub.f32 $1.500000000e+00, v58;
	v61 =	vmul.f32 v49, v60  }
0x468: {  	(xrf2) =	vadd.scan.msk.f32 $0xffff, v3;
	v3 =	vmul.f32 v35, v30;
	v34 =	vmul.f32 v47, v34;
	v57 =	vsub.f32 $1.500000000e+00, v59  }
0x469: {  	[tilespmem:s30+$0xFFFFFFE0] =	vst v63;
	v0 =	vmul.f32 v0, v52;
	v58 =	vmul.f32 v61, v49  }
0x46a: {  	s4 =	sadd.s32 $0x240, s4;
	[tilespmem:s30+$0x30] =	vst v3;
	v52 =	vmul.f32 v35, v32;
	v1 =	vmul.f32 v57, v1  }
0x46b: {  	v4 =	vld [tilespmem:$0x1FF60];
	[tilespmem:s4+$0x100] =	vst v34;
	v34 =	vmul.f32 v40, v6;
	v59 =	vmul.f32 v35, v25;
	v63 =	vsub.f32 $1.500000000e+00, v58  }
0x46c: {  	v24 =	vmov v45;
	[tilespmem:s4+$0x110] =	vst v47;
	v45 =	vmul.f32 v0, v48;
	v50 =	vmul.f32 v1, v62;
	v62 =	vld [tilespmem:$0x1FF70]  }
0x46d: {  	s9 =	sadd.s32 $0x4, s9;
	v56 =	vld [tilespmem:$0x1FFE0];
	v6 =	vmov v36;
	v61 =	vmul.f32 v35, v26;
	[tilespmem:s30+$0x50] =	vst v52;
	v36 =	vmul.f32 v63, v49  }
0x46e: {  	p0 =	slt.u32 s9, $0x1C;
	v53 =	vmov v39;
	v48 =	vmul.f32 v35, v31;
	[tilespmem:s30+$0xFFFFFFD0] =	vst v34;
	v51 =	vmul.f32 v45, v0  }
.Ltmp4:
0x46f: {  	v54 =	vmov v38;
	[tilespmem:s30+$0x10] =	vst v59;
	v58, _, _ =	vpop (xrf2);
	v55 =	vmul.f32 v50, v1;
	v57 =	vmul.f32 v36, v60;
	(pc) =	sbr.rel @p0 .LBB2_11-.Ltmp4, $4  }
0x470: {  	v7 =	vmovc v37;
	v30 =	vmovc v44;
	[tilespmem:s30+$0x20] =	vst v61;
	v59 =	vmul.f32 v35, v4;
	v34 =	vsub.f32 $1.500000000e+00, v51;
	v3 =	vbroadcast v58, $0xF  }
0x471: {  	v32 =	vmovc v41;
	[tilespmem:s30+$0x40] =	vst v48;
	v60 =	vsub.f32 $1.500000000e+00, v55;
	v61 =	vmul.f32 v57, v36;
	v2 =	vmul.f32 v35, v62  }
0x472: {  	v25 =	vmov v43;
	[tilespmem:s30+$0x60] =	vst v59;
	v34 =	vmul.f32 v34, v0;
	v63, _, _ =	vpop (xrf2);
	v37 =	vmul.f32 v3, v56  }
0x473: {  	s25 =	sadd.s32 $0x200, s25;
	v26 =	vmovc v46;
	v31 =	vmovc v42;
	v39 =	vbroadcast v63, $0xF;
	v38 =	vmul.f32 v60, v1;
	v35 =	vsub.f32 $1.500000000e+00, v61;
	[tilespmem:s30+$0x70] =	vst v2;
	s30 =	smov.u32 s4  }
0x474: {  	v4 =	vld [tilespmem:$0x1FFF0];
	_ =	sdelay $0x1  }
0x475: {  	v1 =	vmul.f32 v39, v56  }
0x476: {  	v0 =	vmul.f32 v38, v37  }
0x477: {  	v1 =	vmul.f32 v34, v1  }
0x478: {  	v0 =	vadd.f32 v0, v4  }
0x479: {  	v1 =	vadd.f32 v1, v4  }
0x47a: {  	v0 =	vmul.f32 $1.442695020e+00, v0  }
0x47b: {  	v1 =	vmul.f32 $1.442695020e+00, v1  }
0x47c: {  	(erf) = vpow2.f32 v0  }
0x47d: {  	v17 =	vmul.f32 v47, v17;
	(erf) = vpow2.f32 v1  }
0x47e: {  	v2 =	vmul.f32 v47, v18  }
0x47f: {  	v18 =	vmul.f32 v47, v27;
	[tilespmem:s4+$0x90] =	vst v17  }
0x480: {  	v27 =	vmul.f32 v47, v28;
	[tilespmem:s4+$0xA0] =	vst v2  }
0x481: {  	v28 =	vmul.f32 v47, v29;
	[tilespmem:s4+$0xB0] =	vst v18  }
0x482: {  	v3, _, _ =	vpop (xrf2);
	v11 =	vmul.f32 v47, v11;
	[tilespmem:s4+$0xC0] =	vst v27  }
0x483: {  	v29 =	vmul.f32 v47, v23;
	v3 =	vbroadcast v3, $0xF;
	[tilespmem:s4+$0xD0] =	vst v28  }
0x484: {  	[tilespmem:s4+$0xE0] =	vst v11  }
0x485: {  	[tilespmem:s4+$0xF0] =	vst v29;
	v34 =	vmul.f32 v35, v36;
	v35 =	vmul.f32 v3, v56;
	v36 =	vpop (erf)  }
0x486: {  	v37 =	vmul.f32 v36, v33;
	[tilespmem:s4+$0xFFFFFF60] =	vst v36;
	v45 =	vpop (erf)  }
0x487: {  	v1 =	vmul.f32 v34, v35;
	v38 =	vmul.f32 v36, v12;
	[tilespmem:s4+$0xFFFFFFF0] =	vst v45  }
0x488: {  	v39 =	vmul.f32 v36, v8;
	[tilespmem:s4+$0xFFFFFEE0] =	vst v37  }
0x489: {  	v1 =	vadd.f32 v1, v4;
	v40 =	vmul.f32 v36, v13;
	[tilespmem:s4+$0xFFFFFEF0] =	vst v38  }
0x48a: {  	v41 =	vmul.f32 v36, v9;
	[tilespmem:s4+$0xFFFFFF00] =	vst v39  }
0x48b: {  	v1 =	vmul.f32 $1.442695020e+00, v1;
	v42 =	vmul.f32 v36, v10;
	[tilespmem:s4+$0xFFFFFF10] =	vst v40  }
0x48c: {  	v43 =	vmul.f32 v36, v5;
	[tilespmem:s4+$0xFFFFFF20] =	vst v41  }
0x48d: {  	(erf) = vpow2.f32 v1;
	v44 =	vmul.f32 v36, v21;
	[tilespmem:s4+$0xFFFFFF30] =	vst v42  }
0x48e: {  	v46 =	vmul.f32 v45, v22;
	[tilespmem:s4+$0xFFFFFF40] =	vst v43  }
0x48f: {  	v47 =	vmul.f32 v45, v20;
	[tilespmem:s4+$0xFFFFFF50] =	vst v44  }
0x490: {  	v48 =	vmul.f32 v45, v14;
	[tilespmem:s4+$0xFFFFFF70] =	vst v46  }
0x491: {  	v49 =	vmul.f32 v45, v15;
	[tilespmem:s4+$0xFFFFFF80] =	vst v47  }
0x492: {  	v50 =	vmul.f32 v45, v19;
	[tilespmem:s4+$0xFFFFFF90] =	vst v48  }
0x493: {  	v51 =	vmul.f32 v45, v16;
	[tilespmem:s4+$0xFFFFFFA0] =	vst v49  }
0x494: {  	v53 =	vmul.f32 v45, v53;
	[tilespmem:s4+$0xFFFFFFB0] =	vst v50  }
0x495: {  	v2 =	vmul.f32 v45, v6;
	[tilespmem:s4+$0xFFFFFFC0] =	vst v51  }
0x496: {  	[tilespmem:s30+$0xFFFFFFD0] =	vst v53;
	v52 =	vpop (erf)  }
0x497: {  	[tilespmem:s30+$0xFFFFFFE0] =	vst v2;
	v55 =	vmul.f32 v52, v7  }
0x498: {  	[tilespmem:s4+$0x80] =	vst v52;
	v57 =	vmul.f32 v52, v54  }
0x499: {  	v58 =	vmul.f32 v52, v24;
	[tilespmem:s30+$0x0] =	vst v55  }
0x49a: {  	v59 =	vmul.f32 v52, v25;
	[tilespmem:s30+$0x10] =	vst v57  }
0x49b: {  	v60 =	vmul.f32 v52, v26;
	[tilespmem:s30+$0x20] =	vst v58  }
0x49c: {  	v61 =	vmul.f32 v52, v30;
	[tilespmem:s30+$0x30] =	vst v59  }
0x49d: {  	v62 =	vmul.f32 v52, v31;
	[tilespmem:s30+$0x40] =	vst v60  }
0x49e: {  	v1 =	vmul.f32 v52, v32;
	[tilespmem:s30+$0x50] =	vst v61  }
0x49f: {  	[tilespmem:s30+$0x60] =	vst v62  }
0x4a0: {  	[tilespmem:s30+$0x70] =	vst v1  }
0x4a1: {  	v0 =	vld [tilespmem:s28+$0x1400];
	_ =	sdelay $0x1  }
0x4a2: {  	s26 =	sadd.s32 $0x1, s26  }
0x4a3: {  	p0 =	sne.s32 s26, $0x9F  }
.Ltmp5:
0x4a4: {  	_ = 	snop;
	(pc) =	sbr.rel @p0 .LBB2_8-.Ltmp5, $4  }
0x4a5: {  	v63 =	vand.u32 $0xFFFF, v0  }
0x4a6: {  	v0 =	vshrl.u32 v0, $0x10;
	[tilespmem:$0x8CA0] =	vst v63  }
0x4a7: {  	[tilespmem:$0x8CB0] =	vst v0  }
0x4a8: {  	[spmem:s3] =	stream.indirect.scatter.add.f32 [tilespmem:s22], [sflag:$0x6], $0x90, s21, s6, $0xb8;
	[tilespmem:$0x1F8C0] =	vst v63  }
0x4a9: {  	_ =	swait.ge [sflag:s12], $0x1000  }
0x4aa: {  	[sflag:s12] =	ssyncset.done $0x0  }
0x4ab: {  	[sflag:s12] =	ssyncadd.s32 $0xFFFFF000  }
0x4ac: {  	_ =	swait.ge [sflag:s13], $0x1000  }
0x4ad: {  	[sflag:s13] =	ssyncset.done $0x0  }
0x4ae: {  	[sflag:s13] =	ssyncadd.s32 $0xFFFFF000  }
0x4af: {  	_ =	swait.ge [sflag:s23], $0x1200  }
0x4b0: {  	[sflag:s23] =	ssyncset.done $0x0  }
0x4b1: {  	[sflag:s23] =	ssyncadd.s32 $0xFFFFEE00  }
0x4b2: {  	v0 =	vld [tilespmem:$0x13F0];
	_ =	sdelay $0x1  }
0x4b3: {  	v1 =	vld [tilespmem:$0x27F0];
	_ =	sdelay $0x2  }
0x4b4: {  	v2 =	vand.u32 $0xFFFF, v0  }
0x4b5: {  	v0 =	vshrl.u32 v0, $0x10;
	[tilespmem:$0x8C20] =	vst v2  }
0x4b6: {  	v40 =	vand.u32 $0xFFFF, v1;
	[tilespmem:$0x8C30] =	vst v0  }
0x4b7: {  	v41 =	vshrl.u32 v1, $0x10;
	[tilespmem:$0x8C60] =	vst v40  }
0x4b8: {  	[tilespmem:$0x8C70] =	vst v41  }
0x4b9: {  	[tilespmem:s15], [sflag:$0x4] =	stream.indirect.gather [hbm4b:s1+s6], $0x80, s14, s6, $0xb8;
	[tilespmem:$0x1F8C0] =	vst v63  }
0x4ba: {  	s4 =	simm.s32 $0x2900  }
0x4bb: {  	[tilespmem:s17], [sflag:$0x5] =	stream.indirect.gather [hbm4b:s5+s6], $0x80, s16, s6, $0xb8;
	[tilespmem:$0x1F8C0] =	vst v63  }
0x4bc: {  	v17 =	vld [tilespmem:s4+$0x80]  }
0x4bd: {  	v18 =	vld [tilespmem:s4+$0x90]  }
0x4be: {  	v27 =	vld [tilespmem:s4+$0xA0]  }
0x4bf: {  	v28 =	vld [tilespmem:s4+$0xB0]  }
0x4c0: {  	v29 =	vld [tilespmem:s4+$0xC0]  }
0x4c1: {  	v11 =	vld [tilespmem:s4+$0xD0]  }
0x4c2: {  	v23 =	vld [tilespmem:s4+$0xE0]  }
0x4c3: {  	v34 =	vld [tilespmem:s4+$0xF0]  }
0x4c4: {  	v12 =	vld [tilespmem:s4+$0xFFFFFF10]  }
0x4c5: {  	v8 =	vld [tilespmem:s4+$0xFFFFFF20]  }
0x4c6: {  	v13 =	vld [tilespmem:s4+$0xFFFFFF30]  }
0x4c7: {  	v9 =	vld [tilespmem:s4+$0xFFFFFF40]  }
0x4c8: {  	v10 =	vld [tilespmem:s4+$0xFFFFFF50]  }
0x4c9: {  	v5 =	vld [tilespmem:s4+$0xFFFFFF60];
	v42 =	vmul.f32 v17, v17;
	v43 =	vmul.f32 v18, v18  }
0x4ca: {  	v21 =	vld [tilespmem:s4+$0xFFFFFF70];
	v44 =	vmul.f32 v27, v27;
	v3 =	vmul.f32 v28, v28  }
0x4cb: {  	v22 =	vld [tilespmem:s4+$0xFFFFFF80];
	v4 =	vmul.f32 v29, v29;
	v6 =	vmul.f32 v11, v11  }
0x4cc: {  	v20 =	vld [tilespmem:s4+$0xFFFFFF90];
	v7 =	vmul.f32 v23, v23;
	v14 =	vmul.f32 v34, v34  }
0x4cd: {  	v15 =	vld [tilespmem:s4+$0xFFFFFFB0];
	v0 =	vadd.f32 v4, v42;
	v1 =	vadd.f32 v6, v43  }
0x4ce: {  	v19 =	vld [tilespmem:s4+$0xFFFFFFC0];
	v2 =	vadd.f32 v7, v44;
	v3 =	vadd.f32 v14, v3  }
0x4cf: {  	v16 =	vld [tilespmem:s4+$0xFFFFFFD0]  }
0x4d0: {  	s26 =	simm.s32 $0x4900;
	v53 =	vld [tilespmem:s4+$0xFFFFFFF0];
	v0 =	vadd.f32 v1, v0;
	v45 =	vadd.f32 v3, v2  }
0x4d1: {  	v30 =	vld [tilespmem:s26+$0x80]  }
0x4d2: {  	v33 =	vld [tilespmem:s26+$0x90];
	v0 =	vadd.f32 v45, v0  }
0x4d3: {  	v46 =	vmul.f32 v12, v12;
	v47 =	vmul.f32 v8, v8;
	v14 =	vld [tilespmem:s4+$0xFFFFFFA0]  }
0x4d4: {  	v48 =	vmul.f32 v13, v13;
	v24 =	vmul.f32 v10, v10;
	v4 =	vld [tilespmem:s4+$0xFFFFFFE0];
	(xrf2) =	vadd.scan.msk.f32 $0xffff, v0  }
0x4d5: {  	v37 =	vld [tilespmem:s26+$0xA0];
	v25 =	vmul.f32 v22, v22;
	v26 =	vmul.f32 v20, v20  }
0x4d6: {  	v39 =	vld [tilespmem:s26+$0xB0];
	v32 =	vmul.f32 v15, v15;
	v35 =	vmul.f32 v19, v19  }
0x4d7: {  	v50 =	vld [tilespmem:s26+$0xD0];
	v36 =	vmul.f32 v16, v16;
	v38 =	vmul.f32 v53, v53  }
0x4d8: {  	v49 =	vld [tilespmem:s26+$0xC0];
	v40 =	vmul.f32 v5, v5;
	v51 =	vmul.f32 v21, v21  }
0x4d9: {  	v52 =	vld [tilespmem:s26+$0xF0];
	v31 =	vmul.f32 v14, v14;
	v0 =	vadd.f32 v24, v46;
	v24 =	vmul.f32 v4, v4  }
0x4da: {  	v37 =	vmul.f32 v37, v27;
	v6 =	vld [tilespmem:s4+$0x0];
	v25 =	vadd.f32 v35, v25;
	v26 =	vadd.f32 v36, v26  }
0x4db: {  	v39 =	vmul.f32 v39, v28;
	v7 =	vld [tilespmem:s4+$0x10];
	v24 =	vadd.f32 v24, v31;
	v31 =	vadd.f32 v38, v32  }
0x4dc: {  	v55 =	vmul.f32 v50, v11;
	v36 =	vmul.f32 v9, v9;
	v42 =	vld [tilespmem:s26+$0xE0]  }
0x4dd: {  	v25 =	vadd.f32 v26, v25;
	v45 =	vmul.f32 v33, v18;
	v33 =	vld [tilespmem:s4+$0xFFFFFF00];
	v26 =	vadd.f32 v31, v24  }
0x4de: {  	v44 =	vmul.f32 v30, v17;
	v35 =	vmul.f32 v49, v29;
	v1 =	vadd.f32 v40, v47;
	v32 =	vld [tilespmem:s4+$0x70];
	v41, _, _ =	vpop (xrf2)  }
0x4df: {  	v2 =	vadd.f32 v51, v48;
	v43 =	vadd.f32 v26, v25;
	v25 =	vld [tilespmem:s4+$0x30];
	v24 =	vmax.f32 v41, $1.000000020e-24  }
0x4e0: {  	v35 =	vadd.f32 v35, v44;
	v40 =	vmul.f32 v6, v6;
	v26 =	vld [tilespmem:s4+$0x40];
	v31 =	vbroadcast v24, $0xF  }
0x4e1: {  	v1 =	vadd.f32 v2, v1;
	v54 =	vmul.f32 v7, v7;
	v42 =	vmul.f32 v42, v23;
	v24 =	vld [tilespmem:s4+$0x20]  }
0x4e2: {  	v63 =	vmul.f32 v33, v33;
	(xrf2) =	vadd.scan.msk.f32 $0xffff, v43;
	v30 =	vshrl.u32 v31, $0x1;
	v46 =	vmul.f32 $5.000000000e-01, v31;
	v31 =	vld [tilespmem:s4+$0x60]  }
0x4e3: {  	v2 =	vadd.f32 v55, v45;
	v37 =	vadd.f32 v42, v37;
	v47 =	vsub.s32 $0x5F3759DF, v30;
	v30 =	vld [tilespmem:s4+$0x50]  }
0x4e4: {  	v36 =	vadd.f32 v36, v63;
	v55 =	vmul.f32 v32, v32;
	v57 =	vmul.f32 v47, v46  }
0x4e5: {  	v49 =	vld [tilespmem:s26+$0xFFFFFF10];
	v2 =	vadd.f32 v2, v35;
	v41 =	vmul.f32 v52, v34;
	v60 =	vmul.f32 v26, v26  }
0x4e6: {  	v48 =	vld [tilespmem:s26+$0xFFFFFF00];
	v0 =	vadd.f32 v0, v36;
	v59 =	vmul.f32 v25, v25;
	v43 =	vmul.f32 v47, v57  }
0x4e7: {  	v51 =	vld [tilespmem:s26+$0xFFFFFF20];
	v39 =	vadd.f32 v41, v39;
	v40 =	vadd.f32 v60, v40;
	v58 =	vmul.f32 v24, v24  }
0x4e8: {  	v42 =	vld [tilespmem:s26+$0xFFFFFF40];
	v50 =	vmul.f32 v31, v31;
	v43 =	vsub.f32 $1.500000000e+00, v43;
	v61 =	vmul.f32 v30, v30  }
0x4e9: {  	v36 =	vld [tilespmem:s26+$0xFFFFFF50];
	v41 =	vadd.f32 v55, v59;
	v62 =	vadd.f32 v39, v37  }
0x4ea: {  	v52 =	vld [tilespmem:s26+$0xFFFFFF80];
	v57 =	vadd.f32 v50, v58;
	v43 =	vmul.f32 v47, v43;
	v38 =	vadd.f32 v61, v54  }
0x4eb: {  	v37 =	vld [tilespmem:s26+$0xFFFFFF30];
	v2 =	vadd.f32 v62, v2  }
0x4ec: {  	v62 =	vld [tilespmem:s26+$0xFFFFFF70];
	v59, _, _ =	vpop (xrf2);
	v35 =	vadd.f32 v41, v57;
	v58 =	vmul.f32 v43, v46;
	v38 =	vadd.f32 v38, v40  }
0x4ed: {  	v63 =	vmul.f32 v48, v33;
	v0 =	vadd.f32 v1, v0;
	v55 =	vld [tilespmem:s26+$0xFFFFFF90];
	(xrf2) =	vadd.scan.msk.f32 $0xffff, v2;
	v60 =	vmax.f32 v59, $1.000000020e-24  }
0x4ee: {  	v2 =	vbroadcast v60, $0xF;
	v60 =	vld [tilespmem:s26+$0xFFFFFFB0];
	v44 =	vmul.f32 v58, v43;
	v35 =	vadd.f32 v35, v38  }
0x4ef: {  	v42 =	vmul.f32 v42, v9;
	v36 =	vmul.f32 v36, v10;
	(xrf2) =	vadd.scan.msk.f32 $0xffff, v0;
	v50 =	vld [tilespmem:s26+$0xFFFFFFD0]  }
0x4f0: {  	v59 =	vmul.f32 v37, v13;
	v61 =	vld [tilespmem:s26+$0xFFFFFF60];
	v54 =	vmul.f32 v49, v12;
	v44 =	vsub.f32 $1.500000000e+00, v44;
	(xrf2) =	vadd.scan.msk.f32 $0xffff, v35  }
0x4f1: {  	v47 =	vmul.f32 v51, v8;
	v49 =	vld [tilespmem:s26+$0xFFFFFFC0];
	v1 =	vmul.f32 v62, v21;
	v57 =	vshrl.u32 v2, $0x1  }
0x4f2: {  	v51 =	vld [tilespmem:s26+$0xFFFFFFF0];
	v2 =	vmul.f32 $5.000000000e-01, v2;
	v41 =	vadd.f32 v42, v63;
	v43 =	vmul.f32 v44, v43  }
0x4f3: {  	v63 =	vmul.f32 v52, v22;
	v39 =	vsub.s32 $0x5F3759DF, v57;
	v37 =	vmul.f32 v60, v15  }
0x4f4: {  	v0 =	vadd.f32 v36, v54;
	v58 =	vld [tilespmem:s26+$0xFFFFFFA0];
	v38 =	vmul.f32 v55, v20;
	v46 =	vmul.f32 v43, v46  }
0x4f5: {  	v1 =	vadd.f32 v1, v59;
	v60 =	vmul.f32 v50, v16;
	v40 =	vmul.f32 v61, v5  }
0x4f6: {  	v62 =	vld [tilespmem:s26+$0xFFFFFFE0];
	v0 =	vadd.f32 v0, v41;
	v55 =	vmul.f32 v49, v19;
	v61 =	vmul.f32 v46, v43  }
0x4f7: {  	v49 =	vmul.f32 v51, v53;
	v38 =	vadd.f32 v60, v38;
	v54, _, _ =	vpop (xrf2);
	v40 =	vadd.f32 v40, v47  }
0x4f8: {  	v36 =	vadd.f32 v55, v63;
	v45 =	vbroadcast v54, $0xF;
	v54 =	vld [tilespmem:s26+$0x10];
	v42 =	vsub.f32 $1.500000000e+00, v61  }
0x4f9: {  	v37 =	vadd.f32 v49, v37;
	v44 =	vmul.f32 v39, v2;
	v59, _, _ =	vpop (xrf2);
	v48 =	vmul.f32 v58, v14  }
0x4fa: {  	v3 =	vld [tilespmem:$0x1FFF0];
	v58 =	vmul.f32 v45, v56;
	v57 =	vmul.f32 v42, v43;
	v43 =	vmax.f32 v59, $1.000000020e-24;
	v63, _, _ =	vpop (xrf2)  }
0x4fb: {  	v46 =	vmul.f32 v62, v4;
	v62 =	vbroadcast v43, $0xF;
	v52 =	vmax.f32 v63, $1.000000020e-24  }
0x4fc: {  	v1 =	vadd.f32 v1, v40;
	v44 =	vmul.f32 v39, v44;
	v61 =	vld [tilespmem:s26+$0x0];
	v42 =	vbroadcast v52, $0xF  }
0x4fd: {  	v43 =	vmul.f32 v54, v7;
	v35 =	vmul.f32 v57, v58;
	v55 =	vshrl.u32 v62, $0x1  }
0x4fe: {  	v63 =	vld [tilespmem:s26+$0x30];
	v41 =	vmul.f32 $5.000000000e-01, v62;
	v58 =	vshrl.u32 v42, $0x1;
	v42 =	vmul.f32 $5.000000000e-01, v42  }
0x4ff: {  	v52 =	vld [tilespmem:s26+$0x20];
	v57 =	vsub.s32 $0x5F3759DF, v55;
	v35 =	vadd.f32 v35, v3;
	v51 =	vsub.s32 $0x5F3759DF, v58  }
0x500: {  	v36 =	vadd.f32 v38, v36;
	v55 =	vld [tilespmem:s26+$0x60];
	v50 =	vmul.f32 v57, v41;
	v60 =	vmul.f32 v51, v42  }
0x501: {  	v44 =	vsub.f32 $1.500000000e+00, v44;
	v47 =	vmul.f32 v61, v6;
	v58 =	vld [tilespmem:s26+$0x70];
	v35 =	vmul.f32 $1.442695020e+00, v35  }
0x502: {  	v0 =	vadd.f32 v1, v0;
	v59 =	vmul.f32 v57, v50;
	v62 =	vmul.f32 v51, v60  }
0x503: {  	v46 =	vadd.f32 v46, v48;
	(erf) = vpow2.f32 v35;
	v35 =	vmul.f32 v39, v44;
	v39 =	vld [tilespmem:s26+$0x40]  }
0x504: {  	v63 =	vmul.f32 v63, v25;
	v44 =	vld [tilespmem:s26+$0x50];
	v61 =	vsub.f32 $1.500000000e+00, v59;
	v59 =	vmul.f32 v52, v24  }
0x505: {  	v45 =	vmul.f32 v55, v31;
	v49 =	vsub.f32 $1.500000000e+00, v62;
	v54 =	vmul.f32 v35, v2  }
0x506: {  	(xrf2) =	vadd.scan.msk.f32 $0xffff, v0;
	v37 =	vadd.f32 v37, v46;
	v0 =	vmul.f32 v58, v32;
	v1 =	vmul.f32 v57, v61  }
0x507: {  	v40 =	vmul.f32 v51, v49;
	v60 =	vmul.f32 v54, v35  }
0x508: {  	v36 =	vadd.f32 v37, v36;
	v57 =	vmul.f32 v1, v41;
	v39 =	vmul.f32 v39, v26  }
0x509: {  	v0 =	vadd.f32 v0, v63;
	v51 =	vmul.f32 v44, v30;
	v62 =	vmul.f32 v40, v42  }
0x50a: {  	(xrf2) =	vadd.scan.msk.f32 $0xffff, v36;
	v37 =	vsub.f32 $1.500000000e+00, v60;
	v61 =	vmul.f32 v57, v1;
	v39 =	vadd.f32 v39, v47  }
0x50b: {  	v55 =	vadd.f32 v51, v43;
	v57 =	vadd.f32 v45, v59  }
0x50c: {  	v52 =	vmul.f32 v62, v40;
	v38 =	vsub.f32 $1.500000000e+00, v61  }
0x50d: {  	v35 =	vmul.f32 v37, v35;
	v58 =	vadd.f32 v55, v39;
	v0 =	vadd.f32 v0, v57  }
0x50e: {  	v54 =	vsub.f32 $1.500000000e+00, v52;
	v1 =	vmul.f32 v38, v1  }
0x50f: {  	v2 =	vmul.f32 v35, v2;
	v0 =	vadd.f32 v0, v58  }
0x510: {  	v36 =	vmul.f32 v54, v40;
	v41 =	vmul.f32 v1, v41  }
0x511: {  	v61, _, _ =	vpop (xrf2);
	v2 =	vmul.f32 v2, v35;
	(xrf2) =	vadd.scan.msk.f32 $0xffff, v0  }
0x512: {  	v47 =	vpop (erf);
	v60 =	vmul.f32 v36, v42;
	v59 =	vmul.f32 v41, v1  }
0x513: {  	v34 =	vmul.f32 v47, v34;
	v40 =	vbroadcast v61, $0xF  }
0x514: {  	s4 =	simm.s32 $0x6920;
	v63, _, _ =	vpop (xrf2);
	v2 =	vsub.f32 $1.500000000e+00, v2;
	v62 =	vmul.f32 v60, v36;
	v38 =	vsub.f32 $1.500000000e+00, v59  }
0x515: {  	[tilespmem:s4+$0x110] =	vst v47;
	v39 =	vbroadcast v63, $0xF;
	v37 =	vmul.f32 v40, v56  }
0x516: {  	s9 =	simm.s32 $0x0;
	s25 =	simm.s32 $0x2B00;
	s28 =	simm.s32 $0x6920;
	[tilespmem:s4+$0x100] =	vst v34;
	v34 =	vmul.f32 v2, v35;
	v35 =	vsub.f32 $1.500000000e+00, v62;
	v38 =	vmul.f32 v38, v1  }
.LBB2_14:
0x517: {  	v0 =	vmul.f32 v47, v17;
	v17 =	vld [tilespmem:s25+$0x80]  }
0x518: {  	v1 =	vmul.f32 v47, v18;
	v18 =	vld [tilespmem:s25+$0x90]  }
0x519: {  	v51 =	vld [tilespmem:s25+$0xA0]  }
0x51a: {  	[tilespmem:$0x1FF40] =	vst v4;
	v4 =	vld [tilespmem:$0x1FFF0]  }
0x51b: {  	v52 =	vmul.f32 v47, v27;
	v28 =	vmul.f32 v47, v28;
	v40 =	vld [tilespmem:s25+$0xFFFFFF10];
	[tilespmem:s4+$0x90] =	vst v0;
	v50, _, _ =	vpop (xrf2)  }
0x51c: {  	v35 =	vmul.f32 v35, v36;
	v0 =	vld [tilespmem:s25+$0xB0];
	[tilespmem:s4+$0xA0] =	vst v1;
	v36 =	vbroadcast v50, $0xF  }
0x51d: {  	v58 =	vmul.f32 v47, v23;
	v37 =	vmul.f32 v38, v37;
	v54 =	vld [tilespmem:s25+$0xC0];
	[tilespmem:s4+$0xB0] =	vst v52  }
0x51e: {  	v2 =	vmul.f32 v39, v56;
	v57 =	vld [tilespmem:s25+$0xE0];
	v55 =	vmul.f32 v36, v56  }
0x51f: {  	v3 =	vadd.f32 v37, v4;
	v56 =	vmul.f32 v47, v29;
	v29 =	vmul.f32 v47, v11;
	v11 =	vld [tilespmem:s25+$0xD0];
	[tilespmem:s4+$0xC0] =	vst v28  }
0x520: {  	v2 =	vmul.f32 v34, v2;
	v41 =	vmul.f32 v17, v17;
	v34 =	vld [tilespmem:s25+$0xF0]  }
0x521: {  	v43 =	vld [tilespmem:s25+$0xFFFFFF40];
	v27 =	vmov v51;
	v42 =	vmul.f32 v18, v18;
	v37 =	vmul.f32 $1.442695020e+00, v3  }
0x522: {  	v45 =	vld [tilespmem:s25+$0xFFFFFF50];
	v48 =	vmul.f32 v40, v40;
	v39 =	vmul.f32 v51, v27;
	v28 =	vmov v0  }
0x523: {  	v1 =	vld [tilespmem:s25+$0xFFFFFF30];
	(erf) = vpow2.f32 v37;
	v0 =	vmul.f32 v0, v28;
	[tilespmem:s4+$0xE0] =	vst v29;
	v23 =	vmovc v57;
	v29 =	vmov v54  }
0x524: {  	[tilespmem:$0x1FF50] =	vst v31;
	v31 =	vmov v30;
	v50 =	vld [tilespmem:s25+$0xFFFFFF60];
	v36 =	vmul.f32 v57, v23;
	v38 =	vmul.f32 v54, v29  }
0x525: {  	v30 =	vmovc v26;
	v2 =	vadd.f32 v2, v4;
	v51 =	vld [tilespmem:s25+$0xFFFFFF90];
	v44 =	vmul.f32 v11, v11;
	v46 =	vmul.f32 v34, v34  }
0x526: {  	v26 =	vmovc v25;
	v37 =	vld [tilespmem:s25+$0xFFFFFF20];
	v35 =	vmul.f32 v35, v55;
	v36 =	vadd.f32 v36, v39;
	v38 =	vadd.f32 v38, v41  }
0x527: {  	v25 =	vmovc v24;
	v62 =	vmul.f32 v45, v45;
	v54 =	vld [tilespmem:s25+$0xFFFFFFC0];
	v59 =	vadd.f32 v44, v42;
	v0 =	vadd.f32 v46, v0  }
0x528: {  	v24 =	vmovc v7;
	v7 =	vmovc v6;
	v2 =	vmul.f32 $1.442695020e+00, v2;
	v61 =	vmul.f32 v1, v1;
	v35 =	vadd.f32 v35, v4  }
0x529: {  	v6 =	vmovc v53;
	v53 =	vld [tilespmem:s25+$0xFFFFFFB0];
	v47 =	vmul.f32 v43, v43;
	v38 =	vadd.f32 v59, v38;
	v0 =	vadd.f32 v0, v36  }
0x52a: {  	[tilespmem:s4+$0xD0] =	vst v56;
	v63 =	vmul.f32 v50, v50;
	v56 =	vmul.f32 v51, v51;
	v42 =	vld [tilespmem:s25+$0xFFFFFF70]  }
0x52b: {  	v39 =	vld [tilespmem:s25+$0xFFFFFFE0];
	v60 =	vmul.f32 v37, v37;
	v35 =	vmul.f32 $1.442695020e+00, v35;
	v0 =	vadd.f32 v0, v38  }
0x52c: {  	v44 =	vld [tilespmem:s25+$0xFFFFFFD0];
	v52 =	vpop (erf);
	(erf) = vpow2.f32 v2;
	v3 =	vmul.f32 v54, v54  }
0x52d: {  	v46 =	vld [tilespmem:s25+$0xFFFFFF80];
	(erf) = vpow2.f32 v35;
	v33 =	vmul.f32 v52, v33;
	(xrf2) =	vadd.scan.msk.f32 $0xffff, v0  }
0x52e: {  	v41 =	vld [tilespmem:s25+$0xFFFFFFA0];
	v2 =	vadd.f32 v63, v60;
	v49 =	vmul.f32 v52, v12;
	v60 =	vmul.f32 v52, v8  }
0x52f: {  	v48 =	vadd.f32 v62, v48;
	[tilespmem:s4+$0xF0] =	vst v58;
	v36 =	vld [tilespmem:s25+$0xFFFFFFF0];
	v62 =	vmul.f32 v52, v9;
	v38 =	vmul.f32 v42, v42  }
0x530: {  	s26 =	sadd.s32 $0x200, s26;
	[tilespmem:s4+$0xFFFFFF60] =	vst v52;
	v8 =	vmov v37;
	v37 =	vld [tilespmem:s25+$0x0];
	v63 =	vmul.f32 v52, v10;
	v59 =	vmul.f32 v52, v5  }
0x531: {  	[tilespmem:s4+$0xFFFFFF20] =	vst v62;
	v62 =	vmul.f32 v52, v21;
	v35 =	vadd.f32 v38, v61;
	v61 =	vmul.f32 v52, v13;
	v52 =	vld [tilespmem:s26+$0xA0]  }
0x532: {  	v9 =	vmov v43;
	v43 =	vld [tilespmem:s26+$0x80];
	v58 =	vmul.f32 v44, v44;
	v55 =	vmul.f32 v46, v46;
	[tilespmem:s4+$0xFFFFFF00] =	vst v60  }
0x533: {  	v12 =	vmovc v40;
	v57 =	vmul.f32 v41, v41;
	[tilespmem:s4+$0xFFFFFF40] =	vst v59;
	v59 =	vld [tilespmem:s26+$0xD0];
	v21 =	vmov v42;
	v13 =	vmov v1  }
0x534: {  	v42 =	vld [tilespmem:s25+$0x60];
	v1 =	vadd.f32 v58, v56;
	v60 =	vadd.f32 v3, v55;
	[tilespmem:s4+$0xFFFFFF10] =	vst v61;
	v61 =	vmul.f32 v39, v39  }
0x535: {  	[tilespmem:s4+$0xFFFFFEF0] =	vst v49;
	v56 =	vld [tilespmem:s26+$0xB0];
	v3 =	vmul.f32 v36, v36;
	v49 =	vadd.f32 v35, v2;
	v2 =	vmul.f32 v53, v53  }
0x536: {  	[tilespmem:s4+$0xFFFFFEE0] =	vst v33;
	v38 =	vld [tilespmem:s25+$0x10];
	v1 =	vadd.f32 v1, v60;
	v33 =	vadd.f32 v61, v57;
	v40 =	vpop (erf);
	v52 =	vmul.f32 v52, v27  }
0x537: {  	[tilespmem:s4+$0xFFFFFF30] =	vst v63;
	v58 =	vld [tilespmem:s26+$0xC0];
	v2 =	vadd.f32 v3, v2;
	v22 =	vmul.f32 v40, v22;
	v63 =	vmul.f32 v40, v20;
	v20, _, _ =	vpop (xrf2)  }
0x538: {  	v10 =	vmovc v45;
	v55 =	vld [tilespmem:s26+$0x90];
	[tilespmem:s4+$0xFFFFFF50] =	vst v62;
	v45 =	vmul.f32 v40, v14;
	v60 =	vmul.f32 v40, v15;
	v3 =	vmax.f32 v20, $1.000000020e-24  }
0x539: {  	v2 =	vadd.f32 v2, v33;
	v33 =	vld [tilespmem:s26+$0xE0];
	v62 =	vmul.f32 v40, v19;
	[tilespmem:s4+$0xFFFFFF80] =	vst v63;
	v63 =	vbroadcast v3, $0xF  }
0x53a: {  	v61 =	vld [tilespmem:s26+$0xF0];
	v0 =	vmul.f32 v40, v16;
	v19 =	vmov v54;
	v54 =	vmul.f32 v56, v28;
	[tilespmem:s4+$0xFFFFFF90] =	vst v45  }
0x53b: {  	v15 =	vmovc v53;
	v16 =	vmovc v44;
	v44 =	vld [tilespmem:s25+$0x50];
	v1 =	vadd.f32 v2, v1;
	[tilespmem:s4+$0xFFFFFFA0] =	vst v60;
	v60 =	vshrl.u32 v63, $0x1;
	v53 =	vmul.f32 $5.000000000e-01, v63  }
0x53c: {  	v35 =	vpop (erf);
	v45 =	vld [tilespmem:s25+$0x20];
	v2 =	vmul.f32 v43, v17;
	[tilespmem:s4+$0xFFFFFFB0] =	vst v62;
	v62 =	vmul.f32 v59, v11;
	v56 =	vsub.s32 $0x5F3759DF, v60  }
0x53d: {  	[tilespmem:s4+$0xFFFFFF70] =	vst v22;
	v22 =	vmovc v46;
	v46 =	vld [tilespmem:s25+$0x40];
	v20 =	vmov v51;
	v51 =	vmul.f32 v55, v18;
	v63 =	vmul.f32 v56, v53  }
0x53e: {  	v5 =	vmovc v50;
	v14 =	vmov v41;
	v43 =	vld [tilespmem:s25+$0x30];
	[tilespmem:s4+$0x80] =	vst v35;
	v55 =	vmul.f32 v58, v29;
	v60 =	vmul.f32 v33, v23  }
0x53f: {  	v61 =	vmul.f32 v61, v34;
	(xrf2) =	vadd.scan.msk.f32 $0xffff, v1;
	v41 =	vld [tilespmem:s25+$0x70];
	v1 =	vadd.f32 v62, v51;
	v62 =	vmul.f32 v56, v63  }
0x540: {  	v50 =	vmul.f32 v37, v37;
	[tilespmem:s4+$0xFFFFFFC0] =	vst v0;
	v2 =	vadd.f32 v55, v2;
	v0 =	vadd.f32 v60, v52  }
0x541: {  	v57 =	vmul.f32 v38, v38;
	v52 =	vadd.f32 v61, v54;
	v51 =	vsub.f32 $1.500000000e+00, v62  }
0x542: {  	v55 =	vmul.f32 v45, v45;
	v33 =	vld [tilespmem:s25+$0xFFFFFF00];
	v59 =	vmul.f32 v46, v46;
	v1 =	vadd.f32 v1, v2  }
0x543: {  	v2 =	vld [tilespmem:s26+$0xFFFFFF20];
	v0 =	vadd.f32 v52, v0;
	v52 =	vmul.f32 v42, v42;
	v51 =	vmul.f32 v56, v51  }
0x544: {  	v58 =	vmul.f32 v43, v43;
	v54 =	vld [tilespmem:s26+$0xFFFFFF00];
	v50 =	vadd.f32 v59, v50;
	v59 =	vmul.f32 v41, v41  }
0x545: {  	v60 =	vld [tilespmem:s26+$0xFFFFFF10];
	v61 =	vmul.f32 v44, v44;
	v52 =	vadd.f32 v52, v55;
	v55 =	vmul.f32 v51, v53  }
0x546: {  	v58 =	vadd.f32 v59, v58;
	v59 =	vld [tilespmem:s26+$0xFFFFFF70]  }
0x547: {  	v3 =	vadd.f32 v61, v57;
	v62 =	vld [tilespmem:s26+$0xFFFFFF50];
	v55 =	vmul.f32 v55, v51  }
0x548: {  	v61 =	vmul.f32 v33, v33;
	v0 =	vadd.f32 v0, v1;
	v1 =	vld [tilespmem:s26+$0xFFFFFF40]  }
0x549: {  	v63, _, _ =	vpop (xrf2);
	v50 =	vadd.f32 v3, v50;
	v3 =	vld [tilespmem:s26+$0x0];
	v55 =	vsub.f32 $1.500000000e+00, v55  }
0x54a: {  	[tilespmem:s4+$0xFFFFFFF0] =	vst v40;
	v57 =	vmax.f32 v63, $1.000000020e-24;
	v56 =	vld [tilespmem:s26+$0xFFFFFF30];
	v47 =	vadd.f32 v47, v61;
	(xrf2) =	vadd.scan.msk.f32 $0xffff, v0  }
0x54b: {  	v57 =	vbroadcast v57, $0xF;
	v61 =	vld [tilespmem:s26+$0xFFFFFF90];
	v52 =	vadd.f32 v58, v52;
	v51 =	vmul.f32 v55, v51  }
0x54c: {  	v54 =	vmul.f32 v54, v33;
	v0 =	vld [tilespmem:s26+$0xFFFFFF60];
	v47 =	vadd.f32 v48, v47  }
0x54d: {  	v58 =	vld [tilespmem:s26+$0xFFFFFF80];
	v63 =	vshrl.u32 v57, $0x1;
	v50 =	vadd.f32 v52, v50;
	v53 =	vmul.f32 v51, v53  }
0x54e: {  	v52 =	vsub.s32 $0x5F3759DF, v63;
	v63 =	vld [tilespmem:s26+$0xFFFFFFC0];
	v47 =	vadd.f32 v49, v47;
	v1 =	vmul.f32 v1, v9  }
0x54f: {  	v60 =	vmul.f32 v60, v12;
	v49 =	vld [tilespmem:s26+$0xFFFFFFA0];
	v53 =	vmul.f32 v53, v51  }
0x550: {  	(xrf2) =	vadd.scan.msk.f32 $0xffff, v47;
	v47 =	vmul.f32 v62, v10;
	v1 =	vadd.f32 v1, v54;
	v54 =	vmul.f32 v59, v21;
	v59 =	vld [tilespmem:s26+$0xFFFFFFE0]  }
0x551: {  	v48 =	vmul.f32 $5.000000000e-01, v57;
	v55 =	vmul.f32 v56, v13;
	v56 =	vld [tilespmem:s26+$0xFFFFFFB0];
	v53 =	vsub.f32 $1.500000000e+00, v53  }
0x552: {  	v2 =	vmul.f32 v2, v8;
	v47 =	vadd.f32 v47, v60;
	v60 =	vld [tilespmem:s26+$0xFFFFFFF0]  }
0x553: {  	v57 =	vmul.f32 v52, v48;
	(xrf2) =	vadd.scan.msk.f32 $0xffff, v50;
	v51 =	vmul.f32 v53, v51;
	v53 =	vld [tilespmem:$0x1FFE0]  }
0x554: {  	v3 =	vmul.f32 v3, v37;
	v0 =	vmul.f32 v0, v5;
	v62 =	vld [tilespmem:s26+$0xFFFFFFD0];
	v50, _, _ =	vpop (xrf2)  }
0x555: {  	v58 =	vmul.f32 v58, v22;
	v54 =	vadd.f32 v54, v55;
	v55 =	vld [tilespmem:s26+$0x20];
	v50 =	vbroadcast v50, $0xF  }
0x556: {  	v0 =	vadd.f32 v0, v2;
	v2 =	vmul.f32 v56, v15;
	v56 =	vmul.f32 v63, v19;
	v63 =	vld [tilespmem:s26+$0x10]  }
0x557: {  	v61 =	vmul.f32 v61, v20;
	v1 =	vadd.f32 v47, v1;
	v47 =	vmul.f32 v60, v36;
	v60 =	vld [tilespmem:s26+$0x40]  }
0x558: {  	v50 =	vmul.f32 v50, v53;
	v53 =	vadd.f32 v56, v58;
	v58 =	vmul.f32 v59, v39;
	v59 =	vld [tilespmem:s26+$0x30]  }
0x559: {  	v49 =	vmul.f32 v49, v14;
	v0 =	vadd.f32 v54, v0;
	v56 =	vmul.f32 v62, v16  }
0x55a: {  	v2 =	vadd.f32 v47, v2;
	v55 =	vmul.f32 v55, v45;
	v62, _, _ =	vpop (xrf2);
	v50 =	vmul.f32 v51, v50  }
0x55b: {  	v62 =	vmax.f32 v62, $1.000000020e-24;
	v51 =	vadd.f32 v56, v61;
	v56 =	vmul.f32 v52, v57;
	v57 =	vld [tilespmem:s26+$0x50]  }
0x55c: {  	v61 =	vmul.f32 v63, v38;
	v62 =	vbroadcast v62, $0xF;
	v50 =	vadd.f32 v50, v4  }
0x55d: {  	v47 =	vld [tilespmem:s26+$0x70];
	v49 =	vadd.f32 v58, v49;
	v54 =	vmul.f32 v59, v43;
	v59 =	vmul.f32 v60, v46;
	v60, _, _ =	vpop (xrf2)  }
0x55e: {  	v63 =	vshrl.u32 v62, $0x1;
	v50 =	vmul.f32 $1.442695020e+00, v50;
	v60 =	vmax.f32 v60, $1.000000020e-24  }
0x55f: {  	v58 =	vld [tilespmem:s26+$0x60];
	v62 =	vmul.f32 $5.000000000e-01, v62;
	v60 =	vbroadcast v60, $0xF;
	v3 =	vadd.f32 v59, v3  }
0x560: {  	v57 =	vmul.f32 v57, v44;
	(erf) = vpow2.f32 v50;
	v50 =	vsub.s32 $0x5F3759DF, v63  }
0x561: {  	v59 =	vmul.f32 v50, v62;
	v63 =	vshrl.u32 v60, $0x1;
	v60 =	vmul.f32 $5.000000000e-01, v60  }
0x562: {  	v47 =	vmul.f32 v47, v41;
	v57 =	vadd.f32 v57, v61;
	v61 =	vsub.s32 $0x5F3759DF, v63  }
0x563: {  	v0 =	vadd.f32 v0, v1;
	v59 =	vmul.f32 v50, v59;
	v63 =	vmul.f32 v61, v60  }
0x564: {  	v56 =	vsub.f32 $1.500000000e+00, v56;
	v51 =	vadd.f32 v51, v53;
	v58 =	vmul.f32 v58, v42  }
0x565: {  	v4 =	vadd.f32 v47, v54;
	v47 =	vsub.f32 $1.500000000e+00, v59;
	v59 =	vmul.f32 v61, v63  }
0x566: {  	v2 =	vadd.f32 v2, v49;
	v52 =	vmul.f32 v52, v56;
	v55 =	vadd.f32 v58, v55  }
0x567: {  	v54 =	vmul.f32 v35, v31;
	v1 =	vmul.f32 v50, v47;
	v49 =	vsub.f32 $1.500000000e+00, v59  }
0x568: {  	v3 =	vadd.f32 v57, v3;
	v55 =	vadd.f32 v4, v55;
	v63 =	vmul.f32 v52, v48  }
0x569: {  	v2 =	vadd.f32 v2, v51;
	v50 =	vmul.f32 v1, v62;
	v49 =	vmul.f32 v61, v49  }
0x56a: {  	(xrf2) =	vadd.scan.msk.f32 $0xffff, v0;
	v3 =	vadd.f32 v55, v3;
	v58 =	vmul.f32 v63, v52;
	v63 =	vmul.f32 v40, v6  }
0x56b: {  	(xrf2) =	vadd.scan.msk.f32 $0xffff, v2;
	[tilespmem:s28+$0x50] =	vst v54;
	v59 =	vmul.f32 v50, v1;
	v61 =	vmul.f32 v49, v60  }
0x56c: {  	v57 =	vmul.f32 v35, v7;
	(xrf2) =	vadd.scan.msk.f32 $0xffff, v3;
	v3 =	vmul.f32 v35, v26;
	v0 =	vsub.f32 $1.500000000e+00, v58  }
0x56d: {  	v4 =	vld [tilespmem:$0x1FF40];
	v47 =	vpop (erf);
	[tilespmem:s28+$0xFFFFFFE0] =	vst v63;
	v63 =	vmul.f32 v35, v25;
	v58 =	vsub.f32 $1.500000000e+00, v59;
	v59 =	vmul.f32 v61, v49  }
0x56e: {  	[tilespmem:s28+$0x0] =	vst v57;
	v34 =	vmul.f32 v47, v34;
	v0 =	vmul.f32 v0, v52  }
0x56f: {  	s4 =	sadd.s32 $0x240, s4;
	v31 =	vld [tilespmem:$0x1FF50];
	[tilespmem:s28+$0x30] =	vst v3;
	v61 =	vmul.f32 v35, v24;
	v24 =	vmovc v45;
	v1 =	vmul.f32 v58, v1;
	v45 =	vsub.f32 $1.500000000e+00, v59  }
0x570: {  	[tilespmem:s4+$0x110] =	vst v47;
	v50 =	vmul.f32 v35, v30;
	v48 =	vmul.f32 v0, v48  }
0x571: {  	s9 =	sadd.s32 $0x4, s9;
	v53 =	vmov v36;
	[tilespmem:s28+$0x20] =	vst v63;
	v51 =	vmul.f32 v1, v62;
	v36 =	vmul.f32 v45, v49  }
0x572: {  	p0 =	slt.u32 s9, $0x1C;
	v56 =	vld [tilespmem:$0x1FFE0];
	v7 =	vmovc v38;
	v6 =	vmov v37;
	[tilespmem:s4+$0x100] =	vst v34;
	v34 =	vmul.f32 v40, v4;
	v52 =	vmul.f32 v48, v0  }
.Ltmp6:
0x573: {  	v26 =	vmovc v46;
	v25 =	vmov v43;
	[tilespmem:s28+$0x40] =	vst v50;
	v55 =	vmul.f32 v51, v1;
	v57 =	vmul.f32 v36, v60;
	(pc) =	sbr.rel @p0 .LBB2_14-.Ltmp6, $4  }
0x574: {  	[tilespmem:s28+$0xFFFFFFD0] =	vst v34;
	v59 =	vmul.f32 v35, v31;
	v58, _, _ =	vpop (xrf2);
	v34 =	vsub.f32 $1.500000000e+00, v52;
	v62 =	vmul.f32 v35, v32  }
0x575: {  	[tilespmem:s28+$0x10] =	vst v61;
	v3 =	vbroadcast v58, $0xF;
	v63, _, _ =	vpop (xrf2);
	v60 =	vsub.f32 $1.500000000e+00, v55;
	v61 =	vmul.f32 v57, v36  }
0x576: {  	v30 =	vmovc v44;
	v4 =	vmovc v39;
	v31 =	vmov v42;
	[tilespmem:s28+$0x60] =	vst v59;
	v34 =	vmul.f32 v34, v0;
	v39 =	vbroadcast v63, $0xF  }
0x577: {  	s25 =	sadd.s32 $0x200, s25;
	v32 =	vmovc v41;
	[tilespmem:s28+$0x70] =	vst v62;
	s28 =	smov.u32 s4;
	v37 =	vmul.f32 v3, v56;
	v38 =	vmul.f32 v60, v1;
	v35 =	vsub.f32 $1.500000000e+00, v61  }
0x578: {  	v52 =	vld [tilespmem:$0x1FFF0];
	_ =	sdelay $0x1  }
0x579: {  	v1 =	vmul.f32 v39, v56  }
0x57a: {  	v0 =	vmul.f32 v38, v37  }
0x57b: {  	v1 =	vmul.f32 v34, v1  }
0x57c: {  	v0 =	vadd.f32 v0, v52  }
0x57d: {  	v1 =	vadd.f32 v1, v52  }
0x57e: {  	v0 =	vmul.f32 $1.442695020e+00, v0  }
0x57f: {  	v1 =	vmul.f32 $1.442695020e+00, v1  }
0x580: {  	(erf) = vpow2.f32 v0  }
0x581: {  	v39 =	vmul.f32 v47, v17;
	(erf) = vpow2.f32 v1  }
0x582: {  	v2 =	vmul.f32 v47, v18  }
0x583: {  	v40 =	vmul.f32 v47, v27;
	[tilespmem:s4+$0x90] =	vst v39  }
0x584: {  	v41 =	vmul.f32 v47, v28;
	v3, _, _ =	vpop (xrf2);
	[tilespmem:s4+$0xA0] =	vst v2  }
0x585: {  	v42 =	vmul.f32 v47, v29;
	v3 =	vbroadcast v3, $0xF;
	[tilespmem:s4+$0xB0] =	vst v40  }
0x586: {  	v11 =	vmul.f32 v47, v11;
	[tilespmem:s4+$0xC0] =	vst v41  }
0x587: {  	v43 =	vmul.f32 v47, v23;
	[tilespmem:s4+$0xD0] =	vst v42  }
0x588: {  	[tilespmem:s4+$0xE0] =	vst v11  }
0x589: {  	v44 =	vmul.f32 v35, v36;
	[tilespmem:s4+$0xF0] =	vst v43;
	v45 =	vmul.f32 v3, v56;
	v3 =	vpop (erf)  }
0x58a: {  	v46 =	vmul.f32 v3, v33;
	[tilespmem:s4+$0xFFFFFF60] =	vst v3;
	v57 =	vpop (erf)  }
0x58b: {  	v1 =	vmul.f32 v44, v45;
	v47 =	vmul.f32 v3, v12;
	[tilespmem:s4+$0xFFFFFFF0] =	vst v57  }
0x58c: {  	v48 =	vmul.f32 v3, v8;
	[tilespmem:s4+$0xFFFFFEE0] =	vst v46  }
0x58d: {  	v1 =	vadd.f32 v1, v52;
	v49 =	vmul.f32 v3, v13;
	[tilespmem:s4+$0xFFFFFEF0] =	vst v47  }
0x58e: {  	v50 =	vmul.f32 v3, v9;
	[tilespmem:s4+$0xFFFFFF00] =	vst v48  }
0x58f: {  	v1 =	vmul.f32 $1.442695020e+00, v1;
	v51 =	vmul.f32 v3, v10;
	[tilespmem:s4+$0xFFFFFF10] =	vst v49  }
0x590: {  	v54 =	vmul.f32 v3, v5;
	[tilespmem:s4+$0xFFFFFF20] =	vst v50  }
0x591: {  	(erf) = vpow2.f32 v1;
	v55 =	vmul.f32 v3, v21;
	[tilespmem:s4+$0xFFFFFF30] =	vst v51  }
0x592: {  	v58 =	vmul.f32 v57, v22;
	[tilespmem:s4+$0xFFFFFF40] =	vst v54  }
0x593: {  	v59 =	vmul.f32 v57, v20;
	[tilespmem:s4+$0xFFFFFF50] =	vst v55  }
0x594: {  	v60 =	vmul.f32 v57, v14;
	[tilespmem:s4+$0xFFFFFF70] =	vst v58  }
0x595: {  	v61 =	vmul.f32 v57, v15;
	[tilespmem:s4+$0xFFFFFF80] =	vst v59  }
0x596: {  	v3 =	vmul.f32 v57, v19;
	[tilespmem:s4+$0xFFFFFF90] =	vst v60  }
0x597: {  	v62 =	vmul.f32 v57, v16;
	[tilespmem:s4+$0xFFFFFFA0] =	vst v61  }
0x598: {  	v33 =	vmul.f32 v57, v4;
	[tilespmem:s4+$0xFFFFFFB0] =	vst v3  }
0x599: {  	v2 =	vmul.f32 v57, v53;
	[tilespmem:s4+$0xFFFFFFC0] =	vst v62  }
0x59a: {  	[tilespmem:s28+$0xFFFFFFD0] =	vst v33;
	v63 =	vpop (erf)  }
0x59b: {  	[tilespmem:s28+$0xFFFFFFE0] =	vst v2;
	v3 =	vmul.f32 v63, v6  }
0x59c: {  	[tilespmem:s4+$0x80] =	vst v63;
	v34 =	vmul.f32 v63, v7  }
0x59d: {  	v35 =	vmul.f32 v63, v24;
	[tilespmem:s28+$0x0] =	vst v3  }
0x59e: {  	v36 =	vmul.f32 v63, v26;
	[tilespmem:s28+$0x10] =	vst v34  }
0x59f: {  	v37 =	vmul.f32 v63, v30;
	[tilespmem:s28+$0x20] =	vst v35  }
0x5a0: {  	v38 =	vmul.f32 v63, v31;
	[tilespmem:s28+$0x40] =	vst v36  }
0x5a1: {  	v1 =	vmul.f32 v63, v32;
	[tilespmem:s28+$0x50] =	vst v37  }
0x5a2: {  	v3 =	vmul.f32 v63, v25;
	[tilespmem:s28+$0x60] =	vst v38  }
0x5a3: {  	[tilespmem:s28+$0x70] =	vst v1  }
0x5a4: {  	[tilespmem:s28+$0x30] =	vst v3  }
0x5a5: {  	v0 =	vld [tilespmem:$0x27E0];
	_ =	sdelay $0x4  }
0x5a6: {  	v39 =	vand.u32 $0xFFFF, v0  }
0x5a7: {  	v0 =	vshrl.u32 v0, $0x10;
	[tilespmem:$0x8C80] =	vst v39  }
0x5a8: {  	[tilespmem:$0x8C90] =	vst v0  }
0x5a9: {  	[spmem:s3] =	stream.indirect.scatter.add.f32 [tilespmem:s2], [sflag:$0x3], $0x90, s18, s6, $0xb8;
	[tilespmem:$0x1F8C0] =	vst v63  }
0x5aa: {  	_ =	swait.ge [sflag:s19], $0x1000  }
0x5ab: {  	[sflag:s19] =	ssyncset.done $0x0  }
0x5ac: {  	[sflag:s19] =	ssyncadd.s32 $0xFFFFF000  }
0x5ad: {  	_ =	swait.ge [sflag:s20], $0x1000  }
0x5ae: {  	[sflag:s20] =	ssyncset.done $0x0  }
0x5af: {  	[sflag:s20] =	ssyncadd.s32 $0xFFFFF000  }
0x5b0: {  	_ =	swait.ge [sflag:s24], $0x1200  }
0x5b1: {  	[sflag:s24] =	ssyncset.done $0x0  }
0x5b2: {  	s31 =	simm.s32 $0x3900;
	[sflag:s24] =	ssyncadd.s32 $0xFFFFEE00  }
0x5b3: {  	v17 =	vld [tilespmem:s31+$0x80]  }
0x5b4: {  	v18 =	vld [tilespmem:s31+$0x90]  }
0x5b5: {  	v27 =	vld [tilespmem:s31+$0xA0]  }
0x5b6: {  	v28 =	vld [tilespmem:s31+$0xB0]  }
0x5b7: {  	v29 =	vld [tilespmem:s31+$0xC0]  }
0x5b8: {  	v11 =	vld [tilespmem:s31+$0xD0]  }
0x5b9: {  	v23 =	vld [tilespmem:s31+$0xE0]  }
0x5ba: {  	v34 =	vld [tilespmem:s31+$0xF0]  }
0x5bb: {  	v12 =	vld [tilespmem:s31+$0xFFFFFF10]  }
0x5bc: {  	v8 =	vld [tilespmem:s31+$0xFFFFFF20]  }
0x5bd: {  	v13 =	vld [tilespmem:s31+$0xFFFFFF30];
	v40 =	vmul.f32 v17, v17;
	v41 =	vmul.f32 v18, v18  }
0x5be: {  	v9 =	vld [tilespmem:s31+$0xFFFFFF40];
	v42 =	vmul.f32 v27, v27;
	v3 =	vmul.f32 v28, v28  }
0x5bf: {  	v10 =	vld [tilespmem:s31+$0xFFFFFF50];
	v4 =	vmul.f32 v29, v29;
	v6 =	vmul.f32 v11, v11  }
0x5c0: {  	v5 =	vld [tilespmem:s31+$0xFFFFFF60];
	v7 =	vmul.f32 v23, v23;
	v14 =	vmul.f32 v34, v34  }
0x5c1: {  	v21 =	vld [tilespmem:s31+$0xFFFFFF70];
	v0 =	vadd.f32 v4, v40;
	v1 =	vadd.f32 v6, v41  }
0x5c2: {  	v22 =	vld [tilespmem:s31+$0xFFFFFF80];
	v2 =	vadd.f32 v7, v42;
	v3 =	vadd.f32 v14, v3  }
0x5c3: {  	v20 =	vld [tilespmem:s31+$0xFFFFFF90]  }
0x5c4: {  	v15 =	vld [tilespmem:s31+$0xFFFFFFB0];
	v0 =	vadd.f32 v1, v0;
	v43 =	vadd.f32 v3, v2  }
0x5c5: {  	v19 =	vld [tilespmem:s31+$0xFFFFFFC0]  }
0x5c6: {  	v16 =	vld [tilespmem:s31+$0xFFFFFFD0];
	v0 =	vadd.f32 v43, v0  }
0x5c7: {  	v53 =	vld [tilespmem:s31+$0xFFFFFFE0]  }
0x5c8: {  	v54 =	vld [tilespmem:s31+$0x10];
	v44 =	vmul.f32 v12, v12;
	(xrf2) =	vadd.scan.msk.f32 $0xffff, v0  }
0x5c9: {  	v45 =	vmul.f32 v8, v8;
	v46 =	vmul.f32 v13, v13;
	v14 =	vld [tilespmem:s31+$0xFFFFFFA0]  }
0x5ca: {  	s26 =	simm.s32 $0x5900;
	v24 =	vmul.f32 v10, v10;
	v25 =	vmul.f32 v22, v22;
	v6 =	vld [tilespmem:s31+$0xFFFFFFF0]  }
0x5cb: {  	v51 =	vld [tilespmem:s26+$0xA0];
	v26 =	vmul.f32 v20, v20;
	v47 =	vmul.f32 v15, v15  }
0x5cc: {  	v57 =	vld [tilespmem:s26+$0xB0];
	v49 =	vmul.f32 v19, v19;
	v50 =	vmul.f32 v16, v16  }
0x5cd: {  	v58 =	vld [tilespmem:s26+$0xC0];
	v36 =	vmul.f32 v9, v9;
	v60 =	vmul.f32 v21, v21  }
0x5ce: {  	v30 =	vld [tilespmem:s26+$0x80];
	v62 =	vmul.f32 v54, v54;
	v31 =	vmul.f32 v14, v14  }
0x5cf: {  	v59 =	vld [tilespmem:s26+$0xD0];
	v55 =	vmul.f32 v6, v6;
	v0 =	vadd.f32 v24, v44;
	v24 =	vmul.f32 v53, v53  }
0x5d0: {  	v48 =	vld [tilespmem:s26+$0x90];
	v37 =	vmul.f32 v51, v27;
	v25 =	vadd.f32 v49, v25;
	v26 =	vadd.f32 v50, v26  }
0x5d1: {  	v61 =	vld [tilespmem:s26+$0xF0];
	v39 =	vmul.f32 v57, v28;
	v24 =	vadd.f32 v24, v31;
	v31 =	vadd.f32 v55, v47  }
0x5d2: {  	v35 =	vmul.f32 v58, v29;
	v40 =	vmul.f32 v5, v5;
	v42 =	vld [tilespmem:s26+$0xE0];
	v41, _, _ =	vpop (xrf2)  }
0x5d3: {  	v33 =	vld [tilespmem:s31+$0xFFFFFF00];
	v25 =	vadd.f32 v26, v25;
	v26 =	vadd.f32 v31, v24;
	v24 =	vmax.f32 v41, $1.000000020e-24  }
0x5d4: {  	v32 =	vld [tilespmem:s31+$0x70];
	v50 =	vmul.f32 v59, v11;
	v31 =	vbroadcast v24, $0xF  }
0x5d5: {  	v7 =	vld [tilespmem:s31+$0x0];
	v1 =	vadd.f32 v40, v45;
	v2 =	vadd.f32 v60, v46;
	v44 =	vmul.f32 v30, v17  }
0x5d6: {  	v43 =	vadd.f32 v26, v25;
	v25 =	vld [tilespmem:s31+$0x30];
	v30 =	vshrl.u32 v31, $0x1;
	v46 =	vmul.f32 $5.000000000e-01, v31  }
0x5d7: {  	v45 =	vmul.f32 v48, v18;
	v42 =	vmul.f32 v42, v23;
	v26 =	vld [tilespmem:s31+$0x40];
	v63 =	vsub.s32 $0x5F3759DF, v30  }
0x5d8: {  	v1 =	vadd.f32 v2, v1;
	(xrf2) =	vadd.scan.msk.f32 $0xffff, v43;
	v41 =	vmul.f32 v61, v34;
	v30 =	vld [tilespmem:s31+$0x50];
	v51 =	vmul.f32 v63, v46  }
0x5d9: {  	v59 =	vmul.f32 v33, v33;
	v2 =	vadd.f32 v50, v45;
	v35 =	vadd.f32 v35, v44;
	v24 =	vld [tilespmem:s31+$0x20]  }
0x5da: {  	v37 =	vadd.f32 v42, v37;
	v39 =	vadd.f32 v41, v39;
	v31 =	vld [tilespmem:s31+$0x60];
	v43 =	vmul.f32 v63, v51  }
0x5db: {  	v48 =	vld [tilespmem:s26+$0xFFFFFF00];
	v36 =	vadd.f32 v36, v59;
	v40 =	vmul.f32 v7, v7;
	v2 =	vadd.f32 v2, v35  }
0x5dc: {  	v60 =	vld [tilespmem:s26+$0xFFFFFF10];
	v55 =	vmul.f32 v26, v26;
	v58 =	vadd.f32 v39, v37;
	v43 =	vsub.f32 $1.500000000e+00, v43  }
0x5dd: {  	v45 =	vld [tilespmem:s26+$0xFFFFFF80];
	v0 =	vadd.f32 v0, v36;
	v41 =	vmul.f32 v25, v25;
	v57 =	vmul.f32 v30, v30  }
0x5de: {  	v42 =	vld [tilespmem:s26+$0xFFFFFF40];
	v44 =	vmul.f32 v24, v24;
	v2 =	vadd.f32 v58, v2;
	v43 =	vmul.f32 v63, v43  }
0x5df: {  	v36 =	vld [tilespmem:s26+$0xFFFFFF50];
	v61 =	vmul.f32 v31, v31;
	v38 =	vadd.f32 v57, v62;
	v62 =	vmul.f32 v32, v32  }
0x5e0: {  	v47 =	vld [tilespmem:s26+$0xFFFFFF20];
	v0 =	vadd.f32 v1, v0;
	v40 =	vadd.f32 v55, v40;
	v50 =	vmul.f32 v43, v46  }
0x5e1: {  	v59 =	vmul.f32 v60, v12;
	v60 =	vld [tilespmem:s26+$0xFFFFFF90];
	(xrf2) =	vadd.scan.msk.f32 $0xffff, v2;
	v49 =	vadd.f32 v61, v44;
	v41 =	vadd.f32 v62, v41  }
0x5e2: {  	v51, _, _ =	vpop (xrf2);
	v63 =	vld [tilespmem:s26+$0xFFFFFF30];
	v44 =	vmul.f32 v50, v43  }
0x5e3: {  	(xrf2) =	vadd.scan.msk.f32 $0xffff, v0;
	v55 =	vmax.f32 v51, $1.000000020e-24;
	v57 =	vld [tilespmem:s26+$0xFFFFFF70];
	v38 =	vadd.f32 v38, v40;
	v35 =	vadd.f32 v41, v49  }
0x5e4: {  	v36 =	vmul.f32 v36, v10;
	v2 =	vbroadcast v55, $0xF;
	v55 =	vld [tilespmem:s26+$0xFFFFFFB0];
	v44 =	vsub.f32 $1.500000000e+00, v44  }
0x5e5: {  	v42 =	vmul.f32 v42, v9;
	v47 =	vmul.f32 v47, v8;
	v40 =	vld [tilespmem:s26+$0xFFFFFF60];
	v35 =	vadd.f32 v35, v38  }
0x5e6: {  	v58 =	vmul.f32 v48, v33;
	v0 =	vadd.f32 v36, v59;
	v62 =	vld [tilespmem:s26+$0xFFFFFFA0];
	v43 =	vmul.f32 v44, v43  }
0x5e7: {  	v59 =	vmul.f32 v45, v22;
	v61 =	vshrl.u32 v2, $0x1;
	v2 =	vmul.f32 $5.000000000e-01, v2;
	v49 =	vld [tilespmem:s26+$0xFFFFFFC0];
	(xrf2) =	vadd.scan.msk.f32 $0xffff, v35  }
0x5e8: {  	v50 =	vld [tilespmem:s26+$0xFFFFFFD0];
	v41 =	vadd.f32 v42, v58;
	v63 =	vmul.f32 v63, v13;
	v46 =	vmul.f32 v43, v46  }
0x5e9: {  	v39 =	vsub.s32 $0x5F3759DF, v61;
	v1 =	vmul.f32 v57, v21;
	v37 =	vmul.f32 v55, v15  }
0x5ea: {  	v58 =	vld [tilespmem:s26+$0xFFFFFFE0];
	v38 =	vmul.f32 v60, v20;
	v0 =	vadd.f32 v0, v41;
	v57 =	vmul.f32 v46, v43  }
0x5eb: {  	v40 =	vmul.f32 v40, v5;
	v60, _, _ =	vpop (xrf2);
	v48 =	vmul.f32 v62, v14;
	v1 =	vadd.f32 v1, v63  }
0x5ec: {  	v44 =	vmul.f32 v39, v2;
	v45 =	vbroadcast v60, $0xF;
	v42 =	vsub.f32 $1.500000000e+00, v57  }
0x5ed: {  	v40 =	vadd.f32 v40, v47;
	v61 =	vmul.f32 v49, v19;
	v49, _, _ =	vpop (xrf2);
	v55 =	vmul.f32 v50, v16  }
0x5ee: {  	v63 =	vmul.f32 v45, v56;
	v62 =	vmul.f32 v42, v43;
	v43 =	vmax.f32 v49, $1.000000020e-24  }
0x5ef: {  	v36 =	vadd.f32 v61, v59;
	v46 =	vmul.f32 v58, v53;
	v57 =	vld [tilespmem:s26+$0x0];
	v58 =	vbroadcast v43, $0xF  }
0x5f0: {  	v44 =	vmul.f32 v39, v44;
	v38 =	vadd.f32 v55, v38;
	v1 =	vadd.f32 v1, v40  }
0x5f1: {  	v51 =	vld [tilespmem:s26+$0xFFFFFFF0];
	v59, _, _ =	vpop (xrf2);
	v35 =	vmul.f32 v62, v63;
	v62 =	vshrl.u32 v58, $0x1;
	v41 =	vmul.f32 $5.000000000e-01, v58  }
0x5f2: {  	v61 =	vld [tilespmem:s26+$0x10];
	v44 =	vsub.f32 $1.500000000e+00, v44;
	v60 =	vmax.f32 v59, $1.000000020e-24;
	v63 =	vsub.s32 $0x5F3759DF, v62  }
0x5f3: {  	v0 =	vadd.f32 v1, v0;
	v42 =	vbroadcast v60, $0xF;
	v50 =	vmul.f32 v63, v41  }
0x5f4: {  	v46 =	vadd.f32 v46, v48;
	v47 =	vmul.f32 v57, v7;
	v35 =	vadd.f32 v35, v52  }
0x5f5: {  	v59 =	vld [tilespmem:s26+$0x20];
	v55 =	vshrl.u32 v42, $0x1;
	v42 =	vmul.f32 $5.000000000e-01, v42;
	v57 =	vmul.f32 v63, v50  }
0x5f6: {  	v49 =	vmul.f32 v51, v6;
	v35 =	vmul.f32 $1.442695020e+00, v35;
	v51 =	vsub.s32 $0x5F3759DF, v55;
	v55 =	vld [tilespmem:s26+$0x60]  }
0x5f7: {  	v43 =	vmul.f32 v61, v54;
	v50 =	vld [tilespmem:s26+$0x30];
	v58 =	vmul.f32 v51, v42;
	v60 =	vsub.f32 $1.500000000e+00, v57  }
0x5f8: {  	v37 =	vadd.f32 v49, v37;
	(erf) = vpow2.f32 v35;
	v35 =	vmul.f32 v39, v44;
	v39 =	vld [tilespmem:s26+$0x40]  }
0x5f9: {  	v36 =	vadd.f32 v38, v36;
	v44 =	vld [tilespmem:s26+$0x50];
	v61 =	vmul.f32 v51, v58;
	v1 =	vmul.f32 v63, v60  }
0x5fa: {  	v37 =	vadd.f32 v37, v46;
	v59 =	vmul.f32 v59, v24;
	v58 =	vld [tilespmem:s26+$0x70];
	v63 =	vmul.f32 v35, v2  }
0x5fb: {  	v62 =	vsub.f32 $1.500000000e+00, v61;
	v45 =	vmul.f32 v55, v31;
	v57 =	vmul.f32 v1, v41  }
0x5fc: {  	v60 =	vmul.f32 v63, v35;
	v63 =	vmul.f32 v50, v25  }
0x5fd: {  	(xrf2) =	vadd.scan.msk.f32 $0xffff, v0;
	v36 =	vadd.f32 v37, v36;
	v39 =	vmul.f32 v39, v26;
	v40 =	vmul.f32 v51, v62  }
0x5fe: {  	v50 =	vmul.f32 v44, v30;
	v61 =	vmul.f32 v57, v1;
	v37 =	vsub.f32 $1.500000000e+00, v60  }
0x5ff: {  	(xrf2) =	vadd.scan.msk.f32 $0xffff, v36;
	v39 =	vadd.f32 v39, v47;
	v0 =	vmul.f32 v58, v32;
	v62 =	vmul.f32 v40, v42  }
0x600: {  	v55 =	vadd.f32 v50, v43;
	v57 =	vadd.f32 v45, v59  }
0x601: {  	v38 =	vsub.f32 $1.500000000e+00, v61;
	v0 =	vadd.f32 v0, v63;
	v51 =	vmul.f32 v62, v40  }
0x602: {  	v35 =	vmul.f32 v37, v35;
	v58 =	vadd.f32 v55, v39  }
0x603: {  	v1 =	vmul.f32 v38, v1;
	v0 =	vadd.f32 v0, v57;
	v52 =	vsub.f32 $1.500000000e+00, v51  }
0x604: {  	v2 =	vmul.f32 v35, v2  }
0x605: {  	v41 =	vmul.f32 v1, v41;
	v0 =	vadd.f32 v0, v58;
	v36 =	vmul.f32 v52, v40  }
0x606: {  	v47 =	vpop (erf);
	v2 =	vmul.f32 v2, v35  }
0x607: {  	v61, _, _ =	vpop (xrf2);
	v59 =	vmul.f32 v41, v1;
	(xrf2) =	vadd.scan.msk.f32 $0xffff, v0;
	v60 =	vmul.f32 v36, v42  }
0x608: {  	v34 =	vmul.f32 v47, v34;
	v40 =	vbroadcast v61, $0xF  }
0x609: {  	s4 =	simm.s32 $0x7B20;
	v63, _, _ =	vpop (xrf2);
	v2 =	vsub.f32 $1.500000000e+00, v2;
	v38 =	vsub.f32 $1.500000000e+00, v59;
	v62 =	vmul.f32 v60, v36  }
0x60a: {  	[tilespmem:s4+$0x110] =	vst v47;
	v39 =	vbroadcast v63, $0xF;
	v37 =	vmul.f32 v40, v56  }
0x60b: {  	s9 =	simm.s32 $0x0;
	s25 =	simm.s32 $0x3B00;
	s28 =	simm.s32 $0x7B20;
	[tilespmem:s4+$0x100] =	vst v34;
	v34 =	vmul.f32 v2, v35;
	v38 =	vmul.f32 v38, v1;
	v35 =	vsub.f32 $1.500000000e+00, v62  }
.LBB2_16:
0x60c: {  	v0 =	vmul.f32 v47, v17;
	v17 =	vld [tilespmem:s25+$0x80]  }
0x60d: {  	v1 =	vmul.f32 v47, v18;
	v18 =	vld [tilespmem:s25+$0x90]  }
0x60e: {  	v50 =	vld [tilespmem:s25+$0xA0]  }
0x60f: {  	v4 =	vld [tilespmem:$0x1FFF0]  }
0x610: {  	v51 =	vmul.f32 v47, v27;
	v40 =	vld [tilespmem:s25+$0xFFFFFF10]  }
0x611: {  	v45 =	vld [tilespmem:s25+$0xFFFFFF50];
	v2 =	vmul.f32 v39, v56;
	v35 =	vmul.f32 v35, v36;
	[tilespmem:s4+$0x90] =	vst v0;
	v49, _, _ =	vpop (xrf2)  }
0x612: {  	v37 =	vmul.f32 v38, v37;
	v0 =	vld [tilespmem:s25+$0xB0];
	[tilespmem:s4+$0xA0] =	vst v1;
	v36 =	vbroadcast v49, $0xF  }
0x613: {  	v28 =	vmul.f32 v47, v28;
	v58 =	vmul.f32 v47, v23;
	v52 =	vld [tilespmem:s25+$0xC0];
	[tilespmem:s4+$0xB0] =	vst v51  }
0x614: {  	v2 =	vmul.f32 v34, v2;
	v3 =	vadd.f32 v37, v4;
	v57 =	vld [tilespmem:s25+$0xE0];
	v55 =	vmul.f32 v36, v56  }
0x615: {  	v56 =	vmul.f32 v47, v29;
	v29 =	vmul.f32 v47, v11;
	v11 =	vld [tilespmem:s25+$0xD0];
	[tilespmem:s4+$0xC0] =	vst v28  }
0x616: {  	v41 =	vmul.f32 v17, v17;
	v37 =	vmul.f32 $1.442695020e+00, v3;
	v34 =	vld [tilespmem:s25+$0xF0]  }
0x617: {  	[tilespmem:$0x1FF30] =	vst v32;
	v32 =	vmovc v30;
	v30 =	vmov v25;
	v42 =	vmul.f32 v18, v18;
	v48 =	vmul.f32 v40, v40  }
0x618: {  	v25 =	vmovc v54;
	v54 =	vld [tilespmem:s25+$0xFFFFFFC0];
	v27 =	vmovc v50;
	v62 =	vmul.f32 v45, v45;
	v28 =	vmov v0;
	(erf) = vpow2.f32 v37  }
0x619: {  	v1 =	vld [tilespmem:s25+$0xFFFFFF30];
	v39 =	vmul.f32 v50, v27;
	v0 =	vmul.f32 v0, v28;
	[tilespmem:s4+$0xE0] =	vst v29;
	v23 =	vmovc v57;
	v29 =	vmov v52  }
0x61a: {  	[tilespmem:$0x1FF20] =	vst v31;
	v51 =	vld [tilespmem:s25+$0xFFFFFF90];
	v36 =	vmul.f32 v57, v23;
	v38 =	vmul.f32 v52, v29  }
0x61b: {  	v31 =	vmovc v26;
	v2 =	vadd.f32 v2, v4;
	v50 =	vld [tilespmem:s25+$0xFFFFFF60];
	v44 =	vmul.f32 v11, v11;
	v46 =	vmul.f32 v34, v34  }
0x61c: {  	v26 =	vmovc v24;
	v37 =	vld [tilespmem:s25+$0xFFFFFF20];
	v35 =	vmul.f32 v35, v55;
	v36 =	vadd.f32 v36, v39;
	v38 =	vadd.f32 v38, v41  }
0x61d: {  	v43 =	vld [tilespmem:s25+$0xFFFFFF40];
	v24 =	vmovc v7;
	v7 =	vmovc v6;
	v2 =	vmul.f32 $1.442695020e+00, v2;
	v59 =	vadd.f32 v44, v42;
	v0 =	vadd.f32 v46, v0  }
0x61e: {  	v6 =	vmovc v53;
	v53 =	vld [tilespmem:s25+$0xFFFFFFB0];
	v3 =	vmul.f32 v54, v54;
	v61 =	vmul.f32 v1, v1;
	v35 =	vadd.f32 v35, v4  }
0x61f: {  	[tilespmem:s4+$0xD0] =	vst v56;
	v56 =	vmul.f32 v51, v51;
	v42 =	vld [tilespmem:s25+$0xFFFFFF70];
	v38 =	vadd.f32 v59, v38;
	v0 =	vadd.f32 v0, v36  }
0x620: {  	v63 =	vmul.f32 v50, v50;
	v35 =	vmul.f32 $1.442695020e+00, v35;
	v44 =	vld [tilespmem:s25+$0xFFFFFFD0]  }
0x621: {  	v60 =	vmul.f32 v37, v37;
	v46 =	vld [tilespmem:s25+$0xFFFFFF80];
	v52 =	vpop (erf);
	(erf) = vpow2.f32 v2;
	v0 =	vadd.f32 v0, v38  }
0x622: {  	v39 =	vld [tilespmem:s25+$0xFFFFFFE0];
	(erf) = vpow2.f32 v35;
	v33 =	vmul.f32 v52, v33  }
0x623: {  	v41 =	vld [tilespmem:s25+$0xFFFFFFA0];
	v2 =	vadd.f32 v63, v60;
	v49 =	vmul.f32 v52, v12;
	v60 =	vmul.f32 v52, v8;
	(xrf2) =	vadd.scan.msk.f32 $0xffff, v0  }
0x624: {  	v48 =	vadd.f32 v62, v48;
	[tilespmem:s4+$0xF0] =	vst v58;
	v36 =	vld [tilespmem:s25+$0xFFFFFFF0];
	v62 =	vmul.f32 v52, v9;
	v38 =	vmul.f32 v42, v42  }
0x625: {  	[tilespmem:s4+$0xFFFFFF60] =	vst v52;
	v8 =	vmov v37;
	v37 =	vld [tilespmem:s25+$0x0];
	v63 =	vmul.f32 v52, v10;
	v59 =	vmul.f32 v52, v5  }
0x626: {  	s26 =	sadd.s32 $0x200, s26;
	v58 =	vmul.f32 v44, v44;
	v55 =	vmul.f32 v46, v46;
	[tilespmem:s4+$0xFFFFFEF0] =	vst v49;
	v35 =	vadd.f32 v38, v61;
	v38 =	vld [tilespmem:s25+$0x10]  }
0x627: {  	[tilespmem:s4+$0xFFFFFF20] =	vst v62;
	v62 =	vmul.f32 v52, v21;
	v61 =	vmul.f32 v52, v13;
	v52 =	vld [tilespmem:s26+$0xA0]  }
0x628: {  	v47 =	vmul.f32 v43, v43;
	v12 =	vmov v40;
	v57 =	vmul.f32 v41, v41;
	[tilespmem:s4+$0xFFFFFF00] =	vst v60  }
0x629: {  	v9 =	vmovc v43;
	v43 =	vld [tilespmem:s26+$0x80];
	[tilespmem:s4+$0xFFFFFF40] =	vst v59;
	v13 =	vmov v1;
	v1 =	vadd.f32 v58, v56;
	v60 =	vadd.f32 v3, v55  }
0x62a: {  	v59 =	vld [tilespmem:s26+$0xD0];
	v3 =	vmul.f32 v36, v36;
	v49 =	vadd.f32 v35, v2;
	[tilespmem:s4+$0xFFFFFF10] =	vst v61;
	v61 =	vmul.f32 v39, v39  }
0x62b: {  	v5 =	vmovc v50;
	v56 =	vld [tilespmem:s26+$0xB0];
	v2 =	vmul.f32 v53, v53;
	v50 =	vmul.f32 v37, v37;
	v1 =	vadd.f32 v1, v60  }
0x62c: {  	[tilespmem:s4+$0xFFFFFEE0] =	vst v33;
	v58 =	vld [tilespmem:s26+$0xC0];
	v33 =	vadd.f32 v61, v57;
	v40 =	vpop (erf);
	v57 =	vmul.f32 v38, v38;
	v52 =	vmul.f32 v52, v27  }
0x62d: {  	[tilespmem:s4+$0xFFFFFF30] =	vst v63;
	v55 =	vld [tilespmem:s26+$0x90];
	v2 =	vadd.f32 v3, v2;
	v22 =	vmul.f32 v40, v22;
	v63 =	vmul.f32 v40, v20;
	v20, _, _ =	vpop (xrf2)  }
0x62e: {  	v10 =	vmovc v45;
	[tilespmem:s4+$0xFFFFFF50] =	vst v62;
	v61 =	vld [tilespmem:s26+$0xF0];
	v45 =	vmul.f32 v40, v14;
	v60 =	vmul.f32 v40, v15;
	v3 =	vmax.f32 v20, $1.000000020e-24  }
0x62f: {  	v2 =	vadd.f32 v2, v33;
	v33 =	vld [tilespmem:s26+$0xE0];
	v62 =	vmul.f32 v40, v19;
	[tilespmem:s4+$0xFFFFFF80] =	vst v63;
	v63 =	vbroadcast v3, $0xF  }
0x630: {  	v0 =	vmul.f32 v40, v16;
	v19 =	vmovc v54;
	v16 =	vmov v44;
	v54 =	vmul.f32 v56, v28;
	v44 =	vld [tilespmem:s25+$0x50];
	[tilespmem:s4+$0xFFFFFF90] =	vst v45  }
0x631: {  	v15 =	vmovc v53;
	v1 =	vadd.f32 v2, v1;
	v45 =	vld [tilespmem:s25+$0x20];
	[tilespmem:s4+$0xFFFFFFA0] =	vst v60;
	v60 =	vshrl.u32 v63, $0x1;
	v53 =	vmul.f32 $5.000000000e-01, v63  }
0x632: {  	v35 =	vpop (erf);
	v2 =	vmul.f32 v43, v17;
	v43 =	vld [tilespmem:s25+$0x30];
	[tilespmem:s4+$0xFFFFFFB0] =	vst v62;
	v62 =	vmul.f32 v59, v11;
	v56 =	vsub.s32 $0x5F3759DF, v60  }
0x633: {  	[tilespmem:s4+$0xFFFFFF70] =	vst v22;
	v22 =	vmovc v46;
	v46 =	vld [tilespmem:s25+$0x40];
	v20 =	vmov v51;
	v51 =	vmul.f32 v55, v18;
	v63 =	vmul.f32 v56, v53  }
0x634: {  	v21 =	vmovc v42;
	v42 =	vld [tilespmem:s25+$0x60];
	v14 =	vmov v41;
	[tilespmem:s4+$0x80] =	vst v35;
	v55 =	vmul.f32 v58, v29;
	v60 =	vmul.f32 v33, v23  }
0x635: {  	v61 =	vmul.f32 v61, v34;
	(xrf2) =	vadd.scan.msk.f32 $0xffff, v1;
	v41 =	vld [tilespmem:s25+$0x70];
	v1 =	vadd.f32 v62, v51;
	v62 =	vmul.f32 v56, v63  }
0x636: {  	[tilespmem:s4+$0xFFFFFFC0] =	vst v0;
	v2 =	vadd.f32 v55, v2;
	v55 =	vmul.f32 v45, v45;
	v33 =	vld [tilespmem:s25+$0xFFFFFF00];
	v0 =	vadd.f32 v60, v52  }
0x637: {  	v58 =	vmul.f32 v43, v43;
	v52 =	vadd.f32 v61, v54;
	v51 =	vsub.f32 $1.500000000e+00, v62  }
0x638: {  	v59 =	vmul.f32 v46, v46;
	v1 =	vadd.f32 v1, v2;
	v61 =	vmul.f32 v44, v44  }
0x639: {  	v2 =	vld [tilespmem:s26+$0xFFFFFF20];
	v0 =	vadd.f32 v52, v0;
	v52 =	vmul.f32 v42, v42;
	v51 =	vmul.f32 v56, v51  }
0x63a: {  	v54 =	vld [tilespmem:s26+$0xFFFFFF00];
	v50 =	vadd.f32 v59, v50;
	v59 =	vmul.f32 v41, v41;
	v3 =	vadd.f32 v61, v57  }
0x63b: {  	v60 =	vld [tilespmem:s26+$0xFFFFFF10];
	v61 =	vmul.f32 v33, v33;
	v52 =	vadd.f32 v52, v55;
	v55 =	vmul.f32 v51, v53  }
0x63c: {  	v58 =	vadd.f32 v59, v58;
	v59 =	vld [tilespmem:s26+$0xFFFFFF70]  }
0x63d: {  	v62 =	vld [tilespmem:s26+$0xFFFFFF50];
	v47 =	vadd.f32 v47, v61;
	v55 =	vmul.f32 v55, v51  }
0x63e: {  	v0 =	vadd.f32 v0, v1;
	v1 =	vld [tilespmem:s26+$0xFFFFFF40]  }
0x63f: {  	v56 =	vld [tilespmem:s26+$0xFFFFFF30];
	v47 =	vadd.f32 v48, v47;
	v55 =	vsub.f32 $1.500000000e+00, v55  }
0x640: {  	[tilespmem:s4+$0xFFFFFFF0] =	vst v40;
	v63, _, _ =	vpop (xrf2);
	v50 =	vadd.f32 v3, v50;
	v3 =	vld [tilespmem:s26+$0x0]  }
0x641: {  	v57 =	vmax.f32 v63, $1.000000020e-24;
	v61 =	vld [tilespmem:s26+$0xFFFFFF90];
	(xrf2) =	vadd.scan.msk.f32 $0xffff, v0;
	v47 =	vadd.f32 v49, v47;
	v51 =	vmul.f32 v55, v51  }
0x642: {  	v60 =	vmul.f32 v60, v12;
	v57 =	vbroadcast v57, $0xF;
	v0 =	vld [tilespmem:s26+$0xFFFFFF60]  }
0x643: {  	v52 =	vadd.f32 v58, v52;
	v58 =	vld [tilespmem:s26+$0xFFFFFF80];
	(xrf2) =	vadd.scan.msk.f32 $0xffff, v47;
	v47 =	vmul.f32 v62, v10;
	v53 =	vmul.f32 v51, v53  }
0x644: {  	v54 =	vmul.f32 v54, v33;
	v55 =	vmul.f32 v56, v13;
	v56 =	vld [tilespmem:s26+$0xFFFFFFB0]  }
0x645: {  	v63 =	vshrl.u32 v57, $0x1;
	v47 =	vadd.f32 v47, v60;
	v60 =	vld [tilespmem:s26+$0xFFFFFFF0];
	v53 =	vmul.f32 v53, v51  }
0x646: {  	v50 =	vadd.f32 v52, v50;
	v52 =	vsub.s32 $0x5F3759DF, v63;
	v63 =	vld [tilespmem:s26+$0xFFFFFFC0];
	v1 =	vmul.f32 v1, v9  }
0x647: {  	v2 =	vmul.f32 v2, v8;
	v49 =	vld [tilespmem:s26+$0xFFFFFFA0];
	v0 =	vmul.f32 v0, v5;
	v53 =	vsub.f32 $1.500000000e+00, v53  }
0x648: {  	v1 =	vadd.f32 v1, v54;
	v54 =	vmul.f32 v59, v21;
	v59 =	vld [tilespmem:s26+$0xFFFFFFE0]  }
0x649: {  	v48 =	vmul.f32 $5.000000000e-01, v57;
	v0 =	vadd.f32 v0, v2;
	v51 =	vmul.f32 v53, v51;
	v53 =	vld [tilespmem:$0x1FFE0]  }
0x64a: {  	v62 =	vld [tilespmem:s26+$0xFFFFFFD0];
	(xrf2) =	vadd.scan.msk.f32 $0xffff, v50;
	v1 =	vadd.f32 v47, v1;
	v2 =	vmul.f32 v56, v15;
	v47 =	vmul.f32 v60, v36  }
0x64b: {  	v57 =	vmul.f32 v52, v48;
	v58 =	vmul.f32 v58, v22;
	v54 =	vadd.f32 v54, v55;
	v55 =	vld [tilespmem:s26+$0x20];
	v50, _, _ =	vpop (xrf2)  }
0x64c: {  	v50 =	vbroadcast v50, $0xF;
	v56 =	vmul.f32 v63, v19;
	v2 =	vadd.f32 v47, v2;
	v47 =	vld [tilespmem:s26+$0x70]  }
0x64d: {  	v3 =	vmul.f32 v3, v37;
	v61 =	vmul.f32 v61, v20;
	v63 =	vld [tilespmem:s26+$0x10]  }
0x64e: {  	v50 =	vmul.f32 v50, v53;
	v53 =	vadd.f32 v56, v58;
	v58 =	vmul.f32 v59, v39;
	v59 =	vld [tilespmem:s26+$0x30]  }
0x64f: {  	v49 =	vmul.f32 v49, v14;
	v60 =	vld [tilespmem:s26+$0x40];
	v56 =	vmul.f32 v62, v16  }
0x650: {  	v55 =	vmul.f32 v55, v45;
	v62, _, _ =	vpop (xrf2);
	v50 =	vmul.f32 v51, v50  }
0x651: {  	v47 =	vmul.f32 v47, v41;
	v62 =	vmax.f32 v62, $1.000000020e-24;
	v51 =	vadd.f32 v56, v61  }
0x652: {  	v56 =	vmul.f32 v52, v57;
	v57 =	vld [tilespmem:s26+$0x50];
	v61 =	vmul.f32 v63, v38;
	v50 =	vadd.f32 v50, v4  }
0x653: {  	v0 =	vadd.f32 v54, v0;
	v62 =	vbroadcast v62, $0xF;
	v54 =	vmul.f32 v59, v43  }
0x654: {  	v49 =	vadd.f32 v58, v49;
	v59 =	vmul.f32 v60, v46;
	v60, _, _ =	vpop (xrf2);
	v50 =	vmul.f32 $1.442695020e+00, v50  }
0x655: {  	v63 =	vshrl.u32 v62, $0x1;
	v62 =	vmul.f32 $5.000000000e-01, v62;
	v60 =	vmax.f32 v60, $1.000000020e-24  }
0x656: {  	v58 =	vld [tilespmem:s26+$0x60];
	v60 =	vbroadcast v60, $0xF;
	(erf) = vpow2.f32 v50;
	v50 =	vsub.s32 $0x5F3759DF, v63  }
0x657: {  	v3 =	vadd.f32 v59, v3;
	v57 =	vmul.f32 v57, v44;
	v59 =	vmul.f32 v50, v62  }
0x658: {  	v56 =	vsub.f32 $1.500000000e+00, v56;
	v63 =	vshrl.u32 v60, $0x1;
	v60 =	vmul.f32 $5.000000000e-01, v60  }
0x659: {  	v57 =	vadd.f32 v57, v61;
	v61 =	vsub.s32 $0x5F3759DF, v63;
	v59 =	vmul.f32 v50, v59  }
0x65a: {  	v51 =	vadd.f32 v51, v53;
	v2 =	vadd.f32 v2, v49;
	v63 =	vmul.f32 v61, v60  }
0x65b: {  	v58 =	vmul.f32 v58, v42;
	v4 =	vadd.f32 v47, v54;
	v47 =	vsub.f32 $1.500000000e+00, v59  }
0x65c: {  	v0 =	vadd.f32 v0, v1;
	v52 =	vmul.f32 v52, v56;
	v59 =	vmul.f32 v61, v63  }
0x65d: {  	v2 =	vadd.f32 v2, v51;
	v55 =	vadd.f32 v58, v55;
	v1 =	vmul.f32 v50, v47  }
0x65e: {  	v51 =	vmul.f32 v35, v24;
	v63 =	vmul.f32 v52, v48;
	v49 =	vsub.f32 $1.500000000e+00, v59  }
0x65f: {  	v3 =	vadd.f32 v57, v3;
	v55 =	vadd.f32 v4, v55;
	v50 =	vmul.f32 v1, v62  }
0x660: {  	(xrf2) =	vadd.scan.msk.f32 $0xffff, v0;
	v58 =	vmul.f32 v63, v52;
	v49 =	vmul.f32 v61, v49  }
0x661: {  	(xrf2) =	vadd.scan.msk.f32 $0xffff, v2;
	v3 =	vadd.f32 v55, v3;
	v59 =	vmul.f32 v50, v1  }
0x662: {  	[tilespmem:s28+$0x0] =	vst v51;
	v63 =	vmul.f32 v40, v7;
	v47 =	vpop (erf);
	v0 =	vsub.f32 $1.500000000e+00, v58;
	v61 =	vmul.f32 v49, v60  }
0x663: {  	(xrf2) =	vadd.scan.msk.f32 $0xffff, v3;
	v3 =	vmul.f32 v35, v30;
	v34 =	vmul.f32 v47, v34;
	v57 =	vsub.f32 $1.500000000e+00, v59  }
0x664: {  	[tilespmem:s28+$0xFFFFFFE0] =	vst v63;
	v0 =	vmul.f32 v0, v52;
	v58 =	vmul.f32 v61, v49  }
0x665: {  	s4 =	sadd.s32 $0x240, s4;
	[tilespmem:s28+$0x30] =	vst v3;
	v52 =	vmul.f32 v35, v32;
	v1 =	vmul.f32 v57, v1  }
0x666: {  	v4 =	vld [tilespmem:$0x1FF20];
	[tilespmem:s4+$0x100] =	vst v34;
	v34 =	vmul.f32 v40, v6;
	v59 =	vmul.f32 v35, v25;
	v63 =	vsub.f32 $1.500000000e+00, v58  }
0x667: {  	v24 =	vmov v45;
	[tilespmem:s4+$0x110] =	vst v47;
	v45 =	vmul.f32 v0, v48;
	v50 =	vmul.f32 v1, v62;
	v62 =	vld [tilespmem:$0x1FF30]  }
0x668: {  	s9 =	sadd.s32 $0x4, s9;
	v56 =	vld [tilespmem:$0x1FFE0];
	v6 =	vmov v36;
	v61 =	vmul.f32 v35, v26;
	[tilespmem:s28+$0x50] =	vst v52;
	v36 =	vmul.f32 v63, v49  }
0x669: {  	p0 =	slt.u32 s9, $0x1C;
	v53 =	vmov v39;
	v48 =	vmul.f32 v35, v31;
	[tilespmem:s28+$0xFFFFFFD0] =	vst v34;
	v51 =	vmul.f32 v45, v0  }
.Ltmp7:
0x66a: {  	v54 =	vmov v38;
	[tilespmem:s28+$0x10] =	vst v59;
	v58, _, _ =	vpop (xrf2);
	v55 =	vmul.f32 v50, v1;
	v57 =	vmul.f32 v36, v60;
	(pc) =	sbr.rel @p0 .LBB2_16-.Ltmp7, $4  }
0x66b: {  	v7 =	vmovc v37;
	v30 =	vmovc v44;
	[tilespmem:s28+$0x20] =	vst v61;
	v59 =	vmul.f32 v35, v4;
	v34 =	vsub.f32 $1.500000000e+00, v51;
	v3 =	vbroadcast v58, $0xF  }
0x66c: {  	v32 =	vmovc v41;
	[tilespmem:s28+$0x40] =	vst v48;
	v60 =	vsub.f32 $1.500000000e+00, v55;
	v61 =	vmul.f32 v57, v36;
	v2 =	vmul.f32 v35, v62  }
0x66d: {  	v25 =	vmov v43;
	[tilespmem:s28+$0x60] =	vst v59;
	v34 =	vmul.f32 v34, v0;
	v63, _, _ =	vpop (xrf2);
	v37 =	vmul.f32 v3, v56  }
0x66e: {  	s25 =	sadd.s32 $0x200, s25;
	v26 =	vmovc v46;
	v31 =	vmovc v42;
	v39 =	vbroadcast v63, $0xF;
	v38 =	vmul.f32 v60, v1;
	v35 =	vsub.f32 $1.500000000e+00, v61;
	[tilespmem:s28+$0x70] =	vst v2;
	s28 =	smov.u32 s4  }
0x66f: {  	v4 =	vld [tilespmem:$0x1FFF0];
	_ =	sdelay $0x2  }
0x670: {  	v0 =	vmul.f32 v38, v37;
	_ =	sdelay $0x1  }
0x671: {  	v0 =	vadd.f32 v0, v4  }
0x672: {  	v1 =	vmul.f32 v39, v56  }
0x673: {  	v0 =	vmul.f32 $1.442695020e+00, v0  }
0x674: {  	v2 =	vmul.f32 v47, v18;
	v1 =	vmul.f32 v34, v1  }
0x675: {  	(erf) = vpow2.f32 v0  }
0x676: {  	v3, _, _ =	vpop (xrf2);
	[tilespmem:s4+$0xA0] =	vst v2;
	v2 =	vmul.f32 v47, v28;
	v1 =	vadd.f32 v1, v4  }
0x677: {  	v3 =	vbroadcast v3, $0xF;
	v0 =	vmul.f32 v47, v17  }
0x678: {  	[tilespmem:s4+$0xC0] =	vst v2;
	v1 =	vmul.f32 $1.442695020e+00, v1  }
0x679: {  	v2 =	vmul.f32 v3, v56;
	[tilespmem:s4+$0x90] =	vst v0;
	v0 =	vmul.f32 v47, v27  }
0x67a: {  	(erf) = vpow2.f32 v1;
	v1 =	vmul.f32 v35, v36  }
0x67b: {  	[tilespmem:s4+$0xB0] =	vst v0;
	v0 =	vmul.f32 v47, v29  }
0x67c: {  	v11 =	vmul.f32 v47, v11;
	v1 =	vmul.f32 v1, v2  }
0x67d: {  	[tilespmem:s4+$0xD0] =	vst v0;
	v0 =	vmul.f32 v47, v23  }
0x67e: {  	[tilespmem:s4+$0xE0] =	vst v11;
	v1 =	vadd.f32 v1, v4;
	v3 =	vpop (erf)  }
0x67f: {  	[tilespmem:s4+$0xF0] =	vst v0;
	v2 =	vmul.f32 v3, v12  }
0x680: {  	v1 =	vmul.f32 $1.442695020e+00, v1;
	v0 =	vmul.f32 v3, v33;
	[tilespmem:s4+$0xFFFFFF60] =	vst v3  }
0x681: {  	[tilespmem:s4+$0xFFFFFEF0] =	vst v2;
	v2 =	vmul.f32 v3, v13  }
0x682: {  	(erf) = vpow2.f32 v1;
	[tilespmem:s4+$0xFFFFFEE0] =	vst v0;
	v0 =	vmul.f32 v3, v8  }
0x683: {  	v1 =	vmul.f32 v3, v21;
	[tilespmem:s4+$0xFFFFFF10] =	vst v2;
	v2 =	vmul.f32 v3, v10  }
0x684: {  	[tilespmem:s4+$0xFFFFFF00] =	vst v0;
	v0 =	vmul.f32 v3, v9  }
0x685: {  	[tilespmem:s4+$0xFFFFFF50] =	vst v1  }
0x686: {  	[tilespmem:s4+$0xFFFFFF20] =	vst v0;
	v0 =	vmul.f32 v3, v5  }
0x687: {  	[tilespmem:s4+$0xFFFFFF30] =	vst v2;
	v2 =	vpop (erf)  }
0x688: {  	[tilespmem:s4+$0xFFFFFF40] =	vst v0;
	v0 =	vmul.f32 v2, v22  }
0x689: {  	v1 =	vmul.f32 v2, v20;
	[tilespmem:s4+$0xFFFFFFF0] =	vst v2  }
0x68a: {  	v3 =	vmul.f32 v2, v19;
	[tilespmem:s4+$0xFFFFFF70] =	vst v0  }
0x68b: {  	[tilespmem:s4+$0xFFFFFF80] =	vst v1;
	v0 =	vmul.f32 v2, v14;
	v1 =	vmul.f32 v2, v15  }
0x68c: {  	[tilespmem:s4+$0xFFFFFFB0] =	vst v3  }
0x68d: {  	[tilespmem:s4+$0xFFFFFF90] =	vst v0;
	v0 =	vmul.f32 v2, v16  }
0x68e: {  	[tilespmem:s4+$0xFFFFFFA0] =	vst v1  }
0x68f: {  	v1 =	vpop (erf);
	[tilespmem:s4+$0xFFFFFFC0] =	vst v0;
	v0 =	vmul.f32 v2, v53  }
0x690: {  	v2 =	vmul.f32 v2, v6;
	[tilespmem:s4+$0x80] =	vst v1  }
0x691: {  	v3 =	vmul.f32 v1, v7;
	[tilespmem:s28+$0xFFFFFFD0] =	vst v0  }
0x692: {  	v0 =	vmul.f32 v1, v54;
	[tilespmem:s28+$0xFFFFFFE0] =	vst v2  }
0x693: {  	v2 =	vmul.f32 v1, v24;
	[tilespmem:s28+$0x0] =	vst v3  }
0x694: {  	v3 =	vmul.f32 v1, v25;
	[tilespmem:s28+$0x10] =	vst v0  }
0x695: {  	v0 =	vmul.f32 v1, v26;
	[tilespmem:s28+$0x20] =	vst v2  }
0x696: {  	v2 =	vmul.f32 v1, v30;
	[tilespmem:s28+$0x30] =	vst v3  }
0x697: {  	[tilespmem:s28+$0x40] =	vst v0;
	v0 =	vmul.f32 v1, v31  }
0x698: {  	[tilespmem:s28+$0x50] =	vst v2;
	v1 =	vmul.f32 v1, v32  }
0x699: {  	[tilespmem:s28+$0x60] =	vst v0  }
0x69a: {  	[tilespmem:s28+$0x70] =	vst v1  }
0x69b: {  	v0 =	vld [tilespmem:$0x27F0];
	_ =	sdelay $0x4  }
0x69c: {  	v1 =	vand.u32 $0xFFFF, v0  }
0x69d: {  	v0 =	vshrl.u32 v0, $0x10;
	[tilespmem:$0x8CA0] =	vst v1  }
0x69e: {  	[tilespmem:$0x8CB0] =	vst v0  }
0x69f: {  	[spmem:s3] =	stream.indirect.scatter.add.f32 [tilespmem:s22], [sflag:$0x6], $0x90, s21, s6, $0xb8;
	[tilespmem:$0x1F8C0] =	vst v63  }
0x6a0: {  	_ =	swait.ge [sflag:s23], $0x1200  }
0x6a1: {  	[sflag:s23] =	ssyncset.done $0x0  }
0x6a2: {  	[sflag:s23] =	ssyncadd.s32 $0xFFFFEE00  }
0x6a3: {  	_ =	swait.ge [sflag:s24], $0x1200  }
0x6a4: {  	[sflag:s24] =	ssyncset.done $0x0  }
0x6a5: {  	[sflag:s24] =	ssyncadd.s32 $0xFFFFEE00  }
0x6a6: {  	s29 =	stileid.u32;
	[bflag:$0x0] =	sbarrier.arrive $0xFFFF  }
0x6a7: {  	s4 =	sshll.u32 s29, $0x6;
	s25 =	rddreg [dreg:$0x8]  }
0x6a8: {  	s4 =	sor.u32 $0x1C07, s4;
	s26 =	rddreg [dreg:$0x1c];
	s9 =	sshrl.u32 s25, $0x3  }
0x6a9: {  	[hbm:s26], [sflag:s4] =	dma.local [spmem:s9], $0x2D00  }
0x6aa: {  	_ =	swait.ge [sflag:s0], $0x2D00  }
0x6ab: {  	s30 =	rddreg [dreg:$0x1e]  }
0x6ac: {  	s31 =	rddreg [dreg:$0x1d];
	s9 =	sadd.s32 $0x1, s30  }
0x6ad: {  	p0 =	sne.s32 s9, s31  }
.Ltmp8:
0x6ae: {  	_ = 	snop;
	(pc) =	sbr.rel @p0 .LBB2_1-.Ltmp8, $3  }
0x6af: {  	_ =	sdelay $0x1  }
0x6b0: {  	[sflag:s0] =	ssyncset.done $0x0  }
0x6b1: {  	v0 =	vimm.f32 $0.0e+00;
	[sflag:s0] =	ssyncadd.s32 $0xFFFFD300  }
0x6b2: {  	_ =	sfence.sel $0x180000  }
0x6b3: {  	[bflag:$0x0] =	sbarrier.arrive $0xFFFF  }
0x6b4: {  	_ =	strace $0x90000047  }
0x6b5: {  	s0 =	stileid.u32;
	[bflag:$0x2] =	sbarrier.arrive $0xFFFF  }
0x6b6: {  	p0 =	sne.s32 s0, $0x0;
	s0 =	rddreg [dreg:$0x4]  }
0x6b7: {  	s0 =	sadd.s32 @!p0 $0x100000, s0  }
0x6b8: {  	[sflag:s0] =	ssyncadd.tile.s32 @!p0 $0x1;
	_ =	shalt  }
.Lfunc_end2:
_tile_overlayer_lowered:
.L_overlay_start_2:
0x6b9: {  	(tag) =	ssettag $0x2  }
0x6ba: {  	s0 =	rddreg [dreg:$0x0];
	s2 =	stileid.u32  }
0x6bb: {  	s1 =	rddreg [dreg:$0x1];
	p0 =	sne.s32 s2, $0x0  }
0x6bc: {  	s3 =	rddreg [dreg:$0x2];
	[bflag:$0x3] =	sbarrier.arrive $0xFFFF;
	s2 =	simm.s32 @!p0 $0x1C07  }
0x6bd: {  	[timem:s3], [sflag:s2] =	dma.local @!p0 [hbm:s0], s1  }
0x6be: {  	s0 =	simm.s32 @!p0 $0x7  }
0x6bf: {  	_ =	swait.ge @!p0 [sflag:s0], s1  }
0x6c0: {  	s1 =	ssub.s32 @!p0 $0x0, s1;
	[sflag:s0] =	ssyncset.done @!p0 $0x0  }
0x6c1: {  	[sflag:s0] =	ssyncadd.s32 @!p0 s1  }
0x6c2: {  	[bflag:$0x3] =	sbarrier.arrive $0xFFFF  }
0x6c3: {  	_ =	shalt  }

</sc_bundles>
